<compile_context>
chip_gen: v7x
topology: tpu7x:2x2x1
jax: 0.10.2.dev20260603
libtpu: 0.0.44.dev20260713+nightly
codegen_flags: <defaults>
</compile_context>

<pallas_src>
import functools

import jax
import jax.numpy as jnp
from jax import lax
from jax.experimental import pallas as pl
from jax.experimental.pallas import tpu as pltpu
from jax.experimental.pallas import tpu_sc as plsc

EMBED_DIM = 32
BATCH = 16384
N_ROWS = 1000000

NC = 2
NS = 16
L = 16
NW = NC * NS
B_PER_W = BATCH // NW
N_CHUNKS = B_PER_W // L


def _gmf_body(users_hbm, items_hbm, utab_hbm, itab_hbm, w_hbm, b_hbm,
              out_hbm, idx_u, idx_i, fidx_u, fidx_i, rows_u, rows_i,
              wv, bv, out_v, sem_u, sem_i):
    wid = lax.axis_index("s") * NC + lax.axis_index("c")
    base = wid * B_PER_W

    pltpu.sync_copy(users_hbm.at[pl.ds(base, B_PER_W)], idx_u)
    pltpu.sync_copy(items_hbm.at[pl.ds(base, B_PER_W)], idx_i)
    pltpu.sync_copy(w_hbm, wv)
    pltpu.sync_copy(b_hbm, bv.at[pl.ds(0, 1)])

    def fidx_body(i, _):
        off = i * L
        u16 = idx_u[pl.ds(off, L)]
        i16 = idx_i[pl.ds(off, L)]
        for d in range(EMBED_DIM):
            fidx_u[d, pl.ds(off, L)] = u16 + (d * N_ROWS)
            fidx_i[d, pl.ds(off, L)] = i16 + (d * N_ROWS)
        return ()
    lax.fori_loop(0, B_PER_W // L, fidx_body, (), unroll=False)

    cps = []
    for d in range(EMBED_DIM):
        cps.append(pltpu.async_copy(
            utab_hbm.at[fidx_u.at[d]], rows_u.at[d], sem_u))
        cps.append(pltpu.async_copy(
            itab_hbm.at[fidx_i.at[d]], rows_i.at[d], sem_i))
    for cp in cps:
        cp.wait()

    b_s = bv[pl.ds(0, L)][0]
    w_lo = wv[pl.ds(0, L)]
    w_hi = wv[pl.ds(L, L)]
    w_s = [w_lo[d] for d in range(L)] + [w_hi[d] for d in range(L)]

    def chunk_body(c, _):
        off = c * L
        acc = jnp.full((L,), b_s, dtype=jnp.float32)
        for d in range(EMBED_DIM):
            u_g = rows_u[d, pl.ds(off, L)]
            i_g = rows_i[d, pl.ds(off, L)]
            acc = acc + (u_g * i_g) * w_s[d]
        out_v[pl.ds(off, L)] = acc
        return ()

    lax.fori_loop(0, N_CHUNKS, chunk_body, (), unroll=False)

    pltpu.sync_copy(out_v, out_hbm.at[pl.ds(base, B_PER_W)])


@jax.jit
def _gmf(users, items, ut_flat, it_flat, w, b):
    mesh = plsc.VectorSubcoreMesh(core_axis_name="c", subcore_axis_name="s")
    run = functools.partial(
        pl.kernel,
        mesh=mesh,
        out_type=jax.ShapeDtypeStruct((BATCH,), jnp.float32),
        compiler_params=pltpu.CompilerParams(
            needs_layout_passes=False, use_tc_tiling_on_sc=False),
        scratch_types=[
            pltpu.VMEM((B_PER_W,), jnp.int32),
            pltpu.VMEM((B_PER_W,), jnp.int32),
            pltpu.VMEM((EMBED_DIM, B_PER_W), jnp.int32),
            pltpu.VMEM((EMBED_DIM, B_PER_W), jnp.int32),
            pltpu.VMEM((EMBED_DIM, B_PER_W), jnp.float32),
            pltpu.VMEM((EMBED_DIM, B_PER_W), jnp.float32),
            pltpu.VMEM((EMBED_DIM,), jnp.float32),
            pltpu.VMEM((L,), jnp.float32),
            pltpu.VMEM((B_PER_W,), jnp.float32),
            pltpu.SemaphoreType.DMA,
            pltpu.SemaphoreType.DMA,
        ],
    )(_gmf_body)
    return run(users, items, ut_flat, it_flat, w, b)


def kernel(users, items, user_table, item_table, W, b):
    w_flat = W.reshape(EMBED_DIM)
    ut_flat = user_table.T.reshape(-1)
    it_flat = item_table.T.reshape(-1)
    return _gmf(users, items, ut_flat, it_flat, w_flat, b)

# --- scband reference (transcript-rebuilt; emitter-appended) ---
"""Pipeline reference for scband-gmf-17635135717835 (READ-ONLY COPY).

The authoritative reference and input builder live on the scoring server;
editing this copy changes nothing except your own understanding.
"""

import jax, jax.numpy as jnp
import numpy as np

N_USERS = 1000000
N_ITEMS = 1000000
EMBED_DIM = 32
BATCH = 16384

def setup_inputs(seed: int = 0) -> dict:
    key = jax.random.key(seed)
    k1, k2, k3, k4, k5 = jax.random.split(key, 5)
    users = jax.random.randint(k1, (BATCH,), 0, N_USERS, dtype=jnp.int64) if jax.config.jax_enable_x64 else jax.random.randint(k1, (BATCH,), 0, N_USERS, dtype=jnp.int32)
    items = jax.random.randint(k2, (BATCH,), 0, N_ITEMS, dtype=jnp.int32)
    users = users.astype(jnp.int32)
    user_table = jax.random.normal(k3, (N_USERS, EMBED_DIM), dtype=jnp.float32) * 0.01
    item_table = jax.random.normal(k4, (N_ITEMS, EMBED_DIM), dtype=jnp.float32) * 0.01
    # xavier_uniform for linear weight [1, EMBED_DIM]
    limit = float(np.sqrt(6.0 / (EMBED_DIM + 1)))
    W = jax.random.uniform(k5, (1, EMBED_DIM), dtype=jnp.float32, minval=-limit, maxval=limit)
    b = jnp.zeros((1,), dtype=jnp.float32)
    return {"users": users, "items": items, "user_table": user_table, "item_table": item_table, "W": W, "b": b}

def reference(users, items, user_table, item_table, W, b):
    user_embeddings = jnp.take(user_table, users, axis=0)
    item_embeddings = jnp.take(item_table, items, axis=0)
    embeddings = user_embeddings * item_embeddings
    output = embeddings @ W.T + b
    return jnp.squeeze(output, axis=-1)

if __name__ == "__main__":
    import jax
    _d = setup_inputs()
    print(jax.jit(kernel)(*tuple(_d.values())))

</pallas_src>

<mosaic_0001>
#map = affine_map<(d0, d1) -> (0)>
module attributes {stable_mosaic.version = 14 : i64} {
  func.func @_gmf_body(%arg0: i32, %arg1: i32, %arg2: memref<16384xi32, #tpu.memory_space<hbm>>, %arg3: memref<16384xi32, #tpu.memory_space<hbm>>, %arg4: memref<32000000xf32, #tpu.memory_space<hbm>>, %arg5: memref<32000000xf32, #tpu.memory_space<hbm>>, %arg6: memref<32xf32, #tpu.memory_space<hbm>>, %arg7: memref<1xf32, #tpu.memory_space<hbm>>, %arg8: memref<16384xf32, #tpu.memory_space<hbm>>, %arg9: memref<512xi32, #tpu.memory_space<vmem>>, %arg10: memref<512xi32, #tpu.memory_space<vmem>>, %arg11: memref<32x512xi32, #tpu.memory_space<vmem>>, %arg12: memref<32x512xi32, #tpu.memory_space<vmem>>, %arg13: memref<32x512xf32, #tpu.memory_space<vmem>>, %arg14: memref<32x512xf32, #tpu.memory_space<vmem>>, %arg15: memref<32xf32, #tpu.memory_space<vmem>>, %arg16: memref<16xf32, #tpu.memory_space<vmem>>, %arg17: memref<512xf32, #tpu.memory_space<vmem>>, %arg18: memref<!tpu.dma_semaphore, #tpu.memory_space<semaphore_mem>>, %arg19: memref<!tpu.dma_semaphore, #tpu.memory_space<semaphore_mem>>) attributes {dimension_semantics = [#tpu.dimension_semantics<core_parallel>, #tpu.dimension_semantics<subcore_parallel>], iteration_bounds = array<i64: 2, 16>, scalar_prefetch = 0 : i64, scratch_operands = 11 : i64, tpu.core_type = #tpu.core_type<sc_vector_subcore>, window_params = [{transform_indices = #map}, {transform_indices = #map}, {transform_indices = #map}, {transform_indices = #map}, {transform_indices = #map}, {transform_indices = #map}, {transform_indices = #map}]} {
    %mul3A = arith.constant 2 : i32
    %mul3A_0 = arith.muli %arg1, %mul3A : i32
    %add3A = arith.addi %mul3A_0, %arg0 : i32
    %mul3A_1 = arith.constant 512 : i32
    %mul3A_2 = arith.muli %add3A, %mul3A_1 : i32
    "tpu.region"() ({
      %run_scoped3A = tpu.sem_alloc : memref<!tpu.dma_semaphore, #tpu.memory_space<semaphore_mem>>
      %dma_start3A_1359 = tpu.memref_slice %arg2[%mul3A_2] : memref<16384xi32, #tpu.memory_space<hbm>> -> memref<512xi32, #tpu.memory_space<hbm>>
      %dma_start3A_1360 = tpu.memref_slice %arg2[%mul3A_2] : memref<16384xi32, #tpu.memory_space<hbm>> -> memref<512xi32, #tpu.memory_space<hbm>>
      tpu.enqueue_dma source(%dma_start3A_1360 : memref<512xi32, #tpu.memory_space<hbm>>) target(%arg9 : memref<512xi32, #tpu.memory_space<vmem>>) target_semaphore(%run_scoped3A : memref<!tpu.dma_semaphore, #tpu.memory_space<semaphore_mem>>)
      %dma_wait3A_1361 = tpu.memref_slice %arg2[%mul3A_2] : memref<16384xi32, #tpu.memory_space<hbm>> -> memref<512xi32, #tpu.memory_space<hbm>>
      %dma_wait3A_1362 = tpu.memref_slice %arg2[%mul3A_2] : memref<16384xi32, #tpu.memory_space<hbm>> -> memref<512xi32, #tpu.memory_space<hbm>>
      tpu.wait_dma2 semaphore(%run_scoped3A : memref<!tpu.dma_semaphore, #tpu.memory_space<semaphore_mem>>) src(%dma_wait3A_1362 : memref<512xi32, #tpu.memory_space<hbm>>) dst(%arg9 : memref<512xi32, #tpu.memory_space<vmem>>)
      tpu.yield
    }) : () -> ()
    "tpu.region"() ({
      %run_scoped3A = tpu.sem_alloc : memref<!tpu.dma_semaphore, #tpu.memory_space<semaphore_mem>>
      %dma_start3A_1359 = tpu.memref_slice %arg3[%mul3A_2] : memref<16384xi32, #tpu.memory_space<hbm>> -> memref<512xi32, #tpu.memory_space<hbm>>
      %dma_start3A_1360 = tpu.memref_slice %arg3[%mul3A_2] : memref<16384xi32, #tpu.memory_space<hbm>> -> memref<512xi32, #tpu.memory_space<hbm>>
      tpu.enqueue_dma source(%dma_start3A_1360 : memref<512xi32, #tpu.memory_space<hbm>>) target(%arg10 : memref<512xi32, #tpu.memory_space<vmem>>) target_semaphore(%run_scoped3A : memref<!tpu.dma_semaphore, #tpu.memory_space<semaphore_mem>>)
      %dma_wait3A_1361 = tpu.memref_slice %arg3[%mul3A_2] : memref<16384xi32, #tpu.memory_space<hbm>> -> memref<512xi32, #tpu.memory_space<hbm>>
      %dma_wait3A_1362 = tpu.memref_slice %arg3[%mul3A_2] : memref<16384xi32, #tpu.memory_space<hbm>> -> memref<512xi32, #tpu.memory_space<hbm>>
      tpu.wait_dma2 semaphore(%run_scoped3A : memref<!tpu.dma_semaphore, #tpu.memory_space<semaphore_mem>>) src(%dma_wait3A_1362 : memref<512xi32, #tpu.memory_space<hbm>>) dst(%arg10 : memref<512xi32, #tpu.memory_space<vmem>>)
      tpu.yield
    }) : () -> ()
    "tpu.region"() ({
      %run_scoped3A = tpu.sem_alloc : memref<!tpu.dma_semaphore, #tpu.memory_space<semaphore_mem>>
      tpu.enqueue_dma source(%arg6 : memref<32xf32, #tpu.memory_space<hbm>>) target(%arg15 : memref<32xf32, #tpu.memory_space<vmem>>) target_semaphore(%run_scoped3A : memref<!tpu.dma_semaphore, #tpu.memory_space<semaphore_mem>>)
      tpu.wait_dma2 semaphore(%run_scoped3A : memref<!tpu.dma_semaphore, #tpu.memory_space<semaphore_mem>>) src(%arg6 : memref<32xf32, #tpu.memory_space<hbm>>) dst(%arg15 : memref<32xf32, #tpu.memory_space<vmem>>)
      tpu.yield
    }) : () -> ()
    "tpu.region"() ({
      %run_scoped3A = tpu.sem_alloc : memref<!tpu.dma_semaphore, #tpu.memory_space<semaphore_mem>>
      %dma_start3A_1359 = arith.constant 0 : i32
      %dma_start3A_1360 = tpu.memref_slice %arg16[%dma_start3A_1359] : memref<16xf32, #tpu.memory_space<vmem>> -> memref<1xf32, #tpu.memory_space<vmem>>
      %dma_start3A_1361 = arith.constant 0 : i32
      %dma_start3A_1362 = tpu.memref_slice %arg16[%dma_start3A_1361] : memref<16xf32, #tpu.memory_space<vmem>> -> memref<1xf32, #tpu.memory_space<vmem>>
      tpu.enqueue_dma source(%arg7 : memref<1xf32, #tpu.memory_space<hbm>>) target(%dma_start3A_1362 : memref<1xf32, #tpu.memory_space<vmem>>) target_semaphore(%run_scoped3A : memref<!tpu.dma_semaphore, #tpu.memory_space<semaphore_mem>>)
      %dma_wait3A_1363 = arith.constant 0 : i32
      %dma_wait3A_1364 = tpu.memref_slice %arg16[%dma_wait3A_1363] : memref<16xf32, #tpu.memory_space<vmem>> -> memref<1xf32, #tpu.memory_space<vmem>>
      %dma_wait3A_1365 = arith.constant 0 : i32
      %dma_wait3A_1366 = tpu.memref_slice %arg16[%dma_wait3A_1365] : memref<16xf32, #tpu.memory_space<vmem>> -> memref<1xf32, #tpu.memory_space<vmem>>
      tpu.wait_dma2 semaphore(%run_scoped3A : memref<!tpu.dma_semaphore, #tpu.memory_space<semaphore_mem>>) src(%arg7 : memref<1xf32, #tpu.memory_space<hbm>>) dst(%dma_wait3A_1366 : memref<1xf32, #tpu.memory_space<vmem>>)
      tpu.yield
    }) : () -> ()
    %scan3A = arith.constant 0 : i32
    %scan3A_3 = arith.constant 32 : i32
    %scan3A_4 = arith.addi %scan3A, %scan3A_3 : i32
    %scan3A_5 = arith.constant 1 : i32
    scf.for %scan3A_1359 = %scan3A to %scan3A_4 step %scan3A_5  : i32 {
      %mul3A_1360 = arith.constant 16 : i32
      %mul3A_1361 = arith.muli %scan3A_1359, %mul3A_1360 : i32
      %get3A_1362 = arith.index_cast %mul3A_1361 : i32 to index
      %get3A_1363 = tpu.vector_load %arg9[%get3A_1362] {strides = array<i32>} : memref<512xi32, #tpu.memory_space<vmem>>, vector<16xi32>,
      %get3A_1364 = arith.index_cast %mul3A_1361 : i32 to index
      %get3A_1365 = tpu.vector_load %arg10[%get3A_1364] {strides = array<i32>} : memref<512xi32, #tpu.memory_space<vmem>>, vector<16xi32>,
      %add3A_1366 = arith.constant 0 : i32
      %add3A_1367 = vector.broadcast %add3A_1366 : i32 to vector<16xi32>
      %add3A_1368 = arith.addi %get3A_1363, %add3A_1367 : vector<16xi32>
      %swap3A = arith.constant 0 : i32
      %swap3A_1369 = arith.index_cast %swap3A : i32 to index
      %swap3A_1370 = arith.index_cast %mul3A_1361 : i32 to index
      %swap3A_1371 = tpu.vector_load %arg11[%swap3A_1369, %swap3A_1370] {strides = array<i32>} : memref<32x512xi32, #tpu.memory_space<vmem>>, vector<16xi32>,
      tpu.vector_store %arg11[%swap3A_1369, %swap3A_1370], %add3A_1368 {strides = array<i32>} : memref<32x512xi32, #tpu.memory_space<vmem>>, vector<16xi32>,
      %add3A_1372 = arith.constant 0 : i32
      %add3A_1373 = vector.broadcast %add3A_1372 : i32 to vector<16xi32>
      %add3A_1374 = arith.addi %get3A_1365, %add3A_1373 : vector<16xi32>
      %swap3A_1375 = arith.constant 0 : i32
      %swap3A_1376 = arith.index_cast %swap3A_1375 : i32 to index
      %swap3A_1377 = arith.index_cast %mul3A_1361 : i32 to index
      %swap3A_1378 = tpu.vector_load %arg12[%swap3A_1376, %swap3A_1377] {strides = array<i32>} : memref<32x512xi32, #tpu.memory_space<vmem>>, vector<16xi32>,
      tpu.vector_store %arg12[%swap3A_1376, %swap3A_1377], %add3A_1374 {strides = array<i32>} : memref<32x512xi32, #tpu.memory_space<vmem>>, vector<16xi32>,
      %add3A_1379 = arith.constant 1000000 : i32
      %add3A_1380 = vector.broadcast %add3A_1379 : i32 to vector<16xi32>
      %add3A_1381 = arith.addi %get3A_1363, %add3A_1380 : vector<16xi32>
      %swap3A_1382 = arith.constant 1 : i32
      %swap3A_1383 = arith.index_cast %swap3A_1382 : i32 to index
      %swap3A_1384 = arith.index_cast %mul3A_1361 : i32 to index
      %swap3A_1385 = tpu.vector_load %arg11[%swap3A_1383, %swap3A_1384] {strides = array<i32>} : memref<32x512xi32, #tpu.memory_space<vmem>>, vector<16xi32>,
      tpu.vector_store %arg11[%swap3A_1383, %swap3A_1384], %add3A_1381 {strides = array<i32>} : memref<32x512xi32, #tpu.memory_space<vmem>>, vector<16xi32>,
      %add3A_1386 = arith.constant 1000000 : i32
      %add3A_1387 = vector.broadcast %add3A_1386 : i32 to vector<16xi32>
      %add3A_1388 = arith.addi %get3A_1365, %add3A_1387 : vector<16xi32>
      %swap3A_1389 = arith.constant 1 : i32
      %swap3A_1390 = arith.index_cast %swap3A_1389 : i32 to index
      %swap3A_1391 = arith.index_cast %mul3A_1361 : i32 to index
      %swap3A_1392 = tpu.vector_load %arg12[%swap3A_1390, %swap3A_1391] {strides = array<i32>} : memref<32x512xi32, #tpu.memory_space<vmem>>, vector<16xi32>,
      tpu.vector_store %arg12[%swap3A_1390, %swap3A_1391], %add3A_1388 {strides = array<i32>} : memref<32x512xi32, #tpu.memory_space<vmem>>, vector<16xi32>,
      %add3A_1393 = arith.constant 2000000 : i32
      %add3A_1394 = vector.broadcast %add3A_1393 : i32 to vector<16xi32>
      %add3A_1395 = arith.addi %get3A_1363, %add3A_1394 : vector<16xi32>
      %swap3A_1396 = arith.constant 2 : i32
      %swap3A_1397 = arith.index_cast %swap3A_1396 : i32 to index
      %swap3A_1398 = arith.index_cast %mul3A_1361 : i32 to index
      %swap3A_1399 = tpu.vector_load %arg11[%swap3A_1397, %swap3A_1398] {strides = array<i32>} : memref<32x512xi32, #tpu.memory_space<vmem>>, vector<16xi32>,
      tpu.vector_store %arg11[%swap3A_1397, %swap3A_1398], %add3A_1395 {strides = array<i32>} : memref<32x512xi32, #tpu.memory_space<vmem>>, vector<16xi32>,
      %add3A_1400 = arith.constant 2000000 : i32
      %add3A_1401 = vector.broadcast %add3A_1400 : i32 to vector<16xi32>
      %add3A_1402 = arith.addi %get3A_1365, %add3A_1401 : vector<16xi32>
      %swap3A_1403 = arith.constant 2 : i32
      %swap3A_1404 = arith.index_cast %swap3A_1403 : i32 to index
      %swap3A_1405 = arith.index_cast %mul3A_1361 : i32 to index
      %swap3A_1406 = tpu.vector_load %arg12[%swap3A_1404, %swap3A_1405] {strides = array<i32>} : memref<32x512xi32, #tpu.memory_space<vmem>>, vector<16xi32>,
      tpu.vector_store %arg12[%swap3A_1404, %swap3A_1405], %add3A_1402 {strides = array<i32>} : memref<32x512xi32, #tpu.memory_space<vmem>>, vector<16xi32>,
      %add3A_1407 = arith.constant 3000000 : i32
      %add3A_1408 = vector.broadcast %add3A_1407 : i32 to vector<16xi32>
      %add3A_1409 = arith.addi %get3A_1363, %add3A_1408 : vector<16xi32>
      %swap3A_1410 = arith.constant 3 : i32
      %swap3A_1411 = arith.index_cast %swap3A_1410 : i32 to index
      %swap3A_1412 = arith.index_cast %mul3A_1361 : i32 to index
      %swap3A_1413 = tpu.vector_load %arg11[%swap3A_1411, %swap3A_1412] {strides = array<i32>} : memref<32x512xi32, #tpu.memory_space<vmem>>, vector<16xi32>,
      tpu.vector_store %arg11[%swap3A_1411, %swap3A_1412], %add3A_1409 {strides = array<i32>} : memref<32x512xi32, #tpu.memory_space<vmem>>, vector<16xi32>,
      %add3A_1414 = arith.constant 3000000 : i32
      %add3A_1415 = vector.broadcast %add3A_1414 : i32 to vector<16xi32>
      %add3A_1416 = arith.addi %get3A_1365, %add3A_1415 : vector<16xi32>
      %swap3A_1417 = arith.constant 3 : i32
      %swap3A_1418 = arith.index_cast %swap3A_1417 : i32 to index
      %swap3A_1419 = arith.index_cast %mul3A_1361 : i32 to index
      %swap3A_1420 = tpu.vector_load %arg12[%swap3A_1418, %swap3A_1419] {strides = array<i32>} : memref<32x512xi32, #tpu.memory_space<vmem>>, vector<16xi32>,
      tpu.vector_store %arg12[%swap3A_1418, %swap3A_1419], %add3A_1416 {strides = array<i32>} : memref<32x512xi32, #tpu.memory_space<vmem>>, vector<16xi32>,
      %add3A_1421 = arith.constant 4000000 : i32
      %add3A_1422 = vector.broadcast %add3A_1421 : i32 to vector<16xi32>
      %add3A_1423 = arith.addi %get3A_1363, %add3A_1422 : vector<16xi32>
      %swap3A_1424 = arith.constant 4 : i32
      %swap3A_1425 = arith.index_cast %swap3A_1424 : i32 to index
      %swap3A_1426 = arith.index_cast %mul3A_1361 : i32 to index
      %swap3A_1427 = tpu.vector_load %arg11[%swap3A_1425, %swap3A_1426] {strides = array<i32>} : memref<32x512xi32, #tpu.memory_space<vmem>>, vector<16xi32>,
      tpu.vector_store %arg11[%swap3A_1425, %swap3A_1426], %add3A_1423 {strides = array<i32>} : memref<32x512xi32, #tpu.memory_space<vmem>>, vector<16xi32>,
      %add3A_1428 = arith.constant 4000000 : i32
      %add3A_1429 = vector.broadcast %add3A_1428 : i32 to vector<16xi32>
      %add3A_1430 = arith.addi %get3A_1365, %add3A_1429 : vector<16xi32>
      %swap3A_1431 = arith.constant 4 : i32
      %swap3A_1432 = arith.index_cast %swap3A_1431 : i32 to index
      %swap3A_1433 = arith.index_cast %mul3A_1361 : i32 to index
      %swap3A_1434 = tpu.vector_load %arg12[%swap3A_1432, %swap3A_1433] {strides = array<i32>} : memref<32x512xi32, #tpu.memory_space<vmem>>, vector<16xi32>,
      tpu.vector_store %arg12[%swap3A_1432, %swap3A_1433], %add3A_1430 {strides = array<i32>} : memref<32x512xi32, #tpu.memory_space<vmem>>, vector<16xi32>,
      %add3A_1435 = arith.constant 5000000 : i32
      %add3A_1436 = vector.broadcast %add3A_1435 : i32 to vector<16xi32>
      %add3A_1437 = arith.addi %get3A_1363, %add3A_1436 : vector<16xi32>
      %swap3A_1438 = arith.constant 5 : i32
      %swap3A_1439 = arith.index_cast %swap3A_1438 : i32 to index
      %swap3A_1440 = arith.index_cast %mul3A_1361 : i32 to index
      %swap3A_1441 = tpu.vector_load %arg11[%swap3A_1439, %swap3A_1440] {strides = array<i32>} : memref<32x512xi32, #tpu.memory_space<vmem>>, vector<16xi32>,
      tpu.vector_store %arg11[%swap3A_1439, %swap3A_1440], %add3A_1437 {strides = array<i32>} : memref<32x512xi32, #tpu.memory_space<vmem>>, vector<16xi32>,
      %add3A_1442 = arith.constant 5000000 : i32
      %add3A_1443 = vector.broadcast %add3A_1442 : i32 to vector<16xi32>
      %add3A_1444 = arith.addi %get3A_1365, %add3A_1443 : vector<16xi32>
      %swap3A_1445 = arith.constant 5 : i32
      %swap3A_1446 = arith.index_cast %swap3A_1445 : i32 to index
      %swap3A_1447 = arith.index_cast %mul3A_1361 : i32 to index
      %swap3A_1448 = tpu.vector_load %arg12[%swap3A_1446, %swap3A_1447] {strides = array<i32>} : memref<32x512xi32, #tpu.memory_space<vmem>>, vector<16xi32>,
      tpu.vector_store %arg12[%swap3A_1446, %swap3A_1447], %add3A_1444 {strides = array<i32>} : memref<32x512xi32, #tpu.memory_space<vmem>>, vector<16xi32>,
      %add3A_1449 = arith.constant 6000000 : i32
      %add3A_1450 = vector.broadcast %add3A_1449 : i32 to vector<16xi32>
      %add3A_1451 = arith.addi %get3A_1363, %add3A_1450 : vector<16xi32>
      %swap3A_1452 = arith.constant 6 : i32
      %swap3A_1453 = arith.index_cast %swap3A_1452 : i32 to index
      %swap3A_1454 = arith.index_cast %mul3A_1361 : i32 to index
      %swap3A_1455 = tpu.vector_load %arg11[%swap3A_1453, %swap3A_1454] {strides = array<i32>} : memref<32x512xi32, #tpu.memory_space<vmem>>, vector<16xi32>,
      tpu.vector_store %arg11[%swap3A_1453, %swap3A_1454], %add3A_1451 {strides = array<i32>} : memref<32x512xi32, #tpu.memory_space<vmem>>, vector<16xi32>,
      %add3A_1456 = arith.constant 6000000 : i32
      %add3A_1457 = vector.broadcast %add3A_1456 : i32 to vector<16xi32>
      %add3A_1458 = arith.addi %get3A_1365, %add3A_1457 : vector<16xi32>
      %swap3A_1459 = arith.constant 6 : i32
      %swap3A_1460 = arith.index_cast %swap3A_1459 : i32 to index
      %swap3A_1461 = arith.index_cast %mul3A_1361 : i32 to index
      %swap3A_1462 = tpu.vector_load %arg12[%swap3A_1460, %swap3A_1461] {strides = array<i32>} : memref<32x512xi32, #tpu.memory_space<vmem>>, vector<16xi32>,
      tpu.vector_store %arg12[%swap3A_1460, %swap3A_1461], %add3A_1458 {strides = array<i32>} : memref<32x512xi32, #tpu.memory_space<vmem>>, vector<16xi32>,
      %add3A_1463 = arith.constant 7000000 : i32
      %add3A_1464 = vector.broadcast %add3A_1463 : i32 to vector<16xi32>
      %add3A_1465 = arith.addi %get3A_1363, %add3A_1464 : vector<16xi32>
      %swap3A_1466 = arith.constant 7 : i32
      %swap3A_1467 = arith.index_cast %swap3A_1466 : i32 to index
      %swap3A_1468 = arith.index_cast %mul3A_1361 : i32 to index
      %swap3A_1469 = tpu.vector_load %arg11[%swap3A_1467, %swap3A_1468] {strides = array<i32>} : memref<32x512xi32, #tpu.memory_space<vmem>>, vector<16xi32>,
      tpu.vector_store %arg11[%swap3A_1467, %swap3A_1468], %add3A_1465 {strides = array<i32>} : memref<32x512xi32, #tpu.memory_space<vmem>>, vector<16xi32>,
      %add3A_1470 = arith.constant 7000000 : i32
      %add3A_1471 = vector.broadcast %add3A_1470 : i32 to vector<16xi32>
      %add3A_1472 = arith.addi %get3A_1365, %add3A_1471 : vector<16xi32>
      %swap3A_1473 = arith.constant 7 : i32
      %swap3A_1474 = arith.index_cast %swap3A_1473 : i32 to index
      %swap3A_1475 = arith.index_cast %mul3A_1361 : i32 to index
      %swap3A_1476 = tpu.vector_load %arg12[%swap3A_1474, %swap3A_1475] {strides = array<i32>} : memref<32x512xi32, #tpu.memory_space<vmem>>, vector<16xi32>,
      tpu.vector_store %arg12[%swap3A_1474, %swap3A_1475], %add3A_1472 {strides = array<i32>} : memref<32x512xi32, #tpu.memory_space<vmem>>, vector<16xi32>,
      %add3A_1477 = arith.constant 8000000 : i32
      %add3A_1478 = vector.broadcast %add3A_1477 : i32 to vector<16xi32>
      %add3A_1479 = arith.addi %get3A_1363, %add3A_1478 : vector<16xi32>
      %swap3A_1480 = arith.constant 8 : i32
      %swap3A_1481 = arith.index_cast %swap3A_1480 : i32 to index
      %swap3A_1482 = arith.index_cast %mul3A_1361 : i32 to index
      %swap3A_1483 = tpu.vector_load %arg11[%swap3A_1481, %swap3A_1482] {strides = array<i32>} : memref<32x512xi32, #tpu.memory_space<vmem>>, vector<16xi32>,
      tpu.vector_store %arg11[%swap3A_1481, %swap3A_1482], %add3A_1479 {strides = array<i32>} : memref<32x512xi32, #tpu.memory_space<vmem>>, vector<16xi32>,
      %add3A_1484 = arith.constant 8000000 : i32
      %add3A_1485 = vector.broadcast %add3A_1484 : i32 to vector<16xi32>
      %add3A_1486 = arith.addi %get3A_1365, %add3A_1485 : vector<16xi32>
      %swap3A_1487 = arith.constant 8 : i32
      %swap3A_1488 = arith.index_cast %swap3A_1487 : i32 to index
      %swap3A_1489 = arith.index_cast %mul3A_1361 : i32 to index
      %swap3A_1490 = tpu.vector_load %arg12[%swap3A_1488, %swap3A_1489] {strides = array<i32>} : memref<32x512xi32, #tpu.memory_space<vmem>>, vector<16xi32>,
      tpu.vector_store %arg12[%swap3A_1488, %swap3A_1489], %add3A_1486 {strides = array<i32>} : memref<32x512xi32, #tpu.memory_space<vmem>>, vector<16xi32>,
      %add3A_1491 = arith.constant 9000000 : i32
      %add3A_1492 = vector.broadcast %add3A_1491 : i32 to vector<16xi32>
      %add3A_1493 = arith.addi %get3A_1363, %add3A_1492 : vector<16xi32>
      %swap3A_1494 = arith.constant 9 : i32
      %swap3A_1495 = arith.index_cast %swap3A_1494 : i32 to index
      %swap3A_1496 = arith.index_cast %mul3A_1361 : i32 to index
      %swap3A_1497 = tpu.vector_load %arg11[%swap3A_1495, %swap3A_1496] {strides = array<i32>} : memref<32x512xi32, #tpu.memory_space<vmem>>, vector<16xi32>,
      tpu.vector_store %arg11[%swap3A_1495, %swap3A_1496], %add3A_1493 {strides = array<i32>} : memref<32x512xi32, #tpu.memory_space<vmem>>, vector<16xi32>,
      %add3A_1498 = arith.constant 9000000 : i32
      %add3A_1499 = vector.broadcast %add3A_1498 : i32 to vector<16xi32>
      %add3A_1500 = arith.addi %get3A_1365, %add3A_1499 : vector<16xi32>
      %swap3A_1501 = arith.constant 9 : i32
      %swap3A_1502 = arith.index_cast %swap3A_1501 : i32 to index
      %swap3A_1503 = arith.index_cast %mul3A_1361 : i32 to index
      %swap3A_1504 = tpu.vector_load %arg12[%swap3A_1502, %swap3A_1503] {strides = array<i32>} : memref<32x512xi32, #tpu.memory_space<vmem>>, vector<16xi32>,
      tpu.vector_store %arg12[%swap3A_1502, %swap3A_1503], %add3A_1500 {strides = array<i32>} : memref<32x512xi32, #tpu.memory_space<vmem>>, vector<16xi32>,
      %add3A_1505 = arith.constant 10000000 : i32
      %add3A_1506 = vector.broadcast %add3A_1505 : i32 to vector<16xi32>
      %add3A_1507 = arith.addi %get3A_1363, %add3A_1506 : vector<16xi32>
      %swap3A_1508 = arith.constant 10 : i32
      %swap3A_1509 = arith.index_cast %swap3A_1508 : i32 to index
      %swap3A_1510 = arith.index_cast %mul3A_1361 : i32 to index
      %swap3A_1511 = tpu.vector_load %arg11[%swap3A_1509, %swap3A_1510] {strides = array<i32>} : memref<32x512xi32, #tpu.memory_space<vmem>>, vector<16xi32>,
      tpu.vector_store %arg11[%swap3A_1509, %swap3A_1510], %add3A_1507 {strides = array<i32>} : memref<32x512xi32, #tpu.memory_space<vmem>>, vector<16xi32>,
      %add3A_1512 = arith.constant 10000000 : i32
      %add3A_1513 = vector.broadcast %add3A_1512 : i32 to vector<16xi32>
      %add3A_1514 = arith.addi %get3A_1365, %add3A_1513 : vector<16xi32>
      %swap3A_1515 = arith.constant 10 : i32
      %swap3A_1516 = arith.index_cast %swap3A_1515 : i32 to index
      %swap3A_1517 = arith.index_cast %mul3A_1361 : i32 to index
      %swap3A_1518 = tpu.vector_load %arg12[%swap3A_1516, %swap3A_1517] {strides = array<i32>} : memref<32x512xi32, #tpu.memory_space<vmem>>, vector<16xi32>,
      tpu.vector_store %arg12[%swap3A_1516, %swap3A_1517], %add3A_1514 {strides = array<i32>} : memref<32x512xi32, #tpu.memory_space<vmem>>, vector<16xi32>,
      %add3A_1519 = arith.constant 11000000 : i32
      %add3A_1520 = vector.broadcast %add3A_1519 : i32 to vector<16xi32>
      %add3A_1521 = arith.addi %get3A_1363, %add3A_1520 : vector<16xi32>
      %swap3A_1522 = arith.constant 11 : i32
      %swap3A_1523 = arith.index_cast %swap3A_1522 : i32 to index
      %swap3A_1524 = arith.index_cast %mul3A_1361 : i32 to index
      %swap3A_1525 = tpu.vector_load %arg11[%swap3A_1523, %swap3A_1524] {strides = array<i32>} : memref<32x512xi32, #tpu.memory_space<vmem>>, vector<16xi32>,
      tpu.vector_store %arg11[%swap3A_1523, %swap3A_1524], %add3A_1521 {strides = array<i32>} : memref<32x512xi32, #tpu.memory_space<vmem>>, vector<16xi32>,
      %add3A_1526 = arith.constant 11000000 : i32
      %add3A_1527 = vector.broadcast %add3A_1526 : i32 to vector<16xi32>
      %add3A_1528 = arith.addi %get3A_1365, %add3A_1527 : vector<16xi32>
      %swap3A_1529 = arith.constant 11 : i32
      %swap3A_1530 = arith.index_cast %swap3A_1529 : i32 to index
      %swap3A_1531 = arith.index_cast %mul3A_1361 : i32 to index
      %swap3A_1532 = tpu.vector_load %arg12[%swap3A_1530, %swap3A_1531] {strides = array<i32>} : memref<32x512xi32, #tpu.memory_space<vmem>>, vector<16xi32>,
      tpu.vector_store %arg12[%swap3A_1530, %swap3A_1531], %add3A_1528 {strides = array<i32>} : memref<32x512xi32, #tpu.memory_space<vmem>>, vector<16xi32>,
      %add3A_1533 = arith.constant 12000000 : i32
      %add3A_1534 = vector.broadcast %add3A_1533 : i32 to vector<16xi32>
      %add3A_1535 = arith.addi %get3A_1363, %add3A_1534 : vector<16xi32>
      %swap3A_1536 = arith.constant 12 : i32
      %swap3A_1537 = arith.index_cast %swap3A_1536 : i32 to index
      %swap3A_1538 = arith.index_cast %mul3A_1361 : i32 to index
      %swap3A_1539 = tpu.vector_load %arg11[%swap3A_1537, %swap3A_1538] {strides = array<i32>} : memref<32x512xi32, #tpu.memory_space<vmem>>, vector<16xi32>,
      tpu.vector_store %arg11[%swap3A_1537, %swap3A_1538], %add3A_1535 {strides = array<i32>} : memref<32x512xi32, #tpu.memory_space<vmem>>, vector<16xi32>,
      %add3A_1540 = arith.constant 12000000 : i32
      %add3A_1541 = vector.broadcast %add3A_1540 : i32 to vector<16xi32>
      %add3A_1542 = arith.addi %get3A_1365, %add3A_1541 : vector<16xi32>
      %swap3A_1543 = arith.constant 12 : i32
      %swap3A_1544 = arith.index_cast %swap3A_1543 : i32 to index
      %swap3A_1545 = arith.index_cast %mul3A_1361 : i32 to index
      %swap3A_1546 = tpu.vector_load %arg12[%swap3A_1544, %swap3A_1545] {strides = array<i32>} : memref<32x512xi32, #tpu.memory_space<vmem>>, vector<16xi32>,
      tpu.vector_store %arg12[%swap3A_1544, %swap3A_1545], %add3A_1542 {strides = array<i32>} : memref<32x512xi32, #tpu.memory_space<vmem>>, vector<16xi32>,
      %add3A_1547 = arith.constant 13000000 : i32
      %add3A_1548 = vector.broadcast %add3A_1547 : i32 to vector<16xi32>
      %add3A_1549 = arith.addi %get3A_1363, %add3A_1548 : vector<16xi32>
      %swap3A_1550 = arith.constant 13 : i32
      %swap3A_1551 = arith.index_cast %swap3A_1550 : i32 to index
      %swap3A_1552 = arith.index_cast %mul3A_1361 : i32 to index
      %swap3A_1553 = tpu.vector_load %arg11[%swap3A_1551, %swap3A_1552] {strides = array<i32>} : memref<32x512xi32, #tpu.memory_space<vmem>>, vector<16xi32>,
      tpu.vector_store %arg11[%swap3A_1551, %swap3A_1552], %add3A_1549 {strides = array<i32>} : memref<32x512xi32, #tpu.memory_space<vmem>>, vector<16xi32>,
      %add3A_1554 = arith.constant 13000000 : i32
      %add3A_1555 = vector.broadcast %add3A_1554 : i32 to vector<16xi32>
      %add3A_1556 = arith.addi %get3A_1365, %add3A_1555 : vector<16xi32>
      %swap3A_1557 = arith.constant 13 : i32
      %swap3A_1558 = arith.index_cast %swap3A_1557 : i32 to index
      %swap3A_1559 = arith.index_cast %mul3A_1361 : i32 to index
      %swap3A_1560 = tpu.vector_load %arg12[%swap3A_1558, %swap3A_1559] {strides = array<i32>} : memref<32x512xi32, #tpu.memory_space<vmem>>, vector<16xi32>,
      tpu.vector_store %arg12[%swap3A_1558, %swap3A_1559], %add3A_1556 {strides = array<i32>} : memref<32x512xi32, #tpu.memory_space<vmem>>, vector<16xi32>,
      %add3A_1561 = arith.constant 14000000 : i32
      %add3A_1562 = vector.broadcast %add3A_1561 : i32 to vector<16xi32>
      %add3A_1563 = arith.addi %get3A_1363, %add3A_1562 : vector<16xi32>
      %swap3A_1564 = arith.constant 14 : i32
      %swap3A_1565 = arith.index_cast %swap3A_1564 : i32 to index
      %swap3A_1566 = arith.index_cast %mul3A_1361 : i32 to index
      %swap3A_1567 = tpu.vector_load %arg11[%swap3A_1565, %swap3A_1566] {strides = array<i32>} : memref<32x512xi32, #tpu.memory_space<vmem>>, vector<16xi32>,
      tpu.vector_store %arg11[%swap3A_1565, %swap3A_1566], %add3A_1563 {strides = array<i32>} : memref<32x512xi32, #tpu.memory_space<vmem>>, vector<16xi32>,
      %add3A_1568 = arith.constant 14000000 : i32
      %add3A_1569 = vector.broadcast %add3A_1568 : i32 to vector<16xi32>
      %add3A_1570 = arith.addi %get3A_1365, %add3A_1569 : vector<16xi32>
      %swap3A_1571 = arith.constant 14 : i32
      %swap3A_1572 = arith.index_cast %swap3A_1571 : i32 to index
      %swap3A_1573 = arith.index_cast %mul3A_1361 : i32 to index
      %swap3A_1574 = tpu.vector_load %arg12[%swap3A_1572, %swap3A_1573] {strides = array<i32>} : memref<32x512xi32, #tpu.memory_space<vmem>>, vector<16xi32>,
      tpu.vector_store %arg12[%swap3A_1572, %swap3A_1573], %add3A_1570 {strides = array<i32>} : memref<32x512xi32, #tpu.memory_space<vmem>>, vector<16xi32>,
      %add3A_1575 = arith.constant 15000000 : i32
      %add3A_1576 = vector.broadcast %add3A_1575 : i32 to vector<16xi32>
      %add3A_1577 = arith.addi %get3A_1363, %add3A_1576 : vector<16xi32>
      %swap3A_1578 = arith.constant 15 : i32
      %swap3A_1579 = arith.index_cast %swap3A_1578 : i32 to index
      %swap3A_1580 = arith.index_cast %mul3A_1361 : i32 to index
      %swap3A_1581 = tpu.vector_load %arg11[%swap3A_1579, %swap3A_1580] {strides = array<i32>} : memref<32x512xi32, #tpu.memory_space<vmem>>, vector<16xi32>,
      tpu.vector_store %arg11[%swap3A_1579, %swap3A_1580], %add3A_1577 {strides = array<i32>} : memref<32x512xi32, #tpu.memory_space<vmem>>, vector<16xi32>,
      %add3A_1582 = arith.constant 15000000 : i32
      %add3A_1583 = vector.broadcast %add3A_1582 : i32 to vector<16xi32>
      %add3A_1584 = arith.addi %get3A_1365, %add3A_1583 : vector<16xi32>
      %swap3A_1585 = arith.constant 15 : i32
      %swap3A_1586 = arith.index_cast %swap3A_1585 : i32 to index
      %swap3A_1587 = arith.index_cast %mul3A_1361 : i32 to index
      %swap3A_1588 = tpu.vector_load %arg12[%swap3A_1586, %swap3A_1587] {strides = array<i32>} : memref<32x512xi32, #tpu.memory_space<vmem>>, vector<16xi32>,
      tpu.vector_store %arg12[%swap3A_1586, %swap3A_1587], %add3A_1584 {strides = array<i32>} : memref<32x512xi32, #tpu.memory_space<vmem>>, vector<16xi32>,
      %add3A_1589 = arith.constant 16000000 : i32
      %add3A_1590 = vector.broadcast %add3A_1589 : i32 to vector<16xi32>
      %add3A_1591 = arith.addi %get3A_1363, %add3A_1590 : vector<16xi32>
      %swap3A_1592 = arith.constant 16 : i32
      %swap3A_1593 = arith.index_cast %swap3A_1592 : i32 to index
      %swap3A_1594 = arith.index_cast %mul3A_1361 : i32 to index
      %swap3A_1595 = tpu.vector_load %arg11[%swap3A_1593, %swap3A_1594] {strides = array<i32>} : memref<32x512xi32, #tpu.memory_space<vmem>>, vector<16xi32>,
      tpu.vector_store %arg11[%swap3A_1593, %swap3A_1594], %add3A_1591 {strides = array<i32>} : memref<32x512xi32, #tpu.memory_space<vmem>>, vector<16xi32>,
      %add3A_1596 = arith.constant 16000000 : i32
      %add3A_1597 = vector.broadcast %add3A_1596 : i32 to vector<16xi32>
      %add3A_1598 = arith.addi %get3A_1365, %add3A_1597 : vector<16xi32>
      %swap3A_1599 = arith.constant 16 : i32
      %swap3A_1600 = arith.index_cast %swap3A_1599 : i32 to index
      %swap3A_1601 = arith.index_cast %mul3A_1361 : i32 to index
      %swap3A_1602 = tpu.vector_load %arg12[%swap3A_1600, %swap3A_1601] {strides = array<i32>} : memref<32x512xi32, #tpu.memory_space<vmem>>, vector<16xi32>,
      tpu.vector_store %arg12[%swap3A_1600, %swap3A_1601], %add3A_1598 {strides = array<i32>} : memref<32x512xi32, #tpu.memory_space<vmem>>, vector<16xi32>,
      %add3A_1603 = arith.constant 17000000 : i32
      %add3A_1604 = vector.broadcast %add3A_1603 : i32 to vector<16xi32>
      %add3A_1605 = arith.addi %get3A_1363, %add3A_1604 : vector<16xi32>
      %swap3A_1606 = arith.constant 17 : i32
      %swap3A_1607 = arith.index_cast %swap3A_1606 : i32 to index
      %swap3A_1608 = arith.index_cast %mul3A_1361 : i32 to index
      %swap3A_1609 = tpu.vector_load %arg11[%swap3A_1607, %swap3A_1608] {strides = array<i32>} : memref<32x512xi32, #tpu.memory_space<vmem>>, vector<16xi32>,
      tpu.vector_store %arg11[%swap3A_1607, %swap3A_1608], %add3A_1605 {strides = array<i32>} : memref<32x512xi32, #tpu.memory_space<vmem>>, vector<16xi32>,
      %add3A_1610 = arith.constant 17000000 : i32
      %add3A_1611 = vector.broadcast %add3A_1610 : i32 to vector<16xi32>
      %add3A_1612 = arith.addi %get3A_1365, %add3A_1611 : vector<16xi32>
      %swap3A_1613 = arith.constant 17 : i32
      %swap3A_1614 = arith.index_cast %swap3A_1613 : i32 to index
      %swap3A_1615 = arith.index_cast %mul3A_1361 : i32 to index
      %swap3A_1616 = tpu.vector_load %arg12[%swap3A_1614, %swap3A_1615] {strides = array<i32>} : memref<32x512xi32, #tpu.memory_space<vmem>>, vector<16xi32>,
      tpu.vector_store %arg12[%swap3A_1614, %swap3A_1615], %add3A_1612 {strides = array<i32>} : memref<32x512xi32, #tpu.memory_space<vmem>>, vector<16xi32>,
      %add3A_1617 = arith.constant 18000000 : i32
      %add3A_1618 = vector.broadcast %add3A_1617 : i32 to vector<16xi32>
      %add3A_1619 = arith.addi %get3A_1363, %add3A_1618 : vector<16xi32>
      %swap3A_1620 = arith.constant 18 : i32
      %swap3A_1621 = arith.index_cast %swap3A_1620 : i32 to index
      %swap3A_1622 = arith.index_cast %mul3A_1361 : i32 to index
      %swap3A_1623 = tpu.vector_load %arg11[%swap3A_1621, %swap3A_1622] {strides = array<i32>} : memref<32x512xi32, #tpu.memory_space<vmem>>, vector<16xi32>,
      tpu.vector_store %arg11[%swap3A_1621, %swap3A_1622], %add3A_1619 {strides = array<i32>} : memref<32x512xi32, #tpu.memory_space<vmem>>, vector<16xi32>,
      %add3A_1624 = arith.constant 18000000 : i32
      %add3A_1625 = vector.broadcast %add3A_1624 : i32 to vector<16xi32>
      %add3A_1626 = arith.addi %get3A_1365, %add3A_1625 : vector<16xi32>
      %swap3A_1627 = arith.constant 18 : i32
      %swap3A_1628 = arith.index_cast %swap3A_1627 : i32 to index
      %swap3A_1629 = arith.index_cast %mul3A_1361 : i32 to index
      %swap3A_1630 = tpu.vector_load %arg12[%swap3A_1628, %swap3A_1629] {strides = array<i32>} : memref<32x512xi32, #tpu.memory_space<vmem>>, vector<16xi32>,
      tpu.vector_store %arg12[%swap3A_1628, %swap3A_1629], %add3A_1626 {strides = array<i32>} : memref<32x512xi32, #tpu.memory_space<vmem>>, vector<16xi32>,
      %add3A_1631 = arith.constant 19000000 : i32
      %add3A_1632 = vector.broadcast %add3A_1631 : i32 to vector<16xi32>
      %add3A_1633 = arith.addi %get3A_1363, %add3A_1632 : vector<16xi32>
      %swap3A_1634 = arith.constant 19 : i32
      %swap3A_1635 = arith.index_cast %swap3A_1634 : i32 to index
      %swap3A_1636 = arith.index_cast %mul3A_1361 : i32 to index
      %swap3A_1637 = tpu.vector_load %arg11[%swap3A_1635, %swap3A_1636] {strides = array<i32>} : memref<32x512xi32, #tpu.memory_space<vmem>>, vector<16xi32>,
      tpu.vector_store %arg11[%swap3A_1635, %swap3A_1636], %add3A_1633 {strides = array<i32>} : memref<32x512xi32, #tpu.memory_space<vmem>>, vector<16xi32>,
      %add3A_1638 = arith.constant 19000000 : i32
      %add3A_1639 = vector.broadcast %add3A_1638 : i32 to vector<16xi32>
      %add3A_1640 = arith.addi %get3A_1365, %add3A_1639 : vector<16xi32>
      %swap3A_1641 = arith.constant 19 : i32
      %swap3A_1642 = arith.index_cast %swap3A_1641 : i32 to index
      %swap3A_1643 = arith.index_cast %mul3A_1361 : i32 to index
      %swap3A_1644 = tpu.vector_load %arg12[%swap3A_1642, %swap3A_1643] {strides = array<i32>} : memref<32x512xi32, #tpu.memory_space<vmem>>, vector<16xi32>,
      tpu.vector_store %arg12[%swap3A_1642, %swap3A_1643], %add3A_1640 {strides = array<i32>} : memref<32x512xi32, #tpu.memory_space<vmem>>, vector<16xi32>,
      %add3A_1645 = arith.constant 20000000 : i32
      %add3A_1646 = vector.broadcast %add3A_1645 : i32 to vector<16xi32>
      %add3A_1647 = arith.addi %get3A_1363, %add3A_1646 : vector<16xi32>
      %swap3A_1648 = arith.constant 20 : i32
      %swap3A_1649 = arith.index_cast %swap3A_1648 : i32 to index
      %swap3A_1650 = arith.index_cast %mul3A_1361 : i32 to index
      %swap3A_1651 = tpu.vector_load %arg11[%swap3A_1649, %swap3A_1650] {strides = array<i32>} : memref<32x512xi32, #tpu.memory_space<vmem>>, vector<16xi32>,
      tpu.vector_store %arg11[%swap3A_1649, %swap3A_1650], %add3A_1647 {strides = array<i32>} : memref<32x512xi32, #tpu.memory_space<vmem>>, vector<16xi32>,
      %add3A_1652 = arith.constant 20000000 : i32
      %add3A_1653 = vector.broadcast %add3A_1652 : i32 to vector<16xi32>
      %add3A_1654 = arith.addi %get3A_1365, %add3A_1653 : vector<16xi32>
      %swap3A_1655 = arith.constant 20 : i32
      %swap3A_1656 = arith.index_cast %swap3A_1655 : i32 to index
      %swap3A_1657 = arith.index_cast %mul3A_1361 : i32 to index
      %swap3A_1658 = tpu.vector_load %arg12[%swap3A_1656, %swap3A_1657] {strides = array<i32>} : memref<32x512xi32, #tpu.memory_space<vmem>>, vector<16xi32>,
      tpu.vector_store %arg12[%swap3A_1656, %swap3A_1657], %add3A_1654 {strides = array<i32>} : memref<32x512xi32, #tpu.memory_space<vmem>>, vector<16xi32>,
      %add3A_1659 = arith.constant 21000000 : i32
      %add3A_1660 = vector.broadcast %add3A_1659 : i32 to vector<16xi32>
      %add3A_1661 = arith.addi %get3A_1363, %add3A_1660 : vector<16xi32>
      %swap3A_1662 = arith.constant 21 : i32
      %swap3A_1663 = arith.index_cast %swap3A_1662 : i32 to index
      %swap3A_1664 = arith.index_cast %mul3A_1361 : i32 to index
      %swap3A_1665 = tpu.vector_load %arg11[%swap3A_1663, %swap3A_1664] {strides = array<i32>} : memref<32x512xi32, #tpu.memory_space<vmem>>, vector<16xi32>,
      tpu.vector_store %arg11[%swap3A_1663, %swap3A_1664], %add3A_1661 {strides = array<i32>} : memref<32x512xi32, #tpu.memory_space<vmem>>, vector<16xi32>,
      %add3A_1666 = arith.constant 21000000 : i32
      %add3A_1667 = vector.broadcast %add3A_1666 : i32 to vector<16xi32>
      %add3A_1668 = arith.addi %get3A_1365, %add3A_1667 : vector<16xi32>
      %swap3A_1669 = arith.constant 21 : i32
      %swap3A_1670 = arith.index_cast %swap3A_1669 : i32 to index
      %swap3A_1671 = arith.index_cast %mul3A_1361 : i32 to index
      %swap3A_1672 = tpu.vector_load %arg12[%swap3A_1670, %swap3A_1671] {strides = array<i32>} : memref<32x512xi32, #tpu.memory_space<vmem>>, vector<16xi32>,
      tpu.vector_store %arg12[%swap3A_1670, %swap3A_1671], %add3A_1668 {strides = array<i32>} : memref<32x512xi32, #tpu.memory_space<vmem>>, vector<16xi32>,
      %add3A_1673 = arith.constant 22000000 : i32
      %add3A_1674 = vector.broadcast %add3A_1673 : i32 to vector<16xi32>
      %add3A_1675 = arith.addi %get3A_1363, %add3A_1674 : vector<16xi32>
      %swap3A_1676 = arith.constant 22 : i32
      %swap3A_1677 = arith.index_cast %swap3A_1676 : i32 to index
      %swap3A_1678 = arith.index_cast %mul3A_1361 : i32 to index
      %swap3A_1679 = tpu.vector_load %arg11[%swap3A_1677, %swap3A_1678] {strides = array<i32>} : memref<32x512xi32, #tpu.memory_space<vmem>>, vector<16xi32>,
      tpu.vector_store %arg11[%swap3A_1677, %swap3A_1678], %add3A_1675 {strides = array<i32>} : memref<32x512xi32, #tpu.memory_space<vmem>>, vector<16xi32>,
      %add3A_1680 = arith.constant 22000000 : i32
      %add3A_1681 = vector.broadcast %add3A_1680 : i32 to vector<16xi32>
      %add3A_1682 = arith.addi %get3A_1365, %add3A_1681 : vector<16xi32>
      %swap3A_1683 = arith.constant 22 : i32
      %swap3A_1684 = arith.index_cast %swap3A_1683 : i32 to index
      %swap3A_1685 = arith.index_cast %mul3A_1361 : i32 to index
      %swap3A_1686 = tpu.vector_load %arg12[%swap3A_1684, %swap3A_1685] {strides = array<i32>} : memref<32x512xi32, #tpu.memory_space<vmem>>, vector<16xi32>,
      tpu.vector_store %arg12[%swap3A_1684, %swap3A_1685], %add3A_1682 {strides = array<i32>} : memref<32x512xi32, #tpu.memory_space<vmem>>, vector<16xi32>,
      %add3A_1687 = arith.constant 23000000 : i32
      %add3A_1688 = vector.broadcast %add3A_1687 : i32 to vector<16xi32>
      %add3A_1689 = arith.addi %get3A_1363, %add3A_1688 : vector<16xi32>
      %swap3A_1690 = arith.constant 23 : i32
      %swap3A_1691 = arith.index_cast %swap3A_1690 : i32 to index
      %swap3A_1692 = arith.index_cast %mul3A_1361 : i32 to index
      %swap3A_1693 = tpu.vector_load %arg11[%swap3A_1691, %swap3A_1692] {strides = array<i32>} : memref<32x512xi32, #tpu.memory_space<vmem>>, vector<16xi32>,
      tpu.vector_store %arg11[%swap3A_1691, %swap3A_1692], %add3A_1689 {strides = array<i32>} : memref<32x512xi32, #tpu.memory_space<vmem>>, vector<16xi32>,
      %add3A_1694 = arith.constant 23000000 : i32
      %add3A_1695 = vector.broadcast %add3A_1694 : i32 to vector<16xi32>
      %add3A_1696 = arith.addi %get3A_1365, %add3A_1695 : vector<16xi32>
      %swap3A_1697 = arith.constant 23 : i32
      %swap3A_1698 = arith.index_cast %swap3A_1697 : i32 to index
      %swap3A_1699 = arith.index_cast %mul3A_1361 : i32 to index
      %swap3A_1700 = tpu.vector_load %arg12[%swap3A_1698, %swap3A_1699] {strides = array<i32>} : memref<32x512xi32, #tpu.memory_space<vmem>>, vector<16xi32>,
      tpu.vector_store %arg12[%swap3A_1698, %swap3A_1699], %add3A_1696 {strides = array<i32>} : memref<32x512xi32, #tpu.memory_space<vmem>>, vector<16xi32>,
      %add3A_1701 = arith.constant 24000000 : i32
      %add3A_1702 = vector.broadcast %add3A_1701 : i32 to vector<16xi32>
      %add3A_1703 = arith.addi %get3A_1363, %add3A_1702 : vector<16xi32>
      %swap3A_1704 = arith.constant 24 : i32
      %swap3A_1705 = arith.index_cast %swap3A_1704 : i32 to index
      %swap3A_1706 = arith.index_cast %mul3A_1361 : i32 to index
      %swap3A_1707 = tpu.vector_load %arg11[%swap3A_1705, %swap3A_1706] {strides = array<i32>} : memref<32x512xi32, #tpu.memory_space<vmem>>, vector<16xi32>,
      tpu.vector_store %arg11[%swap3A_1705, %swap3A_1706], %add3A_1703 {strides = array<i32>} : memref<32x512xi32, #tpu.memory_space<vmem>>, vector<16xi32>,
      %add3A_1708 = arith.constant 24000000 : i32
      %add3A_1709 = vector.broadcast %add3A_1708 : i32 to vector<16xi32>
      %add3A_1710 = arith.addi %get3A_1365, %add3A_1709 : vector<16xi32>
      %swap3A_1711 = arith.constant 24 : i32
      %swap3A_1712 = arith.index_cast %swap3A_1711 : i32 to index
      %swap3A_1713 = arith.index_cast %mul3A_1361 : i32 to index
      %swap3A_1714 = tpu.vector_load %arg12[%swap3A_1712, %swap3A_1713] {strides = array<i32>} : memref<32x512xi32, #tpu.memory_space<vmem>>, vector<16xi32>,
      tpu.vector_store %arg12[%swap3A_1712, %swap3A_1713], %add3A_1710 {strides = array<i32>} : memref<32x512xi32, #tpu.memory_space<vmem>>, vector<16xi32>,
      %add3A_1715 = arith.constant 25000000 : i32
      %add3A_1716 = vector.broadcast %add3A_1715 : i32 to vector<16xi32>
      %add3A_1717 = arith.addi %get3A_1363, %add3A_1716 : vector<16xi32>
      %swap3A_1718 = arith.constant 25 : i32
      %swap3A_1719 = arith.index_cast %swap3A_1718 : i32 to index
      %swap3A_1720 = arith.index_cast %mul3A_1361 : i32 to index
      %swap3A_1721 = tpu.vector_load %arg11[%swap3A_1719, %swap3A_1720] {strides = array<i32>} : memref<32x512xi32, #tpu.memory_space<vmem>>, vector<16xi32>,
      tpu.vector_store %arg11[%swap3A_1719, %swap3A_1720], %add3A_1717 {strides = array<i32>} : memref<32x512xi32, #tpu.memory_space<vmem>>, vector<16xi32>,
      %add3A_1722 = arith.constant 25000000 : i32
      %add3A_1723 = vector.broadcast %add3A_1722 : i32 to vector<16xi32>
      %add3A_1724 = arith.addi %get3A_1365, %add3A_1723 : vector<16xi32>
      %swap3A_1725 = arith.constant 25 : i32
      %swap3A_1726 = arith.index_cast %swap3A_1725 : i32 to index
      %swap3A_1727 = arith.index_cast %mul3A_1361 : i32 to index
      %swap3A_1728 = tpu.vector_load %arg12[%swap3A_1726, %swap3A_1727] {strides = array<i32>} : memref<32x512xi32, #tpu.memory_space<vmem>>, vector<16xi32>,
      tpu.vector_store %arg12[%swap3A_1726, %swap3A_1727], %add3A_1724 {strides = array<i32>} : memref<32x512xi32, #tpu.memory_space<vmem>>, vector<16xi32>,
      %add3A_1729 = arith.constant 26000000 : i32
      %add3A_1730 = vector.broadcast %add3A_1729 : i32 to vector<16xi32>
      %add3A_1731 = arith.addi %get3A_1363, %add3A_1730 : vector<16xi32>
      %swap3A_1732 = arith.constant 26 : i32
      %swap3A_1733 = arith.index_cast %swap3A_1732 : i32 to index
      %swap3A_1734 = arith.index_cast %mul3A_1361 : i32 to index
      %swap3A_1735 = tpu.vector_load %arg11[%swap3A_1733, %swap3A_1734] {strides = array<i32>} : memref<32x512xi32, #tpu.memory_space<vmem>>, vector<16xi32>,
      tpu.vector_store %arg11[%swap3A_1733, %swap3A_1734], %add3A_1731 {strides = array<i32>} : memref<32x512xi32, #tpu.memory_space<vmem>>, vector<16xi32>,
      %add3A_1736 = arith.constant 26000000 : i32
      %add3A_1737 = vector.broadcast %add3A_1736 : i32 to vector<16xi32>
      %add3A_1738 = arith.addi %get3A_1365, %add3A_1737 : vector<16xi32>
      %swap3A_1739 = arith.constant 26 : i32
      %swap3A_1740 = arith.index_cast %swap3A_1739 : i32 to index
      %swap3A_1741 = arith.index_cast %mul3A_1361 : i32 to index
      %swap3A_1742 = tpu.vector_load %arg12[%swap3A_1740, %swap3A_1741] {strides = array<i32>} : memref<32x512xi32, #tpu.memory_space<vmem>>, vector<16xi32>,
      tpu.vector_store %arg12[%swap3A_1740, %swap3A_1741], %add3A_1738 {strides = array<i32>} : memref<32x512xi32, #tpu.memory_space<vmem>>, vector<16xi32>,
      %add3A_1743 = arith.constant 27000000 : i32
      %add3A_1744 = vector.broadcast %add3A_1743 : i32 to vector<16xi32>
      %add3A_1745 = arith.addi %get3A_1363, %add3A_1744 : vector<16xi32>
      %swap3A_1746 = arith.constant 27 : i32
      %swap3A_1747 = arith.index_cast %swap3A_1746 : i32 to index
      %swap3A_1748 = arith.index_cast %mul3A_1361 : i32 to index
      %swap3A_1749 = tpu.vector_load %arg11[%swap3A_1747, %swap3A_1748] {strides = array<i32>} : memref<32x512xi32, #tpu.memory_space<vmem>>, vector<16xi32>,
      tpu.vector_store %arg11[%swap3A_1747, %swap3A_1748], %add3A_1745 {strides = array<i32>} : memref<32x512xi32, #tpu.memory_space<vmem>>, vector<16xi32>,
      %add3A_1750 = arith.constant 27000000 : i32
      %add3A_1751 = vector.broadcast %add3A_1750 : i32 to vector<16xi32>
      %add3A_1752 = arith.addi %get3A_1365, %add3A_1751 : vector<16xi32>
      %swap3A_1753 = arith.constant 27 : i32
      %swap3A_1754 = arith.index_cast %swap3A_1753 : i32 to index
      %swap3A_1755 = arith.index_cast %mul3A_1361 : i32 to index
      %swap3A_1756 = tpu.vector_load %arg12[%swap3A_1754, %swap3A_1755] {strides = array<i32>} : memref<32x512xi32, #tpu.memory_space<vmem>>, vector<16xi32>,
      tpu.vector_store %arg12[%swap3A_1754, %swap3A_1755], %add3A_1752 {strides = array<i32>} : memref<32x512xi32, #tpu.memory_space<vmem>>, vector<16xi32>,
      %add3A_1757 = arith.constant 28000000 : i32
      %add3A_1758 = vector.broadcast %add3A_1757 : i32 to vector<16xi32>
      %add3A_1759 = arith.addi %get3A_1363, %add3A_1758 : vector<16xi32>
      %swap3A_1760 = arith.constant 28 : i32
      %swap3A_1761 = arith.index_cast %swap3A_1760 : i32 to index
      %swap3A_1762 = arith.index_cast %mul3A_1361 : i32 to index
      %swap3A_1763 = tpu.vector_load %arg11[%swap3A_1761, %swap3A_1762] {strides = array<i32>} : memref<32x512xi32, #tpu.memory_space<vmem>>, vector<16xi32>,
      tpu.vector_store %arg11[%swap3A_1761, %swap3A_1762], %add3A_1759 {strides = array<i32>} : memref<32x512xi32, #tpu.memory_space<vmem>>, vector<16xi32>,
      %add3A_1764 = arith.constant 28000000 : i32
      %add3A_1765 = vector.broadcast %add3A_1764 : i32 to vector<16xi32>
      %add3A_1766 = arith.addi %get3A_1365, %add3A_1765 : vector<16xi32>
      %swap3A_1767 = arith.constant 28 : i32
      %swap3A_1768 = arith.index_cast %swap3A_1767 : i32 to index
      %swap3A_1769 = arith.index_cast %mul3A_1361 : i32 to index
      %swap3A_1770 = tpu.vector_load %arg12[%swap3A_1768, %swap3A_1769] {strides = array<i32>} : memref<32x512xi32, #tpu.memory_space<vmem>>, vector<16xi32>,
      tpu.vector_store %arg12[%swap3A_1768, %swap3A_1769], %add3A_1766 {strides = array<i32>} : memref<32x512xi32, #tpu.memory_space<vmem>>, vector<16xi32>,
      %add3A_1771 = arith.constant 29000000 : i32
      %add3A_1772 = vector.broadcast %add3A_1771 : i32 to vector<16xi32>
      %add3A_1773 = arith.addi %get3A_1363, %add3A_1772 : vector<16xi32>
      %swap3A_1774 = arith.constant 29 : i32
      %swap3A_1775 = arith.index_cast %swap3A_1774 : i32 to index
      %swap3A_1776 = arith.index_cast %mul3A_1361 : i32 to index
      %swap3A_1777 = tpu.vector_load %arg11[%swap3A_1775, %swap3A_1776] {strides = array<i32>} : memref<32x512xi32, #tpu.memory_space<vmem>>, vector<16xi32>,
      tpu.vector_store %arg11[%swap3A_1775, %swap3A_1776], %add3A_1773 {strides = array<i32>} : memref<32x512xi32, #tpu.memory_space<vmem>>, vector<16xi32>,
      %add3A_1778 = arith.constant 29000000 : i32
      %add3A_1779 = vector.broadcast %add3A_1778 : i32 to vector<16xi32>
      %add3A_1780 = arith.addi %get3A_1365, %add3A_1779 : vector<16xi32>
      %swap3A_1781 = arith.constant 29 : i32
      %swap3A_1782 = arith.index_cast %swap3A_1781 : i32 to index
      %swap3A_1783 = arith.index_cast %mul3A_1361 : i32 to index
      %swap3A_1784 = tpu.vector_load %arg12[%swap3A_1782, %swap3A_1783] {strides = array<i32>} : memref<32x512xi32, #tpu.memory_space<vmem>>, vector<16xi32>,
      tpu.vector_store %arg12[%swap3A_1782, %swap3A_1783], %add3A_1780 {strides = array<i32>} : memref<32x512xi32, #tpu.memory_space<vmem>>, vector<16xi32>,
      %add3A_1785 = arith.constant 30000000 : i32
      %add3A_1786 = vector.broadcast %add3A_1785 : i32 to vector<16xi32>
      %add3A_1787 = arith.addi %get3A_1363, %add3A_1786 : vector<16xi32>
      %swap3A_1788 = arith.constant 30 : i32
      %swap3A_1789 = arith.index_cast %swap3A_1788 : i32 to index
      %swap3A_1790 = arith.index_cast %mul3A_1361 : i32 to index
      %swap3A_1791 = tpu.vector_load %arg11[%swap3A_1789, %swap3A_1790] {strides = array<i32>} : memref<32x512xi32, #tpu.memory_space<vmem>>, vector<16xi32>,
      tpu.vector_store %arg11[%swap3A_1789, %swap3A_1790], %add3A_1787 {strides = array<i32>} : memref<32x512xi32, #tpu.memory_space<vmem>>, vector<16xi32>,
      %add3A_1792 = arith.constant 30000000 : i32
      %add3A_1793 = vector.broadcast %add3A_1792 : i32 to vector<16xi32>
      %add3A_1794 = arith.addi %get3A_1365, %add3A_1793 : vector<16xi32>
      %swap3A_1795 = arith.constant 30 : i32
      %swap3A_1796 = arith.index_cast %swap3A_1795 : i32 to index
      %swap3A_1797 = arith.index_cast %mul3A_1361 : i32 to index
      %swap3A_1798 = tpu.vector_load %arg12[%swap3A_1796, %swap3A_1797] {strides = array<i32>} : memref<32x512xi32, #tpu.memory_space<vmem>>, vector<16xi32>,
      tpu.vector_store %arg12[%swap3A_1796, %swap3A_1797], %add3A_1794 {strides = array<i32>} : memref<32x512xi32, #tpu.memory_space<vmem>>, vector<16xi32>,
      %add3A_1799 = arith.constant 31000000 : i32
      %add3A_1800 = vector.broadcast %add3A_1799 : i32 to vector<16xi32>
      %add3A_1801 = arith.addi %get3A_1363, %add3A_1800 : vector<16xi32>
      %swap3A_1802 = arith.constant 31 : i32
      %swap3A_1803 = arith.index_cast %swap3A_1802 : i32 to index
      %swap3A_1804 = arith.index_cast %mul3A_1361 : i32 to index
      %swap3A_1805 = tpu.vector_load %arg11[%swap3A_1803, %swap3A_1804] {strides = array<i32>} : memref<32x512xi32, #tpu.memory_space<vmem>>, vector<16xi32>,
      tpu.vector_store %arg11[%swap3A_1803, %swap3A_1804], %add3A_1801 {strides = array<i32>} : memref<32x512xi32, #tpu.memory_space<vmem>>, vector<16xi32>,
      %add3A_1806 = arith.constant 31000000 : i32
      %add3A_1807 = vector.broadcast %add3A_1806 : i32 to vector<16xi32>
      %add3A_1808 = arith.addi %get3A_1365, %add3A_1807 : vector<16xi32>
      %swap3A_1809 = arith.constant 31 : i32
      %swap3A_1810 = arith.index_cast %swap3A_1809 : i32 to index
      %swap3A_1811 = arith.index_cast %mul3A_1361 : i32 to index
      %swap3A_1812 = tpu.vector_load %arg12[%swap3A_1810, %swap3A_1811] {strides = array<i32>} : memref<32x512xi32, #tpu.memory_space<vmem>>, vector<16xi32>,
      tpu.vector_store %arg12[%swap3A_1810, %swap3A_1811], %add3A_1808 {strides = array<i32>} : memref<32x512xi32, #tpu.memory_space<vmem>>, vector<16xi32>,
    }
    %scan3A_6 = arith.constant 32 : i32
    %dma_start3A = arith.constant 0 : i32
    %dma_start3A_7 = arith.constant 0 : i32
    %dma_start3A_8 = arith.constant 0 : i32
    %dma_start3A_9 = tpu.memref_slice %arg13[%dma_start3A_7, %dma_start3A_8] : memref<32x512xf32, #tpu.memory_space<vmem>> -> memref<1x512xf32, #tpu.memory_space<vmem>>
    %dma_start3A_10 = tpu.memref_squeeze %dma_start3A_9 : memref<1x512xf32, #tpu.memory_space<vmem>> -> memref<512xf32, #tpu.memory_space<vmem>>
    %dma_start3A_11 = arith.constant 0 : i32
    %dma_start3A_12 = tpu.memref_slice %arg11[%dma_start3A, %dma_start3A_11] : memref<32x512xi32, #tpu.memory_space<vmem>> -> memref<1x512xi32, #tpu.memory_space<vmem>>
    %dma_start3A_13 = tpu.memref_squeeze %dma_start3A_12 : memref<1x512xi32, #tpu.memory_space<vmem>> -> memref<512xi32, #tpu.memory_space<vmem>>
    %dma_start3A_14 = arith.constant 0 : i32
    %dma_start3A_15 = tpu.memref_slice %arg4[%dma_start3A_14] : memref<32000000xf32, #tpu.memory_space<hbm>> -> memref<32000000xf32, #tpu.memory_space<hbm>>
    tpu.enqueue_indirect_dma source(%dma_start3A_15 : memref<32000000xf32, #tpu.memory_space<hbm>>) target(%dma_start3A_10 : memref<512xf32, #tpu.memory_space<vmem>>) offsets(%dma_start3A_13 : memref<512xi32, #tpu.memory_space<vmem>>) semaphore(%arg18 : memref<!tpu.dma_semaphore, #tpu.memory_space<semaphore_mem>>)
    %dma_start3A_16 = arith.constant 0 : i32
    %dma_start3A_17 = arith.constant 0 : i32
    %dma_start3A_18 = arith.constant 0 : i32
    %dma_start3A_19 = tpu.memref_slice %arg14[%dma_start3A_17, %dma_start3A_18] : memref<32x512xf32, #tpu.memory_space<vmem>> -> memref<1x512xf32, #tpu.memory_space<vmem>>
    %dma_start3A_20 = tpu.memref_squeeze %dma_start3A_19 : memref<1x512xf32, #tpu.memory_space<vmem>> -> memref<512xf32, #tpu.memory_space<vmem>>
    %dma_start3A_21 = arith.constant 0 : i32
    %dma_start3A_22 = tpu.memref_slice %arg12[%dma_start3A_16, %dma_start3A_21] : memref<32x512xi32, #tpu.memory_space<vmem>> -> memref<1x512xi32, #tpu.memory_space<vmem>>
    %dma_start3A_23 = tpu.memref_squeeze %dma_start3A_22 : memref<1x512xi32, #tpu.memory_space<vmem>> -> memref<512xi32, #tpu.memory_space<vmem>>
    %dma_start3A_24 = arith.constant 0 : i32
    %dma_start3A_25 = tpu.memref_slice %arg5[%dma_start3A_24] : memref<32000000xf32, #tpu.memory_space<hbm>> -> memref<32000000xf32, #tpu.memory_space<hbm>>
    tpu.enqueue_indirect_dma source(%dma_start3A_25 : memref<32000000xf32, #tpu.memory_space<hbm>>) target(%dma_start3A_20 : memref<512xf32, #tpu.memory_space<vmem>>) offsets(%dma_start3A_23 : memref<512xi32, #tpu.memory_space<vmem>>) semaphore(%arg19 : memref<!tpu.dma_semaphore, #tpu.memory_space<semaphore_mem>>)
    %dma_start3A_26 = arith.constant 1 : i32
    %dma_start3A_27 = arith.constant 1 : i32
    %dma_start3A_28 = arith.constant 0 : i32
    %dma_start3A_29 = tpu.memref_slice %arg13[%dma_start3A_27, %dma_start3A_28] : memref<32x512xf32, #tpu.memory_space<vmem>> -> memref<1x512xf32, #tpu.memory_space<vmem>>
    %dma_start3A_30 = tpu.memref_squeeze %dma_start3A_29 : memref<1x512xf32, #tpu.memory_space<vmem>> -> memref<512xf32, #tpu.memory_space<vmem>>
    %dma_start3A_31 = arith.constant 0 : i32
    %dma_start3A_32 = tpu.memref_slice %arg11[%dma_start3A_26, %dma_start3A_31] : memref<32x512xi32, #tpu.memory_space<vmem>> -> memref<1x512xi32, #tpu.memory_space<vmem>>
    %dma_start3A_33 = tpu.memref_squeeze %dma_start3A_32 : memref<1x512xi32, #tpu.memory_space<vmem>> -> memref<512xi32, #tpu.memory_space<vmem>>
    %dma_start3A_34 = arith.constant 0 : i32
    %dma_start3A_35 = tpu.memref_slice %arg4[%dma_start3A_34] : memref<32000000xf32, #tpu.memory_space<hbm>> -> memref<32000000xf32, #tpu.memory_space<hbm>>
    tpu.enqueue_indirect_dma source(%dma_start3A_35 : memref<32000000xf32, #tpu.memory_space<hbm>>) target(%dma_start3A_30 : memref<512xf32, #tpu.memory_space<vmem>>) offsets(%dma_start3A_33 : memref<512xi32, #tpu.memory_space<vmem>>) semaphore(%arg18 : memref<!tpu.dma_semaphore, #tpu.memory_space<semaphore_mem>>)
    %dma_start3A_36 = arith.constant 1 : i32
    %dma_start3A_37 = arith.constant 1 : i32
    %dma_start3A_38 = arith.constant 0 : i32
    %dma_start3A_39 = tpu.memref_slice %arg14[%dma_start3A_37, %dma_start3A_38] : memref<32x512xf32, #tpu.memory_space<vmem>> -> memref<1x512xf32, #tpu.memory_space<vmem>>
    %dma_start3A_40 = tpu.memref_squeeze %dma_start3A_39 : memref<1x512xf32, #tpu.memory_space<vmem>> -> memref<512xf32, #tpu.memory_space<vmem>>
    %dma_start3A_41 = arith.constant 0 : i32
    %dma_start3A_42 = tpu.memref_slice %arg12[%dma_start3A_36, %dma_start3A_41] : memref<32x512xi32, #tpu.memory_space<vmem>> -> memref<1x512xi32, #tpu.memory_space<vmem>>
    %dma_start3A_43 = tpu.memref_squeeze %dma_start3A_42 : memref<1x512xi32, #tpu.memory_space<vmem>> -> memref<512xi32, #tpu.memory_space<vmem>>
    %dma_start3A_44 = arith.constant 0 : i32
    %dma_start3A_45 = tpu.memref_slice %arg5[%dma_start3A_44] : memref<32000000xf32, #tpu.memory_space<hbm>> -> memref<32000000xf32, #tpu.memory_space<hbm>>
    tpu.enqueue_indirect_dma source(%dma_start3A_45 : memref<32000000xf32, #tpu.memory_space<hbm>>) target(%dma_start3A_40 : memref<512xf32, #tpu.memory_space<vmem>>) offsets(%dma_start3A_43 : memref<512xi32, #tpu.memory_space<vmem>>) semaphore(%arg19 : memref<!tpu.dma_semaphore, #tpu.memory_space<semaphore_mem>>)
    %dma_start3A_46 = arith.constant 2 : i32
    %dma_start3A_47 = arith.constant 2 : i32
    %dma_start3A_48 = arith.constant 0 : i32
    %dma_start3A_49 = tpu.memref_slice %arg13[%dma_start3A_47, %dma_start3A_48] : memref<32x512xf32, #tpu.memory_space<vmem>> -> memref<1x512xf32, #tpu.memory_space<vmem>>
    %dma_start3A_50 = tpu.memref_squeeze %dma_start3A_49 : memref<1x512xf32, #tpu.memory_space<vmem>> -> memref<512xf32, #tpu.memory_space<vmem>>
    %dma_start3A_51 = arith.constant 0 : i32
    %dma_start3A_52 = tpu.memref_slice %arg11[%dma_start3A_46, %dma_start3A_51] : memref<32x512xi32, #tpu.memory_space<vmem>> -> memref<1x512xi32, #tpu.memory_space<vmem>>
    %dma_start3A_53 = tpu.memref_squeeze %dma_start3A_52 : memref<1x512xi32, #tpu.memory_space<vmem>> -> memref<512xi32, #tpu.memory_space<vmem>>
    %dma_start3A_54 = arith.constant 0 : i32
    %dma_start3A_55 = tpu.memref_slice %arg4[%dma_start3A_54] : memref<32000000xf32, #tpu.memory_space<hbm>> -> memref<32000000xf32, #tpu.memory_space<hbm>>
    tpu.enqueue_indirect_dma source(%dma_start3A_55 : memref<32000000xf32, #tpu.memory_space<hbm>>) target(%dma_start3A_50 : memref<512xf32, #tpu.memory_space<vmem>>) offsets(%dma_start3A_53 : memref<512xi32, #tpu.memory_space<vmem>>) semaphore(%arg18 : memref<!tpu.dma_semaphore, #tpu.memory_space<semaphore_mem>>)
    %dma_start3A_56 = arith.constant 2 : i32
    %dma_start3A_57 = arith.constant 2 : i32
    %dma_start3A_58 = arith.constant 0 : i32
    %dma_start3A_59 = tpu.memref_slice %arg14[%dma_start3A_57, %dma_start3A_58] : memref<32x512xf32, #tpu.memory_space<vmem>> -> memref<1x512xf32, #tpu.memory_space<vmem>>
    %dma_start3A_60 = tpu.memref_squeeze %dma_start3A_59 : memref<1x512xf32, #tpu.memory_space<vmem>> -> memref<512xf32, #tpu.memory_space<vmem>>
    %dma_start3A_61 = arith.constant 0 : i32
    %dma_start3A_62 = tpu.memref_slice %arg12[%dma_start3A_56, %dma_start3A_61] : memref<32x512xi32, #tpu.memory_space<vmem>> -> memref<1x512xi32, #tpu.memory_space<vmem>>
    %dma_start3A_63 = tpu.memref_squeeze %dma_start3A_62 : memref<1x512xi32, #tpu.memory_space<vmem>> -> memref<512xi32, #tpu.memory_space<vmem>>
    %dma_start3A_64 = arith.constant 0 : i32
    %dma_start3A_65 = tpu.memref_slice %arg5[%dma_start3A_64] : memref<32000000xf32, #tpu.memory_space<hbm>> -> memref<32000000xf32, #tpu.memory_space<hbm>>
    tpu.enqueue_indirect_dma source(%dma_start3A_65 : memref<32000000xf32, #tpu.memory_space<hbm>>) target(%dma_start3A_60 : memref<512xf32, #tpu.memory_space<vmem>>) offsets(%dma_start3A_63 : memref<512xi32, #tpu.memory_space<vmem>>) semaphore(%arg19 : memref<!tpu.dma_semaphore, #tpu.memory_space<semaphore_mem>>)
    %dma_start3A_66 = arith.constant 3 : i32
    %dma_start3A_67 = arith.constant 3 : i32
    %dma_start3A_68 = arith.constant 0 : i32
    %dma_start3A_69 = tpu.memref_slice %arg13[%dma_start3A_67, %dma_start3A_68] : memref<32x512xf32, #tpu.memory_space<vmem>> -> memref<1x512xf32, #tpu.memory_space<vmem>>
    %dma_start3A_70 = tpu.memref_squeeze %dma_start3A_69 : memref<1x512xf32, #tpu.memory_space<vmem>> -> memref<512xf32, #tpu.memory_space<vmem>>
    %dma_start3A_71 = arith.constant 0 : i32
    %dma_start3A_72 = tpu.memref_slice %arg11[%dma_start3A_66, %dma_start3A_71] : memref<32x512xi32, #tpu.memory_space<vmem>> -> memref<1x512xi32, #tpu.memory_space<vmem>>
    %dma_start3A_73 = tpu.memref_squeeze %dma_start3A_72 : memref<1x512xi32, #tpu.memory_space<vmem>> -> memref<512xi32, #tpu.memory_space<vmem>>
    %dma_start3A_74 = arith.constant 0 : i32
    %dma_start3A_75 = tpu.memref_slice %arg4[%dma_start3A_74] : memref<32000000xf32, #tpu.memory_space<hbm>> -> memref<32000000xf32, #tpu.memory_space<hbm>>
    tpu.enqueue_indirect_dma source(%dma_start3A_75 : memref<32000000xf32, #tpu.memory_space<hbm>>) target(%dma_start3A_70 : memref<512xf32, #tpu.memory_space<vmem>>) offsets(%dma_start3A_73 : memref<512xi32, #tpu.memory_space<vmem>>) semaphore(%arg18 : memref<!tpu.dma_semaphore, #tpu.memory_space<semaphore_mem>>)
    %dma_start3A_76 = arith.constant 3 : i32
    %dma_start3A_77 = arith.constant 3 : i32
    %dma_start3A_78 = arith.constant 0 : i32
    %dma_start3A_79 = tpu.memref_slice %arg14[%dma_start3A_77, %dma_start3A_78] : memref<32x512xf32, #tpu.memory_space<vmem>> -> memref<1x512xf32, #tpu.memory_space<vmem>>
    %dma_start3A_80 = tpu.memref_squeeze %dma_start3A_79 : memref<1x512xf32, #tpu.memory_space<vmem>> -> memref<512xf32, #tpu.memory_space<vmem>>
    %dma_start3A_81 = arith.constant 0 : i32
    %dma_start3A_82 = tpu.memref_slice %arg12[%dma_start3A_76, %dma_start3A_81] : memref<32x512xi32, #tpu.memory_space<vmem>> -> memref<1x512xi32, #tpu.memory_space<vmem>>
    %dma_start3A_83 = tpu.memref_squeeze %dma_start3A_82 : memref<1x512xi32, #tpu.memory_space<vmem>> -> memref<512xi32, #tpu.memory_space<vmem>>
    %dma_start3A_84 = arith.constant 0 : i32
    %dma_start3A_85 = tpu.memref_slice %arg5[%dma_start3A_84] : memref<32000000xf32, #tpu.memory_space<hbm>> -> memref<32000000xf32, #tpu.memory_space<hbm>>
    tpu.enqueue_indirect_dma source(%dma_start3A_85 : memref<32000000xf32, #tpu.memory_space<hbm>>) target(%dma_start3A_80 : memref<512xf32, #tpu.memory_space<vmem>>) offsets(%dma_start3A_83 : memref<512xi32, #tpu.memory_space<vmem>>) semaphore(%arg19 : memref<!tpu.dma_semaphore, #tpu.memory_space<semaphore_mem>>)
    %dma_start3A_86 = arith.constant 4 : i32
    %dma_start3A_87 = arith.constant 4 : i32
    %dma_start3A_88 = arith.constant 0 : i32
    %dma_start3A_89 = tpu.memref_slice %arg13[%dma_start3A_87, %dma_start3A_88] : memref<32x512xf32, #tpu.memory_space<vmem>> -> memref<1x512xf32, #tpu.memory_space<vmem>>
    %dma_start3A_90 = tpu.memref_squeeze %dma_start3A_89 : memref<1x512xf32, #tpu.memory_space<vmem>> -> memref<512xf32, #tpu.memory_space<vmem>>
    %dma_start3A_91 = arith.constant 0 : i32
    %dma_start3A_92 = tpu.memref_slice %arg11[%dma_start3A_86, %dma_start3A_91] : memref<32x512xi32, #tpu.memory_space<vmem>> -> memref<1x512xi32, #tpu.memory_space<vmem>>
    %dma_start3A_93 = tpu.memref_squeeze %dma_start3A_92 : memref<1x512xi32, #tpu.memory_space<vmem>> -> memref<512xi32, #tpu.memory_space<vmem>>
    %dma_start3A_94 = arith.constant 0 : i32
    %dma_start3A_95 = tpu.memref_slice %arg4[%dma_start3A_94] : memref<32000000xf32, #tpu.memory_space<hbm>> -> memref<32000000xf32, #tpu.memory_space<hbm>>
    tpu.enqueue_indirect_dma source(%dma_start3A_95 : memref<32000000xf32, #tpu.memory_space<hbm>>) target(%dma_start3A_90 : memref<512xf32, #tpu.memory_space<vmem>>) offsets(%dma_start3A_93 : memref<512xi32, #tpu.memory_space<vmem>>) semaphore(%arg18 : memref<!tpu.dma_semaphore, #tpu.memory_space<semaphore_mem>>)
    %dma_start3A_96 = arith.constant 4 : i32
    %dma_start3A_97 = arith.constant 4 : i32
    %dma_start3A_98 = arith.constant 0 : i32
    %dma_start3A_99 = tpu.memref_slice %arg14[%dma_start3A_97, %dma_start3A_98] : memref<32x512xf32, #tpu.memory_space<vmem>> -> memref<1x512xf32, #tpu.memory_space<vmem>>
    %dma_start3A_100 = tpu.memref_squeeze %dma_start3A_99 : memref<1x512xf32, #tpu.memory_space<vmem>> -> memref<512xf32, #tpu.memory_space<vmem>>
    %dma_start3A_101 = arith.constant 0 : i32
    %dma_start3A_102 = tpu.memref_slice %arg12[%dma_start3A_96, %dma_start3A_101] : memref<32x512xi32, #tpu.memory_space<vmem>> -> memref<1x512xi32, #tpu.memory_space<vmem>>
    %dma_start3A_103 = tpu.memref_squeeze %dma_start3A_102 : memref<1x512xi32, #tpu.memory_space<vmem>> -> memref<512xi32, #tpu.memory_space<vmem>>
    %dma_start3A_104 = arith.constant 0 : i32
    %dma_start3A_105 = tpu.memref_slice %arg5[%dma_start3A_104] : memref<32000000xf32, #tpu.memory_space<hbm>> -> memref<32000000xf32, #tpu.memory_space<hbm>>
    tpu.enqueue_indirect_dma source(%dma_start3A_105 : memref<32000000xf32, #tpu.memory_space<hbm>>) target(%dma_start3A_100 : memref<512xf32, #tpu.memory_space<vmem>>) offsets(%dma_start3A_103 : memref<512xi32, #tpu.memory_space<vmem>>) semaphore(%arg19 : memref<!tpu.dma_semaphore, #tpu.memory_space<semaphore_mem>>)
    %dma_start3A_106 = arith.constant 5 : i32
    %dma_start3A_107 = arith.constant 5 : i32
    %dma_start3A_108 = arith.constant 0 : i32
    %dma_start3A_109 = tpu.memref_slice %arg13[%dma_start3A_107, %dma_start3A_108] : memref<32x512xf32, #tpu.memory_space<vmem>> -> memref<1x512xf32, #tpu.memory_space<vmem>>
    %dma_start3A_110 = tpu.memref_squeeze %dma_start3A_109 : memref<1x512xf32, #tpu.memory_space<vmem>> -> memref<512xf32, #tpu.memory_space<vmem>>
    %dma_start3A_111 = arith.constant 0 : i32
    %dma_start3A_112 = tpu.memref_slice %arg11[%dma_start3A_106, %dma_start3A_111] : memref<32x512xi32, #tpu.memory_space<vmem>> -> memref<1x512xi32, #tpu.memory_space<vmem>>
    %dma_start3A_113 = tpu.memref_squeeze %dma_start3A_112 : memref<1x512xi32, #tpu.memory_space<vmem>> -> memref<512xi32, #tpu.memory_space<vmem>>
    %dma_start3A_114 = arith.constant 0 : i32
    %dma_start3A_115 = tpu.memref_slice %arg4[%dma_start3A_114] : memref<32000000xf32, #tpu.memory_space<hbm>> -> memref<32000000xf32, #tpu.memory_space<hbm>>
    tpu.enqueue_indirect_dma source(%dma_start3A_115 : memref<32000000xf32, #tpu.memory_space<hbm>>) target(%dma_start3A_110 : memref<512xf32, #tpu.memory_space<vmem>>) offsets(%dma_start3A_113 : memref<512xi32, #tpu.memory_space<vmem>>) semaphore(%arg18 : memref<!tpu.dma_semaphore, #tpu.memory_space<semaphore_mem>>)
    %dma_start3A_116 = arith.constant 5 : i32
    %dma_start3A_117 = arith.constant 5 : i32
    %dma_start3A_118 = arith.constant 0 : i32
    %dma_start3A_119 = tpu.memref_slice %arg14[%dma_start3A_117, %dma_start3A_118] : memref<32x512xf32, #tpu.memory_space<vmem>> -> memref<1x512xf32, #tpu.memory_space<vmem>>
    %dma_start3A_120 = tpu.memref_squeeze %dma_start3A_119 : memref<1x512xf32, #tpu.memory_space<vmem>> -> memref<512xf32, #tpu.memory_space<vmem>>
    %dma_start3A_121 = arith.constant 0 : i32
    %dma_start3A_122 = tpu.memref_slice %arg12[%dma_start3A_116, %dma_start3A_121] : memref<32x512xi32, #tpu.memory_space<vmem>> -> memref<1x512xi32, #tpu.memory_space<vmem>>
    %dma_start3A_123 = tpu.memref_squeeze %dma_start3A_122 : memref<1x512xi32, #tpu.memory_space<vmem>> -> memref<512xi32, #tpu.memory_space<vmem>>
    %dma_start3A_124 = arith.constant 0 : i32
    %dma_start3A_125 = tpu.memref_slice %arg5[%dma_start3A_124] : memref<32000000xf32, #tpu.memory_space<hbm>> -> memref<32000000xf32, #tpu.memory_space<hbm>>
    tpu.enqueue_indirect_dma source(%dma_start3A_125 : memref<32000000xf32, #tpu.memory_space<hbm>>) target(%dma_start3A_120 : memref<512xf32, #tpu.memory_space<vmem>>) offsets(%dma_start3A_123 : memref<512xi32, #tpu.memory_space<vmem>>) semaphore(%arg19 : memref<!tpu.dma_semaphore, #tpu.memory_space<semaphore_mem>>)
    %dma_start3A_126 = arith.constant 6 : i32
    %dma_start3A_127 = arith.constant 6 : i32
    %dma_start3A_128 = arith.constant 0 : i32
    %dma_start3A_129 = tpu.memref_slice %arg13[%dma_start3A_127, %dma_start3A_128] : memref<32x512xf32, #tpu.memory_space<vmem>> -> memref<1x512xf32, #tpu.memory_space<vmem>>
    %dma_start3A_130 = tpu.memref_squeeze %dma_start3A_129 : memref<1x512xf32, #tpu.memory_space<vmem>> -> memref<512xf32, #tpu.memory_space<vmem>>
    %dma_start3A_131 = arith.constant 0 : i32
    %dma_start3A_132 = tpu.memref_slice %arg11[%dma_start3A_126, %dma_start3A_131] : memref<32x512xi32, #tpu.memory_space<vmem>> -> memref<1x512xi32, #tpu.memory_space<vmem>>
    %dma_start3A_133 = tpu.memref_squeeze %dma_start3A_132 : memref<1x512xi32, #tpu.memory_space<vmem>> -> memref<512xi32, #tpu.memory_space<vmem>>
    %dma_start3A_134 = arith.constant 0 : i32
    %dma_start3A_135 = tpu.memref_slice %arg4[%dma_start3A_134] : memref<32000000xf32, #tpu.memory_space<hbm>> -> memref<32000000xf32, #tpu.memory_space<hbm>>
    tpu.enqueue_indirect_dma source(%dma_start3A_135 : memref<32000000xf32, #tpu.memory_space<hbm>>) target(%dma_start3A_130 : memref<512xf32, #tpu.memory_space<vmem>>) offsets(%dma_start3A_133 : memref<512xi32, #tpu.memory_space<vmem>>) semaphore(%arg18 : memref<!tpu.dma_semaphore, #tpu.memory_space<semaphore_mem>>)
    %dma_start3A_136 = arith.constant 6 : i32
    %dma_start3A_137 = arith.constant 6 : i32
    %dma_start3A_138 = arith.constant 0 : i32
    %dma_start3A_139 = tpu.memref_slice %arg14[%dma_start3A_137, %dma_start3A_138] : memref<32x512xf32, #tpu.memory_space<vmem>> -> memref<1x512xf32, #tpu.memory_space<vmem>>
    %dma_start3A_140 = tpu.memref_squeeze %dma_start3A_139 : memref<1x512xf32, #tpu.memory_space<vmem>> -> memref<512xf32, #tpu.memory_space<vmem>>
    %dma_start3A_141 = arith.constant 0 : i32
    %dma_start3A_142 = tpu.memref_slice %arg12[%dma_start3A_136, %dma_start3A_141] : memref<32x512xi32, #tpu.memory_space<vmem>> -> memref<1x512xi32, #tpu.memory_space<vmem>>
    %dma_start3A_143 = tpu.memref_squeeze %dma_start3A_142 : memref<1x512xi32, #tpu.memory_space<vmem>> -> memref<512xi32, #tpu.memory_space<vmem>>
    %dma_start3A_144 = arith.constant 0 : i32
    %dma_start3A_145 = tpu.memref_slice %arg5[%dma_start3A_144] : memref<32000000xf32, #tpu.memory_space<hbm>> -> memref<32000000xf32, #tpu.memory_space<hbm>>
    tpu.enqueue_indirect_dma source(%dma_start3A_145 : memref<32000000xf32, #tpu.memory_space<hbm>>) target(%dma_start3A_140 : memref<512xf32, #tpu.memory_space<vmem>>) offsets(%dma_start3A_143 : memref<512xi32, #tpu.memory_space<vmem>>) semaphore(%arg19 : memref<!tpu.dma_semaphore, #tpu.memory_space<semaphore_mem>>)
    %dma_start3A_146 = arith.constant 7 : i32
    %dma_start3A_147 = arith.constant 7 : i32
    %dma_start3A_148 = arith.constant 0 : i32
    %dma_start3A_149 = tpu.memref_slice %arg13[%dma_start3A_147, %dma_start3A_148] : memref<32x512xf32, #tpu.memory_space<vmem>> -> memref<1x512xf32, #tpu.memory_space<vmem>>
    %dma_start3A_150 = tpu.memref_squeeze %dma_start3A_149 : memref<1x512xf32, #tpu.memory_space<vmem>> -> memref<512xf32, #tpu.memory_space<vmem>>
    %dma_start3A_151 = arith.constant 0 : i32
    %dma_start3A_152 = tpu.memref_slice %arg11[%dma_start3A_146, %dma_start3A_151] : memref<32x512xi32, #tpu.memory_space<vmem>> -> memref<1x512xi32, #tpu.memory_space<vmem>>
    %dma_start3A_153 = tpu.memref_squeeze %dma_start3A_152 : memref<1x512xi32, #tpu.memory_space<vmem>> -> memref<512xi32, #tpu.memory_space<vmem>>
    %dma_start3A_154 = arith.constant 0 : i32
    %dma_start3A_155 = tpu.memref_slice %arg4[%dma_start3A_154] : memref<32000000xf32, #tpu.memory_space<hbm>> -> memref<32000000xf32, #tpu.memory_space<hbm>>
    tpu.enqueue_indirect_dma source(%dma_start3A_155 : memref<32000000xf32, #tpu.memory_space<hbm>>) target(%dma_start3A_150 : memref<512xf32, #tpu.memory_space<vmem>>) offsets(%dma_start3A_153 : memref<512xi32, #tpu.memory_space<vmem>>) semaphore(%arg18 : memref<!tpu.dma_semaphore, #tpu.memory_space<semaphore_mem>>)
    %dma_start3A_156 = arith.constant 7 : i32
    %dma_start3A_157 = arith.constant 7 : i32
    %dma_start3A_158 = arith.constant 0 : i32
    %dma_start3A_159 = tpu.memref_slice %arg14[%dma_start3A_157, %dma_start3A_158] : memref<32x512xf32, #tpu.memory_space<vmem>> -> memref<1x512xf32, #tpu.memory_space<vmem>>
    %dma_start3A_160 = tpu.memref_squeeze %dma_start3A_159 : memref<1x512xf32, #tpu.memory_space<vmem>> -> memref<512xf32, #tpu.memory_space<vmem>>
    %dma_start3A_161 = arith.constant 0 : i32
    %dma_start3A_162 = tpu.memref_slice %arg12[%dma_start3A_156, %dma_start3A_161] : memref<32x512xi32, #tpu.memory_space<vmem>> -> memref<1x512xi32, #tpu.memory_space<vmem>>
    %dma_start3A_163 = tpu.memref_squeeze %dma_start3A_162 : memref<1x512xi32, #tpu.memory_space<vmem>> -> memref<512xi32, #tpu.memory_space<vmem>>
    %dma_start3A_164 = arith.constant 0 : i32
    %dma_start3A_165 = tpu.memref_slice %arg5[%dma_start3A_164] : memref<32000000xf32, #tpu.memory_space<hbm>> -> memref<32000000xf32, #tpu.memory_space<hbm>>
    tpu.enqueue_indirect_dma source(%dma_start3A_165 : memref<32000000xf32, #tpu.memory_space<hbm>>) target(%dma_start3A_160 : memref<512xf32, #tpu.memory_space<vmem>>) offsets(%dma_start3A_163 : memref<512xi32, #tpu.memory_space<vmem>>) semaphore(%arg19 : memref<!tpu.dma_semaphore, #tpu.memory_space<semaphore_mem>>)
    %dma_start3A_166 = arith.constant 8 : i32
    %dma_start3A_167 = arith.constant 8 : i32
    %dma_start3A_168 = arith.constant 0 : i32
    %dma_start3A_169 = tpu.memref_slice %arg13[%dma_start3A_167, %dma_start3A_168] : memref<32x512xf32, #tpu.memory_space<vmem>> -> memref<1x512xf32, #tpu.memory_space<vmem>>
    %dma_start3A_170 = tpu.memref_squeeze %dma_start3A_169 : memref<1x512xf32, #tpu.memory_space<vmem>> -> memref<512xf32, #tpu.memory_space<vmem>>
    %dma_start3A_171 = arith.constant 0 : i32
    %dma_start3A_172 = tpu.memref_slice %arg11[%dma_start3A_166, %dma_start3A_171] : memref<32x512xi32, #tpu.memory_space<vmem>> -> memref<1x512xi32, #tpu.memory_space<vmem>>
    %dma_start3A_173 = tpu.memref_squeeze %dma_start3A_172 : memref<1x512xi32, #tpu.memory_space<vmem>> -> memref<512xi32, #tpu.memory_space<vmem>>
    %dma_start3A_174 = arith.constant 0 : i32
    %dma_start3A_175 = tpu.memref_slice %arg4[%dma_start3A_174] : memref<32000000xf32, #tpu.memory_space<hbm>> -> memref<32000000xf32, #tpu.memory_space<hbm>>
    tpu.enqueue_indirect_dma source(%dma_start3A_175 : memref<32000000xf32, #tpu.memory_space<hbm>>) target(%dma_start3A_170 : memref<512xf32, #tpu.memory_space<vmem>>) offsets(%dma_start3A_173 : memref<512xi32, #tpu.memory_space<vmem>>) semaphore(%arg18 : memref<!tpu.dma_semaphore, #tpu.memory_space<semaphore_mem>>)
    %dma_start3A_176 = arith.constant 8 : i32
    %dma_start3A_177 = arith.constant 8 : i32
    %dma_start3A_178 = arith.constant 0 : i32
    %dma_start3A_179 = tpu.memref_slice %arg14[%dma_start3A_177, %dma_start3A_178] : memref<32x512xf32, #tpu.memory_space<vmem>> -> memref<1x512xf32, #tpu.memory_space<vmem>>
    %dma_start3A_180 = tpu.memref_squeeze %dma_start3A_179 : memref<1x512xf32, #tpu.memory_space<vmem>> -> memref<512xf32, #tpu.memory_space<vmem>>
    %dma_start3A_181 = arith.constant 0 : i32
    %dma_start3A_182 = tpu.memref_slice %arg12[%dma_start3A_176, %dma_start3A_181] : memref<32x512xi32, #tpu.memory_space<vmem>> -> memref<1x512xi32, #tpu.memory_space<vmem>>
    %dma_start3A_183 = tpu.memref_squeeze %dma_start3A_182 : memref<1x512xi32, #tpu.memory_space<vmem>> -> memref<512xi32, #tpu.memory_space<vmem>>
    %dma_start3A_184 = arith.constant 0 : i32
    %dma_start3A_185 = tpu.memref_slice %arg5[%dma_start3A_184] : memref<32000000xf32, #tpu.memory_space<hbm>> -> memref<32000000xf32, #tpu.memory_space<hbm>>
    tpu.enqueue_indirect_dma source(%dma_start3A_185 : memref<32000000xf32, #tpu.memory_space<hbm>>) target(%dma_start3A_180 : memref<512xf32, #tpu.memory_space<vmem>>) offsets(%dma_start3A_183 : memref<512xi32, #tpu.memory_space<vmem>>) semaphore(%arg19 : memref<!tpu.dma_semaphore, #tpu.memory_space<semaphore_mem>>)
    %dma_start3A_186 = arith.constant 9 : i32
    %dma_start3A_187 = arith.constant 9 : i32
    %dma_start3A_188 = arith.constant 0 : i32
    %dma_start3A_189 = tpu.memref_slice %arg13[%dma_start3A_187, %dma_start3A_188] : memref<32x512xf32, #tpu.memory_space<vmem>> -> memref<1x512xf32, #tpu.memory_space<vmem>>
    %dma_start3A_190 = tpu.memref_squeeze %dma_start3A_189 : memref<1x512xf32, #tpu.memory_space<vmem>> -> memref<512xf32, #tpu.memory_space<vmem>>
    %dma_start3A_191 = arith.constant 0 : i32
    %dma_start3A_192 = tpu.memref_slice %arg11[%dma_start3A_186, %dma_start3A_191] : memref<32x512xi32, #tpu.memory_space<vmem>> -> memref<1x512xi32, #tpu.memory_space<vmem>>
    %dma_start3A_193 = tpu.memref_squeeze %dma_start3A_192 : memref<1x512xi32, #tpu.memory_space<vmem>> -> memref<512xi32, #tpu.memory_space<vmem>>
    %dma_start3A_194 = arith.constant 0 : i32
    %dma_start3A_195 = tpu.memref_slice %arg4[%dma_start3A_194] : memref<32000000xf32, #tpu.memory_space<hbm>> -> memref<32000000xf32, #tpu.memory_space<hbm>>
    tpu.enqueue_indirect_dma source(%dma_start3A_195 : memref<32000000xf32, #tpu.memory_space<hbm>>) target(%dma_start3A_190 : memref<512xf32, #tpu.memory_space<vmem>>) offsets(%dma_start3A_193 : memref<512xi32, #tpu.memory_space<vmem>>) semaphore(%arg18 : memref<!tpu.dma_semaphore, #tpu.memory_space<semaphore_mem>>)
    %dma_start3A_196 = arith.constant 9 : i32
    %dma_start3A_197 = arith.constant 9 : i32
    %dma_start3A_198 = arith.constant 0 : i32
    %dma_start3A_199 = tpu.memref_slice %arg14[%dma_start3A_197, %dma_start3A_198] : memref<32x512xf32, #tpu.memory_space<vmem>> -> memref<1x512xf32, #tpu.memory_space<vmem>>
    %dma_start3A_200 = tpu.memref_squeeze %dma_start3A_199 : memref<1x512xf32, #tpu.memory_space<vmem>> -> memref<512xf32, #tpu.memory_space<vmem>>
    %dma_start3A_201 = arith.constant 0 : i32
    %dma_start3A_202 = tpu.memref_slice %arg12[%dma_start3A_196, %dma_start3A_201] : memref<32x512xi32, #tpu.memory_space<vmem>> -> memref<1x512xi32, #tpu.memory_space<vmem>>
    %dma_start3A_203 = tpu.memref_squeeze %dma_start3A_202 : memref<1x512xi32, #tpu.memory_space<vmem>> -> memref<512xi32, #tpu.memory_space<vmem>>
    %dma_start3A_204 = arith.constant 0 : i32
    %dma_start3A_205 = tpu.memref_slice %arg5[%dma_start3A_204] : memref<32000000xf32, #tpu.memory_space<hbm>> -> memref<32000000xf32, #tpu.memory_space<hbm>>
    tpu.enqueue_indirect_dma source(%dma_start3A_205 : memref<32000000xf32, #tpu.memory_space<hbm>>) target(%dma_start3A_200 : memref<512xf32, #tpu.memory_space<vmem>>) offsets(%dma_start3A_203 : memref<512xi32, #tpu.memory_space<vmem>>) semaphore(%arg19 : memref<!tpu.dma_semaphore, #tpu.memory_space<semaphore_mem>>)
    %dma_start3A_206 = arith.constant 10 : i32
    %dma_start3A_207 = arith.constant 10 : i32
    %dma_start3A_208 = arith.constant 0 : i32
    %dma_start3A_209 = tpu.memref_slice %arg13[%dma_start3A_207, %dma_start3A_208] : memref<32x512xf32, #tpu.memory_space<vmem>> -> memref<1x512xf32, #tpu.memory_space<vmem>>
    %dma_start3A_210 = tpu.memref_squeeze %dma_start3A_209 : memref<1x512xf32, #tpu.memory_space<vmem>> -> memref<512xf32, #tpu.memory_space<vmem>>
    %dma_start3A_211 = arith.constant 0 : i32
    %dma_start3A_212 = tpu.memref_slice %arg11[%dma_start3A_206, %dma_start3A_211] : memref<32x512xi32, #tpu.memory_space<vmem>> -> memref<1x512xi32, #tpu.memory_space<vmem>>
    %dma_start3A_213 = tpu.memref_squeeze %dma_start3A_212 : memref<1x512xi32, #tpu.memory_space<vmem>> -> memref<512xi32, #tpu.memory_space<vmem>>
    %dma_start3A_214 = arith.constant 0 : i32
    %dma_start3A_215 = tpu.memref_slice %arg4[%dma_start3A_214] : memref<32000000xf32, #tpu.memory_space<hbm>> -> memref<32000000xf32, #tpu.memory_space<hbm>>
    tpu.enqueue_indirect_dma source(%dma_start3A_215 : memref<32000000xf32, #tpu.memory_space<hbm>>) target(%dma_start3A_210 : memref<512xf32, #tpu.memory_space<vmem>>) offsets(%dma_start3A_213 : memref<512xi32, #tpu.memory_space<vmem>>) semaphore(%arg18 : memref<!tpu.dma_semaphore, #tpu.memory_space<semaphore_mem>>)
    %dma_start3A_216 = arith.constant 10 : i32
    %dma_start3A_217 = arith.constant 10 : i32
    %dma_start3A_218 = arith.constant 0 : i32
    %dma_start3A_219 = tpu.memref_slice %arg14[%dma_start3A_217, %dma_start3A_218] : memref<32x512xf32, #tpu.memory_space<vmem>> -> memref<1x512xf32, #tpu.memory_space<vmem>>
    %dma_start3A_220 = tpu.memref_squeeze %dma_start3A_219 : memref<1x512xf32, #tpu.memory_space<vmem>> -> memref<512xf32, #tpu.memory_space<vmem>>
    %dma_start3A_221 = arith.constant 0 : i32
    %dma_start3A_222 = tpu.memref_slice %arg12[%dma_start3A_216, %dma_start3A_221] : memref<32x512xi32, #tpu.memory_space<vmem>> -> memref<1x512xi32, #tpu.memory_space<vmem>>
    %dma_start3A_223 = tpu.memref_squeeze %dma_start3A_222 : memref<1x512xi32, #tpu.memory_space<vmem>> -> memref<512xi32, #tpu.memory_space<vmem>>
    %dma_start3A_224 = arith.constant 0 : i32
    %dma_start3A_225 = tpu.memref_slice %arg5[%dma_start3A_224] : memref<32000000xf32, #tpu.memory_space<hbm>> -> memref<32000000xf32, #tpu.memory_space<hbm>>
    tpu.enqueue_indirect_dma source(%dma_start3A_225 : memref<32000000xf32, #tpu.memory_space<hbm>>) target(%dma_start3A_220 : memref<512xf32, #tpu.memory_space<vmem>>) offsets(%dma_start3A_223 : memref<512xi32, #tpu.memory_space<vmem>>) semaphore(%arg19 : memref<!tpu.dma_semaphore, #tpu.memory_space<semaphore_mem>>)
    %dma_start3A_226 = arith.constant 11 : i32
    %dma_start3A_227 = arith.constant 11 : i32
    %dma_start3A_228 = arith.constant 0 : i32
    %dma_start3A_229 = tpu.memref_slice %arg13[%dma_start3A_227, %dma_start3A_228] : memref<32x512xf32, #tpu.memory_space<vmem>> -> memref<1x512xf32, #tpu.memory_space<vmem>>
    %dma_start3A_230 = tpu.memref_squeeze %dma_start3A_229 : memref<1x512xf32, #tpu.memory_space<vmem>> -> memref<512xf32, #tpu.memory_space<vmem>>
    %dma_start3A_231 = arith.constant 0 : i32
    %dma_start3A_232 = tpu.memref_slice %arg11[%dma_start3A_226, %dma_start3A_231] : memref<32x512xi32, #tpu.memory_space<vmem>> -> memref<1x512xi32, #tpu.memory_space<vmem>>
    %dma_start3A_233 = tpu.memref_squeeze %dma_start3A_232 : memref<1x512xi32, #tpu.memory_space<vmem>> -> memref<512xi32, #tpu.memory_space<vmem>>
    %dma_start3A_234 = arith.constant 0 : i32
    %dma_start3A_235 = tpu.memref_slice %arg4[%dma_start3A_234] : memref<32000000xf32, #tpu.memory_space<hbm>> -> memref<32000000xf32, #tpu.memory_space<hbm>>
    tpu.enqueue_indirect_dma source(%dma_start3A_235 : memref<32000000xf32, #tpu.memory_space<hbm>>) target(%dma_start3A_230 : memref<512xf32, #tpu.memory_space<vmem>>) offsets(%dma_start3A_233 : memref<512xi32, #tpu.memory_space<vmem>>) semaphore(%arg18 : memref<!tpu.dma_semaphore, #tpu.memory_space<semaphore_mem>>)
    %dma_start3A_236 = arith.constant 11 : i32
    %dma_start3A_237 = arith.constant 11 : i32
    %dma_start3A_238 = arith.constant 0 : i32
    %dma_start3A_239 = tpu.memref_slice %arg14[%dma_start3A_237, %dma_start3A_238] : memref<32x512xf32, #tpu.memory_space<vmem>> -> memref<1x512xf32, #tpu.memory_space<vmem>>
    %dma_start3A_240 = tpu.memref_squeeze %dma_start3A_239 : memref<1x512xf32, #tpu.memory_space<vmem>> -> memref<512xf32, #tpu.memory_space<vmem>>
    %dma_start3A_241 = arith.constant 0 : i32
    %dma_start3A_242 = tpu.memref_slice %arg12[%dma_start3A_236, %dma_start3A_241] : memref<32x512xi32, #tpu.memory_space<vmem>> -> memref<1x512xi32, #tpu.memory_space<vmem>>
    %dma_start3A_243 = tpu.memref_squeeze %dma_start3A_242 : memref<1x512xi32, #tpu.memory_space<vmem>> -> memref<512xi32, #tpu.memory_space<vmem>>
    %dma_start3A_244 = arith.constant 0 : i32
    %dma_start3A_245 = tpu.memref_slice %arg5[%dma_start3A_244] : memref<32000000xf32, #tpu.memory_space<hbm>> -> memref<32000000xf32, #tpu.memory_space<hbm>>
    tpu.enqueue_indirect_dma source(%dma_start3A_245 : memref<32000000xf32, #tpu.memory_space<hbm>>) target(%dma_start3A_240 : memref<512xf32, #tpu.memory_space<vmem>>) offsets(%dma_start3A_243 : memref<512xi32, #tpu.memory_space<vmem>>) semaphore(%arg19 : memref<!tpu.dma_semaphore, #tpu.memory_space<semaphore_mem>>)
    %dma_start3A_246 = arith.constant 12 : i32
    %dma_start3A_247 = arith.constant 12 : i32
    %dma_start3A_248 = arith.constant 0 : i32
    %dma_start3A_249 = tpu.memref_slice %arg13[%dma_start3A_247, %dma_start3A_248] : memref<32x512xf32, #tpu.memory_space<vmem>> -> memref<1x512xf32, #tpu.memory_space<vmem>>
    %dma_start3A_250 = tpu.memref_squeeze %dma_start3A_249 : memref<1x512xf32, #tpu.memory_space<vmem>> -> memref<512xf32, #tpu.memory_space<vmem>>
    %dma_start3A_251 = arith.constant 0 : i32
    %dma_start3A_252 = tpu.memref_slice %arg11[%dma_start3A_246, %dma_start3A_251] : memref<32x512xi32, #tpu.memory_space<vmem>> -> memref<1x512xi32, #tpu.memory_space<vmem>>
    %dma_start3A_253 = tpu.memref_squeeze %dma_start3A_252 : memref<1x512xi32, #tpu.memory_space<vmem>> -> memref<512xi32, #tpu.memory_space<vmem>>
    %dma_start3A_254 = arith.constant 0 : i32
    %dma_start3A_255 = tpu.memref_slice %arg4[%dma_start3A_254] : memref<32000000xf32, #tpu.memory_space<hbm>> -> memref<32000000xf32, #tpu.memory_space<hbm>>
    tpu.enqueue_indirect_dma source(%dma_start3A_255 : memref<32000000xf32, #tpu.memory_space<hbm>>) target(%dma_start3A_250 : memref<512xf32, #tpu.memory_space<vmem>>) offsets(%dma_start3A_253 : memref<512xi32, #tpu.memory_space<vmem>>) semaphore(%arg18 : memref<!tpu.dma_semaphore, #tpu.memory_space<semaphore_mem>>)
    %dma_start3A_256 = arith.constant 12 : i32
    %dma_start3A_257 = arith.constant 12 : i32
    %dma_start3A_258 = arith.constant 0 : i32
    %dma_start3A_259 = tpu.memref_slice %arg14[%dma_start3A_257, %dma_start3A_258] : memref<32x512xf32, #tpu.memory_space<vmem>> -> memref<1x512xf32, #tpu.memory_space<vmem>>
    %dma_start3A_260 = tpu.memref_squeeze %dma_start3A_259 : memref<1x512xf32, #tpu.memory_space<vmem>> -> memref<512xf32, #tpu.memory_space<vmem>>
    %dma_start3A_261 = arith.constant 0 : i32
    %dma_start3A_262 = tpu.memref_slice %arg12[%dma_start3A_256, %dma_start3A_261] : memref<32x512xi32, #tpu.memory_space<vmem>> -> memref<1x512xi32, #tpu.memory_space<vmem>>
    %dma_start3A_263 = tpu.memref_squeeze %dma_start3A_262 : memref<1x512xi32, #tpu.memory_space<vmem>> -> memref<512xi32, #tpu.memory_space<vmem>>
    %dma_start3A_264 = arith.constant 0 : i32
    %dma_start3A_265 = tpu.memref_slice %arg5[%dma_start3A_264] : memref<32000000xf32, #tpu.memory_space<hbm>> -> memref<32000000xf32, #tpu.memory_space<hbm>>
    tpu.enqueue_indirect_dma source(%dma_start3A_265 : memref<32000000xf32, #tpu.memory_space<hbm>>) target(%dma_start3A_260 : memref<512xf32, #tpu.memory_space<vmem>>) offsets(%dma_start3A_263 : memref<512xi32, #tpu.memory_space<vmem>>) semaphore(%arg19 : memref<!tpu.dma_semaphore, #tpu.memory_space<semaphore_mem>>)
    %dma_start3A_266 = arith.constant 13 : i32
    %dma_start3A_267 = arith.constant 13 : i32
    %dma_start3A_268 = arith.constant 0 : i32
    %dma_start3A_269 = tpu.memref_slice %arg13[%dma_start3A_267, %dma_start3A_268] : memref<32x512xf32, #tpu.memory_space<vmem>> -> memref<1x512xf32, #tpu.memory_space<vmem>>
    %dma_start3A_270 = tpu.memref_squeeze %dma_start3A_269 : memref<1x512xf32, #tpu.memory_space<vmem>> -> memref<512xf32, #tpu.memory_space<vmem>>
    %dma_start3A_271 = arith.constant 0 : i32
    %dma_start3A_272 = tpu.memref_slice %arg11[%dma_start3A_266, %dma_start3A_271] : memref<32x512xi32, #tpu.memory_space<vmem>> -> memref<1x512xi32, #tpu.memory_space<vmem>>
    %dma_start3A_273 = tpu.memref_squeeze %dma_start3A_272 : memref<1x512xi32, #tpu.memory_space<vmem>> -> memref<512xi32, #tpu.memory_space<vmem>>
    %dma_start3A_274 = arith.constant 0 : i32
    %dma_start3A_275 = tpu.memref_slice %arg4[%dma_start3A_274] : memref<32000000xf32, #tpu.memory_space<hbm>> -> memref<32000000xf32, #tpu.memory_space<hbm>>
    tpu.enqueue_indirect_dma source(%dma_start3A_275 : memref<32000000xf32, #tpu.memory_space<hbm>>) target(%dma_start3A_270 : memref<512xf32, #tpu.memory_space<vmem>>) offsets(%dma_start3A_273 : memref<512xi32, #tpu.memory_space<vmem>>) semaphore(%arg18 : memref<!tpu.dma_semaphore, #tpu.memory_space<semaphore_mem>>)
    %dma_start3A_276 = arith.constant 13 : i32
    %dma_start3A_277 = arith.constant 13 : i32
    %dma_start3A_278 = arith.constant 0 : i32
    %dma_start3A_279 = tpu.memref_slice %arg14[%dma_start3A_277, %dma_start3A_278] : memref<32x512xf32, #tpu.memory_space<vmem>> -> memref<1x512xf32, #tpu.memory_space<vmem>>
    %dma_start3A_280 = tpu.memref_squeeze %dma_start3A_279 : memref<1x512xf32, #tpu.memory_space<vmem>> -> memref<512xf32, #tpu.memory_space<vmem>>
    %dma_start3A_281 = arith.constant 0 : i32
    %dma_start3A_282 = tpu.memref_slice %arg12[%dma_start3A_276, %dma_start3A_281] : memref<32x512xi32, #tpu.memory_space<vmem>> -> memref<1x512xi32, #tpu.memory_space<vmem>>
    %dma_start3A_283 = tpu.memref_squeeze %dma_start3A_282 : memref<1x512xi32, #tpu.memory_space<vmem>> -> memref<512xi32, #tpu.memory_space<vmem>>
    %dma_start3A_284 = arith.constant 0 : i32
    %dma_start3A_285 = tpu.memref_slice %arg5[%dma_start3A_284] : memref<32000000xf32, #tpu.memory_space<hbm>> -> memref<32000000xf32, #tpu.memory_space<hbm>>
    tpu.enqueue_indirect_dma source(%dma_start3A_285 : memref<32000000xf32, #tpu.memory_space<hbm>>) target(%dma_start3A_280 : memref<512xf32, #tpu.memory_space<vmem>>) offsets(%dma_start3A_283 : memref<512xi32, #tpu.memory_space<vmem>>) semaphore(%arg19 : memref<!tpu.dma_semaphore, #tpu.memory_space<semaphore_mem>>)
    %dma_start3A_286 = arith.constant 14 : i32
    %dma_start3A_287 = arith.constant 14 : i32
    %dma_start3A_288 = arith.constant 0 : i32
    %dma_start3A_289 = tpu.memref_slice %arg13[%dma_start3A_287, %dma_start3A_288] : memref<32x512xf32, #tpu.memory_space<vmem>> -> memref<1x512xf32, #tpu.memory_space<vmem>>
    %dma_start3A_290 = tpu.memref_squeeze %dma_start3A_289 : memref<1x512xf32, #tpu.memory_space<vmem>> -> memref<512xf32, #tpu.memory_space<vmem>>
    %dma_start3A_291 = arith.constant 0 : i32
    %dma_start3A_292 = tpu.memref_slice %arg11[%dma_start3A_286, %dma_start3A_291] : memref<32x512xi32, #tpu.memory_space<vmem>> -> memref<1x512xi32, #tpu.memory_space<vmem>>
    %dma_start3A_293 = tpu.memref_squeeze %dma_start3A_292 : memref<1x512xi32, #tpu.memory_space<vmem>> -> memref<512xi32, #tpu.memory_space<vmem>>
    %dma_start3A_294 = arith.constant 0 : i32
    %dma_start3A_295 = tpu.memref_slice %arg4[%dma_start3A_294] : memref<32000000xf32, #tpu.memory_space<hbm>> -> memref<32000000xf32, #tpu.memory_space<hbm>>
    tpu.enqueue_indirect_dma source(%dma_start3A_295 : memref<32000000xf32, #tpu.memory_space<hbm>>) target(%dma_start3A_290 : memref<512xf32, #tpu.memory_space<vmem>>) offsets(%dma_start3A_293 : memref<512xi32, #tpu.memory_space<vmem>>) semaphore(%arg18 : memref<!tpu.dma_semaphore, #tpu.memory_space<semaphore_mem>>)
    %dma_start3A_296 = arith.constant 14 : i32
    %dma_start3A_297 = arith.constant 14 : i32
    %dma_start3A_298 = arith.constant 0 : i32
    %dma_start3A_299 = tpu.memref_slice %arg14[%dma_start3A_297, %dma_start3A_298] : memref<32x512xf32, #tpu.memory_space<vmem>> -> memref<1x512xf32, #tpu.memory_space<vmem>>
    %dma_start3A_300 = tpu.memref_squeeze %dma_start3A_299 : memref<1x512xf32, #tpu.memory_space<vmem>> -> memref<512xf32, #tpu.memory_space<vmem>>
    %dma_start3A_301 = arith.constant 0 : i32
    %dma_start3A_302 = tpu.memref_slice %arg12[%dma_start3A_296, %dma_start3A_301] : memref<32x512xi32, #tpu.memory_space<vmem>> -> memref<1x512xi32, #tpu.memory_space<vmem>>
    %dma_start3A_303 = tpu.memref_squeeze %dma_start3A_302 : memref<1x512xi32, #tpu.memory_space<vmem>> -> memref<512xi32, #tpu.memory_space<vmem>>
    %dma_start3A_304 = arith.constant 0 : i32
    %dma_start3A_305 = tpu.memref_slice %arg5[%dma_start3A_304] : memref<32000000xf32, #tpu.memory_space<hbm>> -> memref<32000000xf32, #tpu.memory_space<hbm>>
    tpu.enqueue_indirect_dma source(%dma_start3A_305 : memref<32000000xf32, #tpu.memory_space<hbm>>) target(%dma_start3A_300 : memref<512xf32, #tpu.memory_space<vmem>>) offsets(%dma_start3A_303 : memref<512xi32, #tpu.memory_space<vmem>>) semaphore(%arg19 : memref<!tpu.dma_semaphore, #tpu.memory_space<semaphore_mem>>)
    %dma_start3A_306 = arith.constant 15 : i32
    %dma_start3A_307 = arith.constant 15 : i32
    %dma_start3A_308 = arith.constant 0 : i32
    %dma_start3A_309 = tpu.memref_slice %arg13[%dma_start3A_307, %dma_start3A_308] : memref<32x512xf32, #tpu.memory_space<vmem>> -> memref<1x512xf32, #tpu.memory_space<vmem>>
    %dma_start3A_310 = tpu.memref_squeeze %dma_start3A_309 : memref<1x512xf32, #tpu.memory_space<vmem>> -> memref<512xf32, #tpu.memory_space<vmem>>
    %dma_start3A_311 = arith.constant 0 : i32
    %dma_start3A_312 = tpu.memref_slice %arg11[%dma_start3A_306, %dma_start3A_311] : memref<32x512xi32, #tpu.memory_space<vmem>> -> memref<1x512xi32, #tpu.memory_space<vmem>>
    %dma_start3A_313 = tpu.memref_squeeze %dma_start3A_312 : memref<1x512xi32, #tpu.memory_space<vmem>> -> memref<512xi32, #tpu.memory_space<vmem>>
    %dma_start3A_314 = arith.constant 0 : i32
    %dma_start3A_315 = tpu.memref_slice %arg4[%dma_start3A_314] : memref<32000000xf32, #tpu.memory_space<hbm>> -> memref<32000000xf32, #tpu.memory_space<hbm>>
    tpu.enqueue_indirect_dma source(%dma_start3A_315 : memref<32000000xf32, #tpu.memory_space<hbm>>) target(%dma_start3A_310 : memref<512xf32, #tpu.memory_space<vmem>>) offsets(%dma_start3A_313 : memref<512xi32, #tpu.memory_space<vmem>>) semaphore(%arg18 : memref<!tpu.dma_semaphore, #tpu.memory_space<semaphore_mem>>)
    %dma_start3A_316 = arith.constant 15 : i32
    %dma_start3A_317 = arith.constant 15 : i32
    %dma_start3A_318 = arith.constant 0 : i32
    %dma_start3A_319 = tpu.memref_slice %arg14[%dma_start3A_317, %dma_start3A_318] : memref<32x512xf32, #tpu.memory_space<vmem>> -> memref<1x512xf32, #tpu.memory_space<vmem>>
    %dma_start3A_320 = tpu.memref_squeeze %dma_start3A_319 : memref<1x512xf32, #tpu.memory_space<vmem>> -> memref<512xf32, #tpu.memory_space<vmem>>
    %dma_start3A_321 = arith.constant 0 : i32
    %dma_start3A_322 = tpu.memref_slice %arg12[%dma_start3A_316, %dma_start3A_321] : memref<32x512xi32, #tpu.memory_space<vmem>> -> memref<1x512xi32, #tpu.memory_space<vmem>>
    %dma_start3A_323 = tpu.memref_squeeze %dma_start3A_322 : memref<1x512xi32, #tpu.memory_space<vmem>> -> memref<512xi32, #tpu.memory_space<vmem>>
    %dma_start3A_324 = arith.constant 0 : i32
    %dma_start3A_325 = tpu.memref_slice %arg5[%dma_start3A_324] : memref<32000000xf32, #tpu.memory_space<hbm>> -> memref<32000000xf32, #tpu.memory_space<hbm>>
    tpu.enqueue_indirect_dma source(%dma_start3A_325 : memref<32000000xf32, #tpu.memory_space<hbm>>) target(%dma_start3A_320 : memref<512xf32, #tpu.memory_space<vmem>>) offsets(%dma_start3A_323 : memref<512xi32, #tpu.memory_space<vmem>>) semaphore(%arg19 : memref<!tpu.dma_semaphore, #tpu.memory_space<semaphore_mem>>)
    %dma_start3A_326 = arith.constant 16 : i32
    %dma_start3A_327 = arith.constant 16 : i32
    %dma_start3A_328 = arith.constant 0 : i32
    %dma_start3A_329 = tpu.memref_slice %arg13[%dma_start3A_327, %dma_start3A_328] : memref<32x512xf32, #tpu.memory_space<vmem>> -> memref<1x512xf32, #tpu.memory_space<vmem>>
    %dma_start3A_330 = tpu.memref_squeeze %dma_start3A_329 : memref<1x512xf32, #tpu.memory_space<vmem>> -> memref<512xf32, #tpu.memory_space<vmem>>
    %dma_start3A_331 = arith.constant 0 : i32
    %dma_start3A_332 = tpu.memref_slice %arg11[%dma_start3A_326, %dma_start3A_331] : memref<32x512xi32, #tpu.memory_space<vmem>> -> memref<1x512xi32, #tpu.memory_space<vmem>>
    %dma_start3A_333 = tpu.memref_squeeze %dma_start3A_332 : memref<1x512xi32, #tpu.memory_space<vmem>> -> memref<512xi32, #tpu.memory_space<vmem>>
    %dma_start3A_334 = arith.constant 0 : i32
    %dma_start3A_335 = tpu.memref_slice %arg4[%dma_start3A_334] : memref<32000000xf32, #tpu.memory_space<hbm>> -> memref<32000000xf32, #tpu.memory_space<hbm>>
    tpu.enqueue_indirect_dma source(%dma_start3A_335 : memref<32000000xf32, #tpu.memory_space<hbm>>) target(%dma_start3A_330 : memref<512xf32, #tpu.memory_space<vmem>>) offsets(%dma_start3A_333 : memref<512xi32, #tpu.memory_space<vmem>>) semaphore(%arg18 : memref<!tpu.dma_semaphore, #tpu.memory_space<semaphore_mem>>)
    %dma_start3A_336 = arith.constant 16 : i32
    %dma_start3A_337 = arith.constant 16 : i32
    %dma_start3A_338 = arith.constant 0 : i32
    %dma_start3A_339 = tpu.memref_slice %arg14[%dma_start3A_337, %dma_start3A_338] : memref<32x512xf32, #tpu.memory_space<vmem>> -> memref<1x512xf32, #tpu.memory_space<vmem>>
    %dma_start3A_340 = tpu.memref_squeeze %dma_start3A_339 : memref<1x512xf32, #tpu.memory_space<vmem>> -> memref<512xf32, #tpu.memory_space<vmem>>
    %dma_start3A_341 = arith.constant 0 : i32
    %dma_start3A_342 = tpu.memref_slice %arg12[%dma_start3A_336, %dma_start3A_341] : memref<32x512xi32, #tpu.memory_space<vmem>> -> memref<1x512xi32, #tpu.memory_space<vmem>>
    %dma_start3A_343 = tpu.memref_squeeze %dma_start3A_342 : memref<1x512xi32, #tpu.memory_space<vmem>> -> memref<512xi32, #tpu.memory_space<vmem>>
    %dma_start3A_344 = arith.constant 0 : i32
    %dma_start3A_345 = tpu.memref_slice %arg5[%dma_start3A_344] : memref<32000000xf32, #tpu.memory_space<hbm>> -> memref<32000000xf32, #tpu.memory_space<hbm>>
    tpu.enqueue_indirect_dma source(%dma_start3A_345 : memref<32000000xf32, #tpu.memory_space<hbm>>) target(%dma_start3A_340 : memref<512xf32, #tpu.memory_space<vmem>>) offsets(%dma_start3A_343 : memref<512xi32, #tpu.memory_space<vmem>>) semaphore(%arg19 : memref<!tpu.dma_semaphore, #tpu.memory_space<semaphore_mem>>)
    %dma_start3A_346 = arith.constant 17 : i32
    %dma_start3A_347 = arith.constant 17 : i32
    %dma_start3A_348 = arith.constant 0 : i32
    %dma_start3A_349 = tpu.memref_slice %arg13[%dma_start3A_347, %dma_start3A_348] : memref<32x512xf32, #tpu.memory_space<vmem>> -> memref<1x512xf32, #tpu.memory_space<vmem>>
    %dma_start3A_350 = tpu.memref_squeeze %dma_start3A_349 : memref<1x512xf32, #tpu.memory_space<vmem>> -> memref<512xf32, #tpu.memory_space<vmem>>
    %dma_start3A_351 = arith.constant 0 : i32
    %dma_start3A_352 = tpu.memref_slice %arg11[%dma_start3A_346, %dma_start3A_351] : memref<32x512xi32, #tpu.memory_space<vmem>> -> memref<1x512xi32, #tpu.memory_space<vmem>>
    %dma_start3A_353 = tpu.memref_squeeze %dma_start3A_352 : memref<1x512xi32, #tpu.memory_space<vmem>> -> memref<512xi32, #tpu.memory_space<vmem>>
    %dma_start3A_354 = arith.constant 0 : i32
    %dma_start3A_355 = tpu.memref_slice %arg4[%dma_start3A_354] : memref<32000000xf32, #tpu.memory_space<hbm>> -> memref<32000000xf32, #tpu.memory_space<hbm>>
    tpu.enqueue_indirect_dma source(%dma_start3A_355 : memref<32000000xf32, #tpu.memory_space<hbm>>) target(%dma_start3A_350 : memref<512xf32, #tpu.memory_space<vmem>>) offsets(%dma_start3A_353 : memref<512xi32, #tpu.memory_space<vmem>>) semaphore(%arg18 : memref<!tpu.dma_semaphore, #tpu.memory_space<semaphore_mem>>)
    %dma_start3A_356 = arith.constant 17 : i32
    %dma_start3A_357 = arith.constant 17 : i32
    %dma_start3A_358 = arith.constant 0 : i32
    %dma_start3A_359 = tpu.memref_slice %arg14[%dma_start3A_357, %dma_start3A_358] : memref<32x512xf32, #tpu.memory_space<vmem>> -> memref<1x512xf32, #tpu.memory_space<vmem>>
    %dma_start3A_360 = tpu.memref_squeeze %dma_start3A_359 : memref<1x512xf32, #tpu.memory_space<vmem>> -> memref<512xf32, #tpu.memory_space<vmem>>
    %dma_start3A_361 = arith.constant 0 : i32
    %dma_start3A_362 = tpu.memref_slice %arg12[%dma_start3A_356, %dma_start3A_361] : memref<32x512xi32, #tpu.memory_space<vmem>> -> memref<1x512xi32, #tpu.memory_space<vmem>>
    %dma_start3A_363 = tpu.memref_squeeze %dma_start3A_362 : memref<1x512xi32, #tpu.memory_space<vmem>> -> memref<512xi32, #tpu.memory_space<vmem>>
    %dma_start3A_364 = arith.constant 0 : i32
    %dma_start3A_365 = tpu.memref_slice %arg5[%dma_start3A_364] : memref<32000000xf32, #tpu.memory_space<hbm>> -> memref<32000000xf32, #tpu.memory_space<hbm>>
    tpu.enqueue_indirect_dma source(%dma_start3A_365 : memref<32000000xf32, #tpu.memory_space<hbm>>) target(%dma_start3A_360 : memref<512xf32, #tpu.memory_space<vmem>>) offsets(%dma_start3A_363 : memref<512xi32, #tpu.memory_space<vmem>>) semaphore(%arg19 : memref<!tpu.dma_semaphore, #tpu.memory_space<semaphore_mem>>)
    %dma_start3A_366 = arith.constant 18 : i32
    %dma_start3A_367 = arith.constant 18 : i32
    %dma_start3A_368 = arith.constant 0 : i32
    %dma_start3A_369 = tpu.memref_slice %arg13[%dma_start3A_367, %dma_start3A_368] : memref<32x512xf32, #tpu.memory_space<vmem>> -> memref<1x512xf32, #tpu.memory_space<vmem>>
    %dma_start3A_370 = tpu.memref_squeeze %dma_start3A_369 : memref<1x512xf32, #tpu.memory_space<vmem>> -> memref<512xf32, #tpu.memory_space<vmem>>
    %dma_start3A_371 = arith.constant 0 : i32
    %dma_start3A_372 = tpu.memref_slice %arg11[%dma_start3A_366, %dma_start3A_371] : memref<32x512xi32, #tpu.memory_space<vmem>> -> memref<1x512xi32, #tpu.memory_space<vmem>>
    %dma_start3A_373 = tpu.memref_squeeze %dma_start3A_372 : memref<1x512xi32, #tpu.memory_space<vmem>> -> memref<512xi32, #tpu.memory_space<vmem>>
    %dma_start3A_374 = arith.constant 0 : i32
    %dma_start3A_375 = tpu.memref_slice %arg4[%dma_start3A_374] : memref<32000000xf32, #tpu.memory_space<hbm>> -> memref<32000000xf32, #tpu.memory_space<hbm>>
    tpu.enqueue_indirect_dma source(%dma_start3A_375 : memref<32000000xf32, #tpu.memory_space<hbm>>) target(%dma_start3A_370 : memref<512xf32, #tpu.memory_space<vmem>>) offsets(%dma_start3A_373 : memref<512xi32, #tpu.memory_space<vmem>>) semaphore(%arg18 : memref<!tpu.dma_semaphore, #tpu.memory_space<semaphore_mem>>)
    %dma_start3A_376 = arith.constant 18 : i32
    %dma_start3A_377 = arith.constant 18 : i32
    %dma_start3A_378 = arith.constant 0 : i32
    %dma_start3A_379 = tpu.memref_slice %arg14[%dma_start3A_377, %dma_start3A_378] : memref<32x512xf32, #tpu.memory_space<vmem>> -> memref<1x512xf32, #tpu.memory_space<vmem>>
    %dma_start3A_380 = tpu.memref_squeeze %dma_start3A_379 : memref<1x512xf32, #tpu.memory_space<vmem>> -> memref<512xf32, #tpu.memory_space<vmem>>
    %dma_start3A_381 = arith.constant 0 : i32
    %dma_start3A_382 = tpu.memref_slice %arg12[%dma_start3A_376, %dma_start3A_381] : memref<32x512xi32, #tpu.memory_space<vmem>> -> memref<1x512xi32, #tpu.memory_space<vmem>>
    %dma_start3A_383 = tpu.memref_squeeze %dma_start3A_382 : memref<1x512xi32, #tpu.memory_space<vmem>> -> memref<512xi32, #tpu.memory_space<vmem>>
    %dma_start3A_384 = arith.constant 0 : i32
    %dma_start3A_385 = tpu.memref_slice %arg5[%dma_start3A_384] : memref<32000000xf32, #tpu.memory_space<hbm>> -> memref<32000000xf32, #tpu.memory_space<hbm>>
    tpu.enqueue_indirect_dma source(%dma_start3A_385 : memref<32000000xf32, #tpu.memory_space<hbm>>) target(%dma_start3A_380 : memref<512xf32, #tpu.memory_space<vmem>>) offsets(%dma_start3A_383 : memref<512xi32, #tpu.memory_space<vmem>>) semaphore(%arg19 : memref<!tpu.dma_semaphore, #tpu.memory_space<semaphore_mem>>)
    %dma_start3A_386 = arith.constant 19 : i32
    %dma_start3A_387 = arith.constant 19 : i32
    %dma_start3A_388 = arith.constant 0 : i32
    %dma_start3A_389 = tpu.memref_slice %arg13[%dma_start3A_387, %dma_start3A_388] : memref<32x512xf32, #tpu.memory_space<vmem>> -> memref<1x512xf32, #tpu.memory_space<vmem>>
    %dma_start3A_390 = tpu.memref_squeeze %dma_start3A_389 : memref<1x512xf32, #tpu.memory_space<vmem>> -> memref<512xf32, #tpu.memory_space<vmem>>
    %dma_start3A_391 = arith.constant 0 : i32
    %dma_start3A_392 = tpu.memref_slice %arg11[%dma_start3A_386, %dma_start3A_391] : memref<32x512xi32, #tpu.memory_space<vmem>> -> memref<1x512xi32, #tpu.memory_space<vmem>>
    %dma_start3A_393 = tpu.memref_squeeze %dma_start3A_392 : memref<1x512xi32, #tpu.memory_space<vmem>> -> memref<512xi32, #tpu.memory_space<vmem>>
    %dma_start3A_394 = arith.constant 0 : i32
    %dma_start3A_395 = tpu.memref_slice %arg4[%dma_start3A_394] : memref<32000000xf32, #tpu.memory_space<hbm>> -> memref<32000000xf32, #tpu.memory_space<hbm>>
    tpu.enqueue_indirect_dma source(%dma_start3A_395 : memref<32000000xf32, #tpu.memory_space<hbm>>) target(%dma_start3A_390 : memref<512xf32, #tpu.memory_space<vmem>>) offsets(%dma_start3A_393 : memref<512xi32, #tpu.memory_space<vmem>>) semaphore(%arg18 : memref<!tpu.dma_semaphore, #tpu.memory_space<semaphore_mem>>)
    %dma_start3A_396 = arith.constant 19 : i32
    %dma_start3A_397 = arith.constant 19 : i32
    %dma_start3A_398 = arith.constant 0 : i32
    %dma_start3A_399 = tpu.memref_slice %arg14[%dma_start3A_397, %dma_start3A_398] : memref<32x512xf32, #tpu.memory_space<vmem>> -> memref<1x512xf32, #tpu.memory_space<vmem>>
    %dma_start3A_400 = tpu.memref_squeeze %dma_start3A_399 : memref<1x512xf32, #tpu.memory_space<vmem>> -> memref<512xf32, #tpu.memory_space<vmem>>
    %dma_start3A_401 = arith.constant 0 : i32
    %dma_start3A_402 = tpu.memref_slice %arg12[%dma_start3A_396, %dma_start3A_401] : memref<32x512xi32, #tpu.memory_space<vmem>> -> memref<1x512xi32, #tpu.memory_space<vmem>>
    %dma_start3A_403 = tpu.memref_squeeze %dma_start3A_402 : memref<1x512xi32, #tpu.memory_space<vmem>> -> memref<512xi32, #tpu.memory_space<vmem>>
    %dma_start3A_404 = arith.constant 0 : i32
    %dma_start3A_405 = tpu.memref_slice %arg5[%dma_start3A_404] : memref<32000000xf32, #tpu.memory_space<hbm>> -> memref<32000000xf32, #tpu.memory_space<hbm>>
    tpu.enqueue_indirect_dma source(%dma_start3A_405 : memref<32000000xf32, #tpu.memory_space<hbm>>) target(%dma_start3A_400 : memref<512xf32, #tpu.memory_space<vmem>>) offsets(%dma_start3A_403 : memref<512xi32, #tpu.memory_space<vmem>>) semaphore(%arg19 : memref<!tpu.dma_semaphore, #tpu.memory_space<semaphore_mem>>)
    %dma_start3A_406 = arith.constant 20 : i32
    %dma_start3A_407 = arith.constant 20 : i32
    %dma_start3A_408 = arith.constant 0 : i32
    %dma_start3A_409 = tpu.memref_slice %arg13[%dma_start3A_407, %dma_start3A_408] : memref<32x512xf32, #tpu.memory_space<vmem>> -> memref<1x512xf32, #tpu.memory_space<vmem>>
    %dma_start3A_410 = tpu.memref_squeeze %dma_start3A_409 : memref<1x512xf32, #tpu.memory_space<vmem>> -> memref<512xf32, #tpu.memory_space<vmem>>
    %dma_start3A_411 = arith.constant 0 : i32
    %dma_start3A_412 = tpu.memref_slice %arg11[%dma_start3A_406, %dma_start3A_411] : memref<32x512xi32, #tpu.memory_space<vmem>> -> memref<1x512xi32, #tpu.memory_space<vmem>>
    %dma_start3A_413 = tpu.memref_squeeze %dma_start3A_412 : memref<1x512xi32, #tpu.memory_space<vmem>> -> memref<512xi32, #tpu.memory_space<vmem>>
    %dma_start3A_414 = arith.constant 0 : i32
    %dma_start3A_415 = tpu.memref_slice %arg4[%dma_start3A_414] : memref<32000000xf32, #tpu.memory_space<hbm>> -> memref<32000000xf32, #tpu.memory_space<hbm>>
    tpu.enqueue_indirect_dma source(%dma_start3A_415 : memref<32000000xf32, #tpu.memory_space<hbm>>) target(%dma_start3A_410 : memref<512xf32, #tpu.memory_space<vmem>>) offsets(%dma_start3A_413 : memref<512xi32, #tpu.memory_space<vmem>>) semaphore(%arg18 : memref<!tpu.dma_semaphore, #tpu.memory_space<semaphore_mem>>)
    %dma_start3A_416 = arith.constant 20 : i32
    %dma_start3A_417 = arith.constant 20 : i32
    %dma_start3A_418 = arith.constant 0 : i32
    %dma_start3A_419 = tpu.memref_slice %arg14[%dma_start3A_417, %dma_start3A_418] : memref<32x512xf32, #tpu.memory_space<vmem>> -> memref<1x512xf32, #tpu.memory_space<vmem>>
    %dma_start3A_420 = tpu.memref_squeeze %dma_start3A_419 : memref<1x512xf32, #tpu.memory_space<vmem>> -> memref<512xf32, #tpu.memory_space<vmem>>
    %dma_start3A_421 = arith.constant 0 : i32
    %dma_start3A_422 = tpu.memref_slice %arg12[%dma_start3A_416, %dma_start3A_421] : memref<32x512xi32, #tpu.memory_space<vmem>> -> memref<1x512xi32, #tpu.memory_space<vmem>>
    %dma_start3A_423 = tpu.memref_squeeze %dma_start3A_422 : memref<1x512xi32, #tpu.memory_space<vmem>> -> memref<512xi32, #tpu.memory_space<vmem>>
    %dma_start3A_424 = arith.constant 0 : i32
    %dma_start3A_425 = tpu.memref_slice %arg5[%dma_start3A_424] : memref<32000000xf32, #tpu.memory_space<hbm>> -> memref<32000000xf32, #tpu.memory_space<hbm>>
    tpu.enqueue_indirect_dma source(%dma_start3A_425 : memref<32000000xf32, #tpu.memory_space<hbm>>) target(%dma_start3A_420 : memref<512xf32, #tpu.memory_space<vmem>>) offsets(%dma_start3A_423 : memref<512xi32, #tpu.memory_space<vmem>>) semaphore(%arg19 : memref<!tpu.dma_semaphore, #tpu.memory_space<semaphore_mem>>)
    %dma_start3A_426 = arith.constant 21 : i32
    %dma_start3A_427 = arith.constant 21 : i32
    %dma_start3A_428 = arith.constant 0 : i32
    %dma_start3A_429 = tpu.memref_slice %arg13[%dma_start3A_427, %dma_start3A_428] : memref<32x512xf32, #tpu.memory_space<vmem>> -> memref<1x512xf32, #tpu.memory_space<vmem>>
    %dma_start3A_430 = tpu.memref_squeeze %dma_start3A_429 : memref<1x512xf32, #tpu.memory_space<vmem>> -> memref<512xf32, #tpu.memory_space<vmem>>
    %dma_start3A_431 = arith.constant 0 : i32
    %dma_start3A_432 = tpu.memref_slice %arg11[%dma_start3A_426, %dma_start3A_431] : memref<32x512xi32, #tpu.memory_space<vmem>> -> memref<1x512xi32, #tpu.memory_space<vmem>>
    %dma_start3A_433 = tpu.memref_squeeze %dma_start3A_432 : memref<1x512xi32, #tpu.memory_space<vmem>> -> memref<512xi32, #tpu.memory_space<vmem>>
    %dma_start3A_434 = arith.constant 0 : i32
    %dma_start3A_435 = tpu.memref_slice %arg4[%dma_start3A_434] : memref<32000000xf32, #tpu.memory_space<hbm>> -> memref<32000000xf32, #tpu.memory_space<hbm>>
    tpu.enqueue_indirect_dma source(%dma_start3A_435 : memref<32000000xf32, #tpu.memory_space<hbm>>) target(%dma_start3A_430 : memref<512xf32, #tpu.memory_space<vmem>>) offsets(%dma_start3A_433 : memref<512xi32, #tpu.memory_space<vmem>>) semaphore(%arg18 : memref<!tpu.dma_semaphore, #tpu.memory_space<semaphore_mem>>)
    %dma_start3A_436 = arith.constant 21 : i32
    %dma_start3A_437 = arith.constant 21 : i32
    %dma_start3A_438 = arith.constant 0 : i32
    %dma_start3A_439 = tpu.memref_slice %arg14[%dma_start3A_437, %dma_start3A_438] : memref<32x512xf32, #tpu.memory_space<vmem>> -> memref<1x512xf32, #tpu.memory_space<vmem>>
    %dma_start3A_440 = tpu.memref_squeeze %dma_start3A_439 : memref<1x512xf32, #tpu.memory_space<vmem>> -> memref<512xf32, #tpu.memory_space<vmem>>
    %dma_start3A_441 = arith.constant 0 : i32
    %dma_start3A_442 = tpu.memref_slice %arg12[%dma_start3A_436, %dma_start3A_441] : memref<32x512xi32, #tpu.memory_space<vmem>> -> memref<1x512xi32, #tpu.memory_space<vmem>>
    %dma_start3A_443 = tpu.memref_squeeze %dma_start3A_442 : memref<1x512xi32, #tpu.memory_space<vmem>> -> memref<512xi32, #tpu.memory_space<vmem>>
    %dma_start3A_444 = arith.constant 0 : i32
    %dma_start3A_445 = tpu.memref_slice %arg5[%dma_start3A_444] : memref<32000000xf32, #tpu.memory_space<hbm>> -> memref<32000000xf32, #tpu.memory_space<hbm>>
    tpu.enqueue_indirect_dma source(%dma_start3A_445 : memref<32000000xf32, #tpu.memory_space<hbm>>) target(%dma_start3A_440 : memref<512xf32, #tpu.memory_space<vmem>>) offsets(%dma_start3A_443 : memref<512xi32, #tpu.memory_space<vmem>>) semaphore(%arg19 : memref<!tpu.dma_semaphore, #tpu.memory_space<semaphore_mem>>)
    %dma_start3A_446 = arith.constant 22 : i32
    %dma_start3A_447 = arith.constant 22 : i32
    %dma_start3A_448 = arith.constant 0 : i32
    %dma_start3A_449 = tpu.memref_slice %arg13[%dma_start3A_447, %dma_start3A_448] : memref<32x512xf32, #tpu.memory_space<vmem>> -> memref<1x512xf32, #tpu.memory_space<vmem>>
    %dma_start3A_450 = tpu.memref_squeeze %dma_start3A_449 : memref<1x512xf32, #tpu.memory_space<vmem>> -> memref<512xf32, #tpu.memory_space<vmem>>
    %dma_start3A_451 = arith.constant 0 : i32
    %dma_start3A_452 = tpu.memref_slice %arg11[%dma_start3A_446, %dma_start3A_451] : memref<32x512xi32, #tpu.memory_space<vmem>> -> memref<1x512xi32, #tpu.memory_space<vmem>>
    %dma_start3A_453 = tpu.memref_squeeze %dma_start3A_452 : memref<1x512xi32, #tpu.memory_space<vmem>> -> memref<512xi32, #tpu.memory_space<vmem>>
    %dma_start3A_454 = arith.constant 0 : i32
    %dma_start3A_455 = tpu.memref_slice %arg4[%dma_start3A_454] : memref<32000000xf32, #tpu.memory_space<hbm>> -> memref<32000000xf32, #tpu.memory_space<hbm>>
    tpu.enqueue_indirect_dma source(%dma_start3A_455 : memref<32000000xf32, #tpu.memory_space<hbm>>) target(%dma_start3A_450 : memref<512xf32, #tpu.memory_space<vmem>>) offsets(%dma_start3A_453 : memref<512xi32, #tpu.memory_space<vmem>>) semaphore(%arg18 : memref<!tpu.dma_semaphore, #tpu.memory_space<semaphore_mem>>)
    %dma_start3A_456 = arith.constant 22 : i32
    %dma_start3A_457 = arith.constant 22 : i32
    %dma_start3A_458 = arith.constant 0 : i32
    %dma_start3A_459 = tpu.memref_slice %arg14[%dma_start3A_457, %dma_start3A_458] : memref<32x512xf32, #tpu.memory_space<vmem>> -> memref<1x512xf32, #tpu.memory_space<vmem>>
    %dma_start3A_460 = tpu.memref_squeeze %dma_start3A_459 : memref<1x512xf32, #tpu.memory_space<vmem>> -> memref<512xf32, #tpu.memory_space<vmem>>
    %dma_start3A_461 = arith.constant 0 : i32
    %dma_start3A_462 = tpu.memref_slice %arg12[%dma_start3A_456, %dma_start3A_461] : memref<32x512xi32, #tpu.memory_space<vmem>> -> memref<1x512xi32, #tpu.memory_space<vmem>>
    %dma_start3A_463 = tpu.memref_squeeze %dma_start3A_462 : memref<1x512xi32, #tpu.memory_space<vmem>> -> memref<512xi32, #tpu.memory_space<vmem>>
    %dma_start3A_464 = arith.constant 0 : i32
    %dma_start3A_465 = tpu.memref_slice %arg5[%dma_start3A_464] : memref<32000000xf32, #tpu.memory_space<hbm>> -> memref<32000000xf32, #tpu.memory_space<hbm>>
    tpu.enqueue_indirect_dma source(%dma_start3A_465 : memref<32000000xf32, #tpu.memory_space<hbm>>) target(%dma_start3A_460 : memref<512xf32, #tpu.memory_space<vmem>>) offsets(%dma_start3A_463 : memref<512xi32, #tpu.memory_space<vmem>>) semaphore(%arg19 : memref<!tpu.dma_semaphore, #tpu.memory_space<semaphore_mem>>)
    %dma_start3A_466 = arith.constant 23 : i32
    %dma_start3A_467 = arith.constant 23 : i32
    %dma_start3A_468 = arith.constant 0 : i32
    %dma_start3A_469 = tpu.memref_slice %arg13[%dma_start3A_467, %dma_start3A_468] : memref<32x512xf32, #tpu.memory_space<vmem>> -> memref<1x512xf32, #tpu.memory_space<vmem>>
    %dma_start3A_470 = tpu.memref_squeeze %dma_start3A_469 : memref<1x512xf32, #tpu.memory_space<vmem>> -> memref<512xf32, #tpu.memory_space<vmem>>
    %dma_start3A_471 = arith.constant 0 : i32
    %dma_start3A_472 = tpu.memref_slice %arg11[%dma_start3A_466, %dma_start3A_471] : memref<32x512xi32, #tpu.memory_space<vmem>> -> memref<1x512xi32, #tpu.memory_space<vmem>>
    %dma_start3A_473 = tpu.memref_squeeze %dma_start3A_472 : memref<1x512xi32, #tpu.memory_space<vmem>> -> memref<512xi32, #tpu.memory_space<vmem>>
    %dma_start3A_474 = arith.constant 0 : i32
    %dma_start3A_475 = tpu.memref_slice %arg4[%dma_start3A_474] : memref<32000000xf32, #tpu.memory_space<hbm>> -> memref<32000000xf32, #tpu.memory_space<hbm>>
    tpu.enqueue_indirect_dma source(%dma_start3A_475 : memref<32000000xf32, #tpu.memory_space<hbm>>) target(%dma_start3A_470 : memref<512xf32, #tpu.memory_space<vmem>>) offsets(%dma_start3A_473 : memref<512xi32, #tpu.memory_space<vmem>>) semaphore(%arg18 : memref<!tpu.dma_semaphore, #tpu.memory_space<semaphore_mem>>)
    %dma_start3A_476 = arith.constant 23 : i32
    %dma_start3A_477 = arith.constant 23 : i32
    %dma_start3A_478 = arith.constant 0 : i32
    %dma_start3A_479 = tpu.memref_slice %arg14[%dma_start3A_477, %dma_start3A_478] : memref<32x512xf32, #tpu.memory_space<vmem>> -> memref<1x512xf32, #tpu.memory_space<vmem>>
    %dma_start3A_480 = tpu.memref_squeeze %dma_start3A_479 : memref<1x512xf32, #tpu.memory_space<vmem>> -> memref<512xf32, #tpu.memory_space<vmem>>
    %dma_start3A_481 = arith.constant 0 : i32
    %dma_start3A_482 = tpu.memref_slice %arg12[%dma_start3A_476, %dma_start3A_481] : memref<32x512xi32, #tpu.memory_space<vmem>> -> memref<1x512xi32, #tpu.memory_space<vmem>>
    %dma_start3A_483 = tpu.memref_squeeze %dma_start3A_482 : memref<1x512xi32, #tpu.memory_space<vmem>> -> memref<512xi32, #tpu.memory_space<vmem>>
    %dma_start3A_484 = arith.constant 0 : i32
    %dma_start3A_485 = tpu.memref_slice %arg5[%dma_start3A_484] : memref<32000000xf32, #tpu.memory_space<hbm>> -> memref<32000000xf32, #tpu.memory_space<hbm>>
    tpu.enqueue_indirect_dma source(%dma_start3A_485 : memref<32000000xf32, #tpu.memory_space<hbm>>) target(%dma_start3A_480 : memref<512xf32, #tpu.memory_space<vmem>>) offsets(%dma_start3A_483 : memref<512xi32, #tpu.memory_space<vmem>>) semaphore(%arg19 : memref<!tpu.dma_semaphore, #tpu.memory_space<semaphore_mem>>)
    %dma_start3A_486 = arith.constant 24 : i32
    %dma_start3A_487 = arith.constant 24 : i32
    %dma_start3A_488 = arith.constant 0 : i32
    %dma_start3A_489 = tpu.memref_slice %arg13[%dma_start3A_487, %dma_start3A_488] : memref<32x512xf32, #tpu.memory_space<vmem>> -> memref<1x512xf32, #tpu.memory_space<vmem>>
    %dma_start3A_490 = tpu.memref_squeeze %dma_start3A_489 : memref<1x512xf32, #tpu.memory_space<vmem>> -> memref<512xf32, #tpu.memory_space<vmem>>
    %dma_start3A_491 = arith.constant 0 : i32
    %dma_start3A_492 = tpu.memref_slice %arg11[%dma_start3A_486, %dma_start3A_491] : memref<32x512xi32, #tpu.memory_space<vmem>> -> memref<1x512xi32, #tpu.memory_space<vmem>>
    %dma_start3A_493 = tpu.memref_squeeze %dma_start3A_492 : memref<1x512xi32, #tpu.memory_space<vmem>> -> memref<512xi32, #tpu.memory_space<vmem>>
    %dma_start3A_494 = arith.constant 0 : i32
    %dma_start3A_495 = tpu.memref_slice %arg4[%dma_start3A_494] : memref<32000000xf32, #tpu.memory_space<hbm>> -> memref<32000000xf32, #tpu.memory_space<hbm>>
    tpu.enqueue_indirect_dma source(%dma_start3A_495 : memref<32000000xf32, #tpu.memory_space<hbm>>) target(%dma_start3A_490 : memref<512xf32, #tpu.memory_space<vmem>>) offsets(%dma_start3A_493 : memref<512xi32, #tpu.memory_space<vmem>>) semaphore(%arg18 : memref<!tpu.dma_semaphore, #tpu.memory_space<semaphore_mem>>)
    %dma_start3A_496 = arith.constant 24 : i32
    %dma_start3A_497 = arith.constant 24 : i32
    %dma_start3A_498 = arith.constant 0 : i32
    %dma_start3A_499 = tpu.memref_slice %arg14[%dma_start3A_497, %dma_start3A_498] : memref<32x512xf32, #tpu.memory_space<vmem>> -> memref<1x512xf32, #tpu.memory_space<vmem>>
    %dma_start3A_500 = tpu.memref_squeeze %dma_start3A_499 : memref<1x512xf32, #tpu.memory_space<vmem>> -> memref<512xf32, #tpu.memory_space<vmem>>
    %dma_start3A_501 = arith.constant 0 : i32
    %dma_start3A_502 = tpu.memref_slice %arg12[%dma_start3A_496, %dma_start3A_501] : memref<32x512xi32, #tpu.memory_space<vmem>> -> memref<1x512xi32, #tpu.memory_space<vmem>>
    %dma_start3A_503 = tpu.memref_squeeze %dma_start3A_502 : memref<1x512xi32, #tpu.memory_space<vmem>> -> memref<512xi32, #tpu.memory_space<vmem>>
    %dma_start3A_504 = arith.constant 0 : i32
    %dma_start3A_505 = tpu.memref_slice %arg5[%dma_start3A_504] : memref<32000000xf32, #tpu.memory_space<hbm>> -> memref<32000000xf32, #tpu.memory_space<hbm>>
    tpu.enqueue_indirect_dma source(%dma_start3A_505 : memref<32000000xf32, #tpu.memory_space<hbm>>) target(%dma_start3A_500 : memref<512xf32, #tpu.memory_space<vmem>>) offsets(%dma_start3A_503 : memref<512xi32, #tpu.memory_space<vmem>>) semaphore(%arg19 : memref<!tpu.dma_semaphore, #tpu.memory_space<semaphore_mem>>)
    %dma_start3A_506 = arith.constant 25 : i32
    %dma_start3A_507 = arith.constant 25 : i32
    %dma_start3A_508 = arith.constant 0 : i32
    %dma_start3A_509 = tpu.memref_slice %arg13[%dma_start3A_507, %dma_start3A_508] : memref<32x512xf32, #tpu.memory_space<vmem>> -> memref<1x512xf32, #tpu.memory_space<vmem>>
    %dma_start3A_510 = tpu.memref_squeeze %dma_start3A_509 : memref<1x512xf32, #tpu.memory_space<vmem>> -> memref<512xf32, #tpu.memory_space<vmem>>
    %dma_start3A_511 = arith.constant 0 : i32
    %dma_start3A_512 = tpu.memref_slice %arg11[%dma_start3A_506, %dma_start3A_511] : memref<32x512xi32, #tpu.memory_space<vmem>> -> memref<1x512xi32, #tpu.memory_space<vmem>>
    %dma_start3A_513 = tpu.memref_squeeze %dma_start3A_512 : memref<1x512xi32, #tpu.memory_space<vmem>> -> memref<512xi32, #tpu.memory_space<vmem>>
    %dma_start3A_514 = arith.constant 0 : i32
    %dma_start3A_515 = tpu.memref_slice %arg4[%dma_start3A_514] : memref<32000000xf32, #tpu.memory_space<hbm>> -> memref<32000000xf32, #tpu.memory_space<hbm>>
    tpu.enqueue_indirect_dma source(%dma_start3A_515 : memref<32000000xf32, #tpu.memory_space<hbm>>) target(%dma_start3A_510 : memref<512xf32, #tpu.memory_space<vmem>>) offsets(%dma_start3A_513 : memref<512xi32, #tpu.memory_space<vmem>>) semaphore(%arg18 : memref<!tpu.dma_semaphore, #tpu.memory_space<semaphore_mem>>)
    %dma_start3A_516 = arith.constant 25 : i32
    %dma_start3A_517 = arith.constant 25 : i32
    %dma_start3A_518 = arith.constant 0 : i32
    %dma_start3A_519 = tpu.memref_slice %arg14[%dma_start3A_517, %dma_start3A_518] : memref<32x512xf32, #tpu.memory_space<vmem>> -> memref<1x512xf32, #tpu.memory_space<vmem>>
    %dma_start3A_520 = tpu.memref_squeeze %dma_start3A_519 : memref<1x512xf32, #tpu.memory_space<vmem>> -> memref<512xf32, #tpu.memory_space<vmem>>
    %dma_start3A_521 = arith.constant 0 : i32
    %dma_start3A_522 = tpu.memref_slice %arg12[%dma_start3A_516, %dma_start3A_521] : memref<32x512xi32, #tpu.memory_space<vmem>> -> memref<1x512xi32, #tpu.memory_space<vmem>>
    %dma_start3A_523 = tpu.memref_squeeze %dma_start3A_522 : memref<1x512xi32, #tpu.memory_space<vmem>> -> memref<512xi32, #tpu.memory_space<vmem>>
    %dma_start3A_524 = arith.constant 0 : i32
    %dma_start3A_525 = tpu.memref_slice %arg5[%dma_start3A_524] : memref<32000000xf32, #tpu.memory_space<hbm>> -> memref<32000000xf32, #tpu.memory_space<hbm>>
    tpu.enqueue_indirect_dma source(%dma_start3A_525 : memref<32000000xf32, #tpu.memory_space<hbm>>) target(%dma_start3A_520 : memref<512xf32, #tpu.memory_space<vmem>>) offsets(%dma_start3A_523 : memref<512xi32, #tpu.memory_space<vmem>>) semaphore(%arg19 : memref<!tpu.dma_semaphore, #tpu.memory_space<semaphore_mem>>)
    %dma_start3A_526 = arith.constant 26 : i32
    %dma_start3A_527 = arith.constant 26 : i32
    %dma_start3A_528 = arith.constant 0 : i32
    %dma_start3A_529 = tpu.memref_slice %arg13[%dma_start3A_527, %dma_start3A_528] : memref<32x512xf32, #tpu.memory_space<vmem>> -> memref<1x512xf32, #tpu.memory_space<vmem>>
    %dma_start3A_530 = tpu.memref_squeeze %dma_start3A_529 : memref<1x512xf32, #tpu.memory_space<vmem>> -> memref<512xf32, #tpu.memory_space<vmem>>
    %dma_start3A_531 = arith.constant 0 : i32
    %dma_start3A_532 = tpu.memref_slice %arg11[%dma_start3A_526, %dma_start3A_531] : memref<32x512xi32, #tpu.memory_space<vmem>> -> memref<1x512xi32, #tpu.memory_space<vmem>>
    %dma_start3A_533 = tpu.memref_squeeze %dma_start3A_532 : memref<1x512xi32, #tpu.memory_space<vmem>> -> memref<512xi32, #tpu.memory_space<vmem>>
    %dma_start3A_534 = arith.constant 0 : i32
    %dma_start3A_535 = tpu.memref_slice %arg4[%dma_start3A_534] : memref<32000000xf32, #tpu.memory_space<hbm>> -> memref<32000000xf32, #tpu.memory_space<hbm>>
    tpu.enqueue_indirect_dma source(%dma_start3A_535 : memref<32000000xf32, #tpu.memory_space<hbm>>) target(%dma_start3A_530 : memref<512xf32, #tpu.memory_space<vmem>>) offsets(%dma_start3A_533 : memref<512xi32, #tpu.memory_space<vmem>>) semaphore(%arg18 : memref<!tpu.dma_semaphore, #tpu.memory_space<semaphore_mem>>)
    %dma_start3A_536 = arith.constant 26 : i32
    %dma_start3A_537 = arith.constant 26 : i32
    %dma_start3A_538 = arith.constant 0 : i32
    %dma_start3A_539 = tpu.memref_slice %arg14[%dma_start3A_537, %dma_start3A_538] : memref<32x512xf32, #tpu.memory_space<vmem>> -> memref<1x512xf32, #tpu.memory_space<vmem>>
    %dma_start3A_540 = tpu.memref_squeeze %dma_start3A_539 : memref<1x512xf32, #tpu.memory_space<vmem>> -> memref<512xf32, #tpu.memory_space<vmem>>
    %dma_start3A_541 = arith.constant 0 : i32
    %dma_start3A_542 = tpu.memref_slice %arg12[%dma_start3A_536, %dma_start3A_541] : memref<32x512xi32, #tpu.memory_space<vmem>> -> memref<1x512xi32, #tpu.memory_space<vmem>>
    %dma_start3A_543 = tpu.memref_squeeze %dma_start3A_542 : memref<1x512xi32, #tpu.memory_space<vmem>> -> memref<512xi32, #tpu.memory_space<vmem>>
    %dma_start3A_544 = arith.constant 0 : i32
    %dma_start3A_545 = tpu.memref_slice %arg5[%dma_start3A_544] : memref<32000000xf32, #tpu.memory_space<hbm>> -> memref<32000000xf32, #tpu.memory_space<hbm>>
    tpu.enqueue_indirect_dma source(%dma_start3A_545 : memref<32000000xf32, #tpu.memory_space<hbm>>) target(%dma_start3A_540 : memref<512xf32, #tpu.memory_space<vmem>>) offsets(%dma_start3A_543 : memref<512xi32, #tpu.memory_space<vmem>>) semaphore(%arg19 : memref<!tpu.dma_semaphore, #tpu.memory_space<semaphore_mem>>)
    %dma_start3A_546 = arith.constant 27 : i32
    %dma_start3A_547 = arith.constant 27 : i32
    %dma_start3A_548 = arith.constant 0 : i32
    %dma_start3A_549 = tpu.memref_slice %arg13[%dma_start3A_547, %dma_start3A_548] : memref<32x512xf32, #tpu.memory_space<vmem>> -> memref<1x512xf32, #tpu.memory_space<vmem>>
    %dma_start3A_550 = tpu.memref_squeeze %dma_start3A_549 : memref<1x512xf32, #tpu.memory_space<vmem>> -> memref<512xf32, #tpu.memory_space<vmem>>
    %dma_start3A_551 = arith.constant 0 : i32
    %dma_start3A_552 = tpu.memref_slice %arg11[%dma_start3A_546, %dma_start3A_551] : memref<32x512xi32, #tpu.memory_space<vmem>> -> memref<1x512xi32, #tpu.memory_space<vmem>>
    %dma_start3A_553 = tpu.memref_squeeze %dma_start3A_552 : memref<1x512xi32, #tpu.memory_space<vmem>> -> memref<512xi32, #tpu.memory_space<vmem>>
    %dma_start3A_554 = arith.constant 0 : i32
    %dma_start3A_555 = tpu.memref_slice %arg4[%dma_start3A_554] : memref<32000000xf32, #tpu.memory_space<hbm>> -> memref<32000000xf32, #tpu.memory_space<hbm>>
    tpu.enqueue_indirect_dma source(%dma_start3A_555 : memref<32000000xf32, #tpu.memory_space<hbm>>) target(%dma_start3A_550 : memref<512xf32, #tpu.memory_space<vmem>>) offsets(%dma_start3A_553 : memref<512xi32, #tpu.memory_space<vmem>>) semaphore(%arg18 : memref<!tpu.dma_semaphore, #tpu.memory_space<semaphore_mem>>)
    %dma_start3A_556 = arith.constant 27 : i32
    %dma_start3A_557 = arith.constant 27 : i32
    %dma_start3A_558 = arith.constant 0 : i32
    %dma_start3A_559 = tpu.memref_slice %arg14[%dma_start3A_557, %dma_start3A_558] : memref<32x512xf32, #tpu.memory_space<vmem>> -> memref<1x512xf32, #tpu.memory_space<vmem>>
    %dma_start3A_560 = tpu.memref_squeeze %dma_start3A_559 : memref<1x512xf32, #tpu.memory_space<vmem>> -> memref<512xf32, #tpu.memory_space<vmem>>
    %dma_start3A_561 = arith.constant 0 : i32
    %dma_start3A_562 = tpu.memref_slice %arg12[%dma_start3A_556, %dma_start3A_561] : memref<32x512xi32, #tpu.memory_space<vmem>> -> memref<1x512xi32, #tpu.memory_space<vmem>>
    %dma_start3A_563 = tpu.memref_squeeze %dma_start3A_562 : memref<1x512xi32, #tpu.memory_space<vmem>> -> memref<512xi32, #tpu.memory_space<vmem>>
    %dma_start3A_564 = arith.constant 0 : i32
    %dma_start3A_565 = tpu.memref_slice %arg5[%dma_start3A_564] : memref<32000000xf32, #tpu.memory_space<hbm>> -> memref<32000000xf32, #tpu.memory_space<hbm>>
    tpu.enqueue_indirect_dma source(%dma_start3A_565 : memref<32000000xf32, #tpu.memory_space<hbm>>) target(%dma_start3A_560 : memref<512xf32, #tpu.memory_space<vmem>>) offsets(%dma_start3A_563 : memref<512xi32, #tpu.memory_space<vmem>>) semaphore(%arg19 : memref<!tpu.dma_semaphore, #tpu.memory_space<semaphore_mem>>)
    %dma_start3A_566 = arith.constant 28 : i32
    %dma_start3A_567 = arith.constant 28 : i32
    %dma_start3A_568 = arith.constant 0 : i32
    %dma_start3A_569 = tpu.memref_slice %arg13[%dma_start3A_567, %dma_start3A_568] : memref<32x512xf32, #tpu.memory_space<vmem>> -> memref<1x512xf32, #tpu.memory_space<vmem>>
    %dma_start3A_570 = tpu.memref_squeeze %dma_start3A_569 : memref<1x512xf32, #tpu.memory_space<vmem>> -> memref<512xf32, #tpu.memory_space<vmem>>
    %dma_start3A_571 = arith.constant 0 : i32
    %dma_start3A_572 = tpu.memref_slice %arg11[%dma_start3A_566, %dma_start3A_571] : memref<32x512xi32, #tpu.memory_space<vmem>> -> memref<1x512xi32, #tpu.memory_space<vmem>>
    %dma_start3A_573 = tpu.memref_squeeze %dma_start3A_572 : memref<1x512xi32, #tpu.memory_space<vmem>> -> memref<512xi32, #tpu.memory_space<vmem>>
    %dma_start3A_574 = arith.constant 0 : i32
    %dma_start3A_575 = tpu.memref_slice %arg4[%dma_start3A_574] : memref<32000000xf32, #tpu.memory_space<hbm>> -> memref<32000000xf32, #tpu.memory_space<hbm>>
    tpu.enqueue_indirect_dma source(%dma_start3A_575 : memref<32000000xf32, #tpu.memory_space<hbm>>) target(%dma_start3A_570 : memref<512xf32, #tpu.memory_space<vmem>>) offsets(%dma_start3A_573 : memref<512xi32, #tpu.memory_space<vmem>>) semaphore(%arg18 : memref<!tpu.dma_semaphore, #tpu.memory_space<semaphore_mem>>)
    %dma_start3A_576 = arith.constant 28 : i32
    %dma_start3A_577 = arith.constant 28 : i32
    %dma_start3A_578 = arith.constant 0 : i32
    %dma_start3A_579 = tpu.memref_slice %arg14[%dma_start3A_577, %dma_start3A_578] : memref<32x512xf32, #tpu.memory_space<vmem>> -> memref<1x512xf32, #tpu.memory_space<vmem>>
    %dma_start3A_580 = tpu.memref_squeeze %dma_start3A_579 : memref<1x512xf32, #tpu.memory_space<vmem>> -> memref<512xf32, #tpu.memory_space<vmem>>
    %dma_start3A_581 = arith.constant 0 : i32
    %dma_start3A_582 = tpu.memref_slice %arg12[%dma_start3A_576, %dma_start3A_581] : memref<32x512xi32, #tpu.memory_space<vmem>> -> memref<1x512xi32, #tpu.memory_space<vmem>>
    %dma_start3A_583 = tpu.memref_squeeze %dma_start3A_582 : memref<1x512xi32, #tpu.memory_space<vmem>> -> memref<512xi32, #tpu.memory_space<vmem>>
    %dma_start3A_584 = arith.constant 0 : i32
    %dma_start3A_585 = tpu.memref_slice %arg5[%dma_start3A_584] : memref<32000000xf32, #tpu.memory_space<hbm>> -> memref<32000000xf32, #tpu.memory_space<hbm>>
    tpu.enqueue_indirect_dma source(%dma_start3A_585 : memref<32000000xf32, #tpu.memory_space<hbm>>) target(%dma_start3A_580 : memref<512xf32, #tpu.memory_space<vmem>>) offsets(%dma_start3A_583 : memref<512xi32, #tpu.memory_space<vmem>>) semaphore(%arg19 : memref<!tpu.dma_semaphore, #tpu.memory_space<semaphore_mem>>)
    %dma_start3A_586 = arith.constant 29 : i32
    %dma_start3A_587 = arith.constant 29 : i32
    %dma_start3A_588 = arith.constant 0 : i32
    %dma_start3A_589 = tpu.memref_slice %arg13[%dma_start3A_587, %dma_start3A_588] : memref<32x512xf32, #tpu.memory_space<vmem>> -> memref<1x512xf32, #tpu.memory_space<vmem>>
    %dma_start3A_590 = tpu.memref_squeeze %dma_start3A_589 : memref<1x512xf32, #tpu.memory_space<vmem>> -> memref<512xf32, #tpu.memory_space<vmem>>
    %dma_start3A_591 = arith.constant 0 : i32
    %dma_start3A_592 = tpu.memref_slice %arg11[%dma_start3A_586, %dma_start3A_591] : memref<32x512xi32, #tpu.memory_space<vmem>> -> memref<1x512xi32, #tpu.memory_space<vmem>>
    %dma_start3A_593 = tpu.memref_squeeze %dma_start3A_592 : memref<1x512xi32, #tpu.memory_space<vmem>> -> memref<512xi32, #tpu.memory_space<vmem>>
    %dma_start3A_594 = arith.constant 0 : i32
    %dma_start3A_595 = tpu.memref_slice %arg4[%dma_start3A_594] : memref<32000000xf32, #tpu.memory_space<hbm>> -> memref<32000000xf32, #tpu.memory_space<hbm>>
    tpu.enqueue_indirect_dma source(%dma_start3A_595 : memref<32000000xf32, #tpu.memory_space<hbm>>) target(%dma_start3A_590 : memref<512xf32, #tpu.memory_space<vmem>>) offsets(%dma_start3A_593 : memref<512xi32, #tpu.memory_space<vmem>>) semaphore(%arg18 : memref<!tpu.dma_semaphore, #tpu.memory_space<semaphore_mem>>)
    %dma_start3A_596 = arith.constant 29 : i32
    %dma_start3A_597 = arith.constant 29 : i32
    %dma_start3A_598 = arith.constant 0 : i32
    %dma_start3A_599 = tpu.memref_slice %arg14[%dma_start3A_597, %dma_start3A_598] : memref<32x512xf32, #tpu.memory_space<vmem>> -> memref<1x512xf32, #tpu.memory_space<vmem>>
    %dma_start3A_600 = tpu.memref_squeeze %dma_start3A_599 : memref<1x512xf32, #tpu.memory_space<vmem>> -> memref<512xf32, #tpu.memory_space<vmem>>
    %dma_start3A_601 = arith.constant 0 : i32
    %dma_start3A_602 = tpu.memref_slice %arg12[%dma_start3A_596, %dma_start3A_601] : memref<32x512xi32, #tpu.memory_space<vmem>> -> memref<1x512xi32, #tpu.memory_space<vmem>>
    %dma_start3A_603 = tpu.memref_squeeze %dma_start3A_602 : memref<1x512xi32, #tpu.memory_space<vmem>> -> memref<512xi32, #tpu.memory_space<vmem>>
    %dma_start3A_604 = arith.constant 0 : i32
    %dma_start3A_605 = tpu.memref_slice %arg5[%dma_start3A_604] : memref<32000000xf32, #tpu.memory_space<hbm>> -> memref<32000000xf32, #tpu.memory_space<hbm>>
    tpu.enqueue_indirect_dma source(%dma_start3A_605 : memref<32000000xf32, #tpu.memory_space<hbm>>) target(%dma_start3A_600 : memref<512xf32, #tpu.memory_space<vmem>>) offsets(%dma_start3A_603 : memref<512xi32, #tpu.memory_space<vmem>>) semaphore(%arg19 : memref<!tpu.dma_semaphore, #tpu.memory_space<semaphore_mem>>)
    %dma_start3A_606 = arith.constant 30 : i32
    %dma_start3A_607 = arith.constant 30 : i32
    %dma_start3A_608 = arith.constant 0 : i32
    %dma_start3A_609 = tpu.memref_slice %arg13[%dma_start3A_607, %dma_start3A_608] : memref<32x512xf32, #tpu.memory_space<vmem>> -> memref<1x512xf32, #tpu.memory_space<vmem>>
    %dma_start3A_610 = tpu.memref_squeeze %dma_start3A_609 : memref<1x512xf32, #tpu.memory_space<vmem>> -> memref<512xf32, #tpu.memory_space<vmem>>
    %dma_start3A_611 = arith.constant 0 : i32
    %dma_start3A_612 = tpu.memref_slice %arg11[%dma_start3A_606, %dma_start3A_611] : memref<32x512xi32, #tpu.memory_space<vmem>> -> memref<1x512xi32, #tpu.memory_space<vmem>>
    %dma_start3A_613 = tpu.memref_squeeze %dma_start3A_612 : memref<1x512xi32, #tpu.memory_space<vmem>> -> memref<512xi32, #tpu.memory_space<vmem>>
    %dma_start3A_614 = arith.constant 0 : i32
    %dma_start3A_615 = tpu.memref_slice %arg4[%dma_start3A_614] : memref<32000000xf32, #tpu.memory_space<hbm>> -> memref<32000000xf32, #tpu.memory_space<hbm>>
    tpu.enqueue_indirect_dma source(%dma_start3A_615 : memref<32000000xf32, #tpu.memory_space<hbm>>) target(%dma_start3A_610 : memref<512xf32, #tpu.memory_space<vmem>>) offsets(%dma_start3A_613 : memref<512xi32, #tpu.memory_space<vmem>>) semaphore(%arg18 : memref<!tpu.dma_semaphore, #tpu.memory_space<semaphore_mem>>)
    %dma_start3A_616 = arith.constant 30 : i32
    %dma_start3A_617 = arith.constant 30 : i32
    %dma_start3A_618 = arith.constant 0 : i32
    %dma_start3A_619 = tpu.memref_slice %arg14[%dma_start3A_617, %dma_start3A_618] : memref<32x512xf32, #tpu.memory_space<vmem>> -> memref<1x512xf32, #tpu.memory_space<vmem>>
    %dma_start3A_620 = tpu.memref_squeeze %dma_start3A_619 : memref<1x512xf32, #tpu.memory_space<vmem>> -> memref<512xf32, #tpu.memory_space<vmem>>
    %dma_start3A_621 = arith.constant 0 : i32
    %dma_start3A_622 = tpu.memref_slice %arg12[%dma_start3A_616, %dma_start3A_621] : memref<32x512xi32, #tpu.memory_space<vmem>> -> memref<1x512xi32, #tpu.memory_space<vmem>>
    %dma_start3A_623 = tpu.memref_squeeze %dma_start3A_622 : memref<1x512xi32, #tpu.memory_space<vmem>> -> memref<512xi32, #tpu.memory_space<vmem>>
    %dma_start3A_624 = arith.constant 0 : i32
    %dma_start3A_625 = tpu.memref_slice %arg5[%dma_start3A_624] : memref<32000000xf32, #tpu.memory_space<hbm>> -> memref<32000000xf32, #tpu.memory_space<hbm>>
    tpu.enqueue_indirect_dma source(%dma_start3A_625 : memref<32000000xf32, #tpu.memory_space<hbm>>) target(%dma_start3A_620 : memref<512xf32, #tpu.memory_space<vmem>>) offsets(%dma_start3A_623 : memref<512xi32, #tpu.memory_space<vmem>>) semaphore(%arg19 : memref<!tpu.dma_semaphore, #tpu.memory_space<semaphore_mem>>)
    %dma_start3A_626 = arith.constant 31 : i32
    %dma_start3A_627 = arith.constant 31 : i32
    %dma_start3A_628 = arith.constant 0 : i32
    %dma_start3A_629 = tpu.memref_slice %arg13[%dma_start3A_627, %dma_start3A_628] : memref<32x512xf32, #tpu.memory_space<vmem>> -> memref<1x512xf32, #tpu.memory_space<vmem>>
    %dma_start3A_630 = tpu.memref_squeeze %dma_start3A_629 : memref<1x512xf32, #tpu.memory_space<vmem>> -> memref<512xf32, #tpu.memory_space<vmem>>
    %dma_start3A_631 = arith.constant 0 : i32
    %dma_start3A_632 = tpu.memref_slice %arg11[%dma_start3A_626, %dma_start3A_631] : memref<32x512xi32, #tpu.memory_space<vmem>> -> memref<1x512xi32, #tpu.memory_space<vmem>>
    %dma_start3A_633 = tpu.memref_squeeze %dma_start3A_632 : memref<1x512xi32, #tpu.memory_space<vmem>> -> memref<512xi32, #tpu.memory_space<vmem>>
    %dma_start3A_634 = arith.constant 0 : i32
    %dma_start3A_635 = tpu.memref_slice %arg4[%dma_start3A_634] : memref<32000000xf32, #tpu.memory_space<hbm>> -> memref<32000000xf32, #tpu.memory_space<hbm>>
    tpu.enqueue_indirect_dma source(%dma_start3A_635 : memref<32000000xf32, #tpu.memory_space<hbm>>) target(%dma_start3A_630 : memref<512xf32, #tpu.memory_space<vmem>>) offsets(%dma_start3A_633 : memref<512xi32, #tpu.memory_space<vmem>>) semaphore(%arg18 : memref<!tpu.dma_semaphore, #tpu.memory_space<semaphore_mem>>)
    %dma_start3A_636 = arith.constant 31 : i32
    %dma_start3A_637 = arith.constant 31 : i32
    %dma_start3A_638 = arith.constant 0 : i32
    %dma_start3A_639 = tpu.memref_slice %arg14[%dma_start3A_637, %dma_start3A_638] : memref<32x512xf32, #tpu.memory_space<vmem>> -> memref<1x512xf32, #tpu.memory_space<vmem>>
    %dma_start3A_640 = tpu.memref_squeeze %dma_start3A_639 : memref<1x512xf32, #tpu.memory_space<vmem>> -> memref<512xf32, #tpu.memory_space<vmem>>
    %dma_start3A_641 = arith.constant 0 : i32
    %dma_start3A_642 = tpu.memref_slice %arg12[%dma_start3A_636, %dma_start3A_641] : memref<32x512xi32, #tpu.memory_space<vmem>> -> memref<1x512xi32, #tpu.memory_space<vmem>>
    %dma_start3A_643 = tpu.memref_squeeze %dma_start3A_642 : memref<1x512xi32, #tpu.memory_space<vmem>> -> memref<512xi32, #tpu.memory_space<vmem>>
    %dma_start3A_644 = arith.constant 0 : i32
    %dma_start3A_645 = tpu.memref_slice %arg5[%dma_start3A_644] : memref<32000000xf32, #tpu.memory_space<hbm>> -> memref<32000000xf32, #tpu.memory_space<hbm>>
    tpu.enqueue_indirect_dma source(%dma_start3A_645 : memref<32000000xf32, #tpu.memory_space<hbm>>) target(%dma_start3A_640 : memref<512xf32, #tpu.memory_space<vmem>>) offsets(%dma_start3A_643 : memref<512xi32, #tpu.memory_space<vmem>>) semaphore(%arg19 : memref<!tpu.dma_semaphore, #tpu.memory_space<semaphore_mem>>)
    %dma_wait3A = arith.constant 0 : i32
    %dma_wait3A_646 = arith.constant 0 : i32
    %dma_wait3A_647 = arith.constant 0 : i32
    %dma_wait3A_648 = tpu.memref_slice %arg13[%dma_wait3A_646, %dma_wait3A_647] : memref<32x512xf32, #tpu.memory_space<vmem>> -> memref<1x512xf32, #tpu.memory_space<vmem>>
    %dma_wait3A_649 = tpu.memref_squeeze %dma_wait3A_648 : memref<1x512xf32, #tpu.memory_space<vmem>> -> memref<512xf32, #tpu.memory_space<vmem>>
    %dma_wait3A_650 = arith.constant 0 : i32
    %dma_wait3A_651 = tpu.memref_slice %arg11[%dma_wait3A, %dma_wait3A_650] : memref<32x512xi32, #tpu.memory_space<vmem>> -> memref<1x512xi32, #tpu.memory_space<vmem>>
    %dma_wait3A_652 = tpu.memref_squeeze %dma_wait3A_651 : memref<1x512xi32, #tpu.memory_space<vmem>> -> memref<512xi32, #tpu.memory_space<vmem>>
    %dma_wait3A_653 = arith.constant 0 : i32
    %dma_wait3A_654 = tpu.memref_slice %arg4[%dma_wait3A_653] : memref<32000000xf32, #tpu.memory_space<hbm>> -> memref<32000000xf32, #tpu.memory_space<hbm>>
    tpu.wait_indirect_dma semaphore(%arg18 : memref<!tpu.dma_semaphore, #tpu.memory_space<semaphore_mem>>) src(%dma_wait3A_654 : memref<32000000xf32, #tpu.memory_space<hbm>>) dst(%dma_wait3A_649 : memref<512xf32, #tpu.memory_space<vmem>>)
    %dma_wait3A_655 = arith.constant 0 : i32
    %dma_wait3A_656 = arith.constant 0 : i32
    %dma_wait3A_657 = arith.constant 0 : i32
    %dma_wait3A_658 = tpu.memref_slice %arg14[%dma_wait3A_656, %dma_wait3A_657] : memref<32x512xf32, #tpu.memory_space<vmem>> -> memref<1x512xf32, #tpu.memory_space<vmem>>
    %dma_wait3A_659 = tpu.memref_squeeze %dma_wait3A_658 : memref<1x512xf32, #tpu.memory_space<vmem>> -> memref<512xf32, #tpu.memory_space<vmem>>
    %dma_wait3A_660 = arith.constant 0 : i32
    %dma_wait3A_661 = tpu.memref_slice %arg12[%dma_wait3A_655, %dma_wait3A_660] : memref<32x512xi32, #tpu.memory_space<vmem>> -> memref<1x512xi32, #tpu.memory_space<vmem>>
    %dma_wait3A_662 = tpu.memref_squeeze %dma_wait3A_661 : memref<1x512xi32, #tpu.memory_space<vmem>> -> memref<512xi32, #tpu.memory_space<vmem>>
    %dma_wait3A_663 = arith.constant 0 : i32
    %dma_wait3A_664 = tpu.memref_slice %arg5[%dma_wait3A_663] : memref<32000000xf32, #tpu.memory_space<hbm>> -> memref<32000000xf32, #tpu.memory_space<hbm>>
    tpu.wait_indirect_dma semaphore(%arg19 : memref<!tpu.dma_semaphore, #tpu.memory_space<semaphore_mem>>) src(%dma_wait3A_664 : memref<32000000xf32, #tpu.memory_space<hbm>>) dst(%dma_wait3A_659 : memref<512xf32, #tpu.memory_space<vmem>>)
    %dma_wait3A_665 = arith.constant 1 : i32
    %dma_wait3A_666 = arith.constant 1 : i32
    %dma_wait3A_667 = arith.constant 0 : i32
    %dma_wait3A_668 = tpu.memref_slice %arg13[%dma_wait3A_666, %dma_wait3A_667] : memref<32x512xf32, #tpu.memory_space<vmem>> -> memref<1x512xf32, #tpu.memory_space<vmem>>
    %dma_wait3A_669 = tpu.memref_squeeze %dma_wait3A_668 : memref<1x512xf32, #tpu.memory_space<vmem>> -> memref<512xf32, #tpu.memory_space<vmem>>
    %dma_wait3A_670 = arith.constant 0 : i32
    %dma_wait3A_671 = tpu.memref_slice %arg11[%dma_wait3A_665, %dma_wait3A_670] : memref<32x512xi32, #tpu.memory_space<vmem>> -> memref<1x512xi32, #tpu.memory_space<vmem>>
    %dma_wait3A_672 = tpu.memref_squeeze %dma_wait3A_671 : memref<1x512xi32, #tpu.memory_space<vmem>> -> memref<512xi32, #tpu.memory_space<vmem>>
    %dma_wait3A_673 = arith.constant 0 : i32
    %dma_wait3A_674 = tpu.memref_slice %arg4[%dma_wait3A_673] : memref<32000000xf32, #tpu.memory_space<hbm>> -> memref<32000000xf32, #tpu.memory_space<hbm>>
    tpu.wait_indirect_dma semaphore(%arg18 : memref<!tpu.dma_semaphore, #tpu.memory_space<semaphore_mem>>) src(%dma_wait3A_674 : memref<32000000xf32, #tpu.memory_space<hbm>>) dst(%dma_wait3A_669 : memref<512xf32, #tpu.memory_space<vmem>>)
    %dma_wait3A_675 = arith.constant 1 : i32
    %dma_wait3A_676 = arith.constant 1 : i32
    %dma_wait3A_677 = arith.constant 0 : i32
    %dma_wait3A_678 = tpu.memref_slice %arg14[%dma_wait3A_676, %dma_wait3A_677] : memref<32x512xf32, #tpu.memory_space<vmem>> -> memref<1x512xf32, #tpu.memory_space<vmem>>
    %dma_wait3A_679 = tpu.memref_squeeze %dma_wait3A_678 : memref<1x512xf32, #tpu.memory_space<vmem>> -> memref<512xf32, #tpu.memory_space<vmem>>
    %dma_wait3A_680 = arith.constant 0 : i32
    %dma_wait3A_681 = tpu.memref_slice %arg12[%dma_wait3A_675, %dma_wait3A_680] : memref<32x512xi32, #tpu.memory_space<vmem>> -> memref<1x512xi32, #tpu.memory_space<vmem>>
    %dma_wait3A_682 = tpu.memref_squeeze %dma_wait3A_681 : memref<1x512xi32, #tpu.memory_space<vmem>> -> memref<512xi32, #tpu.memory_space<vmem>>
    %dma_wait3A_683 = arith.constant 0 : i32
    %dma_wait3A_684 = tpu.memref_slice %arg5[%dma_wait3A_683] : memref<32000000xf32, #tpu.memory_space<hbm>> -> memref<32000000xf32, #tpu.memory_space<hbm>>
    tpu.wait_indirect_dma semaphore(%arg19 : memref<!tpu.dma_semaphore, #tpu.memory_space<semaphore_mem>>) src(%dma_wait3A_684 : memref<32000000xf32, #tpu.memory_space<hbm>>) dst(%dma_wait3A_679 : memref<512xf32, #tpu.memory_space<vmem>>)
    %dma_wait3A_685 = arith.constant 2 : i32
    %dma_wait3A_686 = arith.constant 2 : i32
    %dma_wait3A_687 = arith.constant 0 : i32
    %dma_wait3A_688 = tpu.memref_slice %arg13[%dma_wait3A_686, %dma_wait3A_687] : memref<32x512xf32, #tpu.memory_space<vmem>> -> memref<1x512xf32, #tpu.memory_space<vmem>>
    %dma_wait3A_689 = tpu.memref_squeeze %dma_wait3A_688 : memref<1x512xf32, #tpu.memory_space<vmem>> -> memref<512xf32, #tpu.memory_space<vmem>>
    %dma_wait3A_690 = arith.constant 0 : i32
    %dma_wait3A_691 = tpu.memref_slice %arg11[%dma_wait3A_685, %dma_wait3A_690] : memref<32x512xi32, #tpu.memory_space<vmem>> -> memref<1x512xi32, #tpu.memory_space<vmem>>
    %dma_wait3A_692 = tpu.memref_squeeze %dma_wait3A_691 : memref<1x512xi32, #tpu.memory_space<vmem>> -> memref<512xi32, #tpu.memory_space<vmem>>
    %dma_wait3A_693 = arith.constant 0 : i32
    %dma_wait3A_694 = tpu.memref_slice %arg4[%dma_wait3A_693] : memref<32000000xf32, #tpu.memory_space<hbm>> -> memref<32000000xf32, #tpu.memory_space<hbm>>
    tpu.wait_indirect_dma semaphore(%arg18 : memref<!tpu.dma_semaphore, #tpu.memory_space<semaphore_mem>>) src(%dma_wait3A_694 : memref<32000000xf32, #tpu.memory_space<hbm>>) dst(%dma_wait3A_689 : memref<512xf32, #tpu.memory_space<vmem>>)
    %dma_wait3A_695 = arith.constant 2 : i32
    %dma_wait3A_696 = arith.constant 2 : i32
    %dma_wait3A_697 = arith.constant 0 : i32
    %dma_wait3A_698 = tpu.memref_slice %arg14[%dma_wait3A_696, %dma_wait3A_697] : memref<32x512xf32, #tpu.memory_space<vmem>> -> memref<1x512xf32, #tpu.memory_space<vmem>>
    %dma_wait3A_699 = tpu.memref_squeeze %dma_wait3A_698 : memref<1x512xf32, #tpu.memory_space<vmem>> -> memref<512xf32, #tpu.memory_space<vmem>>
    %dma_wait3A_700 = arith.constant 0 : i32
    %dma_wait3A_701 = tpu.memref_slice %arg12[%dma_wait3A_695, %dma_wait3A_700] : memref<32x512xi32, #tpu.memory_space<vmem>> -> memref<1x512xi32, #tpu.memory_space<vmem>>
    %dma_wait3A_702 = tpu.memref_squeeze %dma_wait3A_701 : memref<1x512xi32, #tpu.memory_space<vmem>> -> memref<512xi32, #tpu.memory_space<vmem>>
    %dma_wait3A_703 = arith.constant 0 : i32
    %dma_wait3A_704 = tpu.memref_slice %arg5[%dma_wait3A_703] : memref<32000000xf32, #tpu.memory_space<hbm>> -> memref<32000000xf32, #tpu.memory_space<hbm>>
    tpu.wait_indirect_dma semaphore(%arg19 : memref<!tpu.dma_semaphore, #tpu.memory_space<semaphore_mem>>) src(%dma_wait3A_704 : memref<32000000xf32, #tpu.memory_space<hbm>>) dst(%dma_wait3A_699 : memref<512xf32, #tpu.memory_space<vmem>>)
    %dma_wait3A_705 = arith.constant 3 : i32
    %dma_wait3A_706 = arith.constant 3 : i32
    %dma_wait3A_707 = arith.constant 0 : i32
    %dma_wait3A_708 = tpu.memref_slice %arg13[%dma_wait3A_706, %dma_wait3A_707] : memref<32x512xf32, #tpu.memory_space<vmem>> -> memref<1x512xf32, #tpu.memory_space<vmem>>
    %dma_wait3A_709 = tpu.memref_squeeze %dma_wait3A_708 : memref<1x512xf32, #tpu.memory_space<vmem>> -> memref<512xf32, #tpu.memory_space<vmem>>
    %dma_wait3A_710 = arith.constant 0 : i32
    %dma_wait3A_711 = tpu.memref_slice %arg11[%dma_wait3A_705, %dma_wait3A_710] : memref<32x512xi32, #tpu.memory_space<vmem>> -> memref<1x512xi32, #tpu.memory_space<vmem>>
    %dma_wait3A_712 = tpu.memref_squeeze %dma_wait3A_711 : memref<1x512xi32, #tpu.memory_space<vmem>> -> memref<512xi32, #tpu.memory_space<vmem>>
    %dma_wait3A_713 = arith.constant 0 : i32
    %dma_wait3A_714 = tpu.memref_slice %arg4[%dma_wait3A_713] : memref<32000000xf32, #tpu.memory_space<hbm>> -> memref<32000000xf32, #tpu.memory_space<hbm>>
    tpu.wait_indirect_dma semaphore(%arg18 : memref<!tpu.dma_semaphore, #tpu.memory_space<semaphore_mem>>) src(%dma_wait3A_714 : memref<32000000xf32, #tpu.memory_space<hbm>>) dst(%dma_wait3A_709 : memref<512xf32, #tpu.memory_space<vmem>>)
    %dma_wait3A_715 = arith.constant 3 : i32
    %dma_wait3A_716 = arith.constant 3 : i32
    %dma_wait3A_717 = arith.constant 0 : i32
    %dma_wait3A_718 = tpu.memref_slice %arg14[%dma_wait3A_716, %dma_wait3A_717] : memref<32x512xf32, #tpu.memory_space<vmem>> -> memref<1x512xf32, #tpu.memory_space<vmem>>
    %dma_wait3A_719 = tpu.memref_squeeze %dma_wait3A_718 : memref<1x512xf32, #tpu.memory_space<vmem>> -> memref<512xf32, #tpu.memory_space<vmem>>
    %dma_wait3A_720 = arith.constant 0 : i32
    %dma_wait3A_721 = tpu.memref_slice %arg12[%dma_wait3A_715, %dma_wait3A_720] : memref<32x512xi32, #tpu.memory_space<vmem>> -> memref<1x512xi32, #tpu.memory_space<vmem>>
    %dma_wait3A_722 = tpu.memref_squeeze %dma_wait3A_721 : memref<1x512xi32, #tpu.memory_space<vmem>> -> memref<512xi32, #tpu.memory_space<vmem>>
    %dma_wait3A_723 = arith.constant 0 : i32
    %dma_wait3A_724 = tpu.memref_slice %arg5[%dma_wait3A_723] : memref<32000000xf32, #tpu.memory_space<hbm>> -> memref<32000000xf32, #tpu.memory_space<hbm>>
    tpu.wait_indirect_dma semaphore(%arg19 : memref<!tpu.dma_semaphore, #tpu.memory_space<semaphore_mem>>) src(%dma_wait3A_724 : memref<32000000xf32, #tpu.memory_space<hbm>>) dst(%dma_wait3A_719 : memref<512xf32, #tpu.memory_space<vmem>>)
    %dma_wait3A_725 = arith.constant 4 : i32
    %dma_wait3A_726 = arith.constant 4 : i32
    %dma_wait3A_727 = arith.constant 0 : i32
    %dma_wait3A_728 = tpu.memref_slice %arg13[%dma_wait3A_726, %dma_wait3A_727] : memref<32x512xf32, #tpu.memory_space<vmem>> -> memref<1x512xf32, #tpu.memory_space<vmem>>
    %dma_wait3A_729 = tpu.memref_squeeze %dma_wait3A_728 : memref<1x512xf32, #tpu.memory_space<vmem>> -> memref<512xf32, #tpu.memory_space<vmem>>
    %dma_wait3A_730 = arith.constant 0 : i32
    %dma_wait3A_731 = tpu.memref_slice %arg11[%dma_wait3A_725, %dma_wait3A_730] : memref<32x512xi32, #tpu.memory_space<vmem>> -> memref<1x512xi32, #tpu.memory_space<vmem>>
    %dma_wait3A_732 = tpu.memref_squeeze %dma_wait3A_731 : memref<1x512xi32, #tpu.memory_space<vmem>> -> memref<512xi32, #tpu.memory_space<vmem>>
    %dma_wait3A_733 = arith.constant 0 : i32
    %dma_wait3A_734 = tpu.memref_slice %arg4[%dma_wait3A_733] : memref<32000000xf32, #tpu.memory_space<hbm>> -> memref<32000000xf32, #tpu.memory_space<hbm>>
    tpu.wait_indirect_dma semaphore(%arg18 : memref<!tpu.dma_semaphore, #tpu.memory_space<semaphore_mem>>) src(%dma_wait3A_734 : memref<32000000xf32, #tpu.memory_space<hbm>>) dst(%dma_wait3A_729 : memref<512xf32, #tpu.memory_space<vmem>>)
    %dma_wait3A_735 = arith.constant 4 : i32
    %dma_wait3A_736 = arith.constant 4 : i32
    %dma_wait3A_737 = arith.constant 0 : i32
    %dma_wait3A_738 = tpu.memref_slice %arg14[%dma_wait3A_736, %dma_wait3A_737] : memref<32x512xf32, #tpu.memory_space<vmem>> -> memref<1x512xf32, #tpu.memory_space<vmem>>
    %dma_wait3A_739 = tpu.memref_squeeze %dma_wait3A_738 : memref<1x512xf32, #tpu.memory_space<vmem>> -> memref<512xf32, #tpu.memory_space<vmem>>
    %dma_wait3A_740 = arith.constant 0 : i32
    %dma_wait3A_741 = tpu.memref_slice %arg12[%dma_wait3A_735, %dma_wait3A_740] : memref<32x512xi32, #tpu.memory_space<vmem>> -> memref<1x512xi32, #tpu.memory_space<vmem>>
    %dma_wait3A_742 = tpu.memref_squeeze %dma_wait3A_741 : memref<1x512xi32, #tpu.memory_space<vmem>> -> memref<512xi32, #tpu.memory_space<vmem>>
    %dma_wait3A_743 = arith.constant 0 : i32
    %dma_wait3A_744 = tpu.memref_slice %arg5[%dma_wait3A_743] : memref<32000000xf32, #tpu.memory_space<hbm>> -> memref<32000000xf32, #tpu.memory_space<hbm>>
    tpu.wait_indirect_dma semaphore(%arg19 : memref<!tpu.dma_semaphore, #tpu.memory_space<semaphore_mem>>) src(%dma_wait3A_744 : memref<32000000xf32, #tpu.memory_space<hbm>>) dst(%dma_wait3A_739 : memref<512xf32, #tpu.memory_space<vmem>>)
    %dma_wait3A_745 = arith.constant 5 : i32
    %dma_wait3A_746 = arith.constant 5 : i32
    %dma_wait3A_747 = arith.constant 0 : i32
    %dma_wait3A_748 = tpu.memref_slice %arg13[%dma_wait3A_746, %dma_wait3A_747] : memref<32x512xf32, #tpu.memory_space<vmem>> -> memref<1x512xf32, #tpu.memory_space<vmem>>
    %dma_wait3A_749 = tpu.memref_squeeze %dma_wait3A_748 : memref<1x512xf32, #tpu.memory_space<vmem>> -> memref<512xf32, #tpu.memory_space<vmem>>
    %dma_wait3A_750 = arith.constant 0 : i32
    %dma_wait3A_751 = tpu.memref_slice %arg11[%dma_wait3A_745, %dma_wait3A_750] : memref<32x512xi32, #tpu.memory_space<vmem>> -> memref<1x512xi32, #tpu.memory_space<vmem>>
    %dma_wait3A_752 = tpu.memref_squeeze %dma_wait3A_751 : memref<1x512xi32, #tpu.memory_space<vmem>> -> memref<512xi32, #tpu.memory_space<vmem>>
    %dma_wait3A_753 = arith.constant 0 : i32
    %dma_wait3A_754 = tpu.memref_slice %arg4[%dma_wait3A_753] : memref<32000000xf32, #tpu.memory_space<hbm>> -> memref<32000000xf32, #tpu.memory_space<hbm>>
    tpu.wait_indirect_dma semaphore(%arg18 : memref<!tpu.dma_semaphore, #tpu.memory_space<semaphore_mem>>) src(%dma_wait3A_754 : memref<32000000xf32, #tpu.memory_space<hbm>>) dst(%dma_wait3A_749 : memref<512xf32, #tpu.memory_space<vmem>>)
    %dma_wait3A_755 = arith.constant 5 : i32
    %dma_wait3A_756 = arith.constant 5 : i32
    %dma_wait3A_757 = arith.constant 0 : i32
    %dma_wait3A_758 = tpu.memref_slice %arg14[%dma_wait3A_756, %dma_wait3A_757] : memref<32x512xf32, #tpu.memory_space<vmem>> -> memref<1x512xf32, #tpu.memory_space<vmem>>
    %dma_wait3A_759 = tpu.memref_squeeze %dma_wait3A_758 : memref<1x512xf32, #tpu.memory_space<vmem>> -> memref<512xf32, #tpu.memory_space<vmem>>
    %dma_wait3A_760 = arith.constant 0 : i32
    %dma_wait3A_761 = tpu.memref_slice %arg12[%dma_wait3A_755, %dma_wait3A_760] : memref<32x512xi32, #tpu.memory_space<vmem>> -> memref<1x512xi32, #tpu.memory_space<vmem>>
    %dma_wait3A_762 = tpu.memref_squeeze %dma_wait3A_761 : memref<1x512xi32, #tpu.memory_space<vmem>> -> memref<512xi32, #tpu.memory_space<vmem>>
    %dma_wait3A_763 = arith.constant 0 : i32
    %dma_wait3A_764 = tpu.memref_slice %arg5[%dma_wait3A_763] : memref<32000000xf32, #tpu.memory_space<hbm>> -> memref<32000000xf32, #tpu.memory_space<hbm>>
    tpu.wait_indirect_dma semaphore(%arg19 : memref<!tpu.dma_semaphore, #tpu.memory_space<semaphore_mem>>) src(%dma_wait3A_764 : memref<32000000xf32, #tpu.memory_space<hbm>>) dst(%dma_wait3A_759 : memref<512xf32, #tpu.memory_space<vmem>>)
    %dma_wait3A_765 = arith.constant 6 : i32
    %dma_wait3A_766 = arith.constant 6 : i32
    %dma_wait3A_767 = arith.constant 0 : i32
    %dma_wait3A_768 = tpu.memref_slice %arg13[%dma_wait3A_766, %dma_wait3A_767] : memref<32x512xf32, #tpu.memory_space<vmem>> -> memref<1x512xf32, #tpu.memory_space<vmem>>
    %dma_wait3A_769 = tpu.memref_squeeze %dma_wait3A_768 : memref<1x512xf32, #tpu.memory_space<vmem>> -> memref<512xf32, #tpu.memory_space<vmem>>
    %dma_wait3A_770 = arith.constant 0 : i32
    %dma_wait3A_771 = tpu.memref_slice %arg11[%dma_wait3A_765, %dma_wait3A_770] : memref<32x512xi32, #tpu.memory_space<vmem>> -> memref<1x512xi32, #tpu.memory_space<vmem>>
    %dma_wait3A_772 = tpu.memref_squeeze %dma_wait3A_771 : memref<1x512xi32, #tpu.memory_space<vmem>> -> memref<512xi32, #tpu.memory_space<vmem>>
    %dma_wait3A_773 = arith.constant 0 : i32
    %dma_wait3A_774 = tpu.memref_slice %arg4[%dma_wait3A_773] : memref<32000000xf32, #tpu.memory_space<hbm>> -> memref<32000000xf32, #tpu.memory_space<hbm>>
    tpu.wait_indirect_dma semaphore(%arg18 : memref<!tpu.dma_semaphore, #tpu.memory_space<semaphore_mem>>) src(%dma_wait3A_774 : memref<32000000xf32, #tpu.memory_space<hbm>>) dst(%dma_wait3A_769 : memref<512xf32, #tpu.memory_space<vmem>>)
    %dma_wait3A_775 = arith.constant 6 : i32
    %dma_wait3A_776 = arith.constant 6 : i32
    %dma_wait3A_777 = arith.constant 0 : i32
    %dma_wait3A_778 = tpu.memref_slice %arg14[%dma_wait3A_776, %dma_wait3A_777] : memref<32x512xf32, #tpu.memory_space<vmem>> -> memref<1x512xf32, #tpu.memory_space<vmem>>
    %dma_wait3A_779 = tpu.memref_squeeze %dma_wait3A_778 : memref<1x512xf32, #tpu.memory_space<vmem>> -> memref<512xf32, #tpu.memory_space<vmem>>
    %dma_wait3A_780 = arith.constant 0 : i32
    %dma_wait3A_781 = tpu.memref_slice %arg12[%dma_wait3A_775, %dma_wait3A_780] : memref<32x512xi32, #tpu.memory_space<vmem>> -> memref<1x512xi32, #tpu.memory_space<vmem>>
    %dma_wait3A_782 = tpu.memref_squeeze %dma_wait3A_781 : memref<1x512xi32, #tpu.memory_space<vmem>> -> memref<512xi32, #tpu.memory_space<vmem>>
    %dma_wait3A_783 = arith.constant 0 : i32
    %dma_wait3A_784 = tpu.memref_slice %arg5[%dma_wait3A_783] : memref<32000000xf32, #tpu.memory_space<hbm>> -> memref<32000000xf32, #tpu.memory_space<hbm>>
    tpu.wait_indirect_dma semaphore(%arg19 : memref<!tpu.dma_semaphore, #tpu.memory_space<semaphore_mem>>) src(%dma_wait3A_784 : memref<32000000xf32, #tpu.memory_space<hbm>>) dst(%dma_wait3A_779 : memref<512xf32, #tpu.memory_space<vmem>>)
    %dma_wait3A_785 = arith.constant 7 : i32
    %dma_wait3A_786 = arith.constant 7 : i32
    %dma_wait3A_787 = arith.constant 0 : i32
    %dma_wait3A_788 = tpu.memref_slice %arg13[%dma_wait3A_786, %dma_wait3A_787] : memref<32x512xf32, #tpu.memory_space<vmem>> -> memref<1x512xf32, #tpu.memory_space<vmem>>
    %dma_wait3A_789 = tpu.memref_squeeze %dma_wait3A_788 : memref<1x512xf32, #tpu.memory_space<vmem>> -> memref<512xf32, #tpu.memory_space<vmem>>
    %dma_wait3A_790 = arith.constant 0 : i32
    %dma_wait3A_791 = tpu.memref_slice %arg11[%dma_wait3A_785, %dma_wait3A_790] : memref<32x512xi32, #tpu.memory_space<vmem>> -> memref<1x512xi32, #tpu.memory_space<vmem>>
    %dma_wait3A_792 = tpu.memref_squeeze %dma_wait3A_791 : memref<1x512xi32, #tpu.memory_space<vmem>> -> memref<512xi32, #tpu.memory_space<vmem>>
    %dma_wait3A_793 = arith.constant 0 : i32
    %dma_wait3A_794 = tpu.memref_slice %arg4[%dma_wait3A_793] : memref<32000000xf32, #tpu.memory_space<hbm>> -> memref<32000000xf32, #tpu.memory_space<hbm>>
    tpu.wait_indirect_dma semaphore(%arg18 : memref<!tpu.dma_semaphore, #tpu.memory_space<semaphore_mem>>) src(%dma_wait3A_794 : memref<32000000xf32, #tpu.memory_space<hbm>>) dst(%dma_wait3A_789 : memref<512xf32, #tpu.memory_space<vmem>>)
    %dma_wait3A_795 = arith.constant 7 : i32
    %dma_wait3A_796 = arith.constant 7 : i32
    %dma_wait3A_797 = arith.constant 0 : i32
    %dma_wait3A_798 = tpu.memref_slice %arg14[%dma_wait3A_796, %dma_wait3A_797] : memref<32x512xf32, #tpu.memory_space<vmem>> -> memref<1x512xf32, #tpu.memory_space<vmem>>
    %dma_wait3A_799 = tpu.memref_squeeze %dma_wait3A_798 : memref<1x512xf32, #tpu.memory_space<vmem>> -> memref<512xf32, #tpu.memory_space<vmem>>
    %dma_wait3A_800 = arith.constant 0 : i32
    %dma_wait3A_801 = tpu.memref_slice %arg12[%dma_wait3A_795, %dma_wait3A_800] : memref<32x512xi32, #tpu.memory_space<vmem>> -> memref<1x512xi32, #tpu.memory_space<vmem>>
    %dma_wait3A_802 = tpu.memref_squeeze %dma_wait3A_801 : memref<1x512xi32, #tpu.memory_space<vmem>> -> memref<512xi32, #tpu.memory_space<vmem>>
    %dma_wait3A_803 = arith.constant 0 : i32
    %dma_wait3A_804 = tpu.memref_slice %arg5[%dma_wait3A_803] : memref<32000000xf32, #tpu.memory_space<hbm>> -> memref<32000000xf32, #tpu.memory_space<hbm>>
    tpu.wait_indirect_dma semaphore(%arg19 : memref<!tpu.dma_semaphore, #tpu.memory_space<semaphore_mem>>) src(%dma_wait3A_804 : memref<32000000xf32, #tpu.memory_space<hbm>>) dst(%dma_wait3A_799 : memref<512xf32, #tpu.memory_space<vmem>>)
    %dma_wait3A_805 = arith.constant 8 : i32
    %dma_wait3A_806 = arith.constant 8 : i32
    %dma_wait3A_807 = arith.constant 0 : i32
    %dma_wait3A_808 = tpu.memref_slice %arg13[%dma_wait3A_806, %dma_wait3A_807] : memref<32x512xf32, #tpu.memory_space<vmem>> -> memref<1x512xf32, #tpu.memory_space<vmem>>
    %dma_wait3A_809 = tpu.memref_squeeze %dma_wait3A_808 : memref<1x512xf32, #tpu.memory_space<vmem>> -> memref<512xf32, #tpu.memory_space<vmem>>
    %dma_wait3A_810 = arith.constant 0 : i32
    %dma_wait3A_811 = tpu.memref_slice %arg11[%dma_wait3A_805, %dma_wait3A_810] : memref<32x512xi32, #tpu.memory_space<vmem>> -> memref<1x512xi32, #tpu.memory_space<vmem>>
    %dma_wait3A_812 = tpu.memref_squeeze %dma_wait3A_811 : memref<1x512xi32, #tpu.memory_space<vmem>> -> memref<512xi32, #tpu.memory_space<vmem>>
    %dma_wait3A_813 = arith.constant 0 : i32
    %dma_wait3A_814 = tpu.memref_slice %arg4[%dma_wait3A_813] : memref<32000000xf32, #tpu.memory_space<hbm>> -> memref<32000000xf32, #tpu.memory_space<hbm>>
    tpu.wait_indirect_dma semaphore(%arg18 : memref<!tpu.dma_semaphore, #tpu.memory_space<semaphore_mem>>) src(%dma_wait3A_814 : memref<32000000xf32, #tpu.memory_space<hbm>>) dst(%dma_wait3A_809 : memref<512xf32, #tpu.memory_space<vmem>>)
    %dma_wait3A_815 = arith.constant 8 : i32
    %dma_wait3A_816 = arith.constant 8 : i32
    %dma_wait3A_817 = arith.constant 0 : i32
    %dma_wait3A_818 = tpu.memref_slice %arg14[%dma_wait3A_816, %dma_wait3A_817] : memref<32x512xf32, #tpu.memory_space<vmem>> -> memref<1x512xf32, #tpu.memory_space<vmem>>
    %dma_wait3A_819 = tpu.memref_squeeze %dma_wait3A_818 : memref<1x512xf32, #tpu.memory_space<vmem>> -> memref<512xf32, #tpu.memory_space<vmem>>
    %dma_wait3A_820 = arith.constant 0 : i32
    %dma_wait3A_821 = tpu.memref_slice %arg12[%dma_wait3A_815, %dma_wait3A_820] : memref<32x512xi32, #tpu.memory_space<vmem>> -> memref<1x512xi32, #tpu.memory_space<vmem>>
    %dma_wait3A_822 = tpu.memref_squeeze %dma_wait3A_821 : memref<1x512xi32, #tpu.memory_space<vmem>> -> memref<512xi32, #tpu.memory_space<vmem>>
    %dma_wait3A_823 = arith.constant 0 : i32
    %dma_wait3A_824 = tpu.memref_slice %arg5[%dma_wait3A_823] : memref<32000000xf32, #tpu.memory_space<hbm>> -> memref<32000000xf32, #tpu.memory_space<hbm>>
    tpu.wait_indirect_dma semaphore(%arg19 : memref<!tpu.dma_semaphore, #tpu.memory_space<semaphore_mem>>) src(%dma_wait3A_824 : memref<32000000xf32, #tpu.memory_space<hbm>>) dst(%dma_wait3A_819 : memref<512xf32, #tpu.memory_space<vmem>>)
    %dma_wait3A_825 = arith.constant 9 : i32
    %dma_wait3A_826 = arith.constant 9 : i32
    %dma_wait3A_827 = arith.constant 0 : i32
    %dma_wait3A_828 = tpu.memref_slice %arg13[%dma_wait3A_826, %dma_wait3A_827] : memref<32x512xf32, #tpu.memory_space<vmem>> -> memref<1x512xf32, #tpu.memory_space<vmem>>
    %dma_wait3A_829 = tpu.memref_squeeze %dma_wait3A_828 : memref<1x512xf32, #tpu.memory_space<vmem>> -> memref<512xf32, #tpu.memory_space<vmem>>
    %dma_wait3A_830 = arith.constant 0 : i32
    %dma_wait3A_831 = tpu.memref_slice %arg11[%dma_wait3A_825, %dma_wait3A_830] : memref<32x512xi32, #tpu.memory_space<vmem>> -> memref<1x512xi32, #tpu.memory_space<vmem>>
    %dma_wait3A_832 = tpu.memref_squeeze %dma_wait3A_831 : memref<1x512xi32, #tpu.memory_space<vmem>> -> memref<512xi32, #tpu.memory_space<vmem>>
    %dma_wait3A_833 = arith.constant 0 : i32
    %dma_wait3A_834 = tpu.memref_slice %arg4[%dma_wait3A_833] : memref<32000000xf32, #tpu.memory_space<hbm>> -> memref<32000000xf32, #tpu.memory_space<hbm>>
    tpu.wait_indirect_dma semaphore(%arg18 : memref<!tpu.dma_semaphore, #tpu.memory_space<semaphore_mem>>) src(%dma_wait3A_834 : memref<32000000xf32, #tpu.memory_space<hbm>>) dst(%dma_wait3A_829 : memref<512xf32, #tpu.memory_space<vmem>>)
    %dma_wait3A_835 = arith.constant 9 : i32
    %dma_wait3A_836 = arith.constant 9 : i32
    %dma_wait3A_837 = arith.constant 0 : i32
    %dma_wait3A_838 = tpu.memref_slice %arg14[%dma_wait3A_836, %dma_wait3A_837] : memref<32x512xf32, #tpu.memory_space<vmem>> -> memref<1x512xf32, #tpu.memory_space<vmem>>
    %dma_wait3A_839 = tpu.memref_squeeze %dma_wait3A_838 : memref<1x512xf32, #tpu.memory_space<vmem>> -> memref<512xf32, #tpu.memory_space<vmem>>
    %dma_wait3A_840 = arith.constant 0 : i32
    %dma_wait3A_841 = tpu.memref_slice %arg12[%dma_wait3A_835, %dma_wait3A_840] : memref<32x512xi32, #tpu.memory_space<vmem>> -> memref<1x512xi32, #tpu.memory_space<vmem>>
    %dma_wait3A_842 = tpu.memref_squeeze %dma_wait3A_841 : memref<1x512xi32, #tpu.memory_space<vmem>> -> memref<512xi32, #tpu.memory_space<vmem>>
    %dma_wait3A_843 = arith.constant 0 : i32
    %dma_wait3A_844 = tpu.memref_slice %arg5[%dma_wait3A_843] : memref<32000000xf32, #tpu.memory_space<hbm>> -> memref<32000000xf32, #tpu.memory_space<hbm>>
    tpu.wait_indirect_dma semaphore(%arg19 : memref<!tpu.dma_semaphore, #tpu.memory_space<semaphore_mem>>) src(%dma_wait3A_844 : memref<32000000xf32, #tpu.memory_space<hbm>>) dst(%dma_wait3A_839 : memref<512xf32, #tpu.memory_space<vmem>>)
    %dma_wait3A_845 = arith.constant 10 : i32
    %dma_wait3A_846 = arith.constant 10 : i32
    %dma_wait3A_847 = arith.constant 0 : i32
    %dma_wait3A_848 = tpu.memref_slice %arg13[%dma_wait3A_846, %dma_wait3A_847] : memref<32x512xf32, #tpu.memory_space<vmem>> -> memref<1x512xf32, #tpu.memory_space<vmem>>
    %dma_wait3A_849 = tpu.memref_squeeze %dma_wait3A_848 : memref<1x512xf32, #tpu.memory_space<vmem>> -> memref<512xf32, #tpu.memory_space<vmem>>
    %dma_wait3A_850 = arith.constant 0 : i32
    %dma_wait3A_851 = tpu.memref_slice %arg11[%dma_wait3A_845, %dma_wait3A_850] : memref<32x512xi32, #tpu.memory_space<vmem>> -> memref<1x512xi32, #tpu.memory_space<vmem>>
    %dma_wait3A_852 = tpu.memref_squeeze %dma_wait3A_851 : memref<1x512xi32, #tpu.memory_space<vmem>> -> memref<512xi32, #tpu.memory_space<vmem>>
    %dma_wait3A_853 = arith.constant 0 : i32
    %dma_wait3A_854 = tpu.memref_slice %arg4[%dma_wait3A_853] : memref<32000000xf32, #tpu.memory_space<hbm>> -> memref<32000000xf32, #tpu.memory_space<hbm>>
    tpu.wait_indirect_dma semaphore(%arg18 : memref<!tpu.dma_semaphore, #tpu.memory_space<semaphore_mem>>) src(%dma_wait3A_854 : memref<32000000xf32, #tpu.memory_space<hbm>>) dst(%dma_wait3A_849 : memref<512xf32, #tpu.memory_space<vmem>>)
    %dma_wait3A_855 = arith.constant 10 : i32
    %dma_wait3A_856 = arith.constant 10 : i32
    %dma_wait3A_857 = arith.constant 0 : i32
    %dma_wait3A_858 = tpu.memref_slice %arg14[%dma_wait3A_856, %dma_wait3A_857] : memref<32x512xf32, #tpu.memory_space<vmem>> -> memref<1x512xf32, #tpu.memory_space<vmem>>
    %dma_wait3A_859 = tpu.memref_squeeze %dma_wait3A_858 : memref<1x512xf32, #tpu.memory_space<vmem>> -> memref<512xf32, #tpu.memory_space<vmem>>
    %dma_wait3A_860 = arith.constant 0 : i32
    %dma_wait3A_861 = tpu.memref_slice %arg12[%dma_wait3A_855, %dma_wait3A_860] : memref<32x512xi32, #tpu.memory_space<vmem>> -> memref<1x512xi32, #tpu.memory_space<vmem>>
    %dma_wait3A_862 = tpu.memref_squeeze %dma_wait3A_861 : memref<1x512xi32, #tpu.memory_space<vmem>> -> memref<512xi32, #tpu.memory_space<vmem>>
    %dma_wait3A_863 = arith.constant 0 : i32
    %dma_wait3A_864 = tpu.memref_slice %arg5[%dma_wait3A_863] : memref<32000000xf32, #tpu.memory_space<hbm>> -> memref<32000000xf32, #tpu.memory_space<hbm>>
    tpu.wait_indirect_dma semaphore(%arg19 : memref<!tpu.dma_semaphore, #tpu.memory_space<semaphore_mem>>) src(%dma_wait3A_864 : memref<32000000xf32, #tpu.memory_space<hbm>>) dst(%dma_wait3A_859 : memref<512xf32, #tpu.memory_space<vmem>>)
    %dma_wait3A_865 = arith.constant 11 : i32
    %dma_wait3A_866 = arith.constant 11 : i32
    %dma_wait3A_867 = arith.constant 0 : i32
    %dma_wait3A_868 = tpu.memref_slice %arg13[%dma_wait3A_866, %dma_wait3A_867] : memref<32x512xf32, #tpu.memory_space<vmem>> -> memref<1x512xf32, #tpu.memory_space<vmem>>
    %dma_wait3A_869 = tpu.memref_squeeze %dma_wait3A_868 : memref<1x512xf32, #tpu.memory_space<vmem>> -> memref<512xf32, #tpu.memory_space<vmem>>
    %dma_wait3A_870 = arith.constant 0 : i32
    %dma_wait3A_871 = tpu.memref_slice %arg11[%dma_wait3A_865, %dma_wait3A_870] : memref<32x512xi32, #tpu.memory_space<vmem>> -> memref<1x512xi32, #tpu.memory_space<vmem>>
    %dma_wait3A_872 = tpu.memref_squeeze %dma_wait3A_871 : memref<1x512xi32, #tpu.memory_space<vmem>> -> memref<512xi32, #tpu.memory_space<vmem>>
    %dma_wait3A_873 = arith.constant 0 : i32
    %dma_wait3A_874 = tpu.memref_slice %arg4[%dma_wait3A_873] : memref<32000000xf32, #tpu.memory_space<hbm>> -> memref<32000000xf32, #tpu.memory_space<hbm>>
    tpu.wait_indirect_dma semaphore(%arg18 : memref<!tpu.dma_semaphore, #tpu.memory_space<semaphore_mem>>) src(%dma_wait3A_874 : memref<32000000xf32, #tpu.memory_space<hbm>>) dst(%dma_wait3A_869 : memref<512xf32, #tpu.memory_space<vmem>>)
    %dma_wait3A_875 = arith.constant 11 : i32
    %dma_wait3A_876 = arith.constant 11 : i32
    %dma_wait3A_877 = arith.constant 0 : i32
    %dma_wait3A_878 = tpu.memref_slice %arg14[%dma_wait3A_876, %dma_wait3A_877] : memref<32x512xf32, #tpu.memory_space<vmem>> -> memref<1x512xf32, #tpu.memory_space<vmem>>
    %dma_wait3A_879 = tpu.memref_squeeze %dma_wait3A_878 : memref<1x512xf32, #tpu.memory_space<vmem>> -> memref<512xf32, #tpu.memory_space<vmem>>
    %dma_wait3A_880 = arith.constant 0 : i32
    %dma_wait3A_881 = tpu.memref_slice %arg12[%dma_wait3A_875, %dma_wait3A_880] : memref<32x512xi32, #tpu.memory_space<vmem>> -> memref<1x512xi32, #tpu.memory_space<vmem>>
    %dma_wait3A_882 = tpu.memref_squeeze %dma_wait3A_881 : memref<1x512xi32, #tpu.memory_space<vmem>> -> memref<512xi32, #tpu.memory_space<vmem>>
    %dma_wait3A_883 = arith.constant 0 : i32
    %dma_wait3A_884 = tpu.memref_slice %arg5[%dma_wait3A_883] : memref<32000000xf32, #tpu.memory_space<hbm>> -> memref<32000000xf32, #tpu.memory_space<hbm>>
    tpu.wait_indirect_dma semaphore(%arg19 : memref<!tpu.dma_semaphore, #tpu.memory_space<semaphore_mem>>) src(%dma_wait3A_884 : memref<32000000xf32, #tpu.memory_space<hbm>>) dst(%dma_wait3A_879 : memref<512xf32, #tpu.memory_space<vmem>>)
    %dma_wait3A_885 = arith.constant 12 : i32
    %dma_wait3A_886 = arith.constant 12 : i32
    %dma_wait3A_887 = arith.constant 0 : i32
    %dma_wait3A_888 = tpu.memref_slice %arg13[%dma_wait3A_886, %dma_wait3A_887] : memref<32x512xf32, #tpu.memory_space<vmem>> -> memref<1x512xf32, #tpu.memory_space<vmem>>
    %dma_wait3A_889 = tpu.memref_squeeze %dma_wait3A_888 : memref<1x512xf32, #tpu.memory_space<vmem>> -> memref<512xf32, #tpu.memory_space<vmem>>
    %dma_wait3A_890 = arith.constant 0 : i32
    %dma_wait3A_891 = tpu.memref_slice %arg11[%dma_wait3A_885, %dma_wait3A_890] : memref<32x512xi32, #tpu.memory_space<vmem>> -> memref<1x512xi32, #tpu.memory_space<vmem>>
    %dma_wait3A_892 = tpu.memref_squeeze %dma_wait3A_891 : memref<1x512xi32, #tpu.memory_space<vmem>> -> memref<512xi32, #tpu.memory_space<vmem>>
    %dma_wait3A_893 = arith.constant 0 : i32
    %dma_wait3A_894 = tpu.memref_slice %arg4[%dma_wait3A_893] : memref<32000000xf32, #tpu.memory_space<hbm>> -> memref<32000000xf32, #tpu.memory_space<hbm>>
    tpu.wait_indirect_dma semaphore(%arg18 : memref<!tpu.dma_semaphore, #tpu.memory_space<semaphore_mem>>) src(%dma_wait3A_894 : memref<32000000xf32, #tpu.memory_space<hbm>>) dst(%dma_wait3A_889 : memref<512xf32, #tpu.memory_space<vmem>>)
    %dma_wait3A_895 = arith.constant 12 : i32
    %dma_wait3A_896 = arith.constant 12 : i32
    %dma_wait3A_897 = arith.constant 0 : i32
    %dma_wait3A_898 = tpu.memref_slice %arg14[%dma_wait3A_896, %dma_wait3A_897] : memref<32x512xf32, #tpu.memory_space<vmem>> -> memref<1x512xf32, #tpu.memory_space<vmem>>
    %dma_wait3A_899 = tpu.memref_squeeze %dma_wait3A_898 : memref<1x512xf32, #tpu.memory_space<vmem>> -> memref<512xf32, #tpu.memory_space<vmem>>
    %dma_wait3A_900 = arith.constant 0 : i32
    %dma_wait3A_901 = tpu.memref_slice %arg12[%dma_wait3A_895, %dma_wait3A_900] : memref<32x512xi32, #tpu.memory_space<vmem>> -> memref<1x512xi32, #tpu.memory_space<vmem>>
    %dma_wait3A_902 = tpu.memref_squeeze %dma_wait3A_901 : memref<1x512xi32, #tpu.memory_space<vmem>> -> memref<512xi32, #tpu.memory_space<vmem>>
    %dma_wait3A_903 = arith.constant 0 : i32
    %dma_wait3A_904 = tpu.memref_slice %arg5[%dma_wait3A_903] : memref<32000000xf32, #tpu.memory_space<hbm>> -> memref<32000000xf32, #tpu.memory_space<hbm>>
    tpu.wait_indirect_dma semaphore(%arg19 : memref<!tpu.dma_semaphore, #tpu.memory_space<semaphore_mem>>) src(%dma_wait3A_904 : memref<32000000xf32, #tpu.memory_space<hbm>>) dst(%dma_wait3A_899 : memref<512xf32, #tpu.memory_space<vmem>>)
    %dma_wait3A_905 = arith.constant 13 : i32
    %dma_wait3A_906 = arith.constant 13 : i32
    %dma_wait3A_907 = arith.constant 0 : i32
    %dma_wait3A_908 = tpu.memref_slice %arg13[%dma_wait3A_906, %dma_wait3A_907] : memref<32x512xf32, #tpu.memory_space<vmem>> -> memref<1x512xf32, #tpu.memory_space<vmem>>
    %dma_wait3A_909 = tpu.memref_squeeze %dma_wait3A_908 : memref<1x512xf32, #tpu.memory_space<vmem>> -> memref<512xf32, #tpu.memory_space<vmem>>
    %dma_wait3A_910 = arith.constant 0 : i32
    %dma_wait3A_911 = tpu.memref_slice %arg11[%dma_wait3A_905, %dma_wait3A_910] : memref<32x512xi32, #tpu.memory_space<vmem>> -> memref<1x512xi32, #tpu.memory_space<vmem>>
    %dma_wait3A_912 = tpu.memref_squeeze %dma_wait3A_911 : memref<1x512xi32, #tpu.memory_space<vmem>> -> memref<512xi32, #tpu.memory_space<vmem>>
    %dma_wait3A_913 = arith.constant 0 : i32
    %dma_wait3A_914 = tpu.memref_slice %arg4[%dma_wait3A_913] : memref<32000000xf32, #tpu.memory_space<hbm>> -> memref<32000000xf32, #tpu.memory_space<hbm>>
    tpu.wait_indirect_dma semaphore(%arg18 : memref<!tpu.dma_semaphore, #tpu.memory_space<semaphore_mem>>) src(%dma_wait3A_914 : memref<32000000xf32, #tpu.memory_space<hbm>>) dst(%dma_wait3A_909 : memref<512xf32, #tpu.memory_space<vmem>>)
    %dma_wait3A_915 = arith.constant 13 : i32
    %dma_wait3A_916 = arith.constant 13 : i32
    %dma_wait3A_917 = arith.constant 0 : i32
    %dma_wait3A_918 = tpu.memref_slice %arg14[%dma_wait3A_916, %dma_wait3A_917] : memref<32x512xf32, #tpu.memory_space<vmem>> -> memref<1x512xf32, #tpu.memory_space<vmem>>
    %dma_wait3A_919 = tpu.memref_squeeze %dma_wait3A_918 : memref<1x512xf32, #tpu.memory_space<vmem>> -> memref<512xf32, #tpu.memory_space<vmem>>
    %dma_wait3A_920 = arith.constant 0 : i32
    %dma_wait3A_921 = tpu.memref_slice %arg12[%dma_wait3A_915, %dma_wait3A_920] : memref<32x512xi32, #tpu.memory_space<vmem>> -> memref<1x512xi32, #tpu.memory_space<vmem>>
    %dma_wait3A_922 = tpu.memref_squeeze %dma_wait3A_921 : memref<1x512xi32, #tpu.memory_space<vmem>> -> memref<512xi32, #tpu.memory_space<vmem>>
    %dma_wait3A_923 = arith.constant 0 : i32
    %dma_wait3A_924 = tpu.memref_slice %arg5[%dma_wait3A_923] : memref<32000000xf32, #tpu.memory_space<hbm>> -> memref<32000000xf32, #tpu.memory_space<hbm>>
    tpu.wait_indirect_dma semaphore(%arg19 : memref<!tpu.dma_semaphore, #tpu.memory_space<semaphore_mem>>) src(%dma_wait3A_924 : memref<32000000xf32, #tpu.memory_space<hbm>>) dst(%dma_wait3A_919 : memref<512xf32, #tpu.memory_space<vmem>>)
    %dma_wait3A_925 = arith.constant 14 : i32
    %dma_wait3A_926 = arith.constant 14 : i32
    %dma_wait3A_927 = arith.constant 0 : i32
    %dma_wait3A_928 = tpu.memref_slice %arg13[%dma_wait3A_926, %dma_wait3A_927] : memref<32x512xf32, #tpu.memory_space<vmem>> -> memref<1x512xf32, #tpu.memory_space<vmem>>
    %dma_wait3A_929 = tpu.memref_squeeze %dma_wait3A_928 : memref<1x512xf32, #tpu.memory_space<vmem>> -> memref<512xf32, #tpu.memory_space<vmem>>
    %dma_wait3A_930 = arith.constant 0 : i32
    %dma_wait3A_931 = tpu.memref_slice %arg11[%dma_wait3A_925, %dma_wait3A_930] : memref<32x512xi32, #tpu.memory_space<vmem>> -> memref<1x512xi32, #tpu.memory_space<vmem>>
    %dma_wait3A_932 = tpu.memref_squeeze %dma_wait3A_931 : memref<1x512xi32, #tpu.memory_space<vmem>> -> memref<512xi32, #tpu.memory_space<vmem>>
    %dma_wait3A_933 = arith.constant 0 : i32
    %dma_wait3A_934 = tpu.memref_slice %arg4[%dma_wait3A_933] : memref<32000000xf32, #tpu.memory_space<hbm>> -> memref<32000000xf32, #tpu.memory_space<hbm>>
    tpu.wait_indirect_dma semaphore(%arg18 : memref<!tpu.dma_semaphore, #tpu.memory_space<semaphore_mem>>) src(%dma_wait3A_934 : memref<32000000xf32, #tpu.memory_space<hbm>>) dst(%dma_wait3A_929 : memref<512xf32, #tpu.memory_space<vmem>>)
    %dma_wait3A_935 = arith.constant 14 : i32
    %dma_wait3A_936 = arith.constant 14 : i32
    %dma_wait3A_937 = arith.constant 0 : i32
    %dma_wait3A_938 = tpu.memref_slice %arg14[%dma_wait3A_936, %dma_wait3A_937] : memref<32x512xf32, #tpu.memory_space<vmem>> -> memref<1x512xf32, #tpu.memory_space<vmem>>
    %dma_wait3A_939 = tpu.memref_squeeze %dma_wait3A_938 : memref<1x512xf32, #tpu.memory_space<vmem>> -> memref<512xf32, #tpu.memory_space<vmem>>
    %dma_wait3A_940 = arith.constant 0 : i32
    %dma_wait3A_941 = tpu.memref_slice %arg12[%dma_wait3A_935, %dma_wait3A_940] : memref<32x512xi32, #tpu.memory_space<vmem>> -> memref<1x512xi32, #tpu.memory_space<vmem>>
    %dma_wait3A_942 = tpu.memref_squeeze %dma_wait3A_941 : memref<1x512xi32, #tpu.memory_space<vmem>> -> memref<512xi32, #tpu.memory_space<vmem>>
    %dma_wait3A_943 = arith.constant 0 : i32
    %dma_wait3A_944 = tpu.memref_slice %arg5[%dma_wait3A_943] : memref<32000000xf32, #tpu.memory_space<hbm>> -> memref<32000000xf32, #tpu.memory_space<hbm>>
    tpu.wait_indirect_dma semaphore(%arg19 : memref<!tpu.dma_semaphore, #tpu.memory_space<semaphore_mem>>) src(%dma_wait3A_944 : memref<32000000xf32, #tpu.memory_space<hbm>>) dst(%dma_wait3A_939 : memref<512xf32, #tpu.memory_space<vmem>>)
    %dma_wait3A_945 = arith.constant 15 : i32
    %dma_wait3A_946 = arith.constant 15 : i32
    %dma_wait3A_947 = arith.constant 0 : i32
    %dma_wait3A_948 = tpu.memref_slice %arg13[%dma_wait3A_946, %dma_wait3A_947] : memref<32x512xf32, #tpu.memory_space<vmem>> -> memref<1x512xf32, #tpu.memory_space<vmem>>
    %dma_wait3A_949 = tpu.memref_squeeze %dma_wait3A_948 : memref<1x512xf32, #tpu.memory_space<vmem>> -> memref<512xf32, #tpu.memory_space<vmem>>
    %dma_wait3A_950 = arith.constant 0 : i32
    %dma_wait3A_951 = tpu.memref_slice %arg11[%dma_wait3A_945, %dma_wait3A_950] : memref<32x512xi32, #tpu.memory_space<vmem>> -> memref<1x512xi32, #tpu.memory_space<vmem>>
    %dma_wait3A_952 = tpu.memref_squeeze %dma_wait3A_951 : memref<1x512xi32, #tpu.memory_space<vmem>> -> memref<512xi32, #tpu.memory_space<vmem>>
    %dma_wait3A_953 = arith.constant 0 : i32
    %dma_wait3A_954 = tpu.memref_slice %arg4[%dma_wait3A_953] : memref<32000000xf32, #tpu.memory_space<hbm>> -> memref<32000000xf32, #tpu.memory_space<hbm>>
    tpu.wait_indirect_dma semaphore(%arg18 : memref<!tpu.dma_semaphore, #tpu.memory_space<semaphore_mem>>) src(%dma_wait3A_954 : memref<32000000xf32, #tpu.memory_space<hbm>>) dst(%dma_wait3A_949 : memref<512xf32, #tpu.memory_space<vmem>>)
    %dma_wait3A_955 = arith.constant 15 : i32
    %dma_wait3A_956 = arith.constant 15 : i32
    %dma_wait3A_957 = arith.constant 0 : i32
    %dma_wait3A_958 = tpu.memref_slice %arg14[%dma_wait3A_956, %dma_wait3A_957] : memref<32x512xf32, #tpu.memory_space<vmem>> -> memref<1x512xf32, #tpu.memory_space<vmem>>
    %dma_wait3A_959 = tpu.memref_squeeze %dma_wait3A_958 : memref<1x512xf32, #tpu.memory_space<vmem>> -> memref<512xf32, #tpu.memory_space<vmem>>
    %dma_wait3A_960 = arith.constant 0 : i32
    %dma_wait3A_961 = tpu.memref_slice %arg12[%dma_wait3A_955, %dma_wait3A_960] : memref<32x512xi32, #tpu.memory_space<vmem>> -> memref<1x512xi32, #tpu.memory_space<vmem>>
    %dma_wait3A_962 = tpu.memref_squeeze %dma_wait3A_961 : memref<1x512xi32, #tpu.memory_space<vmem>> -> memref<512xi32, #tpu.memory_space<vmem>>
    %dma_wait3A_963 = arith.constant 0 : i32
    %dma_wait3A_964 = tpu.memref_slice %arg5[%dma_wait3A_963] : memref<32000000xf32, #tpu.memory_space<hbm>> -> memref<32000000xf32, #tpu.memory_space<hbm>>
    tpu.wait_indirect_dma semaphore(%arg19 : memref<!tpu.dma_semaphore, #tpu.memory_space<semaphore_mem>>) src(%dma_wait3A_964 : memref<32000000xf32, #tpu.memory_space<hbm>>) dst(%dma_wait3A_959 : memref<512xf32, #tpu.memory_space<vmem>>)
    %dma_wait3A_965 = arith.constant 16 : i32
    %dma_wait3A_966 = arith.constant 16 : i32
    %dma_wait3A_967 = arith.constant 0 : i32
    %dma_wait3A_968 = tpu.memref_slice %arg13[%dma_wait3A_966, %dma_wait3A_967] : memref<32x512xf32, #tpu.memory_space<vmem>> -> memref<1x512xf32, #tpu.memory_space<vmem>>
    %dma_wait3A_969 = tpu.memref_squeeze %dma_wait3A_968 : memref<1x512xf32, #tpu.memory_space<vmem>> -> memref<512xf32, #tpu.memory_space<vmem>>
    %dma_wait3A_970 = arith.constant 0 : i32
    %dma_wait3A_971 = tpu.memref_slice %arg11[%dma_wait3A_965, %dma_wait3A_970] : memref<32x512xi32, #tpu.memory_space<vmem>> -> memref<1x512xi32, #tpu.memory_space<vmem>>
    %dma_wait3A_972 = tpu.memref_squeeze %dma_wait3A_971 : memref<1x512xi32, #tpu.memory_space<vmem>> -> memref<512xi32, #tpu.memory_space<vmem>>
    %dma_wait3A_973 = arith.constant 0 : i32
    %dma_wait3A_974 = tpu.memref_slice %arg4[%dma_wait3A_973] : memref<32000000xf32, #tpu.memory_space<hbm>> -> memref<32000000xf32, #tpu.memory_space<hbm>>
    tpu.wait_indirect_dma semaphore(%arg18 : memref<!tpu.dma_semaphore, #tpu.memory_space<semaphore_mem>>) src(%dma_wait3A_974 : memref<32000000xf32, #tpu.memory_space<hbm>>) dst(%dma_wait3A_969 : memref<512xf32, #tpu.memory_space<vmem>>)
    %dma_wait3A_975 = arith.constant 16 : i32
    %dma_wait3A_976 = arith.constant 16 : i32
    %dma_wait3A_977 = arith.constant 0 : i32
    %dma_wait3A_978 = tpu.memref_slice %arg14[%dma_wait3A_976, %dma_wait3A_977] : memref<32x512xf32, #tpu.memory_space<vmem>> -> memref<1x512xf32, #tpu.memory_space<vmem>>
    %dma_wait3A_979 = tpu.memref_squeeze %dma_wait3A_978 : memref<1x512xf32, #tpu.memory_space<vmem>> -> memref<512xf32, #tpu.memory_space<vmem>>
    %dma_wait3A_980 = arith.constant 0 : i32
    %dma_wait3A_981 = tpu.memref_slice %arg12[%dma_wait3A_975, %dma_wait3A_980] : memref<32x512xi32, #tpu.memory_space<vmem>> -> memref<1x512xi32, #tpu.memory_space<vmem>>
    %dma_wait3A_982 = tpu.memref_squeeze %dma_wait3A_981 : memref<1x512xi32, #tpu.memory_space<vmem>> -> memref<512xi32, #tpu.memory_space<vmem>>
    %dma_wait3A_983 = arith.constant 0 : i32
    %dma_wait3A_984 = tpu.memref_slice %arg5[%dma_wait3A_983] : memref<32000000xf32, #tpu.memory_space<hbm>> -> memref<32000000xf32, #tpu.memory_space<hbm>>
    tpu.wait_indirect_dma semaphore(%arg19 : memref<!tpu.dma_semaphore, #tpu.memory_space<semaphore_mem>>) src(%dma_wait3A_984 : memref<32000000xf32, #tpu.memory_space<hbm>>) dst(%dma_wait3A_979 : memref<512xf32, #tpu.memory_space<vmem>>)
    %dma_wait3A_985 = arith.constant 17 : i32
    %dma_wait3A_986 = arith.constant 17 : i32
    %dma_wait3A_987 = arith.constant 0 : i32
    %dma_wait3A_988 = tpu.memref_slice %arg13[%dma_wait3A_986, %dma_wait3A_987] : memref<32x512xf32, #tpu.memory_space<vmem>> -> memref<1x512xf32, #tpu.memory_space<vmem>>
    %dma_wait3A_989 = tpu.memref_squeeze %dma_wait3A_988 : memref<1x512xf32, #tpu.memory_space<vmem>> -> memref<512xf32, #tpu.memory_space<vmem>>
    %dma_wait3A_990 = arith.constant 0 : i32
    %dma_wait3A_991 = tpu.memref_slice %arg11[%dma_wait3A_985, %dma_wait3A_990] : memref<32x512xi32, #tpu.memory_space<vmem>> -> memref<1x512xi32, #tpu.memory_space<vmem>>
    %dma_wait3A_992 = tpu.memref_squeeze %dma_wait3A_991 : memref<1x512xi32, #tpu.memory_space<vmem>> -> memref<512xi32, #tpu.memory_space<vmem>>
    %dma_wait3A_993 = arith.constant 0 : i32
    %dma_wait3A_994 = tpu.memref_slice %arg4[%dma_wait3A_993] : memref<32000000xf32, #tpu.memory_space<hbm>> -> memref<32000000xf32, #tpu.memory_space<hbm>>
    tpu.wait_indirect_dma semaphore(%arg18 : memref<!tpu.dma_semaphore, #tpu.memory_space<semaphore_mem>>) src(%dma_wait3A_994 : memref<32000000xf32, #tpu.memory_space<hbm>>) dst(%dma_wait3A_989 : memref<512xf32, #tpu.memory_space<vmem>>)
    %dma_wait3A_995 = arith.constant 17 : i32
    %dma_wait3A_996 = arith.constant 17 : i32
    %dma_wait3A_997 = arith.constant 0 : i32
    %dma_wait3A_998 = tpu.memref_slice %arg14[%dma_wait3A_996, %dma_wait3A_997] : memref<32x512xf32, #tpu.memory_space<vmem>> -> memref<1x512xf32, #tpu.memory_space<vmem>>
    %dma_wait3A_999 = tpu.memref_squeeze %dma_wait3A_998 : memref<1x512xf32, #tpu.memory_space<vmem>> -> memref<512xf32, #tpu.memory_space<vmem>>
    %dma_wait3A_1000 = arith.constant 0 : i32
    %dma_wait3A_1001 = tpu.memref_slice %arg12[%dma_wait3A_995, %dma_wait3A_1000] : memref<32x512xi32, #tpu.memory_space<vmem>> -> memref<1x512xi32, #tpu.memory_space<vmem>>
    %dma_wait3A_1002 = tpu.memref_squeeze %dma_wait3A_1001 : memref<1x512xi32, #tpu.memory_space<vmem>> -> memref<512xi32, #tpu.memory_space<vmem>>
    %dma_wait3A_1003 = arith.constant 0 : i32
    %dma_wait3A_1004 = tpu.memref_slice %arg5[%dma_wait3A_1003] : memref<32000000xf32, #tpu.memory_space<hbm>> -> memref<32000000xf32, #tpu.memory_space<hbm>>
    tpu.wait_indirect_dma semaphore(%arg19 : memref<!tpu.dma_semaphore, #tpu.memory_space<semaphore_mem>>) src(%dma_wait3A_1004 : memref<32000000xf32, #tpu.memory_space<hbm>>) dst(%dma_wait3A_999 : memref<512xf32, #tpu.memory_space<vmem>>)
    %dma_wait3A_1005 = arith.constant 18 : i32
    %dma_wait3A_1006 = arith.constant 18 : i32
    %dma_wait3A_1007 = arith.constant 0 : i32
    %dma_wait3A_1008 = tpu.memref_slice %arg13[%dma_wait3A_1006, %dma_wait3A_1007] : memref<32x512xf32, #tpu.memory_space<vmem>> -> memref<1x512xf32, #tpu.memory_space<vmem>>
    %dma_wait3A_1009 = tpu.memref_squeeze %dma_wait3A_1008 : memref<1x512xf32, #tpu.memory_space<vmem>> -> memref<512xf32, #tpu.memory_space<vmem>>
    %dma_wait3A_1010 = arith.constant 0 : i32
    %dma_wait3A_1011 = tpu.memref_slice %arg11[%dma_wait3A_1005, %dma_wait3A_1010] : memref<32x512xi32, #tpu.memory_space<vmem>> -> memref<1x512xi32, #tpu.memory_space<vmem>>
    %dma_wait3A_1012 = tpu.memref_squeeze %dma_wait3A_1011 : memref<1x512xi32, #tpu.memory_space<vmem>> -> memref<512xi32, #tpu.memory_space<vmem>>
    %dma_wait3A_1013 = arith.constant 0 : i32
    %dma_wait3A_1014 = tpu.memref_slice %arg4[%dma_wait3A_1013] : memref<32000000xf32, #tpu.memory_space<hbm>> -> memref<32000000xf32, #tpu.memory_space<hbm>>
    tpu.wait_indirect_dma semaphore(%arg18 : memref<!tpu.dma_semaphore, #tpu.memory_space<semaphore_mem>>) src(%dma_wait3A_1014 : memref<32000000xf32, #tpu.memory_space<hbm>>) dst(%dma_wait3A_1009 : memref<512xf32, #tpu.memory_space<vmem>>)
    %dma_wait3A_1015 = arith.constant 18 : i32
    %dma_wait3A_1016 = arith.constant 18 : i32
    %dma_wait3A_1017 = arith.constant 0 : i32
    %dma_wait3A_1018 = tpu.memref_slice %arg14[%dma_wait3A_1016, %dma_wait3A_1017] : memref<32x512xf32, #tpu.memory_space<vmem>> -> memref<1x512xf32, #tpu.memory_space<vmem>>
    %dma_wait3A_1019 = tpu.memref_squeeze %dma_wait3A_1018 : memref<1x512xf32, #tpu.memory_space<vmem>> -> memref<512xf32, #tpu.memory_space<vmem>>
    %dma_wait3A_1020 = arith.constant 0 : i32
    %dma_wait3A_1021 = tpu.memref_slice %arg12[%dma_wait3A_1015, %dma_wait3A_1020] : memref<32x512xi32, #tpu.memory_space<vmem>> -> memref<1x512xi32, #tpu.memory_space<vmem>>
    %dma_wait3A_1022 = tpu.memref_squeeze %dma_wait3A_1021 : memref<1x512xi32, #tpu.memory_space<vmem>> -> memref<512xi32, #tpu.memory_space<vmem>>
    %dma_wait3A_1023 = arith.constant 0 : i32
    %dma_wait3A_1024 = tpu.memref_slice %arg5[%dma_wait3A_1023] : memref<32000000xf32, #tpu.memory_space<hbm>> -> memref<32000000xf32, #tpu.memory_space<hbm>>
    tpu.wait_indirect_dma semaphore(%arg19 : memref<!tpu.dma_semaphore, #tpu.memory_space<semaphore_mem>>) src(%dma_wait3A_1024 : memref<32000000xf32, #tpu.memory_space<hbm>>) dst(%dma_wait3A_1019 : memref<512xf32, #tpu.memory_space<vmem>>)
    %dma_wait3A_1025 = arith.constant 19 : i32
    %dma_wait3A_1026 = arith.constant 19 : i32
    %dma_wait3A_1027 = arith.constant 0 : i32
    %dma_wait3A_1028 = tpu.memref_slice %arg13[%dma_wait3A_1026, %dma_wait3A_1027] : memref<32x512xf32, #tpu.memory_space<vmem>> -> memref<1x512xf32, #tpu.memory_space<vmem>>
    %dma_wait3A_1029 = tpu.memref_squeeze %dma_wait3A_1028 : memref<1x512xf32, #tpu.memory_space<vmem>> -> memref<512xf32, #tpu.memory_space<vmem>>
    %dma_wait3A_1030 = arith.constant 0 : i32
    %dma_wait3A_1031 = tpu.memref_slice %arg11[%dma_wait3A_1025, %dma_wait3A_1030] : memref<32x512xi32, #tpu.memory_space<vmem>> -> memref<1x512xi32, #tpu.memory_space<vmem>>
    %dma_wait3A_1032 = tpu.memref_squeeze %dma_wait3A_1031 : memref<1x512xi32, #tpu.memory_space<vmem>> -> memref<512xi32, #tpu.memory_space<vmem>>
    %dma_wait3A_1033 = arith.constant 0 : i32
    %dma_wait3A_1034 = tpu.memref_slice %arg4[%dma_wait3A_1033] : memref<32000000xf32, #tpu.memory_space<hbm>> -> memref<32000000xf32, #tpu.memory_space<hbm>>
    tpu.wait_indirect_dma semaphore(%arg18 : memref<!tpu.dma_semaphore, #tpu.memory_space<semaphore_mem>>) src(%dma_wait3A_1034 : memref<32000000xf32, #tpu.memory_space<hbm>>) dst(%dma_wait3A_1029 : memref<512xf32, #tpu.memory_space<vmem>>)
    %dma_wait3A_1035 = arith.constant 19 : i32
    %dma_wait3A_1036 = arith.constant 19 : i32
    %dma_wait3A_1037 = arith.constant 0 : i32
    %dma_wait3A_1038 = tpu.memref_slice %arg14[%dma_wait3A_1036, %dma_wait3A_1037] : memref<32x512xf32, #tpu.memory_space<vmem>> -> memref<1x512xf32, #tpu.memory_space<vmem>>
    %dma_wait3A_1039 = tpu.memref_squeeze %dma_wait3A_1038 : memref<1x512xf32, #tpu.memory_space<vmem>> -> memref<512xf32, #tpu.memory_space<vmem>>
    %dma_wait3A_1040 = arith.constant 0 : i32
    %dma_wait3A_1041 = tpu.memref_slice %arg12[%dma_wait3A_1035, %dma_wait3A_1040] : memref<32x512xi32, #tpu.memory_space<vmem>> -> memref<1x512xi32, #tpu.memory_space<vmem>>
    %dma_wait3A_1042 = tpu.memref_squeeze %dma_wait3A_1041 : memref<1x512xi32, #tpu.memory_space<vmem>> -> memref<512xi32, #tpu.memory_space<vmem>>
    %dma_wait3A_1043 = arith.constant 0 : i32
    %dma_wait3A_1044 = tpu.memref_slice %arg5[%dma_wait3A_1043] : memref<32000000xf32, #tpu.memory_space<hbm>> -> memref<32000000xf32, #tpu.memory_space<hbm>>
    tpu.wait_indirect_dma semaphore(%arg19 : memref<!tpu.dma_semaphore, #tpu.memory_space<semaphore_mem>>) src(%dma_wait3A_1044 : memref<32000000xf32, #tpu.memory_space<hbm>>) dst(%dma_wait3A_1039 : memref<512xf32, #tpu.memory_space<vmem>>)
    %dma_wait3A_1045 = arith.constant 20 : i32
    %dma_wait3A_1046 = arith.constant 20 : i32
    %dma_wait3A_1047 = arith.constant 0 : i32
    %dma_wait3A_1048 = tpu.memref_slice %arg13[%dma_wait3A_1046, %dma_wait3A_1047] : memref<32x512xf32, #tpu.memory_space<vmem>> -> memref<1x512xf32, #tpu.memory_space<vmem>>
    %dma_wait3A_1049 = tpu.memref_squeeze %dma_wait3A_1048 : memref<1x512xf32, #tpu.memory_space<vmem>> -> memref<512xf32, #tpu.memory_space<vmem>>
    %dma_wait3A_1050 = arith.constant 0 : i32
    %dma_wait3A_1051 = tpu.memref_slice %arg11[%dma_wait3A_1045, %dma_wait3A_1050] : memref<32x512xi32, #tpu.memory_space<vmem>> -> memref<1x512xi32, #tpu.memory_space<vmem>>
    %dma_wait3A_1052 = tpu.memref_squeeze %dma_wait3A_1051 : memref<1x512xi32, #tpu.memory_space<vmem>> -> memref<512xi32, #tpu.memory_space<vmem>>
    %dma_wait3A_1053 = arith.constant 0 : i32
    %dma_wait3A_1054 = tpu.memref_slice %arg4[%dma_wait3A_1053] : memref<32000000xf32, #tpu.memory_space<hbm>> -> memref<32000000xf32, #tpu.memory_space<hbm>>
    tpu.wait_indirect_dma semaphore(%arg18 : memref<!tpu.dma_semaphore, #tpu.memory_space<semaphore_mem>>) src(%dma_wait3A_1054 : memref<32000000xf32, #tpu.memory_space<hbm>>) dst(%dma_wait3A_1049 : memref<512xf32, #tpu.memory_space<vmem>>)
    %dma_wait3A_1055 = arith.constant 20 : i32
    %dma_wait3A_1056 = arith.constant 20 : i32
    %dma_wait3A_1057 = arith.constant 0 : i32
    %dma_wait3A_1058 = tpu.memref_slice %arg14[%dma_wait3A_1056, %dma_wait3A_1057] : memref<32x512xf32, #tpu.memory_space<vmem>> -> memref<1x512xf32, #tpu.memory_space<vmem>>
    %dma_wait3A_1059 = tpu.memref_squeeze %dma_wait3A_1058 : memref<1x512xf32, #tpu.memory_space<vmem>> -> memref<512xf32, #tpu.memory_space<vmem>>
    %dma_wait3A_1060 = arith.constant 0 : i32
    %dma_wait3A_1061 = tpu.memref_slice %arg12[%dma_wait3A_1055, %dma_wait3A_1060] : memref<32x512xi32, #tpu.memory_space<vmem>> -> memref<1x512xi32, #tpu.memory_space<vmem>>
    %dma_wait3A_1062 = tpu.memref_squeeze %dma_wait3A_1061 : memref<1x512xi32, #tpu.memory_space<vmem>> -> memref<512xi32, #tpu.memory_space<vmem>>
    %dma_wait3A_1063 = arith.constant 0 : i32
    %dma_wait3A_1064 = tpu.memref_slice %arg5[%dma_wait3A_1063] : memref<32000000xf32, #tpu.memory_space<hbm>> -> memref<32000000xf32, #tpu.memory_space<hbm>>
    tpu.wait_indirect_dma semaphore(%arg19 : memref<!tpu.dma_semaphore, #tpu.memory_space<semaphore_mem>>) src(%dma_wait3A_1064 : memref<32000000xf32, #tpu.memory_space<hbm>>) dst(%dma_wait3A_1059 : memref<512xf32, #tpu.memory_space<vmem>>)
    %dma_wait3A_1065 = arith.constant 21 : i32
    %dma_wait3A_1066 = arith.constant 21 : i32
    %dma_wait3A_1067 = arith.constant 0 : i32
    %dma_wait3A_1068 = tpu.memref_slice %arg13[%dma_wait3A_1066, %dma_wait3A_1067] : memref<32x512xf32, #tpu.memory_space<vmem>> -> memref<1x512xf32, #tpu.memory_space<vmem>>
    %dma_wait3A_1069 = tpu.memref_squeeze %dma_wait3A_1068 : memref<1x512xf32, #tpu.memory_space<vmem>> -> memref<512xf32, #tpu.memory_space<vmem>>
    %dma_wait3A_1070 = arith.constant 0 : i32
    %dma_wait3A_1071 = tpu.memref_slice %arg11[%dma_wait3A_1065, %dma_wait3A_1070] : memref<32x512xi32, #tpu.memory_space<vmem>> -> memref<1x512xi32, #tpu.memory_space<vmem>>
    %dma_wait3A_1072 = tpu.memref_squeeze %dma_wait3A_1071 : memref<1x512xi32, #tpu.memory_space<vmem>> -> memref<512xi32, #tpu.memory_space<vmem>>
    %dma_wait3A_1073 = arith.constant 0 : i32
    %dma_wait3A_1074 = tpu.memref_slice %arg4[%dma_wait3A_1073] : memref<32000000xf32, #tpu.memory_space<hbm>> -> memref<32000000xf32, #tpu.memory_space<hbm>>
    tpu.wait_indirect_dma semaphore(%arg18 : memref<!tpu.dma_semaphore, #tpu.memory_space<semaphore_mem>>) src(%dma_wait3A_1074 : memref<32000000xf32, #tpu.memory_space<hbm>>) dst(%dma_wait3A_1069 : memref<512xf32, #tpu.memory_space<vmem>>)
    %dma_wait3A_1075 = arith.constant 21 : i32
    %dma_wait3A_1076 = arith.constant 21 : i32
    %dma_wait3A_1077 = arith.constant 0 : i32
    %dma_wait3A_1078 = tpu.memref_slice %arg14[%dma_wait3A_1076, %dma_wait3A_1077] : memref<32x512xf32, #tpu.memory_space<vmem>> -> memref<1x512xf32, #tpu.memory_space<vmem>>
    %dma_wait3A_1079 = tpu.memref_squeeze %dma_wait3A_1078 : memref<1x512xf32, #tpu.memory_space<vmem>> -> memref<512xf32, #tpu.memory_space<vmem>>
    %dma_wait3A_1080 = arith.constant 0 : i32
    %dma_wait3A_1081 = tpu.memref_slice %arg12[%dma_wait3A_1075, %dma_wait3A_1080] : memref<32x512xi32, #tpu.memory_space<vmem>> -> memref<1x512xi32, #tpu.memory_space<vmem>>
    %dma_wait3A_1082 = tpu.memref_squeeze %dma_wait3A_1081 : memref<1x512xi32, #tpu.memory_space<vmem>> -> memref<512xi32, #tpu.memory_space<vmem>>
    %dma_wait3A_1083 = arith.constant 0 : i32
    %dma_wait3A_1084 = tpu.memref_slice %arg5[%dma_wait3A_1083] : memref<32000000xf32, #tpu.memory_space<hbm>> -> memref<32000000xf32, #tpu.memory_space<hbm>>
    tpu.wait_indirect_dma semaphore(%arg19 : memref<!tpu.dma_semaphore, #tpu.memory_space<semaphore_mem>>) src(%dma_wait3A_1084 : memref<32000000xf32, #tpu.memory_space<hbm>>) dst(%dma_wait3A_1079 : memref<512xf32, #tpu.memory_space<vmem>>)
    %dma_wait3A_1085 = arith.constant 22 : i32
    %dma_wait3A_1086 = arith.constant 22 : i32
    %dma_wait3A_1087 = arith.constant 0 : i32
    %dma_wait3A_1088 = tpu.memref_slice %arg13[%dma_wait3A_1086, %dma_wait3A_1087] : memref<32x512xf32, #tpu.memory_space<vmem>> -> memref<1x512xf32, #tpu.memory_space<vmem>>
    %dma_wait3A_1089 = tpu.memref_squeeze %dma_wait3A_1088 : memref<1x512xf32, #tpu.memory_space<vmem>> -> memref<512xf32, #tpu.memory_space<vmem>>
    %dma_wait3A_1090 = arith.constant 0 : i32
    %dma_wait3A_1091 = tpu.memref_slice %arg11[%dma_wait3A_1085, %dma_wait3A_1090] : memref<32x512xi32, #tpu.memory_space<vmem>> -> memref<1x512xi32, #tpu.memory_space<vmem>>
    %dma_wait3A_1092 = tpu.memref_squeeze %dma_wait3A_1091 : memref<1x512xi32, #tpu.memory_space<vmem>> -> memref<512xi32, #tpu.memory_space<vmem>>
    %dma_wait3A_1093 = arith.constant 0 : i32
    %dma_wait3A_1094 = tpu.memref_slice %arg4[%dma_wait3A_1093] : memref<32000000xf32, #tpu.memory_space<hbm>> -> memref<32000000xf32, #tpu.memory_space<hbm>>
    tpu.wait_indirect_dma semaphore(%arg18 : memref<!tpu.dma_semaphore, #tpu.memory_space<semaphore_mem>>) src(%dma_wait3A_1094 : memref<32000000xf32, #tpu.memory_space<hbm>>) dst(%dma_wait3A_1089 : memref<512xf32, #tpu.memory_space<vmem>>)
    %dma_wait3A_1095 = arith.constant 22 : i32
    %dma_wait3A_1096 = arith.constant 22 : i32
    %dma_wait3A_1097 = arith.constant 0 : i32
    %dma_wait3A_1098 = tpu.memref_slice %arg14[%dma_wait3A_1096, %dma_wait3A_1097] : memref<32x512xf32, #tpu.memory_space<vmem>> -> memref<1x512xf32, #tpu.memory_space<vmem>>
    %dma_wait3A_1099 = tpu.memref_squeeze %dma_wait3A_1098 : memref<1x512xf32, #tpu.memory_space<vmem>> -> memref<512xf32, #tpu.memory_space<vmem>>
    %dma_wait3A_1100 = arith.constant 0 : i32
    %dma_wait3A_1101 = tpu.memref_slice %arg12[%dma_wait3A_1095, %dma_wait3A_1100] : memref<32x512xi32, #tpu.memory_space<vmem>> -> memref<1x512xi32, #tpu.memory_space<vmem>>
    %dma_wait3A_1102 = tpu.memref_squeeze %dma_wait3A_1101 : memref<1x512xi32, #tpu.memory_space<vmem>> -> memref<512xi32, #tpu.memory_space<vmem>>
    %dma_wait3A_1103 = arith.constant 0 : i32
    %dma_wait3A_1104 = tpu.memref_slice %arg5[%dma_wait3A_1103] : memref<32000000xf32, #tpu.memory_space<hbm>> -> memref<32000000xf32, #tpu.memory_space<hbm>>
    tpu.wait_indirect_dma semaphore(%arg19 : memref<!tpu.dma_semaphore, #tpu.memory_space<semaphore_mem>>) src(%dma_wait3A_1104 : memref<32000000xf32, #tpu.memory_space<hbm>>) dst(%dma_wait3A_1099 : memref<512xf32, #tpu.memory_space<vmem>>)
    %dma_wait3A_1105 = arith.constant 23 : i32
    %dma_wait3A_1106 = arith.constant 23 : i32
    %dma_wait3A_1107 = arith.constant 0 : i32
    %dma_wait3A_1108 = tpu.memref_slice %arg13[%dma_wait3A_1106, %dma_wait3A_1107] : memref<32x512xf32, #tpu.memory_space<vmem>> -> memref<1x512xf32, #tpu.memory_space<vmem>>
    %dma_wait3A_1109 = tpu.memref_squeeze %dma_wait3A_1108 : memref<1x512xf32, #tpu.memory_space<vmem>> -> memref<512xf32, #tpu.memory_space<vmem>>
    %dma_wait3A_1110 = arith.constant 0 : i32
    %dma_wait3A_1111 = tpu.memref_slice %arg11[%dma_wait3A_1105, %dma_wait3A_1110] : memref<32x512xi32, #tpu.memory_space<vmem>> -> memref<1x512xi32, #tpu.memory_space<vmem>>
    %dma_wait3A_1112 = tpu.memref_squeeze %dma_wait3A_1111 : memref<1x512xi32, #tpu.memory_space<vmem>> -> memref<512xi32, #tpu.memory_space<vmem>>
    %dma_wait3A_1113 = arith.constant 0 : i32
    %dma_wait3A_1114 = tpu.memref_slice %arg4[%dma_wait3A_1113] : memref<32000000xf32, #tpu.memory_space<hbm>> -> memref<32000000xf32, #tpu.memory_space<hbm>>
    tpu.wait_indirect_dma semaphore(%arg18 : memref<!tpu.dma_semaphore, #tpu.memory_space<semaphore_mem>>) src(%dma_wait3A_1114 : memref<32000000xf32, #tpu.memory_space<hbm>>) dst(%dma_wait3A_1109 : memref<512xf32, #tpu.memory_space<vmem>>)
    %dma_wait3A_1115 = arith.constant 23 : i32
    %dma_wait3A_1116 = arith.constant 23 : i32
    %dma_wait3A_1117 = arith.constant 0 : i32
    %dma_wait3A_1118 = tpu.memref_slice %arg14[%dma_wait3A_1116, %dma_wait3A_1117] : memref<32x512xf32, #tpu.memory_space<vmem>> -> memref<1x512xf32, #tpu.memory_space<vmem>>
    %dma_wait3A_1119 = tpu.memref_squeeze %dma_wait3A_1118 : memref<1x512xf32, #tpu.memory_space<vmem>> -> memref<512xf32, #tpu.memory_space<vmem>>
    %dma_wait3A_1120 = arith.constant 0 : i32
    %dma_wait3A_1121 = tpu.memref_slice %arg12[%dma_wait3A_1115, %dma_wait3A_1120] : memref<32x512xi32, #tpu.memory_space<vmem>> -> memref<1x512xi32, #tpu.memory_space<vmem>>
    %dma_wait3A_1122 = tpu.memref_squeeze %dma_wait3A_1121 : memref<1x512xi32, #tpu.memory_space<vmem>> -> memref<512xi32, #tpu.memory_space<vmem>>
    %dma_wait3A_1123 = arith.constant 0 : i32
    %dma_wait3A_1124 = tpu.memref_slice %arg5[%dma_wait3A_1123] : memref<32000000xf32, #tpu.memory_space<hbm>> -> memref<32000000xf32, #tpu.memory_space<hbm>>
    tpu.wait_indirect_dma semaphore(%arg19 : memref<!tpu.dma_semaphore, #tpu.memory_space<semaphore_mem>>) src(%dma_wait3A_1124 : memref<32000000xf32, #tpu.memory_space<hbm>>) dst(%dma_wait3A_1119 : memref<512xf32, #tpu.memory_space<vmem>>)
    %dma_wait3A_1125 = arith.constant 24 : i32
    %dma_wait3A_1126 = arith.constant 24 : i32
    %dma_wait3A_1127 = arith.constant 0 : i32
    %dma_wait3A_1128 = tpu.memref_slice %arg13[%dma_wait3A_1126, %dma_wait3A_1127] : memref<32x512xf32, #tpu.memory_space<vmem>> -> memref<1x512xf32, #tpu.memory_space<vmem>>
    %dma_wait3A_1129 = tpu.memref_squeeze %dma_wait3A_1128 : memref<1x512xf32, #tpu.memory_space<vmem>> -> memref<512xf32, #tpu.memory_space<vmem>>
    %dma_wait3A_1130 = arith.constant 0 : i32
    %dma_wait3A_1131 = tpu.memref_slice %arg11[%dma_wait3A_1125, %dma_wait3A_1130] : memref<32x512xi32, #tpu.memory_space<vmem>> -> memref<1x512xi32, #tpu.memory_space<vmem>>
    %dma_wait3A_1132 = tpu.memref_squeeze %dma_wait3A_1131 : memref<1x512xi32, #tpu.memory_space<vmem>> -> memref<512xi32, #tpu.memory_space<vmem>>
    %dma_wait3A_1133 = arith.constant 0 : i32
    %dma_wait3A_1134 = tpu.memref_slice %arg4[%dma_wait3A_1133] : memref<32000000xf32, #tpu.memory_space<hbm>> -> memref<32000000xf32, #tpu.memory_space<hbm>>
    tpu.wait_indirect_dma semaphore(%arg18 : memref<!tpu.dma_semaphore, #tpu.memory_space<semaphore_mem>>) src(%dma_wait3A_1134 : memref<32000000xf32, #tpu.memory_space<hbm>>) dst(%dma_wait3A_1129 : memref<512xf32, #tpu.memory_space<vmem>>)
    %dma_wait3A_1135 = arith.constant 24 : i32
    %dma_wait3A_1136 = arith.constant 24 : i32
    %dma_wait3A_1137 = arith.constant 0 : i32
    %dma_wait3A_1138 = tpu.memref_slice %arg14[%dma_wait3A_1136, %dma_wait3A_1137] : memref<32x512xf32, #tpu.memory_space<vmem>> -> memref<1x512xf32, #tpu.memory_space<vmem>>
    %dma_wait3A_1139 = tpu.memref_squeeze %dma_wait3A_1138 : memref<1x512xf32, #tpu.memory_space<vmem>> -> memref<512xf32, #tpu.memory_space<vmem>>
    %dma_wait3A_1140 = arith.constant 0 : i32
    %dma_wait3A_1141 = tpu.memref_slice %arg12[%dma_wait3A_1135, %dma_wait3A_1140] : memref<32x512xi32, #tpu.memory_space<vmem>> -> memref<1x512xi32, #tpu.memory_space<vmem>>
    %dma_wait3A_1142 = tpu.memref_squeeze %dma_wait3A_1141 : memref<1x512xi32, #tpu.memory_space<vmem>> -> memref<512xi32, #tpu.memory_space<vmem>>
    %dma_wait3A_1143 = arith.constant 0 : i32
    %dma_wait3A_1144 = tpu.memref_slice %arg5[%dma_wait3A_1143] : memref<32000000xf32, #tpu.memory_space<hbm>> -> memref<32000000xf32, #tpu.memory_space<hbm>>
    tpu.wait_indirect_dma semaphore(%arg19 : memref<!tpu.dma_semaphore, #tpu.memory_space<semaphore_mem>>) src(%dma_wait3A_1144 : memref<32000000xf32, #tpu.memory_space<hbm>>) dst(%dma_wait3A_1139 : memref<512xf32, #tpu.memory_space<vmem>>)
    %dma_wait3A_1145 = arith.constant 25 : i32
    %dma_wait3A_1146 = arith.constant 25 : i32
    %dma_wait3A_1147 = arith.constant 0 : i32
    %dma_wait3A_1148 = tpu.memref_slice %arg13[%dma_wait3A_1146, %dma_wait3A_1147] : memref<32x512xf32, #tpu.memory_space<vmem>> -> memref<1x512xf32, #tpu.memory_space<vmem>>
    %dma_wait3A_1149 = tpu.memref_squeeze %dma_wait3A_1148 : memref<1x512xf32, #tpu.memory_space<vmem>> -> memref<512xf32, #tpu.memory_space<vmem>>
    %dma_wait3A_1150 = arith.constant 0 : i32
    %dma_wait3A_1151 = tpu.memref_slice %arg11[%dma_wait3A_1145, %dma_wait3A_1150] : memref<32x512xi32, #tpu.memory_space<vmem>> -> memref<1x512xi32, #tpu.memory_space<vmem>>
    %dma_wait3A_1152 = tpu.memref_squeeze %dma_wait3A_1151 : memref<1x512xi32, #tpu.memory_space<vmem>> -> memref<512xi32, #tpu.memory_space<vmem>>
    %dma_wait3A_1153 = arith.constant 0 : i32
    %dma_wait3A_1154 = tpu.memref_slice %arg4[%dma_wait3A_1153] : memref<32000000xf32, #tpu.memory_space<hbm>> -> memref<32000000xf32, #tpu.memory_space<hbm>>
    tpu.wait_indirect_dma semaphore(%arg18 : memref<!tpu.dma_semaphore, #tpu.memory_space<semaphore_mem>>) src(%dma_wait3A_1154 : memref<32000000xf32, #tpu.memory_space<hbm>>) dst(%dma_wait3A_1149 : memref<512xf32, #tpu.memory_space<vmem>>)
    %dma_wait3A_1155 = arith.constant 25 : i32
    %dma_wait3A_1156 = arith.constant 25 : i32
    %dma_wait3A_1157 = arith.constant 0 : i32
    %dma_wait3A_1158 = tpu.memref_slice %arg14[%dma_wait3A_1156, %dma_wait3A_1157] : memref<32x512xf32, #tpu.memory_space<vmem>> -> memref<1x512xf32, #tpu.memory_space<vmem>>
    %dma_wait3A_1159 = tpu.memref_squeeze %dma_wait3A_1158 : memref<1x512xf32, #tpu.memory_space<vmem>> -> memref<512xf32, #tpu.memory_space<vmem>>
    %dma_wait3A_1160 = arith.constant 0 : i32
    %dma_wait3A_1161 = tpu.memref_slice %arg12[%dma_wait3A_1155, %dma_wait3A_1160] : memref<32x512xi32, #tpu.memory_space<vmem>> -> memref<1x512xi32, #tpu.memory_space<vmem>>
    %dma_wait3A_1162 = tpu.memref_squeeze %dma_wait3A_1161 : memref<1x512xi32, #tpu.memory_space<vmem>> -> memref<512xi32, #tpu.memory_space<vmem>>
    %dma_wait3A_1163 = arith.constant 0 : i32
    %dma_wait3A_1164 = tpu.memref_slice %arg5[%dma_wait3A_1163] : memref<32000000xf32, #tpu.memory_space<hbm>> -> memref<32000000xf32, #tpu.memory_space<hbm>>
    tpu.wait_indirect_dma semaphore(%arg19 : memref<!tpu.dma_semaphore, #tpu.memory_space<semaphore_mem>>) src(%dma_wait3A_1164 : memref<32000000xf32, #tpu.memory_space<hbm>>) dst(%dma_wait3A_1159 : memref<512xf32, #tpu.memory_space<vmem>>)
    %dma_wait3A_1165 = arith.constant 26 : i32
    %dma_wait3A_1166 = arith.constant 26 : i32
    %dma_wait3A_1167 = arith.constant 0 : i32
    %dma_wait3A_1168 = tpu.memref_slice %arg13[%dma_wait3A_1166, %dma_wait3A_1167] : memref<32x512xf32, #tpu.memory_space<vmem>> -> memref<1x512xf32, #tpu.memory_space<vmem>>
    %dma_wait3A_1169 = tpu.memref_squeeze %dma_wait3A_1168 : memref<1x512xf32, #tpu.memory_space<vmem>> -> memref<512xf32, #tpu.memory_space<vmem>>
    %dma_wait3A_1170 = arith.constant 0 : i32
    %dma_wait3A_1171 = tpu.memref_slice %arg11[%dma_wait3A_1165, %dma_wait3A_1170] : memref<32x512xi32, #tpu.memory_space<vmem>> -> memref<1x512xi32, #tpu.memory_space<vmem>>
    %dma_wait3A_1172 = tpu.memref_squeeze %dma_wait3A_1171 : memref<1x512xi32, #tpu.memory_space<vmem>> -> memref<512xi32, #tpu.memory_space<vmem>>
    %dma_wait3A_1173 = arith.constant 0 : i32
    %dma_wait3A_1174 = tpu.memref_slice %arg4[%dma_wait3A_1173] : memref<32000000xf32, #tpu.memory_space<hbm>> -> memref<32000000xf32, #tpu.memory_space<hbm>>
    tpu.wait_indirect_dma semaphore(%arg18 : memref<!tpu.dma_semaphore, #tpu.memory_space<semaphore_mem>>) src(%dma_wait3A_1174 : memref<32000000xf32, #tpu.memory_space<hbm>>) dst(%dma_wait3A_1169 : memref<512xf32, #tpu.memory_space<vmem>>)
    %dma_wait3A_1175 = arith.constant 26 : i32
    %dma_wait3A_1176 = arith.constant 26 : i32
    %dma_wait3A_1177 = arith.constant 0 : i32
    %dma_wait3A_1178 = tpu.memref_slice %arg14[%dma_wait3A_1176, %dma_wait3A_1177] : memref<32x512xf32, #tpu.memory_space<vmem>> -> memref<1x512xf32, #tpu.memory_space<vmem>>
    %dma_wait3A_1179 = tpu.memref_squeeze %dma_wait3A_1178 : memref<1x512xf32, #tpu.memory_space<vmem>> -> memref<512xf32, #tpu.memory_space<vmem>>
    %dma_wait3A_1180 = arith.constant 0 : i32
    %dma_wait3A_1181 = tpu.memref_slice %arg12[%dma_wait3A_1175, %dma_wait3A_1180] : memref<32x512xi32, #tpu.memory_space<vmem>> -> memref<1x512xi32, #tpu.memory_space<vmem>>
    %dma_wait3A_1182 = tpu.memref_squeeze %dma_wait3A_1181 : memref<1x512xi32, #tpu.memory_space<vmem>> -> memref<512xi32, #tpu.memory_space<vmem>>
    %dma_wait3A_1183 = arith.constant 0 : i32
    %dma_wait3A_1184 = tpu.memref_slice %arg5[%dma_wait3A_1183] : memref<32000000xf32, #tpu.memory_space<hbm>> -> memref<32000000xf32, #tpu.memory_space<hbm>>
    tpu.wait_indirect_dma semaphore(%arg19 : memref<!tpu.dma_semaphore, #tpu.memory_space<semaphore_mem>>) src(%dma_wait3A_1184 : memref<32000000xf32, #tpu.memory_space<hbm>>) dst(%dma_wait3A_1179 : memref<512xf32, #tpu.memory_space<vmem>>)
    %dma_wait3A_1185 = arith.constant 27 : i32
    %dma_wait3A_1186 = arith.constant 27 : i32
    %dma_wait3A_1187 = arith.constant 0 : i32
    %dma_wait3A_1188 = tpu.memref_slice %arg13[%dma_wait3A_1186, %dma_wait3A_1187] : memref<32x512xf32, #tpu.memory_space<vmem>> -> memref<1x512xf32, #tpu.memory_space<vmem>>
    %dma_wait3A_1189 = tpu.memref_squeeze %dma_wait3A_1188 : memref<1x512xf32, #tpu.memory_space<vmem>> -> memref<512xf32, #tpu.memory_space<vmem>>
    %dma_wait3A_1190 = arith.constant 0 : i32
    %dma_wait3A_1191 = tpu.memref_slice %arg11[%dma_wait3A_1185, %dma_wait3A_1190] : memref<32x512xi32, #tpu.memory_space<vmem>> -> memref<1x512xi32, #tpu.memory_space<vmem>>
    %dma_wait3A_1192 = tpu.memref_squeeze %dma_wait3A_1191 : memref<1x512xi32, #tpu.memory_space<vmem>> -> memref<512xi32, #tpu.memory_space<vmem>>
    %dma_wait3A_1193 = arith.constant 0 : i32
    %dma_wait3A_1194 = tpu.memref_slice %arg4[%dma_wait3A_1193] : memref<32000000xf32, #tpu.memory_space<hbm>> -> memref<32000000xf32, #tpu.memory_space<hbm>>
    tpu.wait_indirect_dma semaphore(%arg18 : memref<!tpu.dma_semaphore, #tpu.memory_space<semaphore_mem>>) src(%dma_wait3A_1194 : memref<32000000xf32, #tpu.memory_space<hbm>>) dst(%dma_wait3A_1189 : memref<512xf32, #tpu.memory_space<vmem>>)
    %dma_wait3A_1195 = arith.constant 27 : i32
    %dma_wait3A_1196 = arith.constant 27 : i32
    %dma_wait3A_1197 = arith.constant 0 : i32
    %dma_wait3A_1198 = tpu.memref_slice %arg14[%dma_wait3A_1196, %dma_wait3A_1197] : memref<32x512xf32, #tpu.memory_space<vmem>> -> memref<1x512xf32, #tpu.memory_space<vmem>>
    %dma_wait3A_1199 = tpu.memref_squeeze %dma_wait3A_1198 : memref<1x512xf32, #tpu.memory_space<vmem>> -> memref<512xf32, #tpu.memory_space<vmem>>
    %dma_wait3A_1200 = arith.constant 0 : i32
    %dma_wait3A_1201 = tpu.memref_slice %arg12[%dma_wait3A_1195, %dma_wait3A_1200] : memref<32x512xi32, #tpu.memory_space<vmem>> -> memref<1x512xi32, #tpu.memory_space<vmem>>
    %dma_wait3A_1202 = tpu.memref_squeeze %dma_wait3A_1201 : memref<1x512xi32, #tpu.memory_space<vmem>> -> memref<512xi32, #tpu.memory_space<vmem>>
    %dma_wait3A_1203 = arith.constant 0 : i32
    %dma_wait3A_1204 = tpu.memref_slice %arg5[%dma_wait3A_1203] : memref<32000000xf32, #tpu.memory_space<hbm>> -> memref<32000000xf32, #tpu.memory_space<hbm>>
    tpu.wait_indirect_dma semaphore(%arg19 : memref<!tpu.dma_semaphore, #tpu.memory_space<semaphore_mem>>) src(%dma_wait3A_1204 : memref<32000000xf32, #tpu.memory_space<hbm>>) dst(%dma_wait3A_1199 : memref<512xf32, #tpu.memory_space<vmem>>)
    %dma_wait3A_1205 = arith.constant 28 : i32
    %dma_wait3A_1206 = arith.constant 28 : i32
    %dma_wait3A_1207 = arith.constant 0 : i32
    %dma_wait3A_1208 = tpu.memref_slice %arg13[%dma_wait3A_1206, %dma_wait3A_1207] : memref<32x512xf32, #tpu.memory_space<vmem>> -> memref<1x512xf32, #tpu.memory_space<vmem>>
    %dma_wait3A_1209 = tpu.memref_squeeze %dma_wait3A_1208 : memref<1x512xf32, #tpu.memory_space<vmem>> -> memref<512xf32, #tpu.memory_space<vmem>>
    %dma_wait3A_1210 = arith.constant 0 : i32
    %dma_wait3A_1211 = tpu.memref_slice %arg11[%dma_wait3A_1205, %dma_wait3A_1210] : memref<32x512xi32, #tpu.memory_space<vmem>> -> memref<1x512xi32, #tpu.memory_space<vmem>>
    %dma_wait3A_1212 = tpu.memref_squeeze %dma_wait3A_1211 : memref<1x512xi32, #tpu.memory_space<vmem>> -> memref<512xi32, #tpu.memory_space<vmem>>
    %dma_wait3A_1213 = arith.constant 0 : i32
    %dma_wait3A_1214 = tpu.memref_slice %arg4[%dma_wait3A_1213] : memref<32000000xf32, #tpu.memory_space<hbm>> -> memref<32000000xf32, #tpu.memory_space<hbm>>
    tpu.wait_indirect_dma semaphore(%arg18 : memref<!tpu.dma_semaphore, #tpu.memory_space<semaphore_mem>>) src(%dma_wait3A_1214 : memref<32000000xf32, #tpu.memory_space<hbm>>) dst(%dma_wait3A_1209 : memref<512xf32, #tpu.memory_space<vmem>>)
    %dma_wait3A_1215 = arith.constant 28 : i32
    %dma_wait3A_1216 = arith.constant 28 : i32
    %dma_wait3A_1217 = arith.constant 0 : i32
    %dma_wait3A_1218 = tpu.memref_slice %arg14[%dma_wait3A_1216, %dma_wait3A_1217] : memref<32x512xf32, #tpu.memory_space<vmem>> -> memref<1x512xf32, #tpu.memory_space<vmem>>
    %dma_wait3A_1219 = tpu.memref_squeeze %dma_wait3A_1218 : memref<1x512xf32, #tpu.memory_space<vmem>> -> memref<512xf32, #tpu.memory_space<vmem>>
    %dma_wait3A_1220 = arith.constant 0 : i32
    %dma_wait3A_1221 = tpu.memref_slice %arg12[%dma_wait3A_1215, %dma_wait3A_1220] : memref<32x512xi32, #tpu.memory_space<vmem>> -> memref<1x512xi32, #tpu.memory_space<vmem>>
    %dma_wait3A_1222 = tpu.memref_squeeze %dma_wait3A_1221 : memref<1x512xi32, #tpu.memory_space<vmem>> -> memref<512xi32, #tpu.memory_space<vmem>>
    %dma_wait3A_1223 = arith.constant 0 : i32
    %dma_wait3A_1224 = tpu.memref_slice %arg5[%dma_wait3A_1223] : memref<32000000xf32, #tpu.memory_space<hbm>> -> memref<32000000xf32, #tpu.memory_space<hbm>>
    tpu.wait_indirect_dma semaphore(%arg19 : memref<!tpu.dma_semaphore, #tpu.memory_space<semaphore_mem>>) src(%dma_wait3A_1224 : memref<32000000xf32, #tpu.memory_space<hbm>>) dst(%dma_wait3A_1219 : memref<512xf32, #tpu.memory_space<vmem>>)
    %dma_wait3A_1225 = arith.constant 29 : i32
    %dma_wait3A_1226 = arith.constant 29 : i32
    %dma_wait3A_1227 = arith.constant 0 : i32
    %dma_wait3A_1228 = tpu.memref_slice %arg13[%dma_wait3A_1226, %dma_wait3A_1227] : memref<32x512xf32, #tpu.memory_space<vmem>> -> memref<1x512xf32, #tpu.memory_space<vmem>>
    %dma_wait3A_1229 = tpu.memref_squeeze %dma_wait3A_1228 : memref<1x512xf32, #tpu.memory_space<vmem>> -> memref<512xf32, #tpu.memory_space<vmem>>
    %dma_wait3A_1230 = arith.constant 0 : i32
    %dma_wait3A_1231 = tpu.memref_slice %arg11[%dma_wait3A_1225, %dma_wait3A_1230] : memref<32x512xi32, #tpu.memory_space<vmem>> -> memref<1x512xi32, #tpu.memory_space<vmem>>
    %dma_wait3A_1232 = tpu.memref_squeeze %dma_wait3A_1231 : memref<1x512xi32, #tpu.memory_space<vmem>> -> memref<512xi32, #tpu.memory_space<vmem>>
    %dma_wait3A_1233 = arith.constant 0 : i32
    %dma_wait3A_1234 = tpu.memref_slice %arg4[%dma_wait3A_1233] : memref<32000000xf32, #tpu.memory_space<hbm>> -> memref<32000000xf32, #tpu.memory_space<hbm>>
    tpu.wait_indirect_dma semaphore(%arg18 : memref<!tpu.dma_semaphore, #tpu.memory_space<semaphore_mem>>) src(%dma_wait3A_1234 : memref<32000000xf32, #tpu.memory_space<hbm>>) dst(%dma_wait3A_1229 : memref<512xf32, #tpu.memory_space<vmem>>)
    %dma_wait3A_1235 = arith.constant 29 : i32
    %dma_wait3A_1236 = arith.constant 29 : i32
    %dma_wait3A_1237 = arith.constant 0 : i32
    %dma_wait3A_1238 = tpu.memref_slice %arg14[%dma_wait3A_1236, %dma_wait3A_1237] : memref<32x512xf32, #tpu.memory_space<vmem>> -> memref<1x512xf32, #tpu.memory_space<vmem>>
    %dma_wait3A_1239 = tpu.memref_squeeze %dma_wait3A_1238 : memref<1x512xf32, #tpu.memory_space<vmem>> -> memref<512xf32, #tpu.memory_space<vmem>>
    %dma_wait3A_1240 = arith.constant 0 : i32
    %dma_wait3A_1241 = tpu.memref_slice %arg12[%dma_wait3A_1235, %dma_wait3A_1240] : memref<32x512xi32, #tpu.memory_space<vmem>> -> memref<1x512xi32, #tpu.memory_space<vmem>>
    %dma_wait3A_1242 = tpu.memref_squeeze %dma_wait3A_1241 : memref<1x512xi32, #tpu.memory_space<vmem>> -> memref<512xi32, #tpu.memory_space<vmem>>
    %dma_wait3A_1243 = arith.constant 0 : i32
    %dma_wait3A_1244 = tpu.memref_slice %arg5[%dma_wait3A_1243] : memref<32000000xf32, #tpu.memory_space<hbm>> -> memref<32000000xf32, #tpu.memory_space<hbm>>
    tpu.wait_indirect_dma semaphore(%arg19 : memref<!tpu.dma_semaphore, #tpu.memory_space<semaphore_mem>>) src(%dma_wait3A_1244 : memref<32000000xf32, #tpu.memory_space<hbm>>) dst(%dma_wait3A_1239 : memref<512xf32, #tpu.memory_space<vmem>>)
    %dma_wait3A_1245 = arith.constant 30 : i32
    %dma_wait3A_1246 = arith.constant 30 : i32
    %dma_wait3A_1247 = arith.constant 0 : i32
    %dma_wait3A_1248 = tpu.memref_slice %arg13[%dma_wait3A_1246, %dma_wait3A_1247] : memref<32x512xf32, #tpu.memory_space<vmem>> -> memref<1x512xf32, #tpu.memory_space<vmem>>
    %dma_wait3A_1249 = tpu.memref_squeeze %dma_wait3A_1248 : memref<1x512xf32, #tpu.memory_space<vmem>> -> memref<512xf32, #tpu.memory_space<vmem>>
    %dma_wait3A_1250 = arith.constant 0 : i32
    %dma_wait3A_1251 = tpu.memref_slice %arg11[%dma_wait3A_1245, %dma_wait3A_1250] : memref<32x512xi32, #tpu.memory_space<vmem>> -> memref<1x512xi32, #tpu.memory_space<vmem>>
    %dma_wait3A_1252 = tpu.memref_squeeze %dma_wait3A_1251 : memref<1x512xi32, #tpu.memory_space<vmem>> -> memref<512xi32, #tpu.memory_space<vmem>>
    %dma_wait3A_1253 = arith.constant 0 : i32
    %dma_wait3A_1254 = tpu.memref_slice %arg4[%dma_wait3A_1253] : memref<32000000xf32, #tpu.memory_space<hbm>> -> memref<32000000xf32, #tpu.memory_space<hbm>>
    tpu.wait_indirect_dma semaphore(%arg18 : memref<!tpu.dma_semaphore, #tpu.memory_space<semaphore_mem>>) src(%dma_wait3A_1254 : memref<32000000xf32, #tpu.memory_space<hbm>>) dst(%dma_wait3A_1249 : memref<512xf32, #tpu.memory_space<vmem>>)
    %dma_wait3A_1255 = arith.constant 30 : i32
    %dma_wait3A_1256 = arith.constant 30 : i32
    %dma_wait3A_1257 = arith.constant 0 : i32
    %dma_wait3A_1258 = tpu.memref_slice %arg14[%dma_wait3A_1256, %dma_wait3A_1257] : memref<32x512xf32, #tpu.memory_space<vmem>> -> memref<1x512xf32, #tpu.memory_space<vmem>>
    %dma_wait3A_1259 = tpu.memref_squeeze %dma_wait3A_1258 : memref<1x512xf32, #tpu.memory_space<vmem>> -> memref<512xf32, #tpu.memory_space<vmem>>
    %dma_wait3A_1260 = arith.constant 0 : i32
    %dma_wait3A_1261 = tpu.memref_slice %arg12[%dma_wait3A_1255, %dma_wait3A_1260] : memref<32x512xi32, #tpu.memory_space<vmem>> -> memref<1x512xi32, #tpu.memory_space<vmem>>
    %dma_wait3A_1262 = tpu.memref_squeeze %dma_wait3A_1261 : memref<1x512xi32, #tpu.memory_space<vmem>> -> memref<512xi32, #tpu.memory_space<vmem>>
    %dma_wait3A_1263 = arith.constant 0 : i32
    %dma_wait3A_1264 = tpu.memref_slice %arg5[%dma_wait3A_1263] : memref<32000000xf32, #tpu.memory_space<hbm>> -> memref<32000000xf32, #tpu.memory_space<hbm>>
    tpu.wait_indirect_dma semaphore(%arg19 : memref<!tpu.dma_semaphore, #tpu.memory_space<semaphore_mem>>) src(%dma_wait3A_1264 : memref<32000000xf32, #tpu.memory_space<hbm>>) dst(%dma_wait3A_1259 : memref<512xf32, #tpu.memory_space<vmem>>)
    %dma_wait3A_1265 = arith.constant 31 : i32
    %dma_wait3A_1266 = arith.constant 31 : i32
    %dma_wait3A_1267 = arith.constant 0 : i32
    %dma_wait3A_1268 = tpu.memref_slice %arg13[%dma_wait3A_1266, %dma_wait3A_1267] : memref<32x512xf32, #tpu.memory_space<vmem>> -> memref<1x512xf32, #tpu.memory_space<vmem>>
    %dma_wait3A_1269 = tpu.memref_squeeze %dma_wait3A_1268 : memref<1x512xf32, #tpu.memory_space<vmem>> -> memref<512xf32, #tpu.memory_space<vmem>>
    %dma_wait3A_1270 = arith.constant 0 : i32
    %dma_wait3A_1271 = tpu.memref_slice %arg11[%dma_wait3A_1265, %dma_wait3A_1270] : memref<32x512xi32, #tpu.memory_space<vmem>> -> memref<1x512xi32, #tpu.memory_space<vmem>>
    %dma_wait3A_1272 = tpu.memref_squeeze %dma_wait3A_1271 : memref<1x512xi32, #tpu.memory_space<vmem>> -> memref<512xi32, #tpu.memory_space<vmem>>
    %dma_wait3A_1273 = arith.constant 0 : i32
    %dma_wait3A_1274 = tpu.memref_slice %arg4[%dma_wait3A_1273] : memref<32000000xf32, #tpu.memory_space<hbm>> -> memref<32000000xf32, #tpu.memory_space<hbm>>
    tpu.wait_indirect_dma semaphore(%arg18 : memref<!tpu.dma_semaphore, #tpu.memory_space<semaphore_mem>>) src(%dma_wait3A_1274 : memref<32000000xf32, #tpu.memory_space<hbm>>) dst(%dma_wait3A_1269 : memref<512xf32, #tpu.memory_space<vmem>>)
    %dma_wait3A_1275 = arith.constant 31 : i32
    %dma_wait3A_1276 = arith.constant 31 : i32
    %dma_wait3A_1277 = arith.constant 0 : i32
    %dma_wait3A_1278 = tpu.memref_slice %arg14[%dma_wait3A_1276, %dma_wait3A_1277] : memref<32x512xf32, #tpu.memory_space<vmem>> -> memref<1x512xf32, #tpu.memory_space<vmem>>
    %dma_wait3A_1279 = tpu.memref_squeeze %dma_wait3A_1278 : memref<1x512xf32, #tpu.memory_space<vmem>> -> memref<512xf32, #tpu.memory_space<vmem>>
    %dma_wait3A_1280 = arith.constant 0 : i32
    %dma_wait3A_1281 = tpu.memref_slice %arg12[%dma_wait3A_1275, %dma_wait3A_1280] : memref<32x512xi32, #tpu.memory_space<vmem>> -> memref<1x512xi32, #tpu.memory_space<vmem>>
    %dma_wait3A_1282 = tpu.memref_squeeze %dma_wait3A_1281 : memref<1x512xi32, #tpu.memory_space<vmem>> -> memref<512xi32, #tpu.memory_space<vmem>>
    %dma_wait3A_1283 = arith.constant 0 : i32
    %dma_wait3A_1284 = tpu.memref_slice %arg5[%dma_wait3A_1283] : memref<32000000xf32, #tpu.memory_space<hbm>> -> memref<32000000xf32, #tpu.memory_space<hbm>>
    tpu.wait_indirect_dma semaphore(%arg19 : memref<!tpu.dma_semaphore, #tpu.memory_space<semaphore_mem>>) src(%dma_wait3A_1284 : memref<32000000xf32, #tpu.memory_space<hbm>>) dst(%dma_wait3A_1279 : memref<512xf32, #tpu.memory_space<vmem>>)
    %get3A = arith.constant 0 : index
    %get3A_1285 = tpu.vector_load %arg16[%get3A] {strides = array<i32>} : memref<16xf32, #tpu.memory_space<vmem>>, vector<16xf32>,
    %slice3A = vector.extract_strided_slice %get3A_1285 {offsets = [0], sizes = [1], strides = [1]} : vector<16xf32> to vector<1xf32>
    %squeeze3A = vector.extract %slice3A[0] : f32 from vector<1xf32>
    %get3A_1286 = arith.constant 0 : index
    %get3A_1287 = tpu.vector_load %arg15[%get3A_1286] {strides = array<i32>} : memref<32xf32, #tpu.memory_space<vmem>>, vector<16xf32>,
    %get3A_1288 = arith.constant 16 : index
    %get3A_1289 = tpu.vector_load %arg15[%get3A_1288] {strides = array<i32>} : memref<32xf32, #tpu.memory_space<vmem>>, vector<16xf32>,
    %slice3A_1290 = vector.extract_strided_slice %get3A_1287 {offsets = [0], sizes = [1], strides = [1]} : vector<16xf32> to vector<1xf32>
    %squeeze3A_1291 = vector.extract %slice3A_1290[0] : f32 from vector<1xf32>
    %slice3A_1292 = vector.extract_strided_slice %get3A_1287 {offsets = [1], sizes = [1], strides = [1]} : vector<16xf32> to vector<1xf32>
    %squeeze3A_1293 = vector.extract %slice3A_1292[0] : f32 from vector<1xf32>
    %slice3A_1294 = vector.extract_strided_slice %get3A_1287 {offsets = [2], sizes = [1], strides = [1]} : vector<16xf32> to vector<1xf32>
    %squeeze3A_1295 = vector.extract %slice3A_1294[0] : f32 from vector<1xf32>
    %slice3A_1296 = vector.extract_strided_slice %get3A_1287 {offsets = [3], sizes = [1], strides = [1]} : vector<16xf32> to vector<1xf32>
    %squeeze3A_1297 = vector.extract %slice3A_1296[0] : f32 from vector<1xf32>
    %slice3A_1298 = vector.extract_strided_slice %get3A_1287 {offsets = [4], sizes = [1], strides = [1]} : vector<16xf32> to vector<1xf32>
    %squeeze3A_1299 = vector.extract %slice3A_1298[0] : f32 from vector<1xf32>
    %slice3A_1300 = vector.extract_strided_slice %get3A_1287 {offsets = [5], sizes = [1], strides = [1]} : vector<16xf32> to vector<1xf32>
    %squeeze3A_1301 = vector.extract %slice3A_1300[0] : f32 from vector<1xf32>
    %slice3A_1302 = vector.extract_strided_slice %get3A_1287 {offsets = [6], sizes = [1], strides = [1]} : vector<16xf32> to vector<1xf32>
    %squeeze3A_1303 = vector.extract %slice3A_1302[0] : f32 from vector<1xf32>
    %slice3A_1304 = vector.extract_strided_slice %get3A_1287 {offsets = [7], sizes = [1], strides = [1]} : vector<16xf32> to vector<1xf32>
    %squeeze3A_1305 = vector.extract %slice3A_1304[0] : f32 from vector<1xf32>
    %slice3A_1306 = vector.extract_strided_slice %get3A_1287 {offsets = [8], sizes = [1], strides = [1]} : vector<16xf32> to vector<1xf32>
    %squeeze3A_1307 = vector.extract %slice3A_1306[0] : f32 from vector<1xf32>
    %slice3A_1308 = vector.extract_strided_slice %get3A_1287 {offsets = [9], sizes = [1], strides = [1]} : vector<16xf32> to vector<1xf32>
    %squeeze3A_1309 = vector.extract %slice3A_1308[0] : f32 from vector<1xf32>
    %slice3A_1310 = vector.extract_strided_slice %get3A_1287 {offsets = [10], sizes = [1], strides = [1]} : vector<16xf32> to vector<1xf32>
    %squeeze3A_1311 = vector.extract %slice3A_1310[0] : f32 from vector<1xf32>
    %slice3A_1312 = vector.extract_strided_slice %get3A_1287 {offsets = [11], sizes = [1], strides = [1]} : vector<16xf32> to vector<1xf32>
    %squeeze3A_1313 = vector.extract %slice3A_1312[0] : f32 from vector<1xf32>
    %slice3A_1314 = vector.extract_strided_slice %get3A_1287 {offsets = [12], sizes = [1], strides = [1]} : vector<16xf32> to vector<1xf32>
    %squeeze3A_1315 = vector.extract %slice3A_1314[0] : f32 from vector<1xf32>
    %slice3A_1316 = vector.extract_strided_slice %get3A_1287 {offsets = [13], sizes = [1], strides = [1]} : vector<16xf32> to vector<1xf32>
    %squeeze3A_1317 = vector.extract %slice3A_1316[0] : f32 from vector<1xf32>
    %slice3A_1318 = vector.extract_strided_slice %get3A_1287 {offsets = [14], sizes = [1], strides = [1]} : vector<16xf32> to vector<1xf32>
    %squeeze3A_1319 = vector.extract %slice3A_1318[0] : f32 from vector<1xf32>
    %slice3A_1320 = vector.extract_strided_slice %get3A_1287 {offsets = [15], sizes = [1], strides = [1]} : vector<16xf32> to vector<1xf32>
    %squeeze3A_1321 = vector.extract %slice3A_1320[0] : f32 from vector<1xf32>
    %slice3A_1322 = vector.extract_strided_slice %get3A_1289 {offsets = [0], sizes = [1], strides = [1]} : vector<16xf32> to vector<1xf32>
    %squeeze3A_1323 = vector.extract %slice3A_1322[0] : f32 from vector<1xf32>
    %slice3A_1324 = vector.extract_strided_slice %get3A_1289 {offsets = [1], sizes = [1], strides = [1]} : vector<16xf32> to vector<1xf32>
    %squeeze3A_1325 = vector.extract %slice3A_1324[0] : f32 from vector<1xf32>
    %slice3A_1326 = vector.extract_strided_slice %get3A_1289 {offsets = [2], sizes = [1], strides = [1]} : vector<16xf32> to vector<1xf32>
    %squeeze3A_1327 = vector.extract %slice3A_1326[0] : f32 from vector<1xf32>
    %slice3A_1328 = vector.extract_strided_slice %get3A_1289 {offsets = [3], sizes = [1], strides = [1]} : vector<16xf32> to vector<1xf32>
    %squeeze3A_1329 = vector.extract %slice3A_1328[0] : f32 from vector<1xf32>
    %slice3A_1330 = vector.extract_strided_slice %get3A_1289 {offsets = [4], sizes = [1], strides = [1]} : vector<16xf32> to vector<1xf32>
    %squeeze3A_1331 = vector.extract %slice3A_1330[0] : f32 from vector<1xf32>
    %slice3A_1332 = vector.extract_strided_slice %get3A_1289 {offsets = [5], sizes = [1], strides = [1]} : vector<16xf32> to vector<1xf32>
    %squeeze3A_1333 = vector.extract %slice3A_1332[0] : f32 from vector<1xf32>
    %slice3A_1334 = vector.extract_strided_slice %get3A_1289 {offsets = [6], sizes = [1], strides = [1]} : vector<16xf32> to vector<1xf32>
    %squeeze3A_1335 = vector.extract %slice3A_1334[0] : f32 from vector<1xf32>
    %slice3A_1336 = vector.extract_strided_slice %get3A_1289 {offsets = [7], sizes = [1], strides = [1]} : vector<16xf32> to vector<1xf32>
    %squeeze3A_1337 = vector.extract %slice3A_1336[0] : f32 from vector<1xf32>
    %slice3A_1338 = vector.extract_strided_slice %get3A_1289 {offsets = [8], sizes = [1], strides = [1]} : vector<16xf32> to vector<1xf32>
    %squeeze3A_1339 = vector.extract %slice3A_1338[0] : f32 from vector<1xf32>
    %slice3A_1340 = vector.extract_strided_slice %get3A_1289 {offsets = [9], sizes = [1], strides = [1]} : vector<16xf32> to vector<1xf32>
    %squeeze3A_1341 = vector.extract %slice3A_1340[0] : f32 from vector<1xf32>
    %slice3A_1342 = vector.extract_strided_slice %get3A_1289 {offsets = [10], sizes = [1], strides = [1]} : vector<16xf32> to vector<1xf32>
    %squeeze3A_1343 = vector.extract %slice3A_1342[0] : f32 from vector<1xf32>
    %slice3A_1344 = vector.extract_strided_slice %get3A_1289 {offsets = [11], sizes = [1], strides = [1]} : vector<16xf32> to vector<1xf32>
    %squeeze3A_1345 = vector.extract %slice3A_1344[0] : f32 from vector<1xf32>
    %slice3A_1346 = vector.extract_strided_slice %get3A_1289 {offsets = [12], sizes = [1], strides = [1]} : vector<16xf32> to vector<1xf32>
    %squeeze3A_1347 = vector.extract %slice3A_1346[0] : f32 from vector<1xf32>
    %slice3A_1348 = vector.extract_strided_slice %get3A_1289 {offsets = [13], sizes = [1], strides = [1]} : vector<16xf32> to vector<1xf32>
    %squeeze3A_1349 = vector.extract %slice3A_1348[0] : f32 from vector<1xf32>
    %slice3A_1350 = vector.extract_strided_slice %get3A_1289 {offsets = [14], sizes = [1], strides = [1]} : vector<16xf32> to vector<1xf32>
    %squeeze3A_1351 = vector.extract %slice3A_1350[0] : f32 from vector<1xf32>
    %slice3A_1352 = vector.extract_strided_slice %get3A_1289 {offsets = [15], sizes = [1], strides = [1]} : vector<16xf32> to vector<1xf32>
    %squeeze3A_1353 = vector.extract %slice3A_1352[0] : f32 from vector<1xf32>
    %scan3A_1354 = arith.constant 0 : i32
    %scan3A_1355 = arith.constant 32 : i32
    %scan3A_1356 = arith.addi %scan3A_1354, %scan3A_1355 : i32
    %scan3A_1357 = arith.constant 1 : i32
    scf.for %scan3A_1359 = %scan3A_1354 to %scan3A_1356 step %scan3A_1357  : i32 {
      %mul3A_1360 = arith.constant 16 : i32
      %mul3A_1361 = arith.muli %scan3A_1359, %mul3A_1360 : i32
      %broadcast_in_dim3A = vector.broadcast %squeeze3A : f32 to vector<16xf32>
      %get3A_1362 = arith.constant 0 : i32
      %get3A_1363 = arith.index_cast %get3A_1362 : i32 to index
      %get3A_1364 = arith.index_cast %mul3A_1361 : i32 to index
      %get3A_1365 = tpu.vector_load %arg13[%get3A_1363, %get3A_1364] {strides = array<i32>} : memref<32x512xf32, #tpu.memory_space<vmem>>, vector<16xf32>,
      %get3A_1366 = arith.constant 0 : i32
      %get3A_1367 = arith.index_cast %get3A_1366 : i32 to index
      %get3A_1368 = arith.index_cast %mul3A_1361 : i32 to index
      %get3A_1369 = tpu.vector_load %arg14[%get3A_1367, %get3A_1368] {strides = array<i32>} : memref<32x512xf32, #tpu.memory_space<vmem>>, vector<16xf32>,
      %mul3A_1370 = arith.mulf %get3A_1365, %get3A_1369 : vector<16xf32>
      %mul3A_1371 = vector.broadcast %squeeze3A_1291 : f32 to vector<16xf32>
      %mul3A_1372 = arith.mulf %mul3A_1370, %mul3A_1371 : vector<16xf32>
      %add3A_1373 = arith.addf %broadcast_in_dim3A, %mul3A_1372 : vector<16xf32>
      %get3A_1374 = arith.constant 1 : i32
      %get3A_1375 = arith.index_cast %get3A_1374 : i32 to index
      %get3A_1376 = arith.index_cast %mul3A_1361 : i32 to index
      %get3A_1377 = tpu.vector_load %arg13[%get3A_1375, %get3A_1376] {strides = array<i32>} : memref<32x512xf32, #tpu.memory_space<vmem>>, vector<16xf32>,
      %get3A_1378 = arith.constant 1 : i32
      %get3A_1379 = arith.index_cast %get3A_1378 : i32 to index
      %get3A_1380 = arith.index_cast %mul3A_1361 : i32 to index
      %get3A_1381 = tpu.vector_load %arg14[%get3A_1379, %get3A_1380] {strides = array<i32>} : memref<32x512xf32, #tpu.memory_space<vmem>>, vector<16xf32>,
      %mul3A_1382 = arith.mulf %get3A_1377, %get3A_1381 : vector<16xf32>
      %mul3A_1383 = vector.broadcast %squeeze3A_1293 : f32 to vector<16xf32>
      %mul3A_1384 = arith.mulf %mul3A_1382, %mul3A_1383 : vector<16xf32>
      %add3A_1385 = arith.addf %add3A_1373, %mul3A_1384 : vector<16xf32>
      %get3A_1386 = arith.constant 2 : i32
      %get3A_1387 = arith.index_cast %get3A_1386 : i32 to index
      %get3A_1388 = arith.index_cast %mul3A_1361 : i32 to index
      %get3A_1389 = tpu.vector_load %arg13[%get3A_1387, %get3A_1388] {strides = array<i32>} : memref<32x512xf32, #tpu.memory_space<vmem>>, vector<16xf32>,
      %get3A_1390 = arith.constant 2 : i32
      %get3A_1391 = arith.index_cast %get3A_1390 : i32 to index
      %get3A_1392 = arith.index_cast %mul3A_1361 : i32 to index
      %get3A_1393 = tpu.vector_load %arg14[%get3A_1391, %get3A_1392] {strides = array<i32>} : memref<32x512xf32, #tpu.memory_space<vmem>>, vector<16xf32>,
      %mul3A_1394 = arith.mulf %get3A_1389, %get3A_1393 : vector<16xf32>
      %mul3A_1395 = vector.broadcast %squeeze3A_1295 : f32 to vector<16xf32>
      %mul3A_1396 = arith.mulf %mul3A_1394, %mul3A_1395 : vector<16xf32>
      %add3A_1397 = arith.addf %add3A_1385, %mul3A_1396 : vector<16xf32>
      %get3A_1398 = arith.constant 3 : i32
      %get3A_1399 = arith.index_cast %get3A_1398 : i32 to index
      %get3A_1400 = arith.index_cast %mul3A_1361 : i32 to index
      %get3A_1401 = tpu.vector_load %arg13[%get3A_1399, %get3A_1400] {strides = array<i32>} : memref<32x512xf32, #tpu.memory_space<vmem>>, vector<16xf32>,
      %get3A_1402 = arith.constant 3 : i32
      %get3A_1403 = arith.index_cast %get3A_1402 : i32 to index
      %get3A_1404 = arith.index_cast %mul3A_1361 : i32 to index
      %get3A_1405 = tpu.vector_load %arg14[%get3A_1403, %get3A_1404] {strides = array<i32>} : memref<32x512xf32, #tpu.memory_space<vmem>>, vector<16xf32>,
      %mul3A_1406 = arith.mulf %get3A_1401, %get3A_1405 : vector<16xf32>
      %mul3A_1407 = vector.broadcast %squeeze3A_1297 : f32 to vector<16xf32>
      %mul3A_1408 = arith.mulf %mul3A_1406, %mul3A_1407 : vector<16xf32>
      %add3A_1409 = arith.addf %add3A_1397, %mul3A_1408 : vector<16xf32>
      %get3A_1410 = arith.constant 4 : i32
      %get3A_1411 = arith.index_cast %get3A_1410 : i32 to index
      %get3A_1412 = arith.index_cast %mul3A_1361 : i32 to index
      %get3A_1413 = tpu.vector_load %arg13[%get3A_1411, %get3A_1412] {strides = array<i32>} : memref<32x512xf32, #tpu.memory_space<vmem>>, vector<16xf32>,
      %get3A_1414 = arith.constant 4 : i32
      %get3A_1415 = arith.index_cast %get3A_1414 : i32 to index
      %get3A_1416 = arith.index_cast %mul3A_1361 : i32 to index
      %get3A_1417 = tpu.vector_load %arg14[%get3A_1415, %get3A_1416] {strides = array<i32>} : memref<32x512xf32, #tpu.memory_space<vmem>>, vector<16xf32>,
      %mul3A_1418 = arith.mulf %get3A_1413, %get3A_1417 : vector<16xf32>
      %mul3A_1419 = vector.broadcast %squeeze3A_1299 : f32 to vector<16xf32>
      %mul3A_1420 = arith.mulf %mul3A_1418, %mul3A_1419 : vector<16xf32>
      %add3A_1421 = arith.addf %add3A_1409, %mul3A_1420 : vector<16xf32>
      %get3A_1422 = arith.constant 5 : i32
      %get3A_1423 = arith.index_cast %get3A_1422 : i32 to index
      %get3A_1424 = arith.index_cast %mul3A_1361 : i32 to index
      %get3A_1425 = tpu.vector_load %arg13[%get3A_1423, %get3A_1424] {strides = array<i32>} : memref<32x512xf32, #tpu.memory_space<vmem>>, vector<16xf32>,
      %get3A_1426 = arith.constant 5 : i32
      %get3A_1427 = arith.index_cast %get3A_1426 : i32 to index
      %get3A_1428 = arith.index_cast %mul3A_1361 : i32 to index
      %get3A_1429 = tpu.vector_load %arg14[%get3A_1427, %get3A_1428] {strides = array<i32>} : memref<32x512xf32, #tpu.memory_space<vmem>>, vector<16xf32>,
      %mul3A_1430 = arith.mulf %get3A_1425, %get3A_1429 : vector<16xf32>
      %mul3A_1431 = vector.broadcast %squeeze3A_1301 : f32 to vector<16xf32>
      %mul3A_1432 = arith.mulf %mul3A_1430, %mul3A_1431 : vector<16xf32>
      %add3A_1433 = arith.addf %add3A_1421, %mul3A_1432 : vector<16xf32>
      %get3A_1434 = arith.constant 6 : i32
      %get3A_1435 = arith.index_cast %get3A_1434 : i32 to index
      %get3A_1436 = arith.index_cast %mul3A_1361 : i32 to index
      %get3A_1437 = tpu.vector_load %arg13[%get3A_1435, %get3A_1436] {strides = array<i32>} : memref<32x512xf32, #tpu.memory_space<vmem>>, vector<16xf32>,
      %get3A_1438 = arith.constant 6 : i32
      %get3A_1439 = arith.index_cast %get3A_1438 : i32 to index
      %get3A_1440 = arith.index_cast %mul3A_1361 : i32 to index
      %get3A_1441 = tpu.vector_load %arg14[%get3A_1439, %get3A_1440] {strides = array<i32>} : memref<32x512xf32, #tpu.memory_space<vmem>>, vector<16xf32>,
      %mul3A_1442 = arith.mulf %get3A_1437, %get3A_1441 : vector<16xf32>
      %mul3A_1443 = vector.broadcast %squeeze3A_1303 : f32 to vector<16xf32>
      %mul3A_1444 = arith.mulf %mul3A_1442, %mul3A_1443 : vector<16xf32>
      %add3A_1445 = arith.addf %add3A_1433, %mul3A_1444 : vector<16xf32>
      %get3A_1446 = arith.constant 7 : i32
      %get3A_1447 = arith.index_cast %get3A_1446 : i32 to index
      %get3A_1448 = arith.index_cast %mul3A_1361 : i32 to index
      %get3A_1449 = tpu.vector_load %arg13[%get3A_1447, %get3A_1448] {strides = array<i32>} : memref<32x512xf32, #tpu.memory_space<vmem>>, vector<16xf32>,
      %get3A_1450 = arith.constant 7 : i32
      %get3A_1451 = arith.index_cast %get3A_1450 : i32 to index
      %get3A_1452 = arith.index_cast %mul3A_1361 : i32 to index
      %get3A_1453 = tpu.vector_load %arg14[%get3A_1451, %get3A_1452] {strides = array<i32>} : memref<32x512xf32, #tpu.memory_space<vmem>>, vector<16xf32>,
      %mul3A_1454 = arith.mulf %get3A_1449, %get3A_1453 : vector<16xf32>
      %mul3A_1455 = vector.broadcast %squeeze3A_1305 : f32 to vector<16xf32>
      %mul3A_1456 = arith.mulf %mul3A_1454, %mul3A_1455 : vector<16xf32>
      %add3A_1457 = arith.addf %add3A_1445, %mul3A_1456 : vector<16xf32>
      %get3A_1458 = arith.constant 8 : i32
      %get3A_1459 = arith.index_cast %get3A_1458 : i32 to index
      %get3A_1460 = arith.index_cast %mul3A_1361 : i32 to index
      %get3A_1461 = tpu.vector_load %arg13[%get3A_1459, %get3A_1460] {strides = array<i32>} : memref<32x512xf32, #tpu.memory_space<vmem>>, vector<16xf32>,
      %get3A_1462 = arith.constant 8 : i32
      %get3A_1463 = arith.index_cast %get3A_1462 : i32 to index
      %get3A_1464 = arith.index_cast %mul3A_1361 : i32 to index
      %get3A_1465 = tpu.vector_load %arg14[%get3A_1463, %get3A_1464] {strides = array<i32>} : memref<32x512xf32, #tpu.memory_space<vmem>>, vector<16xf32>,
      %mul3A_1466 = arith.mulf %get3A_1461, %get3A_1465 : vector<16xf32>
      %mul3A_1467 = vector.broadcast %squeeze3A_1307 : f32 to vector<16xf32>
      %mul3A_1468 = arith.mulf %mul3A_1466, %mul3A_1467 : vector<16xf32>
      %add3A_1469 = arith.addf %add3A_1457, %mul3A_1468 : vector<16xf32>
      %get3A_1470 = arith.constant 9 : i32
      %get3A_1471 = arith.index_cast %get3A_1470 : i32 to index
      %get3A_1472 = arith.index_cast %mul3A_1361 : i32 to index
      %get3A_1473 = tpu.vector_load %arg13[%get3A_1471, %get3A_1472] {strides = array<i32>} : memref<32x512xf32, #tpu.memory_space<vmem>>, vector<16xf32>,
      %get3A_1474 = arith.constant 9 : i32
      %get3A_1475 = arith.index_cast %get3A_1474 : i32 to index
      %get3A_1476 = arith.index_cast %mul3A_1361 : i32 to index
      %get3A_1477 = tpu.vector_load %arg14[%get3A_1475, %get3A_1476] {strides = array<i32>} : memref<32x512xf32, #tpu.memory_space<vmem>>, vector<16xf32>,
      %mul3A_1478 = arith.mulf %get3A_1473, %get3A_1477 : vector<16xf32>
      %mul3A_1479 = vector.broadcast %squeeze3A_1309 : f32 to vector<16xf32>
      %mul3A_1480 = arith.mulf %mul3A_1478, %mul3A_1479 : vector<16xf32>
      %add3A_1481 = arith.addf %add3A_1469, %mul3A_1480 : vector<16xf32>
      %get3A_1482 = arith.constant 10 : i32
      %get3A_1483 = arith.index_cast %get3A_1482 : i32 to index
      %get3A_1484 = arith.index_cast %mul3A_1361 : i32 to index
      %get3A_1485 = tpu.vector_load %arg13[%get3A_1483, %get3A_1484] {strides = array<i32>} : memref<32x512xf32, #tpu.memory_space<vmem>>, vector<16xf32>,
      %get3A_1486 = arith.constant 10 : i32
      %get3A_1487 = arith.index_cast %get3A_1486 : i32 to index
      %get3A_1488 = arith.index_cast %mul3A_1361 : i32 to index
      %get3A_1489 = tpu.vector_load %arg14[%get3A_1487, %get3A_1488] {strides = array<i32>} : memref<32x512xf32, #tpu.memory_space<vmem>>, vector<16xf32>,
      %mul3A_1490 = arith.mulf %get3A_1485, %get3A_1489 : vector<16xf32>
      %mul3A_1491 = vector.broadcast %squeeze3A_1311 : f32 to vector<16xf32>
      %mul3A_1492 = arith.mulf %mul3A_1490, %mul3A_1491 : vector<16xf32>
      %add3A_1493 = arith.addf %add3A_1481, %mul3A_1492 : vector<16xf32>
      %get3A_1494 = arith.constant 11 : i32
      %get3A_1495 = arith.index_cast %get3A_1494 : i32 to index
      %get3A_1496 = arith.index_cast %mul3A_1361 : i32 to index
      %get3A_1497 = tpu.vector_load %arg13[%get3A_1495, %get3A_1496] {strides = array<i32>} : memref<32x512xf32, #tpu.memory_space<vmem>>, vector<16xf32>,
      %get3A_1498 = arith.constant 11 : i32
      %get3A_1499 = arith.index_cast %get3A_1498 : i32 to index
      %get3A_1500 = arith.index_cast %mul3A_1361 : i32 to index
      %get3A_1501 = tpu.vector_load %arg14[%get3A_1499, %get3A_1500] {strides = array<i32>} : memref<32x512xf32, #tpu.memory_space<vmem>>, vector<16xf32>,
      %mul3A_1502 = arith.mulf %get3A_1497, %get3A_1501 : vector<16xf32>
      %mul3A_1503 = vector.broadcast %squeeze3A_1313 : f32 to vector<16xf32>
      %mul3A_1504 = arith.mulf %mul3A_1502, %mul3A_1503 : vector<16xf32>
      %add3A_1505 = arith.addf %add3A_1493, %mul3A_1504 : vector<16xf32>
      %get3A_1506 = arith.constant 12 : i32
      %get3A_1507 = arith.index_cast %get3A_1506 : i32 to index
      %get3A_1508 = arith.index_cast %mul3A_1361 : i32 to index
      %get3A_1509 = tpu.vector_load %arg13[%get3A_1507, %get3A_1508] {strides = array<i32>} : memref<32x512xf32, #tpu.memory_space<vmem>>, vector<16xf32>,
      %get3A_1510 = arith.constant 12 : i32
      %get3A_1511 = arith.index_cast %get3A_1510 : i32 to index
      %get3A_1512 = arith.index_cast %mul3A_1361 : i32 to index
      %get3A_1513 = tpu.vector_load %arg14[%get3A_1511, %get3A_1512] {strides = array<i32>} : memref<32x512xf32, #tpu.memory_space<vmem>>, vector<16xf32>,
      %mul3A_1514 = arith.mulf %get3A_1509, %get3A_1513 : vector<16xf32>
      %mul3A_1515 = vector.broadcast %squeeze3A_1315 : f32 to vector<16xf32>
      %mul3A_1516 = arith.mulf %mul3A_1514, %mul3A_1515 : vector<16xf32>
      %add3A_1517 = arith.addf %add3A_1505, %mul3A_1516 : vector<16xf32>
      %get3A_1518 = arith.constant 13 : i32
      %get3A_1519 = arith.index_cast %get3A_1518 : i32 to index
      %get3A_1520 = arith.index_cast %mul3A_1361 : i32 to index
      %get3A_1521 = tpu.vector_load %arg13[%get3A_1519, %get3A_1520] {strides = array<i32>} : memref<32x512xf32, #tpu.memory_space<vmem>>, vector<16xf32>,
      %get3A_1522 = arith.constant 13 : i32
      %get3A_1523 = arith.index_cast %get3A_1522 : i32 to index
      %get3A_1524 = arith.index_cast %mul3A_1361 : i32 to index
      %get3A_1525 = tpu.vector_load %arg14[%get3A_1523, %get3A_1524] {strides = array<i32>} : memref<32x512xf32, #tpu.memory_space<vmem>>, vector<16xf32>,
      %mul3A_1526 = arith.mulf %get3A_1521, %get3A_1525 : vector<16xf32>
      %mul3A_1527 = vector.broadcast %squeeze3A_1317 : f32 to vector<16xf32>
      %mul3A_1528 = arith.mulf %mul3A_1526, %mul3A_1527 : vector<16xf32>
      %add3A_1529 = arith.addf %add3A_1517, %mul3A_1528 : vector<16xf32>
      %get3A_1530 = arith.constant 14 : i32
      %get3A_1531 = arith.index_cast %get3A_1530 : i32 to index
      %get3A_1532 = arith.index_cast %mul3A_1361 : i32 to index
      %get3A_1533 = tpu.vector_load %arg13[%get3A_1531, %get3A_1532] {strides = array<i32>} : memref<32x512xf32, #tpu.memory_space<vmem>>, vector<16xf32>,
      %get3A_1534 = arith.constant 14 : i32
      %get3A_1535 = arith.index_cast %get3A_1534 : i32 to index
      %get3A_1536 = arith.index_cast %mul3A_1361 : i32 to index
      %get3A_1537 = tpu.vector_load %arg14[%get3A_1535, %get3A_1536] {strides = array<i32>} : memref<32x512xf32, #tpu.memory_space<vmem>>, vector<16xf32>,
      %mul3A_1538 = arith.mulf %get3A_1533, %get3A_1537 : vector<16xf32>
      %mul3A_1539 = vector.broadcast %squeeze3A_1319 : f32 to vector<16xf32>
      %mul3A_1540 = arith.mulf %mul3A_1538, %mul3A_1539 : vector<16xf32>
      %add3A_1541 = arith.addf %add3A_1529, %mul3A_1540 : vector<16xf32>
      %get3A_1542 = arith.constant 15 : i32
      %get3A_1543 = arith.index_cast %get3A_1542 : i32 to index
      %get3A_1544 = arith.index_cast %mul3A_1361 : i32 to index
      %get3A_1545 = tpu.vector_load %arg13[%get3A_1543, %get3A_1544] {strides = array<i32>} : memref<32x512xf32, #tpu.memory_space<vmem>>, vector<16xf32>,
      %get3A_1546 = arith.constant 15 : i32
      %get3A_1547 = arith.index_cast %get3A_1546 : i32 to index
      %get3A_1548 = arith.index_cast %mul3A_1361 : i32 to index
      %get3A_1549 = tpu.vector_load %arg14[%get3A_1547, %get3A_1548] {strides = array<i32>} : memref<32x512xf32, #tpu.memory_space<vmem>>, vector<16xf32>,
      %mul3A_1550 = arith.mulf %get3A_1545, %get3A_1549 : vector<16xf32>
      %mul3A_1551 = vector.broadcast %squeeze3A_1321 : f32 to vector<16xf32>
      %mul3A_1552 = arith.mulf %mul3A_1550, %mul3A_1551 : vector<16xf32>
      %add3A_1553 = arith.addf %add3A_1541, %mul3A_1552 : vector<16xf32>
      %get3A_1554 = arith.constant 16 : i32
      %get3A_1555 = arith.index_cast %get3A_1554 : i32 to index
      %get3A_1556 = arith.index_cast %mul3A_1361 : i32 to index
      %get3A_1557 = tpu.vector_load %arg13[%get3A_1555, %get3A_1556] {strides = array<i32>} : memref<32x512xf32, #tpu.memory_space<vmem>>, vector<16xf32>,
      %get3A_1558 = arith.constant 16 : i32
      %get3A_1559 = arith.index_cast %get3A_1558 : i32 to index
      %get3A_1560 = arith.index_cast %mul3A_1361 : i32 to index
      %get3A_1561 = tpu.vector_load %arg14[%get3A_1559, %get3A_1560] {strides = array<i32>} : memref<32x512xf32, #tpu.memory_space<vmem>>, vector<16xf32>,
      %mul3A_1562 = arith.mulf %get3A_1557, %get3A_1561 : vector<16xf32>
      %mul3A_1563 = vector.broadcast %squeeze3A_1323 : f32 to vector<16xf32>
      %mul3A_1564 = arith.mulf %mul3A_1562, %mul3A_1563 : vector<16xf32>
      %add3A_1565 = arith.addf %add3A_1553, %mul3A_1564 : vector<16xf32>
      %get3A_1566 = arith.constant 17 : i32
      %get3A_1567 = arith.index_cast %get3A_1566 : i32 to index
      %get3A_1568 = arith.index_cast %mul3A_1361 : i32 to index
      %get3A_1569 = tpu.vector_load %arg13[%get3A_1567, %get3A_1568] {strides = array<i32>} : memref<32x512xf32, #tpu.memory_space<vmem>>, vector<16xf32>,
      %get3A_1570 = arith.constant 17 : i32
      %get3A_1571 = arith.index_cast %get3A_1570 : i32 to index
      %get3A_1572 = arith.index_cast %mul3A_1361 : i32 to index
      %get3A_1573 = tpu.vector_load %arg14[%get3A_1571, %get3A_1572] {strides = array<i32>} : memref<32x512xf32, #tpu.memory_space<vmem>>, vector<16xf32>,
      %mul3A_1574 = arith.mulf %get3A_1569, %get3A_1573 : vector<16xf32>
      %mul3A_1575 = vector.broadcast %squeeze3A_1325 : f32 to vector<16xf32>
      %mul3A_1576 = arith.mulf %mul3A_1574, %mul3A_1575 : vector<16xf32>
      %add3A_1577 = arith.addf %add3A_1565, %mul3A_1576 : vector<16xf32>
      %get3A_1578 = arith.constant 18 : i32
      %get3A_1579 = arith.index_cast %get3A_1578 : i32 to index
      %get3A_1580 = arith.index_cast %mul3A_1361 : i32 to index
      %get3A_1581 = tpu.vector_load %arg13[%get3A_1579, %get3A_1580] {strides = array<i32>} : memref<32x512xf32, #tpu.memory_space<vmem>>, vector<16xf32>,
      %get3A_1582 = arith.constant 18 : i32
      %get3A_1583 = arith.index_cast %get3A_1582 : i32 to index
      %get3A_1584 = arith.index_cast %mul3A_1361 : i32 to index
      %get3A_1585 = tpu.vector_load %arg14[%get3A_1583, %get3A_1584] {strides = array<i32>} : memref<32x512xf32, #tpu.memory_space<vmem>>, vector<16xf32>,
      %mul3A_1586 = arith.mulf %get3A_1581, %get3A_1585 : vector<16xf32>
      %mul3A_1587 = vector.broadcast %squeeze3A_1327 : f32 to vector<16xf32>
      %mul3A_1588 = arith.mulf %mul3A_1586, %mul3A_1587 : vector<16xf32>
      %add3A_1589 = arith.addf %add3A_1577, %mul3A_1588 : vector<16xf32>
      %get3A_1590 = arith.constant 19 : i32
      %get3A_1591 = arith.index_cast %get3A_1590 : i32 to index
      %get3A_1592 = arith.index_cast %mul3A_1361 : i32 to index
      %get3A_1593 = tpu.vector_load %arg13[%get3A_1591, %get3A_1592] {strides = array<i32>} : memref<32x512xf32, #tpu.memory_space<vmem>>, vector<16xf32>,
      %get3A_1594 = arith.constant 19 : i32
      %get3A_1595 = arith.index_cast %get3A_1594 : i32 to index
      %get3A_1596 = arith.index_cast %mul3A_1361 : i32 to index
      %get3A_1597 = tpu.vector_load %arg14[%get3A_1595, %get3A_1596] {strides = array<i32>} : memref<32x512xf32, #tpu.memory_space<vmem>>, vector<16xf32>,
      %mul3A_1598 = arith.mulf %get3A_1593, %get3A_1597 : vector<16xf32>
      %mul3A_1599 = vector.broadcast %squeeze3A_1329 : f32 to vector<16xf32>
      %mul3A_1600 = arith.mulf %mul3A_1598, %mul3A_1599 : vector<16xf32>
      %add3A_1601 = arith.addf %add3A_1589, %mul3A_1600 : vector<16xf32>
      %get3A_1602 = arith.constant 20 : i32
      %get3A_1603 = arith.index_cast %get3A_1602 : i32 to index
      %get3A_1604 = arith.index_cast %mul3A_1361 : i32 to index
      %get3A_1605 = tpu.vector_load %arg13[%get3A_1603, %get3A_1604] {strides = array<i32>} : memref<32x512xf32, #tpu.memory_space<vmem>>, vector<16xf32>,
      %get3A_1606 = arith.constant 20 : i32
      %get3A_1607 = arith.index_cast %get3A_1606 : i32 to index
      %get3A_1608 = arith.index_cast %mul3A_1361 : i32 to index
      %get3A_1609 = tpu.vector_load %arg14[%get3A_1607, %get3A_1608] {strides = array<i32>} : memref<32x512xf32, #tpu.memory_space<vmem>>, vector<16xf32>,
      %mul3A_1610 = arith.mulf %get3A_1605, %get3A_1609 : vector<16xf32>
      %mul3A_1611 = vector.broadcast %squeeze3A_1331 : f32 to vector<16xf32>
      %mul3A_1612 = arith.mulf %mul3A_1610, %mul3A_1611 : vector<16xf32>
      %add3A_1613 = arith.addf %add3A_1601, %mul3A_1612 : vector<16xf32>
      %get3A_1614 = arith.constant 21 : i32
      %get3A_1615 = arith.index_cast %get3A_1614 : i32 to index
      %get3A_1616 = arith.index_cast %mul3A_1361 : i32 to index
      %get3A_1617 = tpu.vector_load %arg13[%get3A_1615, %get3A_1616] {strides = array<i32>} : memref<32x512xf32, #tpu.memory_space<vmem>>, vector<16xf32>,
      %get3A_1618 = arith.constant 21 : i32
      %get3A_1619 = arith.index_cast %get3A_1618 : i32 to index
      %get3A_1620 = arith.index_cast %mul3A_1361 : i32 to index
      %get3A_1621 = tpu.vector_load %arg14[%get3A_1619, %get3A_1620] {strides = array<i32>} : memref<32x512xf32, #tpu.memory_space<vmem>>, vector<16xf32>,
      %mul3A_1622 = arith.mulf %get3A_1617, %get3A_1621 : vector<16xf32>
      %mul3A_1623 = vector.broadcast %squeeze3A_1333 : f32 to vector<16xf32>
      %mul3A_1624 = arith.mulf %mul3A_1622, %mul3A_1623 : vector<16xf32>
      %add3A_1625 = arith.addf %add3A_1613, %mul3A_1624 : vector<16xf32>
      %get3A_1626 = arith.constant 22 : i32
      %get3A_1627 = arith.index_cast %get3A_1626 : i32 to index
      %get3A_1628 = arith.index_cast %mul3A_1361 : i32 to index
      %get3A_1629 = tpu.vector_load %arg13[%get3A_1627, %get3A_1628] {strides = array<i32>} : memref<32x512xf32, #tpu.memory_space<vmem>>, vector<16xf32>,
      %get3A_1630 = arith.constant 22 : i32
      %get3A_1631 = arith.index_cast %get3A_1630 : i32 to index
      %get3A_1632 = arith.index_cast %mul3A_1361 : i32 to index
      %get3A_1633 = tpu.vector_load %arg14[%get3A_1631, %get3A_1632] {strides = array<i32>} : memref<32x512xf32, #tpu.memory_space<vmem>>, vector<16xf32>,
      %mul3A_1634 = arith.mulf %get3A_1629, %get3A_1633 : vector<16xf32>
      %mul3A_1635 = vector.broadcast %squeeze3A_1335 : f32 to vector<16xf32>
      %mul3A_1636 = arith.mulf %mul3A_1634, %mul3A_1635 : vector<16xf32>
      %add3A_1637 = arith.addf %add3A_1625, %mul3A_1636 : vector<16xf32>
      %get3A_1638 = arith.constant 23 : i32
      %get3A_1639 = arith.index_cast %get3A_1638 : i32 to index
      %get3A_1640 = arith.index_cast %mul3A_1361 : i32 to index
      %get3A_1641 = tpu.vector_load %arg13[%get3A_1639, %get3A_1640] {strides = array<i32>} : memref<32x512xf32, #tpu.memory_space<vmem>>, vector<16xf32>,
      %get3A_1642 = arith.constant 23 : i32
      %get3A_1643 = arith.index_cast %get3A_1642 : i32 to index
      %get3A_1644 = arith.index_cast %mul3A_1361 : i32 to index
      %get3A_1645 = tpu.vector_load %arg14[%get3A_1643, %get3A_1644] {strides = array<i32>} : memref<32x512xf32, #tpu.memory_space<vmem>>, vector<16xf32>,
      %mul3A_1646 = arith.mulf %get3A_1641, %get3A_1645 : vector<16xf32>
      %mul3A_1647 = vector.broadcast %squeeze3A_1337 : f32 to vector<16xf32>
      %mul3A_1648 = arith.mulf %mul3A_1646, %mul3A_1647 : vector<16xf32>
      %add3A_1649 = arith.addf %add3A_1637, %mul3A_1648 : vector<16xf32>
      %get3A_1650 = arith.constant 24 : i32
      %get3A_1651 = arith.index_cast %get3A_1650 : i32 to index
      %get3A_1652 = arith.index_cast %mul3A_1361 : i32 to index
      %get3A_1653 = tpu.vector_load %arg13[%get3A_1651, %get3A_1652] {strides = array<i32>} : memref<32x512xf32, #tpu.memory_space<vmem>>, vector<16xf32>,
      %get3A_1654 = arith.constant 24 : i32
      %get3A_1655 = arith.index_cast %get3A_1654 : i32 to index
      %get3A_1656 = arith.index_cast %mul3A_1361 : i32 to index
      %get3A_1657 = tpu.vector_load %arg14[%get3A_1655, %get3A_1656] {strides = array<i32>} : memref<32x512xf32, #tpu.memory_space<vmem>>, vector<16xf32>,
      %mul3A_1658 = arith.mulf %get3A_1653, %get3A_1657 : vector<16xf32>
      %mul3A_1659 = vector.broadcast %squeeze3A_1339 : f32 to vector<16xf32>
      %mul3A_1660 = arith.mulf %mul3A_1658, %mul3A_1659 : vector<16xf32>
      %add3A_1661 = arith.addf %add3A_1649, %mul3A_1660 : vector<16xf32>
      %get3A_1662 = arith.constant 25 : i32
      %get3A_1663 = arith.index_cast %get3A_1662 : i32 to index
      %get3A_1664 = arith.index_cast %mul3A_1361 : i32 to index
      %get3A_1665 = tpu.vector_load %arg13[%get3A_1663, %get3A_1664] {strides = array<i32>} : memref<32x512xf32, #tpu.memory_space<vmem>>, vector<16xf32>,
      %get3A_1666 = arith.constant 25 : i32
      %get3A_1667 = arith.index_cast %get3A_1666 : i32 to index
      %get3A_1668 = arith.index_cast %mul3A_1361 : i32 to index
      %get3A_1669 = tpu.vector_load %arg14[%get3A_1667, %get3A_1668] {strides = array<i32>} : memref<32x512xf32, #tpu.memory_space<vmem>>, vector<16xf32>,
      %mul3A_1670 = arith.mulf %get3A_1665, %get3A_1669 : vector<16xf32>
      %mul3A_1671 = vector.broadcast %squeeze3A_1341 : f32 to vector<16xf32>
      %mul3A_1672 = arith.mulf %mul3A_1670, %mul3A_1671 : vector<16xf32>
      %add3A_1673 = arith.addf %add3A_1661, %mul3A_1672 : vector<16xf32>
      %get3A_1674 = arith.constant 26 : i32
      %get3A_1675 = arith.index_cast %get3A_1674 : i32 to index
      %get3A_1676 = arith.index_cast %mul3A_1361 : i32 to index
      %get3A_1677 = tpu.vector_load %arg13[%get3A_1675, %get3A_1676] {strides = array<i32>} : memref<32x512xf32, #tpu.memory_space<vmem>>, vector<16xf32>,
      %get3A_1678 = arith.constant 26 : i32
      %get3A_1679 = arith.index_cast %get3A_1678 : i32 to index
      %get3A_1680 = arith.index_cast %mul3A_1361 : i32 to index
      %get3A_1681 = tpu.vector_load %arg14[%get3A_1679, %get3A_1680] {strides = array<i32>} : memref<32x512xf32, #tpu.memory_space<vmem>>, vector<16xf32>,
      %mul3A_1682 = arith.mulf %get3A_1677, %get3A_1681 : vector<16xf32>
      %mul3A_1683 = vector.broadcast %squeeze3A_1343 : f32 to vector<16xf32>
      %mul3A_1684 = arith.mulf %mul3A_1682, %mul3A_1683 : vector<16xf32>
      %add3A_1685 = arith.addf %add3A_1673, %mul3A_1684 : vector<16xf32>
      %get3A_1686 = arith.constant 27 : i32
      %get3A_1687 = arith.index_cast %get3A_1686 : i32 to index
      %get3A_1688 = arith.index_cast %mul3A_1361 : i32 to index
      %get3A_1689 = tpu.vector_load %arg13[%get3A_1687, %get3A_1688] {strides = array<i32>} : memref<32x512xf32, #tpu.memory_space<vmem>>, vector<16xf32>,
      %get3A_1690 = arith.constant 27 : i32
      %get3A_1691 = arith.index_cast %get3A_1690 : i32 to index
      %get3A_1692 = arith.index_cast %mul3A_1361 : i32 to index
      %get3A_1693 = tpu.vector_load %arg14[%get3A_1691, %get3A_1692] {strides = array<i32>} : memref<32x512xf32, #tpu.memory_space<vmem>>, vector<16xf32>,
      %mul3A_1694 = arith.mulf %get3A_1689, %get3A_1693 : vector<16xf32>
      %mul3A_1695 = vector.broadcast %squeeze3A_1345 : f32 to vector<16xf32>
      %mul3A_1696 = arith.mulf %mul3A_1694, %mul3A_1695 : vector<16xf32>
      %add3A_1697 = arith.addf %add3A_1685, %mul3A_1696 : vector<16xf32>
      %get3A_1698 = arith.constant 28 : i32
      %get3A_1699 = arith.index_cast %get3A_1698 : i32 to index
      %get3A_1700 = arith.index_cast %mul3A_1361 : i32 to index
      %get3A_1701 = tpu.vector_load %arg13[%get3A_1699, %get3A_1700] {strides = array<i32>} : memref<32x512xf32, #tpu.memory_space<vmem>>, vector<16xf32>,
      %get3A_1702 = arith.constant 28 : i32
      %get3A_1703 = arith.index_cast %get3A_1702 : i32 to index
      %get3A_1704 = arith.index_cast %mul3A_1361 : i32 to index
      %get3A_1705 = tpu.vector_load %arg14[%get3A_1703, %get3A_1704] {strides = array<i32>} : memref<32x512xf32, #tpu.memory_space<vmem>>, vector<16xf32>,
      %mul3A_1706 = arith.mulf %get3A_1701, %get3A_1705 : vector<16xf32>
      %mul3A_1707 = vector.broadcast %squeeze3A_1347 : f32 to vector<16xf32>
      %mul3A_1708 = arith.mulf %mul3A_1706, %mul3A_1707 : vector<16xf32>
      %add3A_1709 = arith.addf %add3A_1697, %mul3A_1708 : vector<16xf32>
      %get3A_1710 = arith.constant 29 : i32
      %get3A_1711 = arith.index_cast %get3A_1710 : i32 to index
      %get3A_1712 = arith.index_cast %mul3A_1361 : i32 to index
      %get3A_1713 = tpu.vector_load %arg13[%get3A_1711, %get3A_1712] {strides = array<i32>} : memref<32x512xf32, #tpu.memory_space<vmem>>, vector<16xf32>,
      %get3A_1714 = arith.constant 29 : i32
      %get3A_1715 = arith.index_cast %get3A_1714 : i32 to index
      %get3A_1716 = arith.index_cast %mul3A_1361 : i32 to index
      %get3A_1717 = tpu.vector_load %arg14[%get3A_1715, %get3A_1716] {strides = array<i32>} : memref<32x512xf32, #tpu.memory_space<vmem>>, vector<16xf32>,
      %mul3A_1718 = arith.mulf %get3A_1713, %get3A_1717 : vector<16xf32>
      %mul3A_1719 = vector.broadcast %squeeze3A_1349 : f32 to vector<16xf32>
      %mul3A_1720 = arith.mulf %mul3A_1718, %mul3A_1719 : vector<16xf32>
      %add3A_1721 = arith.addf %add3A_1709, %mul3A_1720 : vector<16xf32>
      %get3A_1722 = arith.constant 30 : i32
      %get3A_1723 = arith.index_cast %get3A_1722 : i32 to index
      %get3A_1724 = arith.index_cast %mul3A_1361 : i32 to index
      %get3A_1725 = tpu.vector_load %arg13[%get3A_1723, %get3A_1724] {strides = array<i32>} : memref<32x512xf32, #tpu.memory_space<vmem>>, vector<16xf32>,
      %get3A_1726 = arith.constant 30 : i32
      %get3A_1727 = arith.index_cast %get3A_1726 : i32 to index
      %get3A_1728 = arith.index_cast %mul3A_1361 : i32 to index
      %get3A_1729 = tpu.vector_load %arg14[%get3A_1727, %get3A_1728] {strides = array<i32>} : memref<32x512xf32, #tpu.memory_space<vmem>>, vector<16xf32>,
      %mul3A_1730 = arith.mulf %get3A_1725, %get3A_1729 : vector<16xf32>
      %mul3A_1731 = vector.broadcast %squeeze3A_1351 : f32 to vector<16xf32>
      %mul3A_1732 = arith.mulf %mul3A_1730, %mul3A_1731 : vector<16xf32>
      %add3A_1733 = arith.addf %add3A_1721, %mul3A_1732 : vector<16xf32>
      %get3A_1734 = arith.constant 31 : i32
      %get3A_1735 = arith.index_cast %get3A_1734 : i32 to index
      %get3A_1736 = arith.index_cast %mul3A_1361 : i32 to index
      %get3A_1737 = tpu.vector_load %arg13[%get3A_1735, %get3A_1736] {strides = array<i32>} : memref<32x512xf32, #tpu.memory_space<vmem>>, vector<16xf32>,
      %get3A_1738 = arith.constant 31 : i32
      %get3A_1739 = arith.index_cast %get3A_1738 : i32 to index
      %get3A_1740 = arith.index_cast %mul3A_1361 : i32 to index
      %get3A_1741 = tpu.vector_load %arg14[%get3A_1739, %get3A_1740] {strides = array<i32>} : memref<32x512xf32, #tpu.memory_space<vmem>>, vector<16xf32>,
      %mul3A_1742 = arith.mulf %get3A_1737, %get3A_1741 : vector<16xf32>
      %mul3A_1743 = vector.broadcast %squeeze3A_1353 : f32 to vector<16xf32>
      %mul3A_1744 = arith.mulf %mul3A_1742, %mul3A_1743 : vector<16xf32>
      %add3A_1745 = arith.addf %add3A_1733, %mul3A_1744 : vector<16xf32>
      %swap3A = arith.index_cast %mul3A_1361 : i32 to index
      %swap3A_1746 = tpu.vector_load %arg17[%swap3A] {strides = array<i32>} : memref<512xf32, #tpu.memory_space<vmem>>, vector<16xf32>,
      tpu.vector_store %arg17[%swap3A], %add3A_1745 {strides = array<i32>} : memref<512xf32, #tpu.memory_space<vmem>>, vector<16xf32>,
    }
    %scan3A_1358 = arith.constant 32 : i32
    "tpu.region"() ({
      %run_scoped3A = tpu.sem_alloc : memref<!tpu.dma_semaphore, #tpu.memory_space<semaphore_mem>>
      %dma_start3A_1359 = tpu.memref_slice %arg8[%mul3A_2] : memref<16384xf32, #tpu.memory_space<hbm>> -> memref<512xf32, #tpu.memory_space<hbm>>
      %dma_start3A_1360 = tpu.memref_slice %arg8[%mul3A_2] : memref<16384xf32, #tpu.memory_space<hbm>> -> memref<512xf32, #tpu.memory_space<hbm>>
      tpu.enqueue_dma source(%arg17 : memref<512xf32, #tpu.memory_space<vmem>>) target(%dma_start3A_1360 : memref<512xf32, #tpu.memory_space<hbm>>) target_semaphore(%run_scoped3A : memref<!tpu.dma_semaphore, #tpu.memory_space<semaphore_mem>>)
      %dma_wait3A_1361 = tpu.memref_slice %arg8[%mul3A_2] : memref<16384xf32, #tpu.memory_space<hbm>> -> memref<512xf32, #tpu.memory_space<hbm>>
      %dma_wait3A_1362 = tpu.memref_slice %arg8[%mul3A_2] : memref<16384xf32, #tpu.memory_space<hbm>> -> memref<512xf32, #tpu.memory_space<hbm>>
      tpu.wait_dma2 semaphore(%run_scoped3A : memref<!tpu.dma_semaphore, #tpu.memory_space<semaphore_mem>>) src(%arg17 : memref<512xf32, #tpu.memory_space<vmem>>) dst(%dma_wait3A_1362 : memref<512xf32, #tpu.memory_space<hbm>>)
      tpu.yield
    }) : () -> ()
    return
  }
}

</mosaic_0001>

<sc_bundles>
// kernel: _gmf.3.cloned.1.call-start
scs
__scs_entry_jumppad:
0x0: {  	(pc) =	sbr.rel $0x88, $3  }
0x1: {  	(tag) =	ssettag $0x0;
	lr =	simm.s32 $0x1  }
0x2: {  	[smem:$0x3F9B] =	sst lr;
	_ =	strace $0xD0000000  }
0x3: {  	_ = 	snop  }
0x4: {  	_ = 	snop  }
0x5: {  	_ = 	snop  }
0x6: {  	_ = 	snop  }
0x7: {  	_ = 	snop  }
__scs_overlays_trampoline_lowered:
0x8: {  	[smem:$0x3FAA] =	sst s0  }
0x9: {  	[smem:$0x3FAB] =	sst s1  }
0xa: {  	[smem:$0x3FAC] =	sst s2  }
0xb: {  	[smem:$0x3FAD] =	sst s3  }
0xc: {  	[smem:$0x3FAE] =	sst s4  }
0xd: {  	[smem:$0x3FAF] =	sst s5  }
0xe: {  	[smem:$0x3FB0] =	sst s6  }
0xf: {  	[smem:$0x3FB1] =	sst s7  }
0x10: {  	[smem:$0x3FB2] =	sst s8  }
0x11: {  	[smem:$0x3FB3] =	sst s9;
	s0 =	simm.s32 @!p0 $0x0  }
0x12: {  	s1 =	sld [smem:$0x3F99];
	s0 =	simm.s32 @p0 $0x1  }
0x13: {  	[smem:$0x3FB4] =	sst s0;
	s0 =	simm.s32 @!p1 $0x0  }
0x14: {  	s2 =	sld [smem:$0x3F98];
	s0 =	simm.s32 @p1 $0x1  }
0x15: {  	[smem:$0x3FB5] =	sst s0;
	s0 =	simm.s32 @!p2 $0x0  }
0x16: {  	s3 =	sld [smem:$0x3FDB];
	s0 =	simm.s32 @p2 $0x1  }
0x17: {  	s4 =	simm.s32 $0x1BF5;
	[smem:$0x3FB7] =	sst s0  }
0x18: {  	s0 =	sld [smem:$0x3F9A];
	_ =	swait.ge [sflag:s4], $0x0  }
0x19: {  	s7 =	sld [smem:$0x3F9B]  }
0x1a: {  	s8 =	sadd.s32 $0xFFFFE003, lr  }
0x1b: {  	s9 =	sadd.s32 $0xFFFFFEF7, lr;
	s5 =	simm.s32 $0xFFFFFFFF;
	p2 =	slt.u32 s8, $0xFFFFF086  }
0x1c: {  	p1 =	slt.u32 s9, $0xF7A;
	s5 =	simm.s32 @!p2 $0x0  }
0x1d: {  	s5 =	simm.s32 @p1 $0x1;
	p0 =	seq.s32 s7, s2  }
0x1e: {  	s7 =	smul.u32 @!p0 $0xF7A, s2;
	p2 =	seq.s32 @!p0 s5, $0x0  }
0x1f: {  	s9 =	smul.u32 $0xF7A, s1;
	s8 =	simm.s32 @!p0 $0x1BF5;
	p2 =	por !p2, p0  }
0x20: {  	[sflag:s8] =	ssyncset.s32 @!p0 $0xFFFFF086;
	s6 =	sadd.s32 @!p0 s3, s7;
	s7 =	simm.s32 @!p0 $0x108  }
0x21: {  	s3 =	sadd.s32 s3, s9;
	s6 =	sadd.s32 @!p0 $0x88, s6;
	s7 =	simm.s32 @p2 $0x1082  }
0x22: {  	[simem:s7], [sflag:s8] =	dma.local @!p0 [hbm:s6], $0xF7A  }
0x23: {  	s9 =	sor.u32 $0xD0000000, s2;
	s6 =	simm.s32 $0x108;
	_ =	swait.ge @!p0 [sflag:s8], $0x0  }
0x24: {  	s3 =	sadd.s32 $0x88, s3;
	s6 =	simm.s32 @!p1 $0x1082;
	[sflag:s4] =	ssyncset.s32 $0xFFFFF086  }
0x25: {  	[simem:s6], [sflag:s4] =	dma.local [hbm:s3], $0xF7A  }
0x26: {  	[smem:$0x3F9B] =	sst s1;
	(tag) =	ssettag s2;
	_ =	strace s9  }
0x27: {  	s1 =	sld [smem:$0x3FAB]  }
0x28: {  	s2 =	sld [smem:$0x3FAC]  }
0x29: {  	s4 =	sld [smem:$0x3FAE]  }
0x2a: {  	p0 =	seq.s32 s5, $0x0;
	s5 =	sld [smem:$0x3FAF]  }
0x2b: {  	s6 =	sld [smem:$0x3FB0]  }
0x2c: {  	s7 =	sld [smem:$0x3FB1]  }
0x2d: {  	s3 =	simm.s32 $0x108;
	s8 =	sld [smem:$0x3FB2]  }
0x2e: {  	s3 =	simm.s32 @!p0 $0x1082;
	s9 =	sld [smem:$0x3FB3]  }
0x2f: {  	lr =	sadd.s32 s0, s3;
	s0 =	sld [smem:$0x3FAA]  }
0x30: {  	s3 =	sld [smem:$0x3FAD]  }
0x31: {  	[smem:$0x3FB6] =	sst s10  }
0x32: {  	s10 =	sld [smem:$0x3FB4];
	_ =	sdelay $0x3  }
0x33: {  	p0 =	seq.s32 s10, $0x1;
	s10 =	sld [smem:$0x3FB6];
	_ =	sdelay $0x3  }
0x34: {  	[smem:$0x3FB6] =	sst s10  }
0x35: {  	s10 =	sld [smem:$0x3FB5];
	_ =	sdelay $0x3  }
0x36: {  	p1 =	seq.s32 s10, $0x1;
	s10 =	sld [smem:$0x3FB6];
	_ =	sdelay $0x3  }
0x37: {  	[smem:$0x3FB6] =	sst s10  }
0x38: {  	s10 =	sld [smem:$0x3FB7]  }
0x39: {  	_ = 	snop;
	(pc) =	sbr.ind lr, $3  }
0x3a: {  	_ = 	snop  }
0x3b: {  	_ = 	snop  }
0x3c: {  	p2 =	seq.s32 s10, $0x1;
	s10 =	sld [smem:$0x3FB6]  }
0x3d: {  	_ =	shalt  }
0x3e: {  	_ =	shalt  }
0x3f: {  	_ =	shalt  }
0x40: {  	_ =	shalt  }
0x41: {  	_ =	shalt  }
0x42: {  	_ =	shalt  }
0x43: {  	_ =	shalt  }
0x44: {  	_ =	shalt  }
0x45: {  	_ =	shalt  }
0x46: {  	_ =	shalt  }
0x47: {  	_ =	shalt  }
0x48: {  	_ =	shalt  }
0x49: {  	_ =	shalt  }
0x4a: {  	_ =	shalt  }
0x4b: {  	_ =	shalt  }
0x4c: {  	_ =	shalt  }
0x4d: {  	_ =	shalt  }
0x4e: {  	_ =	shalt  }
0x4f: {  	_ =	shalt  }
0x50: {  	_ =	shalt  }
0x51: {  	_ =	shalt  }
0x52: {  	_ =	shalt  }
0x53: {  	_ =	shalt  }
0x54: {  	_ =	shalt  }
0x55: {  	_ =	shalt  }
0x56: {  	_ =	shalt  }
0x57: {  	_ =	shalt  }
0x58: {  	_ =	shalt  }
0x59: {  	_ =	shalt  }
0x5a: {  	_ =	shalt  }
0x5b: {  	_ =	shalt  }
0x5c: {  	_ =	shalt  }
0x5d: {  	_ =	shalt  }
0x5e: {  	_ =	shalt  }
0x5f: {  	_ =	shalt  }
0x60: {  	_ =	shalt  }
0x61: {  	_ =	shalt  }
0x62: {  	_ =	shalt  }
0x63: {  	_ =	shalt  }
0x64: {  	_ =	shalt  }
0x65: {  	_ =	shalt  }
0x66: {  	_ =	shalt  }
0x67: {  	_ =	shalt  }
0x68: {  	_ =	shalt  }
0x69: {  	_ =	shalt  }
0x6a: {  	_ =	shalt  }
0x6b: {  	_ =	shalt  }
0x6c: {  	_ =	shalt  }
0x6d: {  	_ =	shalt  }
0x6e: {  	_ =	shalt  }
0x6f: {  	_ =	shalt  }
0x70: {  	_ =	shalt  }
0x71: {  	_ =	shalt  }
0x72: {  	_ =	shalt  }
0x73: {  	_ =	shalt  }
0x74: {  	_ =	shalt  }
0x75: {  	_ =	shalt  }
0x76: {  	_ =	shalt  }
0x77: {  	_ =	shalt  }
0x78: {  	_ =	shalt  }
0x79: {  	_ =	shalt  }
0x7a: {  	_ =	shalt  }
0x7b: {  	_ =	shalt  }
0x7c: {  	_ =	shalt  }
0x7d: {  	_ =	shalt  }
0x7e: {  	_ =	shalt  }
0x7f: {  	_ =	shalt  }
0x80: {  	_ =	shalt  }
0x81: {  	_ =	shalt  }
0x82: {  	_ =	shalt  }
0x83: {  	_ =	shalt  }
0x84: {  	_ =	shalt  }
0x85: {  	_ =	shalt  }
0x86: {  	_ =	shalt  }
0x87: {  	_ =	shalt  }
.Lfunc_end0:
.L_simem_size_0:
called_computation_lowered:
.L_overlay_start_0:
0x88: {  	s2 =	sld [smem:$0x3FD9]  }
0x89: {  	s3 =	sld [smem:$0x3FFE];
	_ =	sdelay $0x1  }
0x8a: {  	s1 =	srdreg.scid  }
0x8b: {  	s0 =	sand.u32 $0x1, s1  }
0x8c: {  	s18 =	sshll.u32 s0, $0xA;
	s2 =	sadd.s32 s3, s2  }
0x8d: {  	s2 =	sadd.s32 s2, s18  }
0x8e: {  	[smem:$0x3FC2] =	sst s2  }
0x8f: {  	_ = 	snop  }
0x90: {  	s2 =	sld [smem:$0x3FC9]  }
0x91: {  	s19 =	sld [smem:$0x3FC8]  }
0x92: {  	s4 =	sld [smem:$0x3FC7]  }
0x93: {  	s5 =	sld [smem:$0x3FC6]  }
0x94: {  	s6 =	sld [smem:$0x3FC5]  }
0x95: {  	s7 =	sld [smem:$0x3FC4]  }
0x96: {  	s8 =	sld [smem:$0x3FD0];
	(tm) =	ssettm $0x1  }
0x97: {  	s9 =	sld [smem:$0x3FFB];
	_ =	sdelay $0x3  }
0x98: {  	_ =	strace s9  }
0x99: {  	s9 =	sld [smem:$0x3FFC];
	_ =	sdelay $0x3  }
0x9a: {  	_ =	strace s9  }
0x9b: {  	s9 =	sld [smem:$0x3FFD];
	_ =	sdelay $0x3  }
0x9c: {  	_ =	strace s9  }
0x9d: {  	_ =	strace $0x8FFFFFFF  }
0x9e: {  	s20 =	sld [smem:$0x3FDB];
	_ =	sdelay $0x1  }
0x9f: {  	s10 =	simm.s32 $_scs_section_size  }
0xa0: {  	s11 =	simm.s32 $_size__tile_overlayer_lowered;
	s12 =	simm.s32 $_tile_overlayer_lowered  }
0xa1: {  	s23 =	simm.s32 $0x1BFF;
	s22 =	sshll.u32 s12, $0x1;
	s9 =	sadd.s32 s10, s20  }
0xa2: {  	s13 =	simm.s32 $0x0;
	s21 =	sshll.u32 s11, $0x1;
	s11 =	sadd.s32 s22, s9  }
0xa3: {  	[timem:s13], [sflag:s23] =	dma.local [hbm:s11], s21  }
0xa4: {  	_ =	swait.ge [sflag:s23], s21  }
0xa5: {  	s10 =	ssub.s32 $0x0, s21;
	[sflag:s23] =	ssyncset.done $0x0  }
0xa6: {  	[sflag:s23] =	ssyncadd.s32 s10;
	_ =	sdelay $0x1  }
0xa7: {  	s24 =	simm.s32 $0x1B8B  }
0xa8: {  	_ =	swait.ge [sflag:s24], $0x1  }
0xa9: {  	[sflag:s24] =	ssyncset.done $0x0  }
0xaa: {  	s25 =	simm.s32 $0x1B8E;
	[sflag:s24] =	ssyncadd.s32 $0xFFFFFFFF  }
0xab: {  	s26 =	simm.s32 $execute0_lowered;
	[smem:$0x3FD2] =	sst s25  }
0xac: {  	s10 =	sshll.u32 s26, $0x1;
	_ =	strace $0x80000046;
	[dreg:$0x1] =	wrdreg $0xFFFFFFFF  }
0xad: {  	s28 =	simm.s32 $_size_execute0_lowered;
	s9 =	sadd.s32 s9, s10;
	[dreg:$0x0] =	wrdreg $0x0  }
0xae: {  	s10 =	sshll.u32 s28, $0x1;
	[dreg:$0x2] =	wrdreg s9  }
0xaf: {  	[dreg:$0x3] =	wrdreg s10  }
0xb0: {  	[dreg:$0x4] =	wrdreg $0xC0  }
0xb1: {  	_ =	task [dreg:s13], $0x5FFFF  }
0xb2: {  	[dreg:$0x1] =	wrdreg $0xFFFFFFFF  }
0xb3: {  	[dreg:$0x0] =	wrdreg $0x60  }
0xb4: {  	[dreg:$0x2] =	wrdreg s2  }
0xb5: {  	[dreg:$0x3] =	wrdreg s19  }
0xb6: {  	[dreg:$0x4] =	wrdreg s4  }
0xb7: {  	[dreg:$0x5] =	wrdreg s5  }
0xb8: {  	[dreg:$0x6] =	wrdreg s6  }
0xb9: {  	[dreg:$0x7] =	wrdreg s7  }
0xba: {  	[dreg:$0x8] =	wrdreg s8  }
0xbb: {  	[dreg:$0x9] =	wrdreg $0x9  }
0xbc: {  	_ =	task.clear_ibuf [dreg:s13], $0xAFFFF;
	_ =	strace $0x90000046  }
0xbd: {  	s29 =	simm.s32 $0x9;
	_ =	strace $0x80000048  }
0xbe: {  	_ =	swait.ge [sflag:s29], $0x1  }
0xbf: {  	[sflag:s29] =	ssyncadd.s32 $0xFFFFFFFF  }
0xc0: {  	_ =	strace $0x90000048  }
0xc1: {  	_ =	sfence  }
0xc2: {  	s30 =	sld [smem:$0x0];
	_ =	sdelay $0x2  }
0xc3: {  	s31 =	sshll.u32 s1, $0xD;
	s1 =	sshrl.u32 s1, $0x2  }
0xc4: {  	s3 =	sand.u32 $0x4000, s31;
	s1 =	sadd.s32 s1, s30  }
0xc5: {  	s0 =	sor.u32 s3, s0;
	s1 =	sshll.u32 s1, $0x11  }
0xc6: {  	s0 =	sor.u32 s1, s0  }
0xc7: {  	s0 =	sadd.s32 $0x8F2B, s0  }
0xc8: {  	[sflag:s0] =	ssyncadd.remote.s32 $0x1  }
0xc9: {  	_ =	sfence.sel $0xFFFF  }
0xca: {  	[dreg:$0x0] =	wrdreg $0xFFFFFFFF;
	(pc) =	sbr.abs _section_cstart, $3  }
0xcb: {  	[dreg:$0x1] =	wrdreg $0xFFFFFFFF  }
0xcc: {  	_ =	task.clear_ibuf [dreg:s13], $0x2FFFF;
	_ =	strace $0x9FFFFFFF  }
0xcd: {  	(tm) =	ssettm $0x7FFFFFFF  }
tec
execute0_lowered:
.L_overlay_start_1:
0x0: {  	(tag) =	ssettag $0x1  }
0x1: {  	s0 =	rddreg [dreg:$0x0]  }
0x2: {  	s3 =	rddreg [dreg:$0x1]  }
0x3: {  	s1 =	rddreg [dreg:$0x2]  }
0x4: {  	s2 =	rddreg [dreg:$0x3]  }
0x5: {  	s4 =	rddreg [dreg:$0x6];
	s6 =	simm.s32 $0x0  }
0x6: {  	s5 =	srdreg.scid;
	s8 =	stileid.u32;
	s11 =	simm.s32 $0x3  }
0x7: {  	s12 =	simm.s32 $0x200;
	s18 =	simm.s32 $0xBC00;
	s19 =	simm.s32 $0x7C00  }
0x8: {  	s20 =	simm.s32 $0xFC00;
	s21 =	simm.s32 $0x3E00;
	s22 =	simm.s32 $0xBE00  }
0x9: {  	s23 =	simm.s32 $0x7E00;
	s24 =	simm.s32 $0xFE00;
	s25 =	simm.s32 $0x4000  }
0xa: {  	s26 =	simm.s32 $0xC000;
	s28 =	simm.s32 $0x8000;
	s29 =	simm.s32 $0x10000  }
0xb: {  	s30 =	simm.s32 $0x4200;
	s31 =	simm.s32 $0xC200;
	s13 =	simm.s32 $0x10430  }
0xc: {  	s14 =	simm.s32 $0x0;
	[smem:$0x7FF] =	sst s6;
	s5 =	sand.u32 $0x1, s5  }
0xd: {  	s8 =	sshll.u32 s8, $0x7;
	s7 =	ssub.s32 $0x2, s5;
	s5 =	sshll.u32 s5, $0x6  }
0xe: {  	_ =	strace $0x80000047;
	s9 =	sshrl.u32 s7, $0x1;
	s5 =	sor.u32 s5, s8  }
0xf: {  	s10 =	ssub.s32 s7, s9;
	s7 =	sadd.s32 s0, s5;
	s8 =	sadd.s32 s3, s5  }
0x10: {  	s9 =	sadd.s32 s4, s5;
	s0 =	simm.s32 $0x8200;
	s5 =	simm.s32 $0x10200  }
0x11: {  	s3 =	simm.s32 $0x1;
	s4 =	simm.s32 $0x2;
	s10 =	smax.u32 s10, $0x1  }
.LBB2_1:
0x12: {  	[tilespmem:s6], [sflag:$0x3] =	stream.linear.gather [hbm4b:s7+s6], $0x200, $0x38;
	[tilespmem:$0x10630] =	vst v63  }
0x13: {  	_ =	swait.ge [sflag:s11], $0x200  }
0x14: {  	[sflag:s11] =	ssyncset.done $0x0  }
0x15: {  	[sflag:s11] =	ssyncadd.s32 $0xFFFFFE00  }
0x16: {  	[tilespmem:s12], [sflag:$0x3] =	stream.linear.gather [hbm4b:s8+s6], $0x200, $0x38;
	[tilespmem:$0x10630] =	vst v63  }
0x17: {  	_ =	swait.ge [sflag:s11], $0x200  }
0x18: {  	[sflag:s11] =	ssyncset.done $0x0  }
0x19: {  	[sflag:s11] =	ssyncadd.s32 $0xFFFFFE00  }
0x1a: {  	s16 =	simm.s32 $0x10400;
	s15 =	rddreg [dreg:$0x4]  }
0x1b: {  	[tilespmem:s16], [sflag:$0x3] =	stream.linear.gather [hbm4b:s15+s6], $0x20, $0x38;
	[tilespmem:$0x10630] =	vst v63  }
0x1c: {  	_ =	swait.ge [sflag:s11], $0x20  }
0x1d: {  	[sflag:s11] =	ssyncset.done $0x0  }
0x1e: {  	[sflag:s11] =	ssyncadd.s32 $0xFFFFFFE0  }
0x1f: {  	s17 =	simm.s32 $0x10420;
	s16 =	rddreg [dreg:$0x5]  }
0x20: {  	[tilespmem:s17], [sflag:$0x3] =	stream.linear.gather [hbm4b:s16+s6], $0x1, $0x38;
	[tilespmem:$0x10630] =	vst v63  }
0x21: {  	_ =	swait.ge [sflag:s11], $0x1  }
0x22: {  	[sflag:s11] =	ssyncset.done $0x0  }
0x23: {  	s15 =	simm.s32 $0x0;
	[sflag:s11] =	ssyncadd.s32 $0xFFFFFFFF  }
0x24: {  	v3 =	vld [tilespmem:s15+$0x200]  }
0x25: {  	v0 =	vld [tilespmem:s15+$0x0];
	_ =	sdelay $0x3  }
0x26: {  	[tilespmem:s15+$0x4400] =	vst v3;
	v1 =	vadd.s32 $0x1D905C0, v3  }
0x27: {  	v2 =	vadd.s32 $0xF4240, v0;
	[tilespmem:s15+$0x8200] =	vst v1  }
0x28: {  	v4 =	vadd.s32 $0x1AB3F00, v3;
	[tilespmem:s15+$0x600] =	vst v2  }
0x29: {  	v5 =	vadd.s32 $0x1BA8140, v0;
	[tilespmem:s15+$0x7C00] =	vst v4  }
0x2a: {  	v1 =	vadd.s32 $0xF4240, v3;
	[tilespmem:s15+$0x3E00] =	vst v5  }
0x2b: {  	v2 =	vadd.s32 $0x1E8480, v0;
	[tilespmem:s15+$0x4600] =	vst v1  }
0x2c: {  	v1 =	vadd.s32 $0x1E8480, v3;
	[tilespmem:s15+$0x800] =	vst v2  }
0x2d: {  	v2 =	vadd.s32 $0x2DC6C0, v0;
	[tilespmem:s15+$0x4800] =	vst v1  }
0x2e: {  	v1 =	vadd.s32 $0x2DC6C0, v3;
	[tilespmem:s15+$0xA00] =	vst v2  }
0x2f: {  	v2 =	vadd.s32 $0x3D0900, v0;
	[tilespmem:s15+$0x4A00] =	vst v1  }
0x30: {  	v1 =	vadd.s32 $0x3D0900, v3;
	[tilespmem:s15+$0xC00] =	vst v2  }
0x31: {  	v2 =	vadd.s32 $0x4C4B40, v0;
	[tilespmem:s15+$0x4C00] =	vst v1  }
0x32: {  	v1 =	vadd.s32 $0x4C4B40, v3;
	[tilespmem:s15+$0xE00] =	vst v2  }
0x33: {  	v2 =	vadd.s32 $0x5B8D80, v0;
	[tilespmem:s15+$0x4E00] =	vst v1  }
0x34: {  	v1 =	vadd.s32 $0x5B8D80, v3;
	[tilespmem:s15+$0x1000] =	vst v2  }
0x35: {  	v2 =	vadd.s32 $0x6ACFC0, v0;
	[tilespmem:s15+$0x5000] =	vst v1  }
0x36: {  	v1 =	vadd.s32 $0x6ACFC0, v3;
	[tilespmem:s15+$0x1200] =	vst v2  }
0x37: {  	v2 =	vadd.s32 $0x7A1200, v0;
	[tilespmem:s15+$0x5200] =	vst v1  }
0x38: {  	v1 =	vadd.s32 $0x7A1200, v3;
	[tilespmem:s15+$0x1400] =	vst v2  }
0x39: {  	v2 =	vadd.s32 $0x895440, v0;
	[tilespmem:s15+$0x5400] =	vst v1  }
0x3a: {  	v1 =	vadd.s32 $0x895440, v3;
	[tilespmem:s15+$0x1600] =	vst v2  }
0x3b: {  	v2 =	vadd.s32 $0x989680, v0;
	[tilespmem:s15+$0x5600] =	vst v1  }
0x3c: {  	v1 =	vadd.s32 $0x989680, v3;
	[tilespmem:s15+$0x1800] =	vst v2  }
0x3d: {  	v2 =	vadd.s32 $0xA7D8C0, v0;
	[tilespmem:s15+$0x5800] =	vst v1  }
0x3e: {  	v1 =	vadd.s32 $0xA7D8C0, v3;
	[tilespmem:s15+$0x1A00] =	vst v2  }
0x3f: {  	v2 =	vadd.s32 $0xB71B00, v0;
	[tilespmem:s15+$0x5A00] =	vst v1  }
0x40: {  	v1 =	vadd.s32 $0xB71B00, v3;
	[tilespmem:s15+$0x1C00] =	vst v2  }
0x41: {  	v2 =	vadd.s32 $0xC65D40, v0;
	[tilespmem:s15+$0x5C00] =	vst v1  }
0x42: {  	v1 =	vadd.s32 $0xC65D40, v3;
	[tilespmem:s15+$0x1E00] =	vst v2  }
0x43: {  	v2 =	vadd.s32 $0xD59F80, v0;
	[tilespmem:s15+$0x5E00] =	vst v1  }
0x44: {  	v1 =	vadd.s32 $0xD59F80, v3;
	[tilespmem:s15+$0x2000] =	vst v2  }
0x45: {  	v2 =	vadd.s32 $0xE4E1C0, v0;
	[tilespmem:s15+$0x6000] =	vst v1  }
0x46: {  	v1 =	vadd.s32 $0xE4E1C0, v3;
	[tilespmem:s15+$0x2200] =	vst v2  }
0x47: {  	v2 =	vadd.s32 $0xF42400, v0;
	[tilespmem:s15+$0x6200] =	vst v1  }
0x48: {  	v1 =	vadd.s32 $0xF42400, v3;
	[tilespmem:s15+$0x2400] =	vst v2  }
0x49: {  	v2 =	vadd.s32 $0x1036640, v0;
	[tilespmem:s15+$0x6400] =	vst v1  }
0x4a: {  	v1 =	vadd.s32 $0x1036640, v3;
	[tilespmem:s15+$0x2600] =	vst v2  }
0x4b: {  	v2 =	vadd.s32 $0x112A880, v0;
	[tilespmem:s15+$0x6600] =	vst v1  }
0x4c: {  	v1 =	vadd.s32 $0x112A880, v3;
	[tilespmem:s15+$0x2800] =	vst v2  }
0x4d: {  	v2 =	vadd.s32 $0x121EAC0, v0;
	[tilespmem:s15+$0x6800] =	vst v1  }
0x4e: {  	v1 =	vadd.s32 $0x121EAC0, v3;
	[tilespmem:s15+$0x2A00] =	vst v2  }
0x4f: {  	v2 =	vadd.s32 $0x1312D00, v0;
	[tilespmem:s15+$0x6A00] =	vst v1  }
0x50: {  	v1 =	vadd.s32 $0x1312D00, v3;
	[tilespmem:s15+$0x2C00] =	vst v2  }
0x51: {  	v2 =	vadd.s32 $0x1406F40, v0;
	[tilespmem:s15+$0x6C00] =	vst v1  }
0x52: {  	v1 =	vadd.s32 $0x1406F40, v3;
	[tilespmem:s15+$0x2E00] =	vst v2  }
0x53: {  	v2 =	vadd.s32 $0x14FB180, v0;
	[tilespmem:s15+$0x6E00] =	vst v1  }
0x54: {  	v1 =	vadd.s32 $0x14FB180, v3;
	[tilespmem:s15+$0x3000] =	vst v2  }
0x55: {  	v2 =	vadd.s32 $0x15EF3C0, v0;
	[tilespmem:s15+$0x7000] =	vst v1  }
0x56: {  	v1 =	vadd.s32 $0x15EF3C0, v3;
	[tilespmem:s15+$0x3200] =	vst v2  }
0x57: {  	v2 =	vadd.s32 $0x16E3600, v0;
	[tilespmem:s15+$0x7200] =	vst v1  }
0x58: {  	v1 =	vadd.s32 $0x16E3600, v3;
	[tilespmem:s15+$0x3400] =	vst v2  }
0x59: {  	v2 =	vadd.s32 $0x17D7840, v0;
	[tilespmem:s15+$0x7400] =	vst v1  }
0x5a: {  	v1 =	vadd.s32 $0x17D7840, v3;
	[tilespmem:s15+$0x3600] =	vst v2  }
0x5b: {  	v2 =	vadd.s32 $0x18CBA80, v0;
	[tilespmem:s15+$0x7600] =	vst v1  }
0x5c: {  	v1 =	vadd.s32 $0x18CBA80, v3;
	[tilespmem:s15+$0x3800] =	vst v2  }
0x5d: {  	v2 =	vadd.s32 $0x19BFCC0, v0;
	[tilespmem:s15+$0x7800] =	vst v1  }
0x5e: {  	v1 =	vadd.s32 $0x19BFCC0, v3;
	[tilespmem:s15+$0x3A00] =	vst v2  }
0x5f: {  	v2 =	vadd.s32 $0x1AB3F00, v0;
	[tilespmem:s15+$0x7A00] =	vst v1  }
0x60: {  	v4 =	vadd.s32 $0x1C9C380, v3;
	[tilespmem:s15+$0x3C00] =	vst v2  }
0x61: {  	s17 =	simm.s32 $0x10;
	s16 =	simm.s32 $0x80;
	v1 =	vadd.s32 $0x1BA8140, v3;
	v2 =	vadd.s32 $0x1C9C380, v0;
	v3 =	vadd.s32 $0x1D905C0, v0  }
.LBB2_2:
0x62: {  	p0 =	sne.s32 s16, $0x7C0;
	v5 =	vld [tilespmem:s17+$0x200];
	[tilespmem:s15+$0x7E00] =	vst v1  }
0x63: {  	v1 =	vld [tilespmem:s17+$0x0];
	[tilespmem:s15+$0x4000] =	vst v2  }
0x64: {  	[tilespmem:s15+$0x8000] =	vst v4  }
0x65: {  	[tilespmem:s15+$0x4200] =	vst v3  }
0x66: {  	[tilespmem:s15+$0x400] =	vst v0;
	s15 =	smov.u32 s17  }
0x67: {  	[tilespmem:s15+$0x4400] =	vst v5;
	v2 =	vadd.s32 $0xF4240, v5;
	v3 =	vadd.s32 $0x1E8480, v5;
	v8 =	vadd.s32 $0x1D905C0, v5  }
0x68: {  	v4 =	vadd.s32 $0xF4240, v1;
	v6 =	vadd.s32 $0x1E8480, v1;
	v7 =	vadd.s32 $0x2DC6C0, v1;
	[tilespmem:s15+$0x8200] =	vst v8;
	v0 =	vmovc v1  }
0x69: {  	v1 =	vadd.s32 $0x2DC6C0, v5;
	v8 =	vadd.s32 $0x3D0900, v5;
	[tilespmem:s15+$0x600] =	vst v4;
	v4 =	vadd.s32 $0x3D0900, v0  }
0x6a: {  	v9 =	vadd.s32 $0x4C4B40, v5;
	v10 =	vadd.s32 $0x5B8D80, v0;
	[tilespmem:s15+$0x4600] =	vst v2;
	v2 =	vadd.s32 $0x4C4B40, v0  }
0x6b: {  	v12 =	vadd.s32 $0x6ACFC0, v5;
	v11 =	vadd.s32 $0x6ACFC0, v0;
	[tilespmem:s15+$0x800] =	vst v6;
	v6 =	vadd.s32 $0x5B8D80, v5  }
0x6c: {  	v13 =	vadd.s32 $0x7A1200, v5;
	v14 =	vadd.s32 $0x895440, v0;
	[tilespmem:s15+$0x4800] =	vst v3;
	v3 =	vadd.s32 $0x7A1200, v0  }
0x6d: {  	v16 =	vadd.s32 $0x989680, v5;
	v15 =	vadd.s32 $0x989680, v0;
	[tilespmem:s15+$0xA00] =	vst v7;
	v7 =	vadd.s32 $0x895440, v5  }
0x6e: {  	v18 =	vadd.s32 $0xA7D8C0, v5;
	v17 =	vadd.s32 $0xA7D8C0, v0;
	v19 =	vadd.s32 $0xB71B00, v0;
	[tilespmem:s15+$0x4A00] =	vst v1  }
0x6f: {  	v20 =	vadd.s32 $0xB71B00, v5;
	v22 =	vadd.s32 $0xC65D40, v5;
	v21 =	vadd.s32 $0xC65D40, v0;
	[tilespmem:s15+$0xC00] =	vst v4  }
0x70: {  	v23 =	vadd.s32 $0xD59F80, v5;
	v24 =	vadd.s32 $0xE4E1C0, v0;
	[tilespmem:s15+$0x4C00] =	vst v8;
	v8 =	vadd.s32 $0xD59F80, v0  }
0x71: {  	v25 =	vadd.s32 $0xE4E1C0, v5;
	v27 =	vadd.s32 $0xF42400, v5;
	v26 =	vadd.s32 $0xF42400, v0;
	[tilespmem:s15+$0xE00] =	vst v2  }
0x72: {  	v28 =	vadd.s32 $0x1036640, v5;
	v29 =	vadd.s32 $0x112A880, v0;
	[tilespmem:s15+$0x4E00] =	vst v9;
	v9 =	vadd.s32 $0x1036640, v0  }
0x73: {  	v31 =	vadd.s32 $0x121EAC0, v5;
	v30 =	vadd.s32 $0x121EAC0, v0;
	[tilespmem:s15+$0x1000] =	vst v10;
	v10 =	vadd.s32 $0x112A880, v5  }
0x74: {  	v32 =	vadd.s32 $0x1312D00, v5;
	v33 =	vadd.s32 $0x1406F40, v0;
	[tilespmem:s15+$0x5000] =	vst v6;
	v6 =	vadd.s32 $0x1312D00, v0  }
0x75: {  	v35 =	vadd.s32 $0x14FB180, v5;
	v34 =	vadd.s32 $0x14FB180, v0;
	[tilespmem:s15+$0x1200] =	vst v11;
	v11 =	vadd.s32 $0x1406F40, v5  }
0x76: {  	v36 =	vadd.s32 $0x15EF3C0, v5;
	v37 =	vadd.s32 $0x16E3600, v0;
	[tilespmem:s15+$0x5200] =	vst v12;
	v12 =	vadd.s32 $0x15EF3C0, v0  }
0x77: {  	v38 =	vadd.s32 $0x16E3600, v5;
	v40 =	vadd.s32 $0x17D7840, v5;
	v39 =	vadd.s32 $0x17D7840, v0;
	[tilespmem:s15+$0x1400] =	vst v3  }
0x78: {  	v41 =	vadd.s32 $0x18CBA80, v5;
	v42 =	vadd.s32 $0x19BFCC0, v0;
	[tilespmem:s15+$0x5400] =	vst v13;
	v13 =	vadd.s32 $0x18CBA80, v0  }
0x79: {  	v44 =	vadd.s32 $0x1AB3F00, v5;
	v43 =	vadd.s32 $0x1AB3F00, v0;
	[tilespmem:s15+$0x1600] =	vst v14;
	v14 =	vadd.s32 $0x19BFCC0, v5  }
0x7a: {  	v1 =	vadd.s32 $0x1BA8140, v5;
	v2 =	vadd.s32 $0x1C9C380, v0;
	[tilespmem:s15+$0x5600] =	vst v7;
	v7 =	vadd.s32 $0x1BA8140, v0  }
0x7b: {  	v4 =	vadd.s32 $0x1C9C380, v5;
	v3 =	vadd.s32 $0x1D905C0, v0;
	[tilespmem:s15+$0x1800] =	vst v15  }
0x7c: {  	[tilespmem:s15+$0x5800] =	vst v16  }
0x7d: {  	[tilespmem:s15+$0x1A00] =	vst v17  }
0x7e: {  	[tilespmem:s15+$0x5A00] =	vst v18  }
0x7f: {  	[tilespmem:s15+$0x1C00] =	vst v19  }
0x80: {  	[tilespmem:s15+$0x5C00] =	vst v20  }
0x81: {  	[tilespmem:s15+$0x1E00] =	vst v21  }
0x82: {  	[tilespmem:s15+$0x5E00] =	vst v22  }
0x83: {  	[tilespmem:s15+$0x2000] =	vst v8  }
0x84: {  	[tilespmem:s15+$0x6000] =	vst v23  }
0x85: {  	[tilespmem:s15+$0x2200] =	vst v24  }
0x86: {  	[tilespmem:s15+$0x6200] =	vst v25  }
0x87: {  	[tilespmem:s15+$0x2400] =	vst v26  }
0x88: {  	[tilespmem:s15+$0x6400] =	vst v27  }
0x89: {  	[tilespmem:s15+$0x2600] =	vst v9  }
0x8a: {  	[tilespmem:s15+$0x6600] =	vst v28  }
0x8b: {  	[tilespmem:s15+$0x2800] =	vst v29  }
0x8c: {  	[tilespmem:s15+$0x6800] =	vst v10  }
0x8d: {  	[tilespmem:s15+$0x2A00] =	vst v30  }
0x8e: {  	[tilespmem:s15+$0x6A00] =	vst v31  }
0x8f: {  	[tilespmem:s15+$0x2C00] =	vst v6  }
0x90: {  	[tilespmem:s15+$0x6C00] =	vst v32  }
0x91: {  	[tilespmem:s15+$0x2E00] =	vst v33  }
0x92: {  	[tilespmem:s15+$0x6E00] =	vst v11  }
0x93: {  	[tilespmem:s15+$0x3000] =	vst v34  }
0x94: {  	[tilespmem:s15+$0x7000] =	vst v35  }
0x95: {  	[tilespmem:s15+$0x3200] =	vst v12  }
0x96: {  	[tilespmem:s15+$0x7200] =	vst v36  }
0x97: {  	[tilespmem:s15+$0x3400] =	vst v37  }
0x98: {  	[tilespmem:s15+$0x7400] =	vst v38  }
0x99: {  	[tilespmem:s15+$0x3600] =	vst v39  }
0x9a: {  	[tilespmem:s15+$0x7600] =	vst v40  }
0x9b: {  	[tilespmem:s15+$0x3800] =	vst v13  }
0x9c: {  	[tilespmem:s15+$0x7800] =	vst v41  }
.Ltmp0:
0x9d: {  	[tilespmem:s15+$0x3A00] =	vst v42;
	(pc) =	sbr.rel @p0 .LBB2_2-.Ltmp0, $4  }
0x9e: {  	[tilespmem:s15+$0x7A00] =	vst v14  }
0x9f: {  	[tilespmem:s15+$0x3C00] =	vst v43  }
0xa0: {  	[tilespmem:s15+$0x7C00] =	vst v44  }
0xa1: {  	s17 =	sshra.s32 s16, $0x2;
	s16 =	sadd.s32 $0x40, s16;
	[tilespmem:s15+$0x3E00] =	vst v7  }
0xa2: {  	v5 =	vld [tilespmem:s17+$0x200];
	[tilespmem:s15+$0x7E00] =	vst v1  }
0xa3: {  	v1 =	vld [tilespmem:s17+$0x0];
	[tilespmem:s15+$0x4000] =	vst v2  }
0xa4: {  	[tilespmem:s15+$0x8000] =	vst v4  }
0xa5: {  	[tilespmem:s15+$0x4200] =	vst v3  }
0xa6: {  	[tilespmem:s15+$0x400] =	vst v0  }
0xa7: {  	[tilespmem:s17+$0x4400] =	vst v5;
	v0 =	vadd.s32 $0x1D905C0, v5  }
0xa8: {  	[tilespmem:s17+$0x8200] =	vst v0  }
0xa9: {  	v2 =	vadd.s32 $0xF4240, v1;
	[tilespmem:s17+$0x400] =	vst v1  }
0xaa: {  	v0 =	vadd.s32 $0xF4240, v5;
	[tilespmem:s17+$0x600] =	vst v2  }
0xab: {  	v2 =	vadd.s32 $0x1E8480, v1;
	[tilespmem:s17+$0x4600] =	vst v0  }
0xac: {  	v0 =	vadd.s32 $0x1E8480, v5;
	[tilespmem:s17+$0x800] =	vst v2  }
0xad: {  	v2 =	vadd.s32 $0x2DC6C0, v1;
	[tilespmem:s17+$0x4800] =	vst v0  }
0xae: {  	v0 =	vadd.s32 $0x2DC6C0, v5;
	[tilespmem:s17+$0xA00] =	vst v2  }
0xaf: {  	v2 =	vadd.s32 $0x3D0900, v1;
	[tilespmem:s17+$0x4A00] =	vst v0  }
0xb0: {  	v0 =	vadd.s32 $0x3D0900, v5;
	[tilespmem:s17+$0xC00] =	vst v2  }
0xb1: {  	v2 =	vadd.s32 $0x4C4B40, v1;
	[tilespmem:s17+$0x4C00] =	vst v0  }
0xb2: {  	v0 =	vadd.s32 $0x4C4B40, v5;
	[tilespmem:s17+$0xE00] =	vst v2  }
0xb3: {  	v2 =	vadd.s32 $0x5B8D80, v1;
	[tilespmem:s17+$0x4E00] =	vst v0  }
0xb4: {  	v0 =	vadd.s32 $0x5B8D80, v5;
	[tilespmem:s17+$0x1000] =	vst v2  }
0xb5: {  	v2 =	vadd.s32 $0x6ACFC0, v1;
	[tilespmem:s17+$0x5000] =	vst v0  }
0xb6: {  	v0 =	vadd.s32 $0x6ACFC0, v5;
	[tilespmem:s17+$0x1200] =	vst v2  }
0xb7: {  	v2 =	vadd.s32 $0x7A1200, v1;
	[tilespmem:s17+$0x5200] =	vst v0  }
0xb8: {  	v0 =	vadd.s32 $0x7A1200, v5;
	[tilespmem:s17+$0x1400] =	vst v2  }
0xb9: {  	v2 =	vadd.s32 $0x895440, v1;
	[tilespmem:s17+$0x5400] =	vst v0  }
0xba: {  	v0 =	vadd.s32 $0x895440, v5;
	[tilespmem:s17+$0x1600] =	vst v2  }
0xbb: {  	v2 =	vadd.s32 $0x989680, v1;
	[tilespmem:s17+$0x5600] =	vst v0  }
0xbc: {  	v0 =	vadd.s32 $0x989680, v5;
	[tilespmem:s17+$0x1800] =	vst v2  }
0xbd: {  	v2 =	vadd.s32 $0xA7D8C0, v1;
	[tilespmem:s17+$0x5800] =	vst v0  }
0xbe: {  	v0 =	vadd.s32 $0xA7D8C0, v5;
	[tilespmem:s17+$0x1A00] =	vst v2  }
0xbf: {  	v2 =	vadd.s32 $0xB71B00, v1;
	[tilespmem:s17+$0x5A00] =	vst v0  }
0xc0: {  	v0 =	vadd.s32 $0xB71B00, v5;
	[tilespmem:s17+$0x1C00] =	vst v2  }
0xc1: {  	v2 =	vadd.s32 $0xC65D40, v1;
	[tilespmem:s17+$0x5C00] =	vst v0  }
0xc2: {  	v0 =	vadd.s32 $0xC65D40, v5;
	[tilespmem:s17+$0x1E00] =	vst v2  }
0xc3: {  	v2 =	vadd.s32 $0xD59F80, v1;
	[tilespmem:s17+$0x5E00] =	vst v0  }
0xc4: {  	v0 =	vadd.s32 $0xD59F80, v5;
	[tilespmem:s17+$0x2000] =	vst v2  }
0xc5: {  	v2 =	vadd.s32 $0xE4E1C0, v1;
	[tilespmem:s17+$0x6000] =	vst v0  }
0xc6: {  	v0 =	vadd.s32 $0xE4E1C0, v5;
	[tilespmem:s17+$0x2200] =	vst v2  }
0xc7: {  	v2 =	vadd.s32 $0xF42400, v1;
	[tilespmem:s17+$0x6200] =	vst v0  }
0xc8: {  	v0 =	vadd.s32 $0xF42400, v5;
	[tilespmem:s17+$0x2400] =	vst v2  }
0xc9: {  	v2 =	vadd.s32 $0x1036640, v1;
	[tilespmem:s17+$0x6400] =	vst v0  }
0xca: {  	v0 =	vadd.s32 $0x1036640, v5;
	[tilespmem:s17+$0x2600] =	vst v2  }
0xcb: {  	v2 =	vadd.s32 $0x112A880, v1;
	[tilespmem:s17+$0x6600] =	vst v0  }
0xcc: {  	v0 =	vadd.s32 $0x112A880, v5;
	[tilespmem:s17+$0x2800] =	vst v2  }
0xcd: {  	v2 =	vadd.s32 $0x121EAC0, v1;
	[tilespmem:s17+$0x6800] =	vst v0  }
0xce: {  	v0 =	vadd.s32 $0x121EAC0, v5;
	[tilespmem:s17+$0x2A00] =	vst v2  }
0xcf: {  	v2 =	vadd.s32 $0x1312D00, v1;
	[tilespmem:s17+$0x6A00] =	vst v0  }
0xd0: {  	v0 =	vadd.s32 $0x1312D00, v5;
	[tilespmem:s17+$0x2C00] =	vst v2  }
0xd1: {  	v2 =	vadd.s32 $0x1406F40, v1;
	[tilespmem:s17+$0x6C00] =	vst v0  }
0xd2: {  	v0 =	vadd.s32 $0x1406F40, v5;
	[tilespmem:s17+$0x2E00] =	vst v2  }
0xd3: {  	v2 =	vadd.s32 $0x14FB180, v1;
	[tilespmem:s17+$0x6E00] =	vst v0  }
0xd4: {  	v0 =	vadd.s32 $0x14FB180, v5;
	[tilespmem:s17+$0x3000] =	vst v2  }
0xd5: {  	v2 =	vadd.s32 $0x15EF3C0, v1;
	[tilespmem:s17+$0x7000] =	vst v0  }
0xd6: {  	v0 =	vadd.s32 $0x15EF3C0, v5;
	[tilespmem:s17+$0x3200] =	vst v2  }
0xd7: {  	v2 =	vadd.s32 $0x16E3600, v1;
	[tilespmem:s17+$0x7200] =	vst v0  }
0xd8: {  	v0 =	vadd.s32 $0x16E3600, v5;
	[tilespmem:s17+$0x3400] =	vst v2  }
0xd9: {  	v2 =	vadd.s32 $0x17D7840, v1;
	[tilespmem:s17+$0x7400] =	vst v0  }
0xda: {  	v0 =	vadd.s32 $0x17D7840, v5;
	[tilespmem:s17+$0x3600] =	vst v2  }
0xdb: {  	v2 =	vadd.s32 $0x18CBA80, v1;
	[tilespmem:s17+$0x7600] =	vst v0  }
0xdc: {  	v0 =	vadd.s32 $0x18CBA80, v5;
	[tilespmem:s17+$0x3800] =	vst v2  }
0xdd: {  	v2 =	vadd.s32 $0x19BFCC0, v1;
	[tilespmem:s17+$0x7800] =	vst v0  }
0xde: {  	v0 =	vadd.s32 $0x19BFCC0, v5;
	[tilespmem:s17+$0x3A00] =	vst v2  }
0xdf: {  	v2 =	vadd.s32 $0x1AB3F00, v1;
	[tilespmem:s17+$0x7A00] =	vst v0  }
0xe0: {  	v0 =	vadd.s32 $0x1AB3F00, v5;
	[tilespmem:s17+$0x3C00] =	vst v2  }
0xe1: {  	v2 =	vadd.s32 $0x1BA8140, v1;
	[tilespmem:s17+$0x7C00] =	vst v0  }
0xe2: {  	v0 =	vadd.s32 $0x1BA8140, v5;
	[tilespmem:s17+$0x3E00] =	vst v2  }
0xe3: {  	v2 =	vadd.s32 $0x1C9C380, v1;
	[tilespmem:s17+$0x7E00] =	vst v0  }
0xe4: {  	v0 =	vadd.s32 $0x1C9C380, v5;
	[tilespmem:s17+$0x4000] =	vst v2  }
0xe5: {  	v2 =	vadd.s32 $0x1D905C0, v1;
	[tilespmem:s17+$0x8000] =	vst v0  }
0xe6: {  	s16 =	simm.s32 $0x8400;
	[tilespmem:s17+$0x4200] =	vst v2;
	s17 =	simm.s32 $0x400  }
0xe7: {  	[tilespmem:s16], [sflag:$0x1] =	stream.indirect.gather [hbm4b:s1+s12], $0x1, s17, s12, $0xb8;
	[tilespmem:$0x10630] =	vst v63  }
0xe8: {  	s16 =	simm.s32 $0x4400;
	s17 =	simm.s32 $0xC400  }
0xe9: {  	[tilespmem:s17], [sflag:$0x2] =	stream.indirect.gather [hbm4b:s2+s12], $0x1, s16, s12, $0xb8;
	[tilespmem:$0x10630] =	vst v63  }
0xea: {  	s16 =	simm.s32 $0x600;
	s17 =	simm.s32 $0x8600  }
0xeb: {  	[tilespmem:s17], [sflag:$0x1] =	stream.indirect.gather [hbm4b:s1+s12], $0x1, s16, s12, $0xb8;
	[tilespmem:$0x10630] =	vst v63  }
0xec: {  	s16 =	simm.s32 $0x4600;
	s17 =	simm.s32 $0xC600  }
0xed: {  	[tilespmem:s17], [sflag:$0x2] =	stream.indirect.gather [hbm4b:s2+s12], $0x1, s16, s12, $0xb8;
	[tilespmem:$0x10630] =	vst v63  }
0xee: {  	s16 =	simm.s32 $0x800;
	s17 =	simm.s32 $0x8800  }
0xef: {  	[tilespmem:s17], [sflag:$0x1] =	stream.indirect.gather [hbm4b:s1+s12], $0x1, s16, s12, $0xb8;
	[tilespmem:$0x10630] =	vst v63  }
0xf0: {  	s16 =	simm.s32 $0x4800;
	s17 =	simm.s32 $0xC800  }
0xf1: {  	[tilespmem:s17], [sflag:$0x2] =	stream.indirect.gather [hbm4b:s2+s12], $0x1, s16, s12, $0xb8;
	[tilespmem:$0x10630] =	vst v63  }
0xf2: {  	s16 =	simm.s32 $0xA00;
	s17 =	simm.s32 $0x8A00  }
0xf3: {  	[tilespmem:s17], [sflag:$0x1] =	stream.indirect.gather [hbm4b:s1+s12], $0x1, s16, s12, $0xb8;
	[tilespmem:$0x10630] =	vst v63  }
0xf4: {  	s16 =	simm.s32 $0x4A00;
	s17 =	simm.s32 $0xCA00  }
0xf5: {  	[tilespmem:s17], [sflag:$0x2] =	stream.indirect.gather [hbm4b:s2+s12], $0x1, s16, s12, $0xb8;
	[tilespmem:$0x10630] =	vst v63  }
0xf6: {  	s16 =	simm.s32 $0xC00;
	s17 =	simm.s32 $0x8C00  }
0xf7: {  	[tilespmem:s17], [sflag:$0x1] =	stream.indirect.gather [hbm4b:s1+s12], $0x1, s16, s12, $0xb8;
	[tilespmem:$0x10630] =	vst v63  }
0xf8: {  	s16 =	simm.s32 $0x4C00;
	s17 =	simm.s32 $0xCC00  }
0xf9: {  	[tilespmem:s17], [sflag:$0x2] =	stream.indirect.gather [hbm4b:s2+s12], $0x1, s16, s12, $0xb8;
	[tilespmem:$0x10630] =	vst v63  }
0xfa: {  	s16 =	simm.s32 $0xE00;
	s17 =	simm.s32 $0x8E00  }
0xfb: {  	[tilespmem:s17], [sflag:$0x1] =	stream.indirect.gather [hbm4b:s1+s12], $0x1, s16, s12, $0xb8;
	[tilespmem:$0x10630] =	vst v63  }
0xfc: {  	s16 =	simm.s32 $0x4E00;
	s17 =	simm.s32 $0xCE00  }
0xfd: {  	[tilespmem:s17], [sflag:$0x2] =	stream.indirect.gather [hbm4b:s2+s12], $0x1, s16, s12, $0xb8;
	[tilespmem:$0x10630] =	vst v63  }
0xfe: {  	s16 =	simm.s32 $0x1000;
	s17 =	simm.s32 $0x9000  }
0xff: {  	[tilespmem:s17], [sflag:$0x1] =	stream.indirect.gather [hbm4b:s1+s12], $0x1, s16, s12, $0xb8;
	[tilespmem:$0x10630] =	vst v63  }
0x100: {  	s16 =	simm.s32 $0x5000;
	s17 =	simm.s32 $0xD000  }
0x101: {  	[tilespmem:s17], [sflag:$0x2] =	stream.indirect.gather [hbm4b:s2+s12], $0x1, s16, s12, $0xb8;
	[tilespmem:$0x10630] =	vst v63  }
0x102: {  	s16 =	simm.s32 $0x1200;
	s17 =	simm.s32 $0x9200  }
0x103: {  	[tilespmem:s17], [sflag:$0x1] =	stream.indirect.gather [hbm4b:s1+s12], $0x1, s16, s12, $0xb8;
	[tilespmem:$0x10630] =	vst v63  }
0x104: {  	s16 =	simm.s32 $0x5200;
	s17 =	simm.s32 $0xD200  }
0x105: {  	[tilespmem:s17], [sflag:$0x2] =	stream.indirect.gather [hbm4b:s2+s12], $0x1, s16, s12, $0xb8;
	[tilespmem:$0x10630] =	vst v63  }
0x106: {  	s16 =	simm.s32 $0x1400;
	s17 =	simm.s32 $0x9400  }
0x107: {  	[tilespmem:s17], [sflag:$0x1] =	stream.indirect.gather [hbm4b:s1+s12], $0x1, s16, s12, $0xb8;
	[tilespmem:$0x10630] =	vst v63  }
0x108: {  	s16 =	simm.s32 $0x5400;
	s17 =	simm.s32 $0xD400  }
0x109: {  	[tilespmem:s17], [sflag:$0x2] =	stream.indirect.gather [hbm4b:s2+s12], $0x1, s16, s12, $0xb8;
	[tilespmem:$0x10630] =	vst v63  }
0x10a: {  	s16 =	simm.s32 $0x1600;
	s17 =	simm.s32 $0x9600  }
0x10b: {  	[tilespmem:s17], [sflag:$0x1] =	stream.indirect.gather [hbm4b:s1+s12], $0x1, s16, s12, $0xb8;
	[tilespmem:$0x10630] =	vst v63  }
0x10c: {  	s16 =	simm.s32 $0x5600;
	s17 =	simm.s32 $0xD600  }
0x10d: {  	[tilespmem:s17], [sflag:$0x2] =	stream.indirect.gather [hbm4b:s2+s12], $0x1, s16, s12, $0xb8;
	[tilespmem:$0x10630] =	vst v63  }
0x10e: {  	s16 =	simm.s32 $0x1800;
	s17 =	simm.s32 $0x9800  }
0x10f: {  	[tilespmem:s17], [sflag:$0x1] =	stream.indirect.gather [hbm4b:s1+s12], $0x1, s16, s12, $0xb8;
	[tilespmem:$0x10630] =	vst v63  }
0x110: {  	s16 =	simm.s32 $0x5800;
	s17 =	simm.s32 $0xD800  }
0x111: {  	[tilespmem:s17], [sflag:$0x2] =	stream.indirect.gather [hbm4b:s2+s12], $0x1, s16, s12, $0xb8;
	[tilespmem:$0x10630] =	vst v63  }
0x112: {  	s16 =	simm.s32 $0x1A00;
	s17 =	simm.s32 $0x9A00  }
0x113: {  	[tilespmem:s17], [sflag:$0x1] =	stream.indirect.gather [hbm4b:s1+s12], $0x1, s16, s12, $0xb8;
	[tilespmem:$0x10630] =	vst v63  }
0x114: {  	s16 =	simm.s32 $0x5A00;
	s17 =	simm.s32 $0xDA00  }
0x115: {  	[tilespmem:s17], [sflag:$0x2] =	stream.indirect.gather [hbm4b:s2+s12], $0x1, s16, s12, $0xb8;
	[tilespmem:$0x10630] =	vst v63  }
0x116: {  	s16 =	simm.s32 $0x1C00;
	s17 =	simm.s32 $0x9C00  }
0x117: {  	[tilespmem:s17], [sflag:$0x1] =	stream.indirect.gather [hbm4b:s1+s12], $0x1, s16, s12, $0xb8;
	[tilespmem:$0x10630] =	vst v63  }
0x118: {  	s16 =	simm.s32 $0x5C00;
	s17 =	simm.s32 $0xDC00  }
0x119: {  	[tilespmem:s17], [sflag:$0x2] =	stream.indirect.gather [hbm4b:s2+s12], $0x1, s16, s12, $0xb8;
	[tilespmem:$0x10630] =	vst v63  }
0x11a: {  	s16 =	simm.s32 $0x1E00;
	s17 =	simm.s32 $0x9E00  }
0x11b: {  	[tilespmem:s17], [sflag:$0x1] =	stream.indirect.gather [hbm4b:s1+s12], $0x1, s16, s12, $0xb8;
	[tilespmem:$0x10630] =	vst v63  }
0x11c: {  	s16 =	simm.s32 $0x5E00;
	s17 =	simm.s32 $0xDE00  }
0x11d: {  	[tilespmem:s17], [sflag:$0x2] =	stream.indirect.gather [hbm4b:s2+s12], $0x1, s16, s12, $0xb8;
	[tilespmem:$0x10630] =	vst v63  }
0x11e: {  	s16 =	simm.s32 $0x2000;
	s17 =	simm.s32 $0xA000  }
0x11f: {  	[tilespmem:s17], [sflag:$0x1] =	stream.indirect.gather [hbm4b:s1+s12], $0x1, s16, s12, $0xb8;
	[tilespmem:$0x10630] =	vst v63  }
0x120: {  	s16 =	simm.s32 $0x6000;
	s17 =	simm.s32 $0xE000  }
0x121: {  	[tilespmem:s17], [sflag:$0x2] =	stream.indirect.gather [hbm4b:s2+s12], $0x1, s16, s12, $0xb8;
	[tilespmem:$0x10630] =	vst v63  }
0x122: {  	s16 =	simm.s32 $0x2200;
	s17 =	simm.s32 $0xA200  }
0x123: {  	[tilespmem:s17], [sflag:$0x1] =	stream.indirect.gather [hbm4b:s1+s12], $0x1, s16, s12, $0xb8;
	[tilespmem:$0x10630] =	vst v63  }
0x124: {  	s16 =	simm.s32 $0x6200;
	s17 =	simm.s32 $0xE200  }
0x125: {  	[tilespmem:s17], [sflag:$0x2] =	stream.indirect.gather [hbm4b:s2+s12], $0x1, s16, s12, $0xb8;
	[tilespmem:$0x10630] =	vst v63  }
0x126: {  	s16 =	simm.s32 $0x2400;
	s17 =	simm.s32 $0xA400  }
0x127: {  	[tilespmem:s17], [sflag:$0x1] =	stream.indirect.gather [hbm4b:s1+s12], $0x1, s16, s12, $0xb8;
	[tilespmem:$0x10630] =	vst v63  }
0x128: {  	s16 =	simm.s32 $0x6400;
	s17 =	simm.s32 $0xE400  }
0x129: {  	[tilespmem:s17], [sflag:$0x2] =	stream.indirect.gather [hbm4b:s2+s12], $0x1, s16, s12, $0xb8;
	[tilespmem:$0x10630] =	vst v63  }
0x12a: {  	s16 =	simm.s32 $0x2600;
	s17 =	simm.s32 $0xA600  }
0x12b: {  	[tilespmem:s17], [sflag:$0x1] =	stream.indirect.gather [hbm4b:s1+s12], $0x1, s16, s12, $0xb8;
	[tilespmem:$0x10630] =	vst v63  }
0x12c: {  	s16 =	simm.s32 $0x6600;
	s17 =	simm.s32 $0xE600  }
0x12d: {  	[tilespmem:s17], [sflag:$0x2] =	stream.indirect.gather [hbm4b:s2+s12], $0x1, s16, s12, $0xb8;
	[tilespmem:$0x10630] =	vst v63  }
0x12e: {  	s16 =	simm.s32 $0x2800;
	s17 =	simm.s32 $0xA800  }
0x12f: {  	[tilespmem:s17], [sflag:$0x1] =	stream.indirect.gather [hbm4b:s1+s12], $0x1, s16, s12, $0xb8;
	[tilespmem:$0x10630] =	vst v63  }
0x130: {  	s16 =	simm.s32 $0x6800;
	s17 =	simm.s32 $0xE800  }
0x131: {  	[tilespmem:s17], [sflag:$0x2] =	stream.indirect.gather [hbm4b:s2+s12], $0x1, s16, s12, $0xb8;
	[tilespmem:$0x10630] =	vst v63  }
0x132: {  	s16 =	simm.s32 $0x2A00;
	s17 =	simm.s32 $0xAA00  }
0x133: {  	[tilespmem:s17], [sflag:$0x1] =	stream.indirect.gather [hbm4b:s1+s12], $0x1, s16, s12, $0xb8;
	[tilespmem:$0x10630] =	vst v63  }
0x134: {  	s16 =	simm.s32 $0x6A00;
	s17 =	simm.s32 $0xEA00  }
0x135: {  	[tilespmem:s17], [sflag:$0x2] =	stream.indirect.gather [hbm4b:s2+s12], $0x1, s16, s12, $0xb8;
	[tilespmem:$0x10630] =	vst v63  }
0x136: {  	s16 =	simm.s32 $0x2C00;
	s17 =	simm.s32 $0xAC00  }
0x137: {  	[tilespmem:s17], [sflag:$0x1] =	stream.indirect.gather [hbm4b:s1+s12], $0x1, s16, s12, $0xb8;
	[tilespmem:$0x10630] =	vst v63  }
0x138: {  	s16 =	simm.s32 $0x6C00;
	s17 =	simm.s32 $0xEC00  }
0x139: {  	[tilespmem:s17], [sflag:$0x2] =	stream.indirect.gather [hbm4b:s2+s12], $0x1, s16, s12, $0xb8;
	[tilespmem:$0x10630] =	vst v63  }
0x13a: {  	s16 =	simm.s32 $0x2E00;
	s17 =	simm.s32 $0xAE00  }
0x13b: {  	[tilespmem:s17], [sflag:$0x1] =	stream.indirect.gather [hbm4b:s1+s12], $0x1, s16, s12, $0xb8;
	[tilespmem:$0x10630] =	vst v63  }
0x13c: {  	s16 =	simm.s32 $0x6E00;
	s17 =	simm.s32 $0xEE00  }
0x13d: {  	[tilespmem:s17], [sflag:$0x2] =	stream.indirect.gather [hbm4b:s2+s12], $0x1, s16, s12, $0xb8;
	[tilespmem:$0x10630] =	vst v63  }
0x13e: {  	s16 =	simm.s32 $0x3000;
	s17 =	simm.s32 $0xB000  }
0x13f: {  	[tilespmem:s17], [sflag:$0x1] =	stream.indirect.gather [hbm4b:s1+s12], $0x1, s16, s12, $0xb8;
	[tilespmem:$0x10630] =	vst v63  }
0x140: {  	s16 =	simm.s32 $0x7000;
	s17 =	simm.s32 $0xF000  }
0x141: {  	[tilespmem:s17], [sflag:$0x2] =	stream.indirect.gather [hbm4b:s2+s12], $0x1, s16, s12, $0xb8;
	[tilespmem:$0x10630] =	vst v63  }
0x142: {  	s16 =	simm.s32 $0x3200;
	s17 =	simm.s32 $0xB200  }
0x143: {  	[tilespmem:s17], [sflag:$0x1] =	stream.indirect.gather [hbm4b:s1+s12], $0x1, s16, s12, $0xb8;
	[tilespmem:$0x10630] =	vst v63  }
0x144: {  	s16 =	simm.s32 $0x7200;
	s17 =	simm.s32 $0xF200  }
0x145: {  	[tilespmem:s17], [sflag:$0x2] =	stream.indirect.gather [hbm4b:s2+s12], $0x1, s16, s12, $0xb8;
	[tilespmem:$0x10630] =	vst v63  }
0x146: {  	s16 =	simm.s32 $0x3400;
	s17 =	simm.s32 $0xB400  }
0x147: {  	[tilespmem:s17], [sflag:$0x1] =	stream.indirect.gather [hbm4b:s1+s12], $0x1, s16, s12, $0xb8;
	[tilespmem:$0x10630] =	vst v63  }
0x148: {  	s16 =	simm.s32 $0x7400;
	s17 =	simm.s32 $0xF400  }
0x149: {  	[tilespmem:s17], [sflag:$0x2] =	stream.indirect.gather [hbm4b:s2+s12], $0x1, s16, s12, $0xb8;
	[tilespmem:$0x10630] =	vst v63  }
0x14a: {  	s16 =	simm.s32 $0x3600;
	s17 =	simm.s32 $0xB600  }
0x14b: {  	[tilespmem:s17], [sflag:$0x1] =	stream.indirect.gather [hbm4b:s1+s12], $0x1, s16, s12, $0xb8;
	[tilespmem:$0x10630] =	vst v63  }
0x14c: {  	s16 =	simm.s32 $0x7600;
	s17 =	simm.s32 $0xF600  }
0x14d: {  	[tilespmem:s17], [sflag:$0x2] =	stream.indirect.gather [hbm4b:s2+s12], $0x1, s16, s12, $0xb8;
	[tilespmem:$0x10630] =	vst v63  }
0x14e: {  	s16 =	simm.s32 $0x3800;
	s17 =	simm.s32 $0xB800  }
0x14f: {  	[tilespmem:s17], [sflag:$0x1] =	stream.indirect.gather [hbm4b:s1+s12], $0x1, s16, s12, $0xb8;
	[tilespmem:$0x10630] =	vst v63  }
0x150: {  	s16 =	simm.s32 $0x7800;
	s17 =	simm.s32 $0xF800  }
0x151: {  	[tilespmem:s17], [sflag:$0x2] =	stream.indirect.gather [hbm4b:s2+s12], $0x1, s16, s12, $0xb8;
	[tilespmem:$0x10630] =	vst v63  }
0x152: {  	s16 =	simm.s32 $0x3A00;
	s17 =	simm.s32 $0xBA00  }
0x153: {  	[tilespmem:s17], [sflag:$0x1] =	stream.indirect.gather [hbm4b:s1+s12], $0x1, s16, s12, $0xb8;
	[tilespmem:$0x10630] =	vst v63  }
0x154: {  	s16 =	simm.s32 $0x7A00;
	s17 =	simm.s32 $0xFA00  }
0x155: {  	[tilespmem:s17], [sflag:$0x2] =	stream.indirect.gather [hbm4b:s2+s12], $0x1, s16, s12, $0xb8;
	[tilespmem:$0x10630] =	vst v63  }
0x156: {  	s17 =	simm.s32 $0x3C00  }
0x157: {  	[tilespmem:s18], [sflag:$0x1] =	stream.indirect.gather [hbm4b:s1+s12], $0x1, s17, s12, $0xb8;
	[tilespmem:$0x10630] =	vst v63  }
0x158: {  	_ = 	snop  }
0x159: {  	[tilespmem:s20], [sflag:$0x2] =	stream.indirect.gather [hbm4b:s2+s12], $0x1, s19, s12, $0xb8;
	[tilespmem:$0x10630] =	vst v63  }
0x15a: {  	_ = 	snop  }
0x15b: {  	[tilespmem:s22], [sflag:$0x1] =	stream.indirect.gather [hbm4b:s1+s12], $0x1, s21, s12, $0xb8;
	[tilespmem:$0x10630] =	vst v63  }
0x15c: {  	_ = 	snop  }
0x15d: {  	[tilespmem:s24], [sflag:$0x2] =	stream.indirect.gather [hbm4b:s2+s12], $0x1, s23, s12, $0xb8;
	[tilespmem:$0x10630] =	vst v63  }
0x15e: {  	_ = 	snop  }
0x15f: {  	[tilespmem:s26], [sflag:$0x1] =	stream.indirect.gather [hbm4b:s1+s12], $0x1, s25, s12, $0xb8;
	[tilespmem:$0x10630] =	vst v63  }
0x160: {  	_ = 	snop  }
0x161: {  	[tilespmem:s29], [sflag:$0x2] =	stream.indirect.gather [hbm4b:s2+s12], $0x1, s28, s12, $0xb8;
	[tilespmem:$0x10630] =	vst v63  }
0x162: {  	_ = 	snop  }
0x163: {  	[tilespmem:s31], [sflag:$0x1] =	stream.indirect.gather [hbm4b:s1+s12], $0x1, s30, s12, $0xb8;
	[tilespmem:$0x10630] =	vst v63  }
0x164: {  	_ = 	snop  }
0x165: {  	[tilespmem:s5], [sflag:$0x2] =	stream.indirect.gather [hbm4b:s2+s12], $0x1, s0, s12, $0xb8;
	[tilespmem:$0x10630] =	vst v63  }
0x166: {  	_ =	swait.ge [sflag:s3], $0x200  }
0x167: {  	[sflag:s3] =	ssyncset.done $0x0  }
0x168: {  	[sflag:s3] =	ssyncadd.s32 $0xFFFFFE00  }
0x169: {  	_ =	swait.ge [sflag:s4], $0x200  }
0x16a: {  	[sflag:s4] =	ssyncset.done $0x0  }
0x16b: {  	[sflag:s4] =	ssyncadd.s32 $0xFFFFFE00  }
0x16c: {  	_ =	swait.ge [sflag:s3], $0x200  }
0x16d: {  	[sflag:s3] =	ssyncset.done $0x0  }
0x16e: {  	[sflag:s3] =	ssyncadd.s32 $0xFFFFFE00  }
0x16f: {  	_ =	swait.ge [sflag:s4], $0x200  }
0x170: {  	[sflag:s4] =	ssyncset.done $0x0  }
0x171: {  	[sflag:s4] =	ssyncadd.s32 $0xFFFFFE00  }
0x172: {  	_ =	swait.ge [sflag:s3], $0x200  }
0x173: {  	[sflag:s3] =	ssyncset.done $0x0  }
0x174: {  	[sflag:s3] =	ssyncadd.s32 $0xFFFFFE00  }
0x175: {  	_ =	swait.ge [sflag:s4], $0x200  }
0x176: {  	[sflag:s4] =	ssyncset.done $0x0  }
0x177: {  	[sflag:s4] =	ssyncadd.s32 $0xFFFFFE00  }
0x178: {  	_ =	swait.ge [sflag:s3], $0x200  }
0x179: {  	[sflag:s3] =	ssyncset.done $0x0  }
0x17a: {  	[sflag:s3] =	ssyncadd.s32 $0xFFFFFE00  }
0x17b: {  	_ =	swait.ge [sflag:s4], $0x200  }
0x17c: {  	[sflag:s4] =	ssyncset.done $0x0  }
0x17d: {  	[sflag:s4] =	ssyncadd.s32 $0xFFFFFE00  }
0x17e: {  	_ =	swait.ge [sflag:s3], $0x200  }
0x17f: {  	[sflag:s3] =	ssyncset.done $0x0  }
0x180: {  	[sflag:s3] =	ssyncadd.s32 $0xFFFFFE00  }
0x181: {  	_ =	swait.ge [sflag:s4], $0x200  }
0x182: {  	[sflag:s4] =	ssyncset.done $0x0  }
0x183: {  	[sflag:s4] =	ssyncadd.s32 $0xFFFFFE00  }
0x184: {  	_ =	swait.ge [sflag:s3], $0x200  }
0x185: {  	[sflag:s3] =	ssyncset.done $0x0  }
0x186: {  	[sflag:s3] =	ssyncadd.s32 $0xFFFFFE00  }
0x187: {  	_ =	swait.ge [sflag:s4], $0x200  }
0x188: {  	[sflag:s4] =	ssyncset.done $0x0  }
0x189: {  	[sflag:s4] =	ssyncadd.s32 $0xFFFFFE00  }
0x18a: {  	_ =	swait.ge [sflag:s3], $0x200  }
0x18b: {  	[sflag:s3] =	ssyncset.done $0x0  }
0x18c: {  	[sflag:s3] =	ssyncadd.s32 $0xFFFFFE00  }
0x18d: {  	_ =	swait.ge [sflag:s4], $0x200  }
0x18e: {  	[sflag:s4] =	ssyncset.done $0x0  }
0x18f: {  	[sflag:s4] =	ssyncadd.s32 $0xFFFFFE00  }
0x190: {  	_ =	swait.ge [sflag:s3], $0x200  }
0x191: {  	[sflag:s3] =	ssyncset.done $0x0  }
0x192: {  	[sflag:s3] =	ssyncadd.s32 $0xFFFFFE00  }
0x193: {  	_ =	swait.ge [sflag:s4], $0x200  }
0x194: {  	[sflag:s4] =	ssyncset.done $0x0  }
0x195: {  	[sflag:s4] =	ssyncadd.s32 $0xFFFFFE00  }
0x196: {  	_ =	swait.ge [sflag:s3], $0x200  }
0x197: {  	[sflag:s3] =	ssyncset.done $0x0  }
0x198: {  	[sflag:s3] =	ssyncadd.s32 $0xFFFFFE00  }
0x199: {  	_ =	swait.ge [sflag:s4], $0x200  }
0x19a: {  	[sflag:s4] =	ssyncset.done $0x0  }
0x19b: {  	[sflag:s4] =	ssyncadd.s32 $0xFFFFFE00  }
0x19c: {  	_ =	swait.ge [sflag:s3], $0x200  }
0x19d: {  	[sflag:s3] =	ssyncset.done $0x0  }
0x19e: {  	[sflag:s3] =	ssyncadd.s32 $0xFFFFFE00  }
0x19f: {  	_ =	swait.ge [sflag:s4], $0x200  }
0x1a0: {  	[sflag:s4] =	ssyncset.done $0x0  }
0x1a1: {  	[sflag:s4] =	ssyncadd.s32 $0xFFFFFE00  }
0x1a2: {  	_ =	swait.ge [sflag:s3], $0x200  }
0x1a3: {  	[sflag:s3] =	ssyncset.done $0x0  }
0x1a4: {  	[sflag:s3] =	ssyncadd.s32 $0xFFFFFE00  }
0x1a5: {  	_ =	swait.ge [sflag:s4], $0x200  }
0x1a6: {  	[sflag:s4] =	ssyncset.done $0x0  }
0x1a7: {  	[sflag:s4] =	ssyncadd.s32 $0xFFFFFE00  }
0x1a8: {  	_ =	swait.ge [sflag:s3], $0x200  }
0x1a9: {  	[sflag:s3] =	ssyncset.done $0x0  }
0x1aa: {  	[sflag:s3] =	ssyncadd.s32 $0xFFFFFE00  }
0x1ab: {  	_ =	swait.ge [sflag:s4], $0x200  }
0x1ac: {  	[sflag:s4] =	ssyncset.done $0x0  }
0x1ad: {  	[sflag:s4] =	ssyncadd.s32 $0xFFFFFE00  }
0x1ae: {  	_ =	swait.ge [sflag:s3], $0x200  }
0x1af: {  	[sflag:s3] =	ssyncset.done $0x0  }
0x1b0: {  	[sflag:s3] =	ssyncadd.s32 $0xFFFFFE00  }
0x1b1: {  	_ =	swait.ge [sflag:s4], $0x200  }
0x1b2: {  	[sflag:s4] =	ssyncset.done $0x0  }
0x1b3: {  	[sflag:s4] =	ssyncadd.s32 $0xFFFFFE00  }
0x1b4: {  	_ =	swait.ge [sflag:s3], $0x200  }
0x1b5: {  	[sflag:s3] =	ssyncset.done $0x0  }
0x1b6: {  	[sflag:s3] =	ssyncadd.s32 $0xFFFFFE00  }
0x1b7: {  	_ =	swait.ge [sflag:s4], $0x200  }
0x1b8: {  	[sflag:s4] =	ssyncset.done $0x0  }
0x1b9: {  	[sflag:s4] =	ssyncadd.s32 $0xFFFFFE00  }
0x1ba: {  	_ =	swait.ge [sflag:s3], $0x200  }
0x1bb: {  	[sflag:s3] =	ssyncset.done $0x0  }
0x1bc: {  	[sflag:s3] =	ssyncadd.s32 $0xFFFFFE00  }
0x1bd: {  	_ =	swait.ge [sflag:s4], $0x200  }
0x1be: {  	[sflag:s4] =	ssyncset.done $0x0  }
0x1bf: {  	[sflag:s4] =	ssyncadd.s32 $0xFFFFFE00  }
0x1c0: {  	_ =	swait.ge [sflag:s3], $0x200  }
0x1c1: {  	[sflag:s3] =	ssyncset.done $0x0  }
0x1c2: {  	[sflag:s3] =	ssyncadd.s32 $0xFFFFFE00  }
0x1c3: {  	_ =	swait.ge [sflag:s4], $0x200  }
0x1c4: {  	[sflag:s4] =	ssyncset.done $0x0  }
0x1c5: {  	[sflag:s4] =	ssyncadd.s32 $0xFFFFFE00  }
0x1c6: {  	_ =	swait.ge [sflag:s3], $0x200  }
0x1c7: {  	[sflag:s3] =	ssyncset.done $0x0  }
0x1c8: {  	[sflag:s3] =	ssyncadd.s32 $0xFFFFFE00  }
0x1c9: {  	_ =	swait.ge [sflag:s4], $0x200  }
0x1ca: {  	[sflag:s4] =	ssyncset.done $0x0  }
0x1cb: {  	[sflag:s4] =	ssyncadd.s32 $0xFFFFFE00  }
0x1cc: {  	_ =	swait.ge [sflag:s3], $0x200  }
0x1cd: {  	[sflag:s3] =	ssyncset.done $0x0  }
0x1ce: {  	[sflag:s3] =	ssyncadd.s32 $0xFFFFFE00  }
0x1cf: {  	_ =	swait.ge [sflag:s4], $0x200  }
0x1d0: {  	[sflag:s4] =	ssyncset.done $0x0  }
0x1d1: {  	[sflag:s4] =	ssyncadd.s32 $0xFFFFFE00  }
0x1d2: {  	_ =	swait.ge [sflag:s3], $0x200  }
0x1d3: {  	[sflag:s3] =	ssyncset.done $0x0  }
0x1d4: {  	[sflag:s3] =	ssyncadd.s32 $0xFFFFFE00  }
0x1d5: {  	_ =	swait.ge [sflag:s4], $0x200  }
0x1d6: {  	[sflag:s4] =	ssyncset.done $0x0  }
0x1d7: {  	[sflag:s4] =	ssyncadd.s32 $0xFFFFFE00  }
0x1d8: {  	_ =	swait.ge [sflag:s3], $0x200  }
0x1d9: {  	[sflag:s3] =	ssyncset.done $0x0  }
0x1da: {  	[sflag:s3] =	ssyncadd.s32 $0xFFFFFE00  }
0x1db: {  	_ =	swait.ge [sflag:s4], $0x200  }
0x1dc: {  	[sflag:s4] =	ssyncset.done $0x0  }
0x1dd: {  	[sflag:s4] =	ssyncadd.s32 $0xFFFFFE00  }
0x1de: {  	_ =	swait.ge [sflag:s3], $0x200  }
0x1df: {  	[sflag:s3] =	ssyncset.done $0x0  }
0x1e0: {  	[sflag:s3] =	ssyncadd.s32 $0xFFFFFE00  }
0x1e1: {  	_ =	swait.ge [sflag:s4], $0x200  }
0x1e2: {  	[sflag:s4] =	ssyncset.done $0x0  }
0x1e3: {  	[sflag:s4] =	ssyncadd.s32 $0xFFFFFE00  }
0x1e4: {  	_ =	swait.ge [sflag:s3], $0x200  }
0x1e5: {  	[sflag:s3] =	ssyncset.done $0x0  }
0x1e6: {  	[sflag:s3] =	ssyncadd.s32 $0xFFFFFE00  }
0x1e7: {  	_ =	swait.ge [sflag:s4], $0x200  }
0x1e8: {  	[sflag:s4] =	ssyncset.done $0x0  }
0x1e9: {  	[sflag:s4] =	ssyncadd.s32 $0xFFFFFE00  }
0x1ea: {  	_ =	swait.ge [sflag:s3], $0x200  }
0x1eb: {  	[sflag:s3] =	ssyncset.done $0x0  }
0x1ec: {  	[sflag:s3] =	ssyncadd.s32 $0xFFFFFE00  }
0x1ed: {  	_ =	swait.ge [sflag:s4], $0x200  }
0x1ee: {  	[sflag:s4] =	ssyncset.done $0x0  }
0x1ef: {  	[sflag:s4] =	ssyncadd.s32 $0xFFFFFE00  }
0x1f0: {  	_ =	swait.ge [sflag:s3], $0x200  }
0x1f1: {  	[sflag:s3] =	ssyncset.done $0x0  }
0x1f2: {  	[sflag:s3] =	ssyncadd.s32 $0xFFFFFE00  }
0x1f3: {  	_ =	swait.ge [sflag:s4], $0x200  }
0x1f4: {  	[sflag:s4] =	ssyncset.done $0x0  }
0x1f5: {  	[sflag:s4] =	ssyncadd.s32 $0xFFFFFE00  }
0x1f6: {  	_ =	swait.ge [sflag:s3], $0x200  }
0x1f7: {  	[sflag:s3] =	ssyncset.done $0x0  }
0x1f8: {  	[sflag:s3] =	ssyncadd.s32 $0xFFFFFE00  }
0x1f9: {  	_ =	swait.ge [sflag:s4], $0x200  }
0x1fa: {  	[sflag:s4] =	ssyncset.done $0x0  }
0x1fb: {  	[sflag:s4] =	ssyncadd.s32 $0xFFFFFE00  }
0x1fc: {  	_ =	swait.ge [sflag:s3], $0x200  }
0x1fd: {  	[sflag:s3] =	ssyncset.done $0x0  }
0x1fe: {  	[sflag:s3] =	ssyncadd.s32 $0xFFFFFE00  }
0x1ff: {  	_ =	swait.ge [sflag:s4], $0x200  }
0x200: {  	[sflag:s4] =	ssyncset.done $0x0  }
0x201: {  	[sflag:s4] =	ssyncadd.s32 $0xFFFFFE00  }
0x202: {  	_ =	swait.ge [sflag:s3], $0x200  }
0x203: {  	[sflag:s3] =	ssyncset.done $0x0  }
0x204: {  	[sflag:s3] =	ssyncadd.s32 $0xFFFFFE00  }
0x205: {  	_ =	swait.ge [sflag:s4], $0x200  }
0x206: {  	[sflag:s4] =	ssyncset.done $0x0  }
0x207: {  	[sflag:s4] =	ssyncadd.s32 $0xFFFFFE00  }
0x208: {  	_ =	swait.ge [sflag:s3], $0x200  }
0x209: {  	[sflag:s3] =	ssyncset.done $0x0  }
0x20a: {  	[sflag:s3] =	ssyncadd.s32 $0xFFFFFE00  }
0x20b: {  	_ =	swait.ge [sflag:s4], $0x200  }
0x20c: {  	[sflag:s4] =	ssyncset.done $0x0  }
0x20d: {  	[sflag:s4] =	ssyncadd.s32 $0xFFFFFE00  }
0x20e: {  	_ =	swait.ge [sflag:s3], $0x200  }
0x20f: {  	[sflag:s3] =	ssyncset.done $0x0  }
0x210: {  	[sflag:s3] =	ssyncadd.s32 $0xFFFFFE00  }
0x211: {  	_ =	swait.ge [sflag:s4], $0x200  }
0x212: {  	[sflag:s4] =	ssyncset.done $0x0  }
0x213: {  	[sflag:s4] =	ssyncadd.s32 $0xFFFFFE00  }
0x214: {  	_ =	swait.ge [sflag:s3], $0x200  }
0x215: {  	[sflag:s3] =	ssyncset.done $0x0  }
0x216: {  	[sflag:s3] =	ssyncadd.s32 $0xFFFFFE00  }
0x217: {  	_ =	swait.ge [sflag:s4], $0x200  }
0x218: {  	[sflag:s4] =	ssyncset.done $0x0  }
0x219: {  	[sflag:s4] =	ssyncadd.s32 $0xFFFFFE00  }
0x21a: {  	_ =	swait.ge [sflag:s3], $0x200  }
0x21b: {  	[sflag:s3] =	ssyncset.done $0x0  }
0x21c: {  	[sflag:s3] =	ssyncadd.s32 $0xFFFFFE00  }
0x21d: {  	_ =	swait.ge [sflag:s4], $0x200  }
0x21e: {  	[sflag:s4] =	ssyncset.done $0x0  }
0x21f: {  	[sflag:s4] =	ssyncadd.s32 $0xFFFFFE00  }
0x220: {  	_ =	swait.ge [sflag:s3], $0x200  }
0x221: {  	[sflag:s3] =	ssyncset.done $0x0  }
0x222: {  	[sflag:s3] =	ssyncadd.s32 $0xFFFFFE00  }
0x223: {  	_ =	swait.ge [sflag:s4], $0x200  }
0x224: {  	[sflag:s4] =	ssyncset.done $0x0  }
0x225: {  	[sflag:s4] =	ssyncadd.s32 $0xFFFFFE00  }
0x226: {  	v16 =	vld [tilespmem:$0x10400]  }
0x227: {  	v30 =	vld [tilespmem:$0x10410]  }
0x228: {  	s15 =	simm.s32 $0x0;
	v0 =	vld.msk [tilespmem:$0x10420 ss:$0x0], $0xffff  }
0x229: {  	v1 =	vld [tilespmem:s15+$0x8400]  }
0x22a: {  	v2 =	vld [tilespmem:s15+$0xC400]  }
0x22b: {  	v3 =	vld [tilespmem:s15+$0x8600]  }
0x22c: {  	v4 =	vld [tilespmem:s15+$0xC600]  }
0x22d: {  	v6 =	vld [tilespmem:s15+$0x8800]  }
0x22e: {  	v7 =	vld [tilespmem:s15+$0xC800]  }
0x22f: {  	v8 =	vld [tilespmem:s15+$0x8A00]  }
0x230: {  	v9 =	vld [tilespmem:s15+$0xCA00]  }
0x231: {  	v11 =	vld [tilespmem:s15+$0x8C00]  }
0x232: {  	v12 =	vld [tilespmem:s15+$0xCC00];
	v5 =	vbroadcast v16, $0x0;
	v2 =	vmul.f32 v2, v1  }
0x233: {  	v13 =	vld [tilespmem:s15+$0xCE00];
	v1 =	vbroadcast v16, $0x1  }
0x234: {  	v14 =	vld [tilespmem:s15+$0xD000];
	v3 =	vmul.f32 v4, v3;
	v10 =	vmul.f32 v2, v5  }
0x235: {  	v15 =	vld [tilespmem:s15+$0xD200];
	v6 =	vmul.f32 v7, v6  }
0x236: {  	v17 =	vld [tilespmem:s15+$0xD400];
	v2 =	vbroadcast v16, $0x2;
	v4 =	vadd.f32 v10, v0;
	v10 =	vmul.f32 v3, v1  }
0x237: {  	v7 =	vld [tilespmem:s15+$0x8E00];
	v8 =	vmul.f32 v9, v8  }
0x238: {  	v9 =	vld [tilespmem:s15+$0x9000];
	v3 =	vbroadcast v16, $0x3;
	v6 =	vmul.f32 v6, v2;
	v10 =	vadd.f32 v10, v4  }
0x239: {  	v18 =	vld [tilespmem:s15+$0xD600];
	v11 =	vmul.f32 v12, v11  }
0x23a: {  	v12 =	vld [tilespmem:s15+$0x9200];
	v4 =	vbroadcast v16, $0x4;
	v8 =	vmul.f32 v8, v3;
	v10 =	vadd.f32 v6, v10  }
0x23b: {  	v19 =	vld [tilespmem:s15+$0xD800];
	v6 =	vbroadcast v16, $0x5  }
0x23c: {  	v20 =	vld [tilespmem:s15+$0xDA00];
	v8 =	vadd.f32 v8, v10;
	v10 =	vmul.f32 v11, v4;
	v11 =	vmul.f32 v13, v7  }
0x23d: {  	v9 =	vmul.f32 v14, v9;
	v13 =	vld [tilespmem:s15+$0x9400]  }
0x23e: {  	v14 =	vld [tilespmem:s15+$0x9600];
	v7 =	vbroadcast v16, $0x6;
	v10 =	vadd.f32 v10, v8;
	v11 =	vmul.f32 v11, v6  }
0x23f: {  	v21 =	vld [tilespmem:s15+$0xDC00];
	v12 =	vmul.f32 v15, v12  }
0x240: {  	v15 =	vld [tilespmem:s15+$0x9800];
	v8 =	vbroadcast v16, $0x7;
	v10 =	vadd.f32 v11, v10;
	v11 =	vmul.f32 v9, v7  }
0x241: {  	v22 =	vld [tilespmem:s15+$0xDE00];
	v9 =	vbroadcast v16, $0x8  }
0x242: {  	v23 =	vld [tilespmem:s15+$0xE000];
	v12 =	vmul.f32 v12, v8;
	v13 =	vmul.f32 v17, v13;
	v11 =	vadd.f32 v11, v10  }
0x243: {  	v14 =	vmul.f32 v18, v14;
	v17 =	vld [tilespmem:s15+$0x9A00]  }
0x244: {  	v18 =	vld [tilespmem:s15+$0x9C00];
	v10 =	vbroadcast v16, $0x9;
	v13 =	vmul.f32 v13, v9;
	v12 =	vadd.f32 v12, v11  }
0x245: {  	v24 =	vld [tilespmem:s15+$0xE200];
	v15 =	vmul.f32 v19, v15  }
0x246: {  	v19 =	vld [tilespmem:s15+$0x9E00];
	v11 =	vbroadcast v16, $0xA;
	v14 =	vmul.f32 v14, v10;
	v13 =	vadd.f32 v13, v12  }
0x247: {  	v25 =	vld [tilespmem:s15+$0xE400];
	v12 =	vbroadcast v16, $0xB  }
0x248: {  	v26 =	vld [tilespmem:s15+$0xE800];
	v15 =	vmul.f32 v15, v11;
	v17 =	vmul.f32 v20, v17;
	v14 =	vadd.f32 v14, v13  }
0x249: {  	v18 =	vmul.f32 v21, v18;
	v20 =	vld [tilespmem:s15+$0xA000]  }
0x24a: {  	v21 =	vld [tilespmem:s15+$0xA200];
	v13 =	vbroadcast v16, $0xC;
	v17 =	vmul.f32 v17, v12;
	v15 =	vadd.f32 v15, v14  }
0x24b: {  	v27 =	vld [tilespmem:s15+$0xEA00];
	v19 =	vmul.f32 v22, v19  }
0x24c: {  	v22 =	vld [tilespmem:s15+$0xA400];
	v14 =	vbroadcast v16, $0xD;
	v18 =	vmul.f32 v18, v13;
	v17 =	vadd.f32 v17, v15  }
0x24d: {  	v28 =	vld [tilespmem:s15+$0xEC00];
	v15 =	vbroadcast v16, $0xE  }
0x24e: {  	v17 =	vadd.f32 v18, v17;
	v18 =	vmul.f32 v19, v14;
	v19 =	vmul.f32 v23, v20;
	v20 =	vld [tilespmem:s15+$0xA600]  }
0x24f: {  	v21 =	vmul.f32 v24, v21;
	v23 =	vld [tilespmem:s15+$0xE600]  }
0x250: {  	v24 =	vld [tilespmem:s15+$0xA800];
	v16 =	vbroadcast v16, $0xF;
	v18 =	vadd.f32 v18, v17;
	v19 =	vmul.f32 v19, v15  }
0x251: {  	v29 =	vld [tilespmem:s15+$0xEE00];
	v22 =	vmul.f32 v25, v22  }
0x252: {  	v25 =	vld [tilespmem:s15+$0xAA00];
	v21 =	vmul.f32 v21, v16;
	v17 =	vbroadcast v30, $0x0;
	v19 =	vadd.f32 v19, v18  }
0x253: {  	v31 =	vld [tilespmem:s15+$0xF000];
	v18 =	vbroadcast v30, $0x1  }
0x254: {  	v32 =	vld [tilespmem:s15+$0xF200];
	v22 =	vmul.f32 v22, v17;
	v20 =	vmul.f32 v23, v20;
	v21 =	vadd.f32 v21, v19  }
0x255: {  	v24 =	vmul.f32 v26, v24;
	v23 =	vld [tilespmem:s15+$0xAC00]  }
0x256: {  	v26 =	vld [tilespmem:s15+$0xAE00];
	v19 =	vbroadcast v30, $0x2;
	v21 =	vadd.f32 v22, v21;
	v22 =	vmul.f32 v20, v18  }
0x257: {  	v33 =	vld [tilespmem:s15+$0xF400];
	v25 =	vmul.f32 v27, v25  }
0x258: {  	v27 =	vld [tilespmem:s15+$0xB000];
	v20 =	vbroadcast v30, $0x3;
	v24 =	vmul.f32 v24, v19;
	v22 =	vadd.f32 v22, v21  }
0x259: {  	v34 =	vld [tilespmem:s15+$0xF600];
	v21 =	vbroadcast v30, $0x4  }
0x25a: {  	v25 =	vmul.f32 v25, v20;
	v23 =	vmul.f32 v28, v23;
	v28 =	vld [tilespmem:s15+$0xB200];
	v24 =	vadd.f32 v24, v22  }
0x25b: {  	v61 =	vld [tilespmem:s15+$0xB800];
	v26 =	vmul.f32 v29, v26  }
0x25c: {  	v29 =	vld [tilespmem:s15+$0xB400];
	v22 =	vbroadcast v30, $0x5;
	v24 =	vadd.f32 v25, v24;
	v25 =	vmul.f32 v23, v21  }
0x25d: {  	v35 =	vld [tilespmem:s15+$0xF800];
	v27 =	vmul.f32 v31, v27  }
0x25e: {  	v31 =	vld [tilespmem:s15+$0xB600];
	v23 =	vbroadcast v30, $0x6;
	v26 =	vmul.f32 v26, v22;
	v25 =	vadd.f32 v25, v24  }
0x25f: {  	v62 =	vld [tilespmem:s15+$0xBA00];
	v28 =	vmul.f32 v32, v28  }
0x260: {  	v36 =	vld [tilespmem:s15+$0xFA00];
	v24 =	vbroadcast v30, $0x7;
	v27 =	vmul.f32 v27, v23;
	v26 =	vadd.f32 v26, v25  }
0x261: {  	v63 =	vld [tilespmem:s15+$0xBC00];
	v29 =	vmul.f32 v33, v29  }
0x262: {  	v37 =	vld [tilespmem:s15+$0xFC00];
	v25 =	vbroadcast v30, $0x8;
	v28 =	vmul.f32 v28, v24;
	v27 =	vadd.f32 v27, v26  }
0x263: {  	v40 =	vld [tilespmem:s15+$0xBE00];
	v31 =	vmul.f32 v34, v31  }
0x264: {  	v41 =	vld [tilespmem:s15+$0xFE00];
	v26 =	vbroadcast v30, $0x9;
	v29 =	vmul.f32 v29, v25;
	v28 =	vadd.f32 v28, v27  }
0x265: {  	v32 =	vmul.f32 v35, v61  }
0x266: {  	v27 =	vbroadcast v30, $0xA;
	v31 =	vmul.f32 v31, v26;
	v28 =	vadd.f32 v29, v28  }
0x267: {  	v36 =	vmul.f32 v36, v62  }
0x268: {  	v33 =	vld [tilespmem:s15+$0xC000];
	v29 =	vbroadcast v30, $0xB;
	v32 =	vmul.f32 v32, v27;
	v38 =	vadd.f32 v31, v28  }
0x269: {  	v42 =	vmul.f32 v37, v63;
	v40 =	vmul.f32 v41, v40;
	v35 =	vld [tilespmem:s15+$0x10000]  }
0x26a: {  	v37 =	vld [tilespmem:s15+$0x10200];
	v31 =	vbroadcast v30, $0xC;
	v39 =	vmul.f32 v36, v29;
	v38 =	vadd.f32 v32, v38  }
0x26b: {  	s17 =	simm.s32 $0x10;
	v34 =	vld [tilespmem:s15+$0xC200];
	v28 =	vbroadcast v30, $0xD;
	v32 =	vbroadcast v30, $0xE  }
0x26c: {  	s16 =	simm.s32 $0x80;
	v36 =	vld [tilespmem:s17+$0x8400];
	v30 =	vbroadcast v30, $0xF;
	v38 =	vadd.f32 v39, v38;
	v39 =	vmul.f32 v42, v31  }
.LBB2_4:
0x26d: {  	p0 =	sne.s32 s16, $0x7C0;
	v41 =	vld [tilespmem:s17+$0xC400]  }
0x26e: {  	v42 =	vld [tilespmem:s17+$0x8600];
	v38 =	vadd.f32 v39, v38;
	v39 =	vmul.f32 v40, v28;
	v33 =	vmul.f32 v35, v33  }
0x26f: {  	v35 =	vld [tilespmem:s17+$0xC600]  }
0x270: {  	v40 =	vld [tilespmem:s17+$0x8800];
	v38 =	vadd.f32 v39, v38;
	v33 =	vmul.f32 v33, v32;
	v34 =	vmul.f32 v37, v34  }
0x271: {  	v37 =	vld [tilespmem:s17+$0xC800]  }
0x272: {  	v36 =	vmul.f32 v41, v36;
	v39 =	vld [tilespmem:s17+$0x8A00];
	v33 =	vadd.f32 v33, v38;
	v34 =	vmul.f32 v34, v30  }
0x273: {  	v38 =	vld [tilespmem:s17+$0xCA00]  }
0x274: {  	v36 =	vmul.f32 v36, v5;
	v35 =	vmul.f32 v35, v42;
	v41 =	vld [tilespmem:s17+$0x8C00];
	v33 =	vadd.f32 v34, v33  }
0x275: {  	v34 =	vld [tilespmem:s17+$0xCC00]  }
0x276: {  	v36 =	vadd.f32 v36, v0;
	v35 =	vmul.f32 v35, v1;
	v37 =	vmul.f32 v37, v40;
	v40 =	vld [tilespmem:s17+$0x8E00];
	[tilespmem:s15+$0x10430] =	vst v33;
	s15 =	smov.u32 s17  }
0x277: {  	v33 =	vld [tilespmem:s15+$0xCE00]  }
0x278: {  	v35 =	vadd.f32 v35, v36;
	v36 =	vmul.f32 v37, v2;
	v37 =	vmul.f32 v38, v39;
	v38 =	vld [tilespmem:s15+$0x9000]  }
0x279: {  	v39 =	vld [tilespmem:s15+$0xD000]  }
0x27a: {  	v35 =	vadd.f32 v36, v35;
	v36 =	vmul.f32 v37, v3;
	v34 =	vmul.f32 v34, v41;
	v37 =	vld [tilespmem:s15+$0x9200]  }
0x27b: {  	v41 =	vld [tilespmem:s15+$0xD200]  }
0x27c: {  	v35 =	vadd.f32 v36, v35;
	v34 =	vmul.f32 v34, v4;
	v33 =	vmul.f32 v33, v40;
	v36 =	vld [tilespmem:s15+$0x9400]  }
0x27d: {  	v40 =	vld [tilespmem:s15+$0xD400]  }
0x27e: {  	v34 =	vadd.f32 v34, v35;
	v33 =	vmul.f32 v33, v6;
	v35 =	vmul.f32 v39, v38;
	v38 =	vld [tilespmem:s15+$0x9600]  }
0x27f: {  	v39 =	vld [tilespmem:s15+$0xD600]  }
0x280: {  	v33 =	vadd.f32 v33, v34;
	v34 =	vmul.f32 v35, v7;
	v35 =	vmul.f32 v41, v37;
	v37 =	vld [tilespmem:s15+$0x9800]  }
0x281: {  	v41 =	vld [tilespmem:s15+$0xD800]  }
0x282: {  	v33 =	vadd.f32 v34, v33;
	v34 =	vmul.f32 v35, v8;
	v35 =	vmul.f32 v40, v36;
	v36 =	vld [tilespmem:s15+$0x9A00]  }
0x283: {  	v40 =	vld [tilespmem:s15+$0xDA00]  }
0x284: {  	v33 =	vadd.f32 v34, v33;
	v34 =	vmul.f32 v35, v9;
	v35 =	vmul.f32 v39, v38;
	v38 =	vld [tilespmem:s15+$0x9C00]  }
0x285: {  	v39 =	vld [tilespmem:s15+$0xDC00]  }
0x286: {  	v33 =	vadd.f32 v34, v33;
	v34 =	vmul.f32 v35, v10;
	v35 =	vmul.f32 v41, v37;
	v37 =	vld [tilespmem:s15+$0x9E00]  }
0x287: {  	v41 =	vld [tilespmem:s15+$0xDE00]  }
0x288: {  	v33 =	vadd.f32 v34, v33;
	v34 =	vmul.f32 v35, v11;
	v35 =	vmul.f32 v40, v36;
	v36 =	vld [tilespmem:s15+$0xA000]  }
0x289: {  	v40 =	vld [tilespmem:s15+$0xE000]  }
0x28a: {  	v33 =	vadd.f32 v34, v33;
	v34 =	vmul.f32 v35, v12;
	v35 =	vmul.f32 v39, v38;
	v38 =	vld [tilespmem:s15+$0xA200]  }
0x28b: {  	v39 =	vld [tilespmem:s15+$0xE200]  }
0x28c: {  	v33 =	vadd.f32 v34, v33;
	v34 =	vmul.f32 v35, v13;
	v35 =	vmul.f32 v41, v37;
	v37 =	vld [tilespmem:s15+$0xA400]  }
0x28d: {  	v41 =	vld [tilespmem:s15+$0xE400]  }
0x28e: {  	v33 =	vadd.f32 v34, v33;
	v34 =	vmul.f32 v35, v14;
	v35 =	vmul.f32 v40, v36;
	v36 =	vld [tilespmem:s15+$0xA600]  }
0x28f: {  	v40 =	vld [tilespmem:s15+$0xE600]  }
0x290: {  	v33 =	vadd.f32 v34, v33;
	v34 =	vmul.f32 v35, v15;
	v35 =	vmul.f32 v39, v38;
	v38 =	vld [tilespmem:s15+$0xA800]  }
0x291: {  	v39 =	vld [tilespmem:s15+$0xE800]  }
0x292: {  	v33 =	vadd.f32 v34, v33;
	v34 =	vmul.f32 v35, v16;
	v35 =	vmul.f32 v41, v37;
	v37 =	vld [tilespmem:s15+$0xAA00]  }
0x293: {  	v41 =	vld [tilespmem:s15+$0xEA00]  }
0x294: {  	v33 =	vadd.f32 v34, v33;
	v34 =	vmul.f32 v35, v17;
	v35 =	vmul.f32 v40, v36;
	v36 =	vld [tilespmem:s15+$0xAC00]  }
0x295: {  	v40 =	vld [tilespmem:s15+$0xEC00]  }
0x296: {  	v33 =	vadd.f32 v34, v33;
	v34 =	vmul.f32 v35, v18;
	v35 =	vmul.f32 v39, v38;
	v38 =	vld [tilespmem:s15+$0xAE00]  }
0x297: {  	v39 =	vld [tilespmem:s15+$0xEE00]  }
0x298: {  	v33 =	vadd.f32 v34, v33;
	v34 =	vmul.f32 v35, v19;
	v35 =	vmul.f32 v41, v37;
	v37 =	vld [tilespmem:s15+$0xB000]  }
0x299: {  	v41 =	vld [tilespmem:s15+$0xF000]  }
0x29a: {  	v33 =	vadd.f32 v34, v33;
	v34 =	vmul.f32 v35, v20;
	v35 =	vmul.f32 v40, v36;
	v36 =	vld [tilespmem:s15+$0xB200]  }
0x29b: {  	v40 =	vld [tilespmem:s15+$0xF200]  }
0x29c: {  	v33 =	vadd.f32 v34, v33;
	v34 =	vmul.f32 v35, v21;
	v35 =	vmul.f32 v39, v38;
	v38 =	vld [tilespmem:s15+$0xB400]  }
0x29d: {  	v39 =	vld [tilespmem:s15+$0xF400]  }
0x29e: {  	v33 =	vadd.f32 v34, v33;
	v34 =	vmul.f32 v35, v22;
	v35 =	vmul.f32 v41, v37;
	v37 =	vld [tilespmem:s15+$0xB600]  }
0x29f: {  	v41 =	vld [tilespmem:s15+$0xF600]  }
0x2a0: {  	v33 =	vadd.f32 v34, v33;
	v34 =	vmul.f32 v35, v23;
	v35 =	vmul.f32 v40, v36;
	v36 =	vld [tilespmem:s15+$0xB800]  }
0x2a1: {  	v40 =	vld [tilespmem:s15+$0xF800]  }
0x2a2: {  	v33 =	vadd.f32 v34, v33;
	v34 =	vmul.f32 v35, v24;
	v35 =	vmul.f32 v39, v38;
	v38 =	vld [tilespmem:s15+$0xBA00]  }
0x2a3: {  	v39 =	vld [tilespmem:s15+$0xFA00]  }
0x2a4: {  	v33 =	vadd.f32 v34, v33;
	v34 =	vmul.f32 v35, v25;
	v35 =	vmul.f32 v41, v37;
	v37 =	vld [tilespmem:s15+$0xBC00]  }
0x2a5: {  	v41 =	vld [tilespmem:s15+$0xFC00]  }
0x2a6: {  	v33 =	vadd.f32 v34, v33;
	v34 =	vmul.f32 v35, v26;
	v35 =	vmul.f32 v40, v36;
	v40 =	vld [tilespmem:s15+$0xBE00]  }
0x2a7: {  	v42 =	vld [tilespmem:s15+$0xFE00]  }
.Ltmp1:
0x2a8: {  	v34 =	vadd.f32 v34, v33;
	v36 =	vmul.f32 v35, v27;
	v38 =	vmul.f32 v39, v38;
	v33 =	vld [tilespmem:s15+$0xC000];
	(pc) =	sbr.rel @p0 .LBB2_4-.Ltmp1, $4  }
0x2a9: {  	v35 =	vld [tilespmem:s15+$0x10000]  }
0x2aa: {  	v39 =	vadd.f32 v36, v34;
	v38 =	vmul.f32 v38, v29;
	v41 =	vmul.f32 v41, v37;
	v34 =	vld [tilespmem:s15+$0xC200]  }
0x2ab: {  	s17 =	sshra.s32 s16, $0x2;
	v37 =	vld [tilespmem:s15+$0x10200]  }
0x2ac: {  	s16 =	sadd.s32 $0x40, s16;
	v36 =	vld [tilespmem:s17+$0x8400];
	v38 =	vadd.f32 v38, v39;
	v39 =	vmul.f32 v41, v31;
	v40 =	vmul.f32 v42, v40  }
0x2ad: {  	v41 =	vld [tilespmem:s17+$0xC400]  }
0x2ae: {  	v42 =	vld [tilespmem:s17+$0x8600];
	v38 =	vadd.f32 v39, v38;
	v45 =	vmul.f32 v40, v28;
	v33 =	vmul.f32 v35, v33  }
0x2af: {  	v46 =	vld [tilespmem:s17+$0xC600]  }
0x2b0: {  	v47 =	vld [tilespmem:s17+$0x8800];
	v38 =	vadd.f32 v45, v38;
	v33 =	vmul.f32 v33, v32;
	v34 =	vmul.f32 v37, v34  }
0x2b1: {  	v48 =	vld [tilespmem:s17+$0xC800]  }
0x2b2: {  	v49 =	vld [tilespmem:s17+$0x8A00];
	v36 =	vmul.f32 v41, v36;
	v33 =	vadd.f32 v33, v38;
	v34 =	vmul.f32 v34, v30  }
0x2b3: {  	v50 =	vld [tilespmem:s17+$0xCA00]  }
0x2b4: {  	v51 =	vld [tilespmem:s17+$0x8C00];
	v35 =	vmul.f32 v46, v42;
	v5 =	vmul.f32 v36, v5;
	v33 =	vadd.f32 v34, v33  }
0x2b5: {  	v52 =	vld [tilespmem:s17+$0xCC00]  }
0x2b6: {  	v53 =	vld [tilespmem:s17+$0x8E00];
	v54 =	vmul.f32 v48, v47;
	v1 =	vmul.f32 v35, v1;
	v0 =	vadd.f32 v5, v0;
	[tilespmem:s15+$0x10430] =	vst v33  }
0x2b7: {  	v33 =	vld [tilespmem:s17+$0xCE00]  }
0x2b8: {  	v56 =	vmul.f32 v50, v49;
	v55 =	vmul.f32 v54, v2;
	v57 =	vld [tilespmem:s17+$0x9000];
	v0 =	vadd.f32 v1, v0  }
0x2b9: {  	v58 =	vld [tilespmem:s17+$0xD000]  }
0x2ba: {  	v60 =	vmul.f32 v52, v51;
	v59 =	vmul.f32 v56, v3;
	v61 =	vld [tilespmem:s17+$0x9200];
	v0 =	vadd.f32 v55, v0  }
0x2bb: {  	v62 =	vld [tilespmem:s17+$0xD200]  }
0x2bc: {  	v63 =	vmul.f32 v60, v4;
	v38 =	vld [tilespmem:s17+$0x9400];
	v0 =	vadd.f32 v59, v0;
	v37 =	vmul.f32 v33, v53  }
0x2bd: {  	v39 =	vld [tilespmem:s17+$0xD400]  }
0x2be: {  	v42 =	vld [tilespmem:s17+$0x9600];
	v41 =	vmul.f32 v58, v57;
	v0 =	vadd.f32 v63, v0;
	v40 =	vmul.f32 v37, v6  }
0x2bf: {  	v43 =	vld [tilespmem:s17+$0xD600]  }
0x2c0: {  	v46 =	vld [tilespmem:s17+$0x9800];
	v45 =	vmul.f32 v62, v61;
	v44 =	vmul.f32 v41, v7;
	v0 =	vadd.f32 v40, v0  }
0x2c1: {  	v47 =	vld [tilespmem:s17+$0xD800]  }
0x2c2: {  	v50 =	vld [tilespmem:s17+$0x9A00];
	v49 =	vmul.f32 v39, v38;
	v48 =	vmul.f32 v45, v8;
	v0 =	vadd.f32 v44, v0  }
0x2c3: {  	v51 =	vld [tilespmem:s17+$0xDA00]  }
0x2c4: {  	v54 =	vld [tilespmem:s17+$0x9C00];
	v53 =	vmul.f32 v43, v42;
	v52 =	vmul.f32 v49, v9;
	v0 =	vadd.f32 v48, v0  }
0x2c5: {  	v55 =	vld [tilespmem:s17+$0xDC00]  }
0x2c6: {  	v57 =	vmul.f32 v47, v46;
	v58 =	vld [tilespmem:s17+$0x9E00];
	v56 =	vmul.f32 v53, v10;
	v0 =	vadd.f32 v52, v0  }
0x2c7: {  	v59 =	vld [tilespmem:s17+$0xDE00]  }
0x2c8: {  	v61 =	vmul.f32 v51, v50;
	v62 =	vld [tilespmem:s17+$0xA000];
	v60 =	vmul.f32 v57, v11;
	v0 =	vadd.f32 v56, v0  }
0x2c9: {  	v63 =	vld [tilespmem:s17+$0xE000]  }
0x2ca: {  	v34 =	vld [tilespmem:s17+$0xE200];
	v11 =	vmul.f32 v61, v12;
	v12 =	vmul.f32 v55, v54;
	v0 =	vadd.f32 v60, v0  }
0x2cb: {  	v33 =	vld [tilespmem:s17+$0xA200]  }
0x2cc: {  	v38 =	vld [tilespmem:s17+$0xE400];
	v35 =	vmul.f32 v12, v13;
	v36 =	vmul.f32 v59, v58;
	v0 =	vadd.f32 v11, v0  }
0x2cd: {  	v37 =	vld [tilespmem:s17+$0xA400]  }
0x2ce: {  	v42 =	vld [tilespmem:s17+$0xE600];
	v39 =	vmul.f32 v36, v14;
	v40 =	vmul.f32 v63, v62;
	v0 =	vadd.f32 v35, v0  }
0x2cf: {  	v41 =	vld [tilespmem:s17+$0xA600]  }
0x2d0: {  	v46 =	vld [tilespmem:s17+$0xE800];
	v44 =	vmul.f32 v34, v33;
	v43 =	vmul.f32 v40, v15;
	v0 =	vadd.f32 v39, v0  }
0x2d1: {  	v45 =	vld [tilespmem:s17+$0xA800]  }
0x2d2: {  	v50 =	vld [tilespmem:s17+$0xEA00];
	v47 =	vmul.f32 v44, v16;
	v48 =	vmul.f32 v38, v37;
	v0 =	vadd.f32 v43, v0  }
0x2d3: {  	v49 =	vld [tilespmem:s17+$0xAA00]  }
0x2d4: {  	v53 =	vld [tilespmem:s17+$0xAC00];
	v51 =	vmul.f32 v48, v17;
	v52 =	vmul.f32 v42, v41;
	v0 =	vadd.f32 v47, v0  }
0x2d5: {  	v54 =	vld [tilespmem:s17+$0xEC00]  }
0x2d6: {  	v57 =	vld [tilespmem:s17+$0xAE00];
	v55 =	vmul.f32 v52, v18;
	v56 =	vmul.f32 v46, v45;
	v0 =	vadd.f32 v51, v0  }
0x2d7: {  	v58 =	vld [tilespmem:s17+$0xEE00]  }
0x2d8: {  	v61 =	vld [tilespmem:s17+$0xB000];
	v59 =	vmul.f32 v56, v19;
	v60 =	vmul.f32 v50, v49;
	v0 =	vadd.f32 v55, v0  }
0x2d9: {  	v62 =	vld [tilespmem:s17+$0xF000]  }
0x2da: {  	v13 =	vld [tilespmem:s17+$0xB200];
	v12 =	vmul.f32 v54, v53;
	v63 =	vmul.f32 v60, v20;
	v0 =	vadd.f32 v59, v0  }
0x2db: {  	v14 =	vld [tilespmem:s17+$0xF200]  }
0x2dc: {  	v15 =	vmul.f32 v12, v21;
	v16 =	vmul.f32 v58, v57;
	v17 =	vld [tilespmem:s17+$0xB400];
	v0 =	vadd.f32 v63, v0  }
0x2dd: {  	v18 =	vld [tilespmem:s17+$0xF400]  }
0x2de: {  	v21 =	vld [tilespmem:s17+$0xB600];
	v19 =	vmul.f32 v16, v22;
	v20 =	vmul.f32 v62, v61;
	v0 =	vadd.f32 v15, v0  }
0x2df: {  	v22 =	vld [tilespmem:s17+$0xF600]  }
0x2e0: {  	v36 =	vld [tilespmem:s17+$0xF800];
	v34 =	vmul.f32 v14, v13;
	v33 =	vmul.f32 v20, v23;
	v0 =	vadd.f32 v19, v0  }
0x2e1: {  	v35 =	vld [tilespmem:s17+$0xB800]  }
0x2e2: {  	v40 =	vld [tilespmem:s17+$0xFA00];
	v37 =	vmul.f32 v34, v24;
	v38 =	vmul.f32 v18, v17;
	v0 =	vadd.f32 v33, v0  }
0x2e3: {  	v39 =	vld [tilespmem:s17+$0xBA00]  }
0x2e4: {  	v44 =	vld [tilespmem:s17+$0xFC00];
	v41 =	vmul.f32 v38, v25;
	v42 =	vmul.f32 v22, v21;
	v0 =	vadd.f32 v37, v0  }
0x2e5: {  	v43 =	vld [tilespmem:s17+$0xBC00]  }
0x2e6: {  	v48 =	vld [tilespmem:s17+$0xFE00];
	v45 =	vmul.f32 v42, v26;
	v46 =	vmul.f32 v36, v35;
	v0 =	vadd.f32 v41, v0  }
0x2e7: {  	v47 =	vld [tilespmem:s17+$0xBE00]  }
0x2e8: {  	v52 =	vld [tilespmem:s17+$0x10000];
	v49 =	vmul.f32 v46, v27;
	v50 =	vmul.f32 v40, v39;
	v0 =	vadd.f32 v45, v0  }
0x2e9: {  	v51 =	vld [tilespmem:s17+$0xC000]  }
0x2ea: {  	v56 =	vld [tilespmem:s17+$0x10200];
	v53 =	vmul.f32 v50, v29;
	v54 =	vmul.f32 v44, v43;
	v0 =	vadd.f32 v49, v0  }
0x2eb: {  	v55 =	vld [tilespmem:s17+$0xC200]  }
0x2ec: {  	v57 =	vmul.f32 v54, v31;
	v58 =	vmul.f32 v48, v47;
	v0 =	vadd.f32 v53, v0;
	_ =	sdelay $0x1  }
0x2ed: {  	v59 =	vmul.f32 v58, v28;
	v60 =	vmul.f32 v52, v51;
	v0 =	vadd.f32 v57, v0;
	_ =	sdelay $0x1  }
0x2ee: {  	v61 =	vmul.f32 v60, v32;
	v62 =	vmul.f32 v56, v55;
	v0 =	vadd.f32 v59, v0;
	_ =	sdelay $0x1  }
0x2ef: {  	v63 =	vmul.f32 v62, v30;
	v0 =	vadd.f32 v61, v0;
	_ =	sdelay $0x1  }
0x2f0: {  	s14 =	sadd.s32 $0x1, s14;
	v0 =	vadd.f32 v63, v0  }
0x2f1: {  	p0 =	sne.s32 s14, s10  }
.Ltmp2:
0x2f2: {  	[tilespmem:s17+$0x10430] =	vst v0;
	(pc) =	sbr.rel @p0 .LBB2_1-.Ltmp2, $4  }
0x2f3: {  	[hbm4b:s9+s6] =	stream.linear.scatter [tilespmem:s13], [sflag:$0x3], $0x200, $0x38;
	[tilespmem:$0x10630] =	vst v63  }
0x2f4: {  	_ =	swait.ge [sflag:s11], $0x200  }
0x2f5: {  	[sflag:s11] =	ssyncset.done $0x0  }
0x2f6: {  	[sflag:s11] =	ssyncadd.s32 $0xFFFFFE00  }
0x2f7: {  	_ =	sfence.sel $0x180000  }
0x2f8: {  	[bflag:$0x0] =	sbarrier.arrive $0xFFFF  }
0x2f9: {  	_ =	strace $0x90000047  }
0x2fa: {  	s0 =	stileid.u32;
	[bflag:$0x2] =	sbarrier.arrive $0xFFFF  }
0x2fb: {  	p0 =	sne.s32 s0, $0x0;
	s0 =	rddreg [dreg:$0x7]  }
0x2fc: {  	s0 =	sadd.s32 @!p0 $0x100000, s0  }
0x2fd: {  	[sflag:s0] =	ssyncadd.tile.s32 @!p0 $0x1;
	_ =	shalt  }
.Lfunc_end2:
_tile_overlayer_lowered:
.L_overlay_start_2:
0x2fe: {  	(tag) =	ssettag $0x2  }
0x2ff: {  	s0 =	rddreg [dreg:$0x0];
	s2 =	stileid.u32  }
0x300: {  	s1 =	rddreg [dreg:$0x1];
	p0 =	sne.s32 s2, $0x0  }
0x301: {  	s3 =	rddreg [dreg:$0x2];
	[bflag:$0x3] =	sbarrier.arrive $0xFFFF;
	s2 =	simm.s32 @!p0 $0x1C03  }
0x302: {  	[timem:s3], [sflag:s2] =	dma.local @!p0 [hbm:s0], s1  }
0x303: {  	s0 =	simm.s32 @!p0 $0x3  }
0x304: {  	_ =	swait.ge @!p0 [sflag:s0], s1  }
0x305: {  	s1 =	ssub.s32 @!p0 $0x0, s1;
	[sflag:s0] =	ssyncset.done @!p0 $0x0  }
0x306: {  	[sflag:s0] =	ssyncadd.s32 @!p0 s1  }
0x307: {  	[bflag:$0x3] =	sbarrier.arrive $0xFFFF  }
0x308: {  	_ =	shalt  }

</sc_bundles>
